<compile_context>
chip_gen: v7x
topology: tpu7x:2x2x1
jax: 0.10.2.dev20260603
libtpu: 0.0.44.dev20260713+nightly
codegen_flags: <defaults>
</compile_context>

<pallas_src>
import functools

import jax
import jax.numpy as jnp
from jax import lax
from jax.experimental import pallas as pl
from jax.experimental.pallas import tpu as pltpu
from jax.experimental.pallas import tpu_sc as plsc

N = 10000
E = 320000
IN_CH = 128
HID = 16
OUT_CH = 64

NC = 2
NS = 16
NW = NC * NS
NPAD = 10240
NP = NPAD // NS

PC = 128
EPW = 10240
EPAD = NW * EPW
PN = EPW // PC
ECH = PN + 8
EWR = ECH * HID

_F32 = jnp.float32
_I32 = jnp.int32


def _zero_rows(ref, n):
    z = jnp.zeros((HID,), _F32)

    @pl.loop(0, n)
    def _(i):
        ref[i] = z


def _sc_deg(dst_p, ew_p):
    mesh = plsc.VectorSubcoreMesh(core_axis_name="c", subcore_axis_name="s")

    @functools.partial(
        pl.kernel,
        out_type=jax.ShapeDtypeStruct((NC, NPAD), _F32),
        mesh=mesh,
        compiler_params=pltpu.CompilerParams(needs_layout_passes=False, use_tc_tiling_on_sc=False),
        scratch_types=[
            pltpu.VMEM_SHARED((NPAD,), _F32),
            pltpu.VMEM((PN, PC), _I32),
            pltpu.VMEM((PN, PC), _F32),
            pltpu.VMEM((NP,), _F32),
        ],
    )
    def k(dst_h, ew_h, deg_out, spmem_deg, vdst, vew, vslice):
        c = lax.axis_index("c")
        s = lax.axis_index("s")
        row0 = s * NP

        z16 = jnp.zeros((16,), _F32)
        for kk in range(NP // 16):
            vslice[pl.ds(16 * kk, 16)] = z16
        pltpu.sync_copy(vslice, spmem_deg.at[pl.ds(row0, NP)])
        plsc.subcore_barrier()

        w = c * NS + s
        pltpu.sync_copy(dst_h.at[w, pl.ds(0, PN)], vdst)
        pltpu.sync_copy(ew_h.at[w, pl.ds(0, PN)], vew)

        @pl.loop(0, PN)
        def _(j):
            pltpu.sync_copy(vew.at[j], spmem_deg.at[vdst.at[j]], add=True)

        plsc.subcore_barrier()

        pltpu.sync_copy(spmem_deg.at[pl.ds(row0, NP)], vslice)
        pltpu.sync_copy(vslice, deg_out.at[c, pl.ds(row0, NP)])

    return k(dst_p, ew_p)


def _make_sc_prop(mode):
    mesh = plsc.VectorSubcoreMesh(core_axis_name="c", subcore_axis_name="s")

    scratch = [
        pltpu.VMEM_SHARED((NPAD, HID), _F32),
        pltpu.VMEM_SHARED((NPAD, HID), _F32),
        pltpu.VMEM((PN + 2, PC), _I32),
        pltpu.VMEM((PN, PC), _I32),
        pltpu.VMEM((PC, HID), _F32),
        pltpu.VMEM((PC, HID), _F32),
        pltpu.VMEM((HID, PC), _F32),
        pltpu.VMEM((HID, PC), _F32),
        pltpu.VMEM((PC, HID), _F32),
        pltpu.VMEM((PC, HID), _F32),
        pltpu.VMEM((NP, HID), _F32),
        pltpu.SemaphoreType.DMA,
        pltpu.SemaphoreType.DMA,
        pltpu.SemaphoreType.DMA,
        pltpu.SemaphoreType.DMA,
        pltpu.SemaphoreType.DMA,
        pltpu.SemaphoreType.DMA,
    ]
    if mode == "mid":
        scratch += [
            pltpu.VMEM((NP, HID), _F32),
            pltpu.VMEM((NP, HID), _F32),
            pltpu.VMEM((NP, HID), _F32),
            pltpu.VMEM((1, HID), _F32),
        ]
    else:
        scratch += [
            pltpu.VMEM((NP,), _F32),
            pltpu.VMEM((NP,), _F32),
            pltpu.VMEM((NP,), _F32),
            pltpu.VMEM((NP, HID), _F32),
        ]

    def body(refs):
        if mode == "mid":
            (p_h, disb_h, b1_h, src_h, dst_h, ewb_h, agg_out,
             spmem_hp, spmem_agg, vsrc, vdst,
             g0, g1, e0, e1, s0, s1, vnode,
             sg0, sg1, se0, se1, ss0, ss1,
             vp0, vp1, vdis, vb1) = refs
        else:
            (h1_h, deg_h, src_h, dst_h, ewb_h, agg_out, disb_out,
             spmem_hp, spmem_agg, vsrc, vdst,
             g0, g1, e0, e1, s0, s1, vnode,
             sg0, sg1, se0, se1, ss0, ss1,
             vdeg0, vdeg1, vdis1, vdisb) = refs

        c = lax.axis_index("c")
        s = lax.axis_index("s")
        row0 = s * NP

        if mode == "mid":
            pltpu.sync_copy(p_h.at[0, pl.ds(row0, NP)], vp0)
            pltpu.sync_copy(p_h.at[1, pl.ds(row0, NP)], vp1)
            pltpu.sync_copy(disb_h.at[pl.ds(row0, NP)], vdis)
            pltpu.sync_copy(b1_h, vb1)
            bv = vb1[0]

            @pl.loop(0, NP)
            def _(i):
                d = vdis[i]
                vnode[i] = d * jnp.maximum(
                    d * (vp0[i] + vp1[i]) + bv, 0.0)
        else:
            pltpu.sync_copy(h1_h.at[pl.ds(row0, NP)], vnode)
            pltpu.sync_copy(deg_h.at[0, pl.ds(row0, NP)], vdeg0)
            pltpu.sync_copy(deg_h.at[1, pl.ds(row0, NP)], vdeg1)

            magic = jnp.full((16,), 0x5F3759DF, _I32)
            half = jnp.full((16,), 0.5, _F32)
            th = jnp.full((16,), 1.5, _F32)
            one = jnp.full((16,), 1.0, _F32)

            @pl.loop(0, NP // 16)
            def _(kk):
                sl = pl.ds(16 * kk, 16)
                d = vdeg0[sl] + vdeg1[sl] + one
                y = lax.bitcast_convert_type(
                    magic - lax.shift_right_logical(
                        lax.bitcast_convert_type(d, _I32), 1), _F32)
                hd = half * d
                for _ in range(3):
                    y = y * (th - hd * y * y)
                vdis1[sl] = y

            @pl.loop(0, NP)
            def _(i):
                dv = plsc.load_gather(vdis1, [jnp.full((16,), i, _I32)])
                vdisb[i] = dv
                vnode[i] = vnode[i] * dv

            @pl.when(c == 0)
            def _():
                pltpu.sync_copy(vdisb, disb_out.at[pl.ds(row0, NP)])

        pltpu.sync_copy(vnode, spmem_hp.at[pl.ds(row0, NP)])

        @pl.when(c == 0)
        def _():
            pltpu.sync_copy(vnode, spmem_agg.at[pl.ds(row0, NP)])

        @pl.when(c == 1)
        def _():
            _zero_rows(vnode, NP)
            pltpu.sync_copy(vnode, spmem_agg.at[pl.ds(row0, NP)])

        plsc.subcore_barrier()

        w = c * NS + s
        pltpu.sync_copy(src_h.at[w, pl.ds(0, PN + 2)], vsrc)
        pltpu.sync_copy(dst_h.at[w, pl.ds(0, PN)], vdst)

        bufs = ((g0, e0, s0, sg0, se0, ss0), (g1, e1, s1, sg1, se1, ss1))

        def scale(gb, eb, sb):
            @pl.loop(0, PC // 8)
            def _(i):
                for u in range(8):
                    r = 8 * i + u
                    sb[r] = gb[r] * eb[i, pl.ds(16 * u, 16)]

        def prefetch(b, j):
            gb, eb, _, sg, se, _ = bufs[b]
            pltpu.async_copy(spmem_hp.at[vsrc.at[j]], gb, sg)
            pltpu.async_copy(ewb_h.at[w, pl.ds(HID * j, HID)], eb, se)

        prefetch(0, 0)
        prefetch(1, 1)

        def wait_eb(eb, se):
            pltpu.make_async_copy(
                ewb_h.at[w, pl.ds(0, HID)], eb, se).wait()

        for b in range(2):
            gb, eb, sb, sg, se, ss = bufs[b]
            pltpu.make_async_copy(spmem_hp.at[vsrc.at[b]], gb, sg).wait()
            wait_eb(eb, se)
            scale(gb, eb, sb)
            pltpu.async_copy(sb, spmem_agg.at[vdst.at[b]], ss, add=True)
            prefetch(b, b + 2)

        @pl.loop(1, PN // 2)
        def _(p):
            for b in range(2):
                gb, eb, sb, sg, se, ss = bufs[b]
                j = 2 * p + b
                pltpu.make_async_copy(
                    spmem_hp.at[vsrc.at[j]], gb, sg).wait()
                wait_eb(eb, se)
                pltpu.make_async_copy(
                    sb, spmem_agg.at[vdst.at[j]], ss).wait()
                scale(gb, eb, sb)
                pltpu.async_copy(sb, spmem_agg.at[vdst.at[j]], ss, add=True)
                prefetch(b, j + 2)

        for b in range(2):
            gb, eb, sb, sg, se, ss = bufs[b]
            pltpu.make_async_copy(
                sb, spmem_agg.at[vdst.at[PN - 2 + b]], ss).wait()
            pltpu.make_async_copy(
                spmem_hp.at[vsrc.at[PN + b]], gb, sg).wait()
            wait_eb(eb, se)

        plsc.subcore_barrier()

        pltpu.sync_copy(spmem_agg.at[pl.ds(row0, NP)], vnode)
        pltpu.sync_copy(vnode, agg_out.at[c, pl.ds(row0, NP)])

    if mode == "mid":
        def k(p_h, disb_h, b1_h, src_h, dst_h, ew_h, agg_out, *scr):
            body((p_h, disb_h, b1_h, src_h, dst_h, ew_h, agg_out) + scr)

        out_type = jax.ShapeDtypeStruct((NC, NPAD, HID), _F32)
    else:
        def k(h1_h, deg_h, src_h, dst_h, ew_h, agg_out, disb_out, *scr):
            body((h1_h, deg_h, src_h, dst_h, ew_h, agg_out, disb_out)
                 + scr)

        out_type = (jax.ShapeDtypeStruct((NC, NPAD, HID), _F32),
                    jax.ShapeDtypeStruct((NPAD, HID), _F32))

    return functools.partial(
        pl.kernel,
        out_type=out_type,
        mesh=mesh,
        compiler_params=pltpu.CompilerParams(needs_layout_passes=False, use_tc_tiling_on_sc=False),
        scratch_types=scratch,
    )(k)


def _tc_first(xp, W1, ew_p, krep):
    nb = NPAD // NW

    def body(x_ref, w_ref, f_ref, k_ref, h1_ref, ewb_ref):
        h1_ref[...] = jnp.dot(x_ref[...], w_ref[...],
                              preferred_element_type=_F32)
        m = jnp.dot(f_ref[0], k_ref[...], preferred_element_type=_F32)
        ewb_ref[0] = m.reshape(EWR, 128)

    h1, ewb = pl.pallas_call(
        body,
        grid=(NW,),
        in_specs=[
            pl.BlockSpec((nb, IN_CH), lambda i: (i, 0)),
            pl.BlockSpec((IN_CH, HID), lambda i: (0, 0)),
            pl.BlockSpec((1, ECH, PC), lambda i: (i, 0, 0)),
            pl.BlockSpec((PC, PC * HID), lambda i: (0, 0)),
        ],
        out_specs=(
            pl.BlockSpec((nb, HID), lambda i: (i, 0)),
            pl.BlockSpec((1, EWR, 128), lambda i: (i, 0, 0)),
        ),
        out_shape=(
            jax.ShapeDtypeStruct((NPAD, HID), _F32),
            jax.ShapeDtypeStruct((NW, EWR, 128), _F32),
        ),
    )(xp, W1, ew_p, krep)
    return h1, ewb


def _tc_fin(q, disb, W2, b2_row):

    def body(q0_ref, q1_ref, disb_ref, w_ref, b_ref, o_ref):
        t = (q0_ref[...] + q1_ref[...]) * disb_ref[...]
        sv = jnp.dot(t, w_ref[...], preferred_element_type=_F32) + b_ref[...]
        m = jnp.max(sv, axis=1, keepdims=True)
        lse = jnp.log(jnp.sum(jnp.exp(sv - m), axis=1, keepdims=True)) + m
        o_ref[...] = sv - lse

    return pl.pallas_call(
        body,
        out_shape=jax.ShapeDtypeStruct((NPAD, OUT_CH), _F32),
    )(q[0], q[1], disb, W2, b2_row)


def kernel(x, edge_index, edge_weight, W1, b1, W2, b2):
    src = edge_index[0].astype(_I32)
    dst = edge_index[1].astype(_I32)
    ew = edge_weight.astype(_F32)

    zc = jnp.zeros((NW, ECH - PN, PC), _I32)

    def to_chunks(a):
        a = jnp.pad(a, (0, EPAD - E)).reshape(NW, PN, PC)
        return jnp.concatenate([a, zc.astype(a.dtype)], axis=1)

    src_p = to_chunks(src)
    dst_p = to_chunks(dst)
    ew_p = to_chunks(ew)
    krep = jnp.repeat(jnp.eye(PC, dtype=_F32), HID, axis=1)
    xp = jnp.pad(x, ((0, NPAD - N), (0, 0)))

    h1, ewb = _tc_first(xp, W1, ew_p, krep)
    degp = _sc_deg(dst_p, ew_p)
    p, disb = _make_sc_prop("first")(h1, degp, src_p, dst_p, ewb)
    q = _make_sc_prop("mid")(p, disb, b1.reshape(1, HID), src_p, dst_p, ewb)
    out = _tc_fin(q, disb, W2, b2.reshape(1, OUT_CH))
    return out[:N]

# --- scband reference (transcript-rebuilt; emitter-appended) ---
"""Pipeline reference for scband-gcn-84902913507382 (READ-ONLY COPY).

The authoritative reference and input builder live on the scoring server;
editing this copy changes nothing except your own understanding.
"""

import jax, jax.numpy as jnp
import numpy as np

N_NODES = 10000
N_EDGES = 320000
IN_CH = 128
HID = 16
OUT_CH = 64


def gcn_conv(x, edge_index, edge_weight, W, b, num_nodes):
    src = edge_index[0]
    dst = edge_index[1]
    loop = jnp.arange(num_nodes, dtype=edge_index.dtype)
    src = jnp.concatenate([src, loop])
    dst = jnp.concatenate([dst, loop])
    ew = jnp.concatenate([edge_weight, jnp.ones((num_nodes,), dtype=edge_weight.dtype)])
    deg = jax.ops.segment_sum(ew, dst, num_segments=num_nodes)
    deg_inv_sqrt = jnp.where(deg > 0, 1.0 / jnp.sqrt(deg), 0.0)
    norm = deg_inv_sqrt[src] * ew * deg_inv_sqrt[dst]
    h = x @ W
    msg = h[src] * norm[:, None]
    out = jax.ops.segment_sum(msg, dst, num_segments=num_nodes)
    return out + b


def setup_inputs(seed: int = 0) -> dict:
    key = jax.random.key(seed)
    k1, k2, k3, k4, k5, k6, k7 = jax.random.split(key, 7)
    x = jax.random.normal(k1, (N_NODES, IN_CH), dtype=jnp.float32)
    edge_index = jax.random.randint(k2, (2, N_EDGES), 0, N_NODES, dtype=jnp.int64)
    edge_weight = jax.random.uniform(k3, (N_EDGES,), dtype=jnp.float32)
    glorot1 = (6.0 / (IN_CH + HID)) ** 0.5
    glorot2 = (6.0 / (HID + OUT_CH)) ** 0.5
    W1 = jax.random.uniform(k4, (IN_CH, HID), dtype=jnp.float32, minval=-glorot1, maxval=glorot1)
    b1 = jnp.zeros((HID,), dtype=jnp.float32)
    W2 = jax.random.uniform(k5, (HID, OUT_CH), dtype=jnp.float32, minval=-glorot2, maxval=glorot2)
    b2 = jnp.zeros((OUT_CH,), dtype=jnp.float32)
    return {"x": x, "edge_index": edge_index, "edge_weight": edge_weight,
            "W1": W1, "b1": b1, "W2": W2, "b2": b2}


def reference(x, edge_index, edge_weight, W1, b1, W2, b2):
    # layer 1 (GCNConv in->16)
    h = gcn_conv(x, edge_index, edge_weight, W1, b1, N_NODES)
    h = jax.nn.relu(h)
    # dropout is identity in eval mode
    # layer 2 (GCNConv 16->out)
    h = gcn_conv(h, edge_index, edge_weight, W2, b2, N_NODES)
    return jax.nn.log_softmax(h, axis=1)

if __name__ == "__main__":
    import jax
    _d = setup_inputs()
    print(jax.jit(kernel)(*tuple(_d.values())))

</pallas_src>

<mosaic_0001>
#map = affine_map<(d0, d1) -> (0, 0, 0)>
#map1 = affine_map<(d0, d1) -> (0, 0)>
module attributes {stable_mosaic.version = 14 : i64} {
  func.func @k(%arg0: i32, %arg1: i32, %arg2: memref<32x88x128xi32, #tpu.memory_space<hbm>>, %arg3: memref<32x88x128xf32, #tpu.memory_space<hbm>>, %arg4: memref<2x10240xf32, #tpu.memory_space<hbm>>, %arg5: memref<10240xf32, #tpu.memory_space<vmem_shared>>, %arg6: memref<80x128xi32, #tpu.memory_space<vmem>>, %arg7: memref<80x128xf32, #tpu.memory_space<vmem>>, %arg8: memref<640xf32, #tpu.memory_space<vmem>>) attributes {dimension_semantics = [#tpu.dimension_semantics<core_parallel>, #tpu.dimension_semantics<subcore_parallel>], iteration_bounds = array<i64: 2, 16>, scalar_prefetch = 0 : i64, scratch_operands = 4 : i64, tpu.core_type = #tpu.core_type<sc_vector_subcore>, window_params = [{transform_indices = #map}, {transform_indices = #map}, {transform_indices = #map1}]} {
    %mul3A = arith.constant 640 : i32
    %mul3A_0 = arith.muli %arg1, %mul3A : i32
    %broadcast_in_dim3A = arith.constant 0.000000e+00 : f32
    %broadcast_in_dim3A_1 = vector.broadcast %broadcast_in_dim3A : f32 to vector<16xf32>
    %swap3A = arith.constant 0 : index
    %swap3A_2 = tpu.vector_load %arg8[%swap3A] {strides = array<i32>} : memref<640xf32, #tpu.memory_space<vmem>>, vector<16xf32>,
    tpu.vector_store %arg8[%swap3A], %broadcast_in_dim3A_1 {strides = array<i32>} : memref<640xf32, #tpu.memory_space<vmem>>, vector<16xf32>,
    %swap3A_3 = arith.constant 16 : index
    %swap3A_4 = tpu.vector_load %arg8[%swap3A_3] {strides = array<i32>} : memref<640xf32, #tpu.memory_space<vmem>>, vector<16xf32>,
    tpu.vector_store %arg8[%swap3A_3], %broadcast_in_dim3A_1 {strides = array<i32>} : memref<640xf32, #tpu.memory_space<vmem>>, vector<16xf32>,
    %swap3A_5 = arith.constant 32 : index
    %swap3A_6 = tpu.vector_load %arg8[%swap3A_5] {strides = array<i32>} : memref<640xf32, #tpu.memory_space<vmem>>, vector<16xf32>,
    tpu.vector_store %arg8[%swap3A_5], %broadcast_in_dim3A_1 {strides = array<i32>} : memref<640xf32, #tpu.memory_space<vmem>>, vector<16xf32>,
    %swap3A_7 = arith.constant 48 : index
    %swap3A_8 = tpu.vector_load %arg8[%swap3A_7] {strides = array<i32>} : memref<640xf32, #tpu.memory_space<vmem>>, vector<16xf32>,
    tpu.vector_store %arg8[%swap3A_7], %broadcast_in_dim3A_1 {strides = array<i32>} : memref<640xf32, #tpu.memory_space<vmem>>, vector<16xf32>,
    %swap3A_9 = arith.constant 64 : index
    %swap3A_10 = tpu.vector_load %arg8[%swap3A_9] {strides = array<i32>} : memref<640xf32, #tpu.memory_space<vmem>>, vector<16xf32>,
    tpu.vector_store %arg8[%swap3A_9], %broadcast_in_dim3A_1 {strides = array<i32>} : memref<640xf32, #tpu.memory_space<vmem>>, vector<16xf32>,
    %swap3A_11 = arith.constant 80 : index
    %swap3A_12 = tpu.vector_load %arg8[%swap3A_11] {strides = array<i32>} : memref<640xf32, #tpu.memory_space<vmem>>, vector<16xf32>,
    tpu.vector_store %arg8[%swap3A_11], %broadcast_in_dim3A_1 {strides = array<i32>} : memref<640xf32, #tpu.memory_space<vmem>>, vector<16xf32>,
    %swap3A_13 = arith.constant 96 : index
    %swap3A_14 = tpu.vector_load %arg8[%swap3A_13] {strides = array<i32>} : memref<640xf32, #tpu.memory_space<vmem>>, vector<16xf32>,
    tpu.vector_store %arg8[%swap3A_13], %broadcast_in_dim3A_1 {strides = array<i32>} : memref<640xf32, #tpu.memory_space<vmem>>, vector<16xf32>,
    %swap3A_15 = arith.constant 112 : index
    %swap3A_16 = tpu.vector_load %arg8[%swap3A_15] {strides = array<i32>} : memref<640xf32, #tpu.memory_space<vmem>>, vector<16xf32>,
    tpu.vector_store %arg8[%swap3A_15], %broadcast_in_dim3A_1 {strides = array<i32>} : memref<640xf32, #tpu.memory_space<vmem>>, vector<16xf32>,
    %swap3A_17 = arith.constant 128 : index
    %swap3A_18 = tpu.vector_load %arg8[%swap3A_17] {strides = array<i32>} : memref<640xf32, #tpu.memory_space<vmem>>, vector<16xf32>,
    tpu.vector_store %arg8[%swap3A_17], %broadcast_in_dim3A_1 {strides = array<i32>} : memref<640xf32, #tpu.memory_space<vmem>>, vector<16xf32>,
    %swap3A_19 = arith.constant 144 : index
    %swap3A_20 = tpu.vector_load %arg8[%swap3A_19] {strides = array<i32>} : memref<640xf32, #tpu.memory_space<vmem>>, vector<16xf32>,
    tpu.vector_store %arg8[%swap3A_19], %broadcast_in_dim3A_1 {strides = array<i32>} : memref<640xf32, #tpu.memory_space<vmem>>, vector<16xf32>,
    %swap3A_21 = arith.constant 160 : index
    %swap3A_22 = tpu.vector_load %arg8[%swap3A_21] {strides = array<i32>} : memref<640xf32, #tpu.memory_space<vmem>>, vector<16xf32>,
    tpu.vector_store %arg8[%swap3A_21], %broadcast_in_dim3A_1 {strides = array<i32>} : memref<640xf32, #tpu.memory_space<vmem>>, vector<16xf32>,
    %swap3A_23 = arith.constant 176 : index
    %swap3A_24 = tpu.vector_load %arg8[%swap3A_23] {strides = array<i32>} : memref<640xf32, #tpu.memory_space<vmem>>, vector<16xf32>,
    tpu.vector_store %arg8[%swap3A_23], %broadcast_in_dim3A_1 {strides = array<i32>} : memref<640xf32, #tpu.memory_space<vmem>>, vector<16xf32>,
    %swap3A_25 = arith.constant 192 : index
    %swap3A_26 = tpu.vector_load %arg8[%swap3A_25] {strides = array<i32>} : memref<640xf32, #tpu.memory_space<vmem>>, vector<16xf32>,
    tpu.vector_store %arg8[%swap3A_25], %broadcast_in_dim3A_1 {strides = array<i32>} : memref<640xf32, #tpu.memory_space<vmem>>, vector<16xf32>,
    %swap3A_27 = arith.constant 208 : index
    %swap3A_28 = tpu.vector_load %arg8[%swap3A_27] {strides = array<i32>} : memref<640xf32, #tpu.memory_space<vmem>>, vector<16xf32>,
    tpu.vector_store %arg8[%swap3A_27], %broadcast_in_dim3A_1 {strides = array<i32>} : memref<640xf32, #tpu.memory_space<vmem>>, vector<16xf32>,
    %swap3A_29 = arith.constant 224 : index
    %swap3A_30 = tpu.vector_load %arg8[%swap3A_29] {strides = array<i32>} : memref<640xf32, #tpu.memory_space<vmem>>, vector<16xf32>,
    tpu.vector_store %arg8[%swap3A_29], %broadcast_in_dim3A_1 {strides = array<i32>} : memref<640xf32, #tpu.memory_space<vmem>>, vector<16xf32>,
    %swap3A_31 = arith.constant 240 : index
    %swap3A_32 = tpu.vector_load %arg8[%swap3A_31] {strides = array<i32>} : memref<640xf32, #tpu.memory_space<vmem>>, vector<16xf32>,
    tpu.vector_store %arg8[%swap3A_31], %broadcast_in_dim3A_1 {strides = array<i32>} : memref<640xf32, #tpu.memory_space<vmem>>, vector<16xf32>,
    %swap3A_33 = arith.constant 256 : index
    %swap3A_34 = tpu.vector_load %arg8[%swap3A_33] {strides = array<i32>} : memref<640xf32, #tpu.memory_space<vmem>>, vector<16xf32>,
    tpu.vector_store %arg8[%swap3A_33], %broadcast_in_dim3A_1 {strides = array<i32>} : memref<640xf32, #tpu.memory_space<vmem>>, vector<16xf32>,
    %swap3A_35 = arith.constant 272 : index
    %swap3A_36 = tpu.vector_load %arg8[%swap3A_35] {strides = array<i32>} : memref<640xf32, #tpu.memory_space<vmem>>, vector<16xf32>,
    tpu.vector_store %arg8[%swap3A_35], %broadcast_in_dim3A_1 {strides = array<i32>} : memref<640xf32, #tpu.memory_space<vmem>>, vector<16xf32>,
    %swap3A_37 = arith.constant 288 : index
    %swap3A_38 = tpu.vector_load %arg8[%swap3A_37] {strides = array<i32>} : memref<640xf32, #tpu.memory_space<vmem>>, vector<16xf32>,
    tpu.vector_store %arg8[%swap3A_37], %broadcast_in_dim3A_1 {strides = array<i32>} : memref<640xf32, #tpu.memory_space<vmem>>, vector<16xf32>,
    %swap3A_39 = arith.constant 304 : index
    %swap3A_40 = tpu.vector_load %arg8[%swap3A_39] {strides = array<i32>} : memref<640xf32, #tpu.memory_space<vmem>>, vector<16xf32>,
    tpu.vector_store %arg8[%swap3A_39], %broadcast_in_dim3A_1 {strides = array<i32>} : memref<640xf32, #tpu.memory_space<vmem>>, vector<16xf32>,
    %swap3A_41 = arith.constant 320 : index
    %swap3A_42 = tpu.vector_load %arg8[%swap3A_41] {strides = array<i32>} : memref<640xf32, #tpu.memory_space<vmem>>, vector<16xf32>,
    tpu.vector_store %arg8[%swap3A_41], %broadcast_in_dim3A_1 {strides = array<i32>} : memref<640xf32, #tpu.memory_space<vmem>>, vector<16xf32>,
    %swap3A_43 = arith.constant 336 : index
    %swap3A_44 = tpu.vector_load %arg8[%swap3A_43] {strides = array<i32>} : memref<640xf32, #tpu.memory_space<vmem>>, vector<16xf32>,
    tpu.vector_store %arg8[%swap3A_43], %broadcast_in_dim3A_1 {strides = array<i32>} : memref<640xf32, #tpu.memory_space<vmem>>, vector<16xf32>,
    %swap3A_45 = arith.constant 352 : index
    %swap3A_46 = tpu.vector_load %arg8[%swap3A_45] {strides = array<i32>} : memref<640xf32, #tpu.memory_space<vmem>>, vector<16xf32>,
    tpu.vector_store %arg8[%swap3A_45], %broadcast_in_dim3A_1 {strides = array<i32>} : memref<640xf32, #tpu.memory_space<vmem>>, vector<16xf32>,
    %swap3A_47 = arith.constant 368 : index
    %swap3A_48 = tpu.vector_load %arg8[%swap3A_47] {strides = array<i32>} : memref<640xf32, #tpu.memory_space<vmem>>, vector<16xf32>,
    tpu.vector_store %arg8[%swap3A_47], %broadcast_in_dim3A_1 {strides = array<i32>} : memref<640xf32, #tpu.memory_space<vmem>>, vector<16xf32>,
    %swap3A_49 = arith.constant 384 : index
    %swap3A_50 = tpu.vector_load %arg8[%swap3A_49] {strides = array<i32>} : memref<640xf32, #tpu.memory_space<vmem>>, vector<16xf32>,
    tpu.vector_store %arg8[%swap3A_49], %broadcast_in_dim3A_1 {strides = array<i32>} : memref<640xf32, #tpu.memory_space<vmem>>, vector<16xf32>,
    %swap3A_51 = arith.constant 400 : index
    %swap3A_52 = tpu.vector_load %arg8[%swap3A_51] {strides = array<i32>} : memref<640xf32, #tpu.memory_space<vmem>>, vector<16xf32>,
    tpu.vector_store %arg8[%swap3A_51], %broadcast_in_dim3A_1 {strides = array<i32>} : memref<640xf32, #tpu.memory_space<vmem>>, vector<16xf32>,
    %swap3A_53 = arith.constant 416 : index
    %swap3A_54 = tpu.vector_load %arg8[%swap3A_53] {strides = array<i32>} : memref<640xf32, #tpu.memory_space<vmem>>, vector<16xf32>,
    tpu.vector_store %arg8[%swap3A_53], %broadcast_in_dim3A_1 {strides = array<i32>} : memref<640xf32, #tpu.memory_space<vmem>>, vector<16xf32>,
    %swap3A_55 = arith.constant 432 : index
    %swap3A_56 = tpu.vector_load %arg8[%swap3A_55] {strides = array<i32>} : memref<640xf32, #tpu.memory_space<vmem>>, vector<16xf32>,
    tpu.vector_store %arg8[%swap3A_55], %broadcast_in_dim3A_1 {strides = array<i32>} : memref<640xf32, #tpu.memory_space<vmem>>, vector<16xf32>,
    %swap3A_57 = arith.constant 448 : index
    %swap3A_58 = tpu.vector_load %arg8[%swap3A_57] {strides = array<i32>} : memref<640xf32, #tpu.memory_space<vmem>>, vector<16xf32>,
    tpu.vector_store %arg8[%swap3A_57], %broadcast_in_dim3A_1 {strides = array<i32>} : memref<640xf32, #tpu.memory_space<vmem>>, vector<16xf32>,
    %swap3A_59 = arith.constant 464 : index
    %swap3A_60 = tpu.vector_load %arg8[%swap3A_59] {strides = array<i32>} : memref<640xf32, #tpu.memory_space<vmem>>, vector<16xf32>,
    tpu.vector_store %arg8[%swap3A_59], %broadcast_in_dim3A_1 {strides = array<i32>} : memref<640xf32, #tpu.memory_space<vmem>>, vector<16xf32>,
    %swap3A_61 = arith.constant 480 : index
    %swap3A_62 = tpu.vector_load %arg8[%swap3A_61] {strides = array<i32>} : memref<640xf32, #tpu.memory_space<vmem>>, vector<16xf32>,
    tpu.vector_store %arg8[%swap3A_61], %broadcast_in_dim3A_1 {strides = array<i32>} : memref<640xf32, #tpu.memory_space<vmem>>, vector<16xf32>,
    %swap3A_63 = arith.constant 496 : index
    %swap3A_64 = tpu.vector_load %arg8[%swap3A_63] {strides = array<i32>} : memref<640xf32, #tpu.memory_space<vmem>>, vector<16xf32>,
    tpu.vector_store %arg8[%swap3A_63], %broadcast_in_dim3A_1 {strides = array<i32>} : memref<640xf32, #tpu.memory_space<vmem>>, vector<16xf32>,
    %swap3A_65 = arith.constant 512 : index
    %swap3A_66 = tpu.vector_load %arg8[%swap3A_65] {strides = array<i32>} : memref<640xf32, #tpu.memory_space<vmem>>, vector<16xf32>,
    tpu.vector_store %arg8[%swap3A_65], %broadcast_in_dim3A_1 {strides = array<i32>} : memref<640xf32, #tpu.memory_space<vmem>>, vector<16xf32>,
    %swap3A_67 = arith.constant 528 : index
    %swap3A_68 = tpu.vector_load %arg8[%swap3A_67] {strides = array<i32>} : memref<640xf32, #tpu.memory_space<vmem>>, vector<16xf32>,
    tpu.vector_store %arg8[%swap3A_67], %broadcast_in_dim3A_1 {strides = array<i32>} : memref<640xf32, #tpu.memory_space<vmem>>, vector<16xf32>,
    %swap3A_69 = arith.constant 544 : index
    %swap3A_70 = tpu.vector_load %arg8[%swap3A_69] {strides = array<i32>} : memref<640xf32, #tpu.memory_space<vmem>>, vector<16xf32>,
    tpu.vector_store %arg8[%swap3A_69], %broadcast_in_dim3A_1 {strides = array<i32>} : memref<640xf32, #tpu.memory_space<vmem>>, vector<16xf32>,
    %swap3A_71 = arith.constant 560 : index
    %swap3A_72 = tpu.vector_load %arg8[%swap3A_71] {strides = array<i32>} : memref<640xf32, #tpu.memory_space<vmem>>, vector<16xf32>,
    tpu.vector_store %arg8[%swap3A_71], %broadcast_in_dim3A_1 {strides = array<i32>} : memref<640xf32, #tpu.memory_space<vmem>>, vector<16xf32>,
    %swap3A_73 = arith.constant 576 : index
    %swap3A_74 = tpu.vector_load %arg8[%swap3A_73] {strides = array<i32>} : memref<640xf32, #tpu.memory_space<vmem>>, vector<16xf32>,
    tpu.vector_store %arg8[%swap3A_73], %broadcast_in_dim3A_1 {strides = array<i32>} : memref<640xf32, #tpu.memory_space<vmem>>, vector<16xf32>,
    %swap3A_75 = arith.constant 592 : index
    %swap3A_76 = tpu.vector_load %arg8[%swap3A_75] {strides = array<i32>} : memref<640xf32, #tpu.memory_space<vmem>>, vector<16xf32>,
    tpu.vector_store %arg8[%swap3A_75], %broadcast_in_dim3A_1 {strides = array<i32>} : memref<640xf32, #tpu.memory_space<vmem>>, vector<16xf32>,
    %swap3A_77 = arith.constant 608 : index
    %swap3A_78 = tpu.vector_load %arg8[%swap3A_77] {strides = array<i32>} : memref<640xf32, #tpu.memory_space<vmem>>, vector<16xf32>,
    tpu.vector_store %arg8[%swap3A_77], %broadcast_in_dim3A_1 {strides = array<i32>} : memref<640xf32, #tpu.memory_space<vmem>>, vector<16xf32>,
    %swap3A_79 = arith.constant 624 : index
    %swap3A_80 = tpu.vector_load %arg8[%swap3A_79] {strides = array<i32>} : memref<640xf32, #tpu.memory_space<vmem>>, vector<16xf32>,
    tpu.vector_store %arg8[%swap3A_79], %broadcast_in_dim3A_1 {strides = array<i32>} : memref<640xf32, #tpu.memory_space<vmem>>, vector<16xf32>,
    "tpu.region"() ({
      %run_scoped3A = tpu.sem_alloc : memref<!tpu.dma_semaphore, #tpu.memory_space<semaphore_mem>>
      %dma_start3A = tpu.memref_slice %arg5[%mul3A_0] : memref<10240xf32, #tpu.memory_space<vmem_shared>> -> memref<640xf32, #tpu.memory_space<vmem_shared>>
      %dma_start3A_88 = tpu.memref_slice %arg5[%mul3A_0] : memref<10240xf32, #tpu.memory_space<vmem_shared>> -> memref<640xf32, #tpu.memory_space<vmem_shared>>
      tpu.enqueue_dma source(%arg8 : memref<640xf32, #tpu.memory_space<vmem>>) target(%dma_start3A_88 : memref<640xf32, #tpu.memory_space<vmem_shared>>) target_semaphore(%run_scoped3A : memref<!tpu.dma_semaphore, #tpu.memory_space<semaphore_mem>>)
      %dma_wait3A = tpu.memref_slice %arg5[%mul3A_0] : memref<10240xf32, #tpu.memory_space<vmem_shared>> -> memref<640xf32, #tpu.memory_space<vmem_shared>>
      %dma_wait3A_89 = tpu.memref_slice %arg5[%mul3A_0] : memref<10240xf32, #tpu.memory_space<vmem_shared>> -> memref<640xf32, #tpu.memory_space<vmem_shared>>
      tpu.wait_dma2 semaphore(%run_scoped3A : memref<!tpu.dma_semaphore, #tpu.memory_space<semaphore_mem>>) src(%arg8 : memref<640xf32, #tpu.memory_space<vmem>>) dst(%dma_wait3A_89 : memref<640xf32, #tpu.memory_space<vmem_shared>>)
      tpu.yield
    }) : () -> ()
    %barrier3A = arith.constant 0 : index
    tpu.barrier barrier_id(%barrier3A)
    %mul3A_81 = arith.constant 16 : i32
    %mul3A_82 = arith.muli %arg0, %mul3A_81 : i32
    %add3A = arith.addi %mul3A_82, %arg1 : i32
    "tpu.region"() ({
      %run_scoped3A = tpu.sem_alloc : memref<!tpu.dma_semaphore, #tpu.memory_space<semaphore_mem>>
      %dma_start3A = arith.constant 0 : i32
      %dma_start3A_88 = arith.constant 0 : i32
      %dma_start3A_89 = tpu.memref_slice %arg2[%add3A, %dma_start3A, %dma_start3A_88] : memref<32x88x128xi32, #tpu.memory_space<hbm>> -> memref<1x80x128xi32, #tpu.memory_space<hbm>>
      %dma_start3A_90 = tpu.memref_squeeze %dma_start3A_89 : memref<1x80x128xi32, #tpu.memory_space<hbm>> -> memref<80x128xi32, #tpu.memory_space<hbm>>
      %dma_start3A_91 = arith.constant 0 : i32
      %dma_start3A_92 = arith.constant 0 : i32
      %dma_start3A_93 = tpu.memref_slice %arg2[%add3A, %dma_start3A_91, %dma_start3A_92] : memref<32x88x128xi32, #tpu.memory_space<hbm>> -> memref<1x80x128xi32, #tpu.memory_space<hbm>>
      %dma_start3A_94 = tpu.memref_squeeze %dma_start3A_93 : memref<1x80x128xi32, #tpu.memory_space<hbm>> -> memref<80x128xi32, #tpu.memory_space<hbm>>
      tpu.enqueue_dma source(%dma_start3A_94 : memref<80x128xi32, #tpu.memory_space<hbm>>) target(%arg6 : memref<80x128xi32, #tpu.memory_space<vmem>>) target_semaphore(%run_scoped3A : memref<!tpu.dma_semaphore, #tpu.memory_space<semaphore_mem>>)
      %dma_wait3A = arith.constant 0 : i32
      %dma_wait3A_95 = arith.constant 0 : i32
      %dma_wait3A_96 = tpu.memref_slice %arg2[%add3A, %dma_wait3A, %dma_wait3A_95] : memref<32x88x128xi32, #tpu.memory_space<hbm>> -> memref<1x80x128xi32, #tpu.memory_space<hbm>>
      %dma_wait3A_97 = tpu.memref_squeeze %dma_wait3A_96 : memref<1x80x128xi32, #tpu.memory_space<hbm>> -> memref<80x128xi32, #tpu.memory_space<hbm>>
      %dma_wait3A_98 = arith.constant 0 : i32
      %dma_wait3A_99 = arith.constant 0 : i32
      %dma_wait3A_100 = tpu.memref_slice %arg2[%add3A, %dma_wait3A_98, %dma_wait3A_99] : memref<32x88x128xi32, #tpu.memory_space<hbm>> -> memref<1x80x128xi32, #tpu.memory_space<hbm>>
      %dma_wait3A_101 = tpu.memref_squeeze %dma_wait3A_100 : memref<1x80x128xi32, #tpu.memory_space<hbm>> -> memref<80x128xi32, #tpu.memory_space<hbm>>
      tpu.wait_dma2 semaphore(%run_scoped3A : memref<!tpu.dma_semaphore, #tpu.memory_space<semaphore_mem>>) src(%dma_wait3A_101 : memref<80x128xi32, #tpu.memory_space<hbm>>) dst(%arg6 : memref<80x128xi32, #tpu.memory_space<vmem>>)
      tpu.yield
    }) : () -> ()
    "tpu.region"() ({
      %run_scoped3A = tpu.sem_alloc : memref<!tpu.dma_semaphore, #tpu.memory_space<semaphore_mem>>
      %dma_start3A = arith.constant 0 : i32
      %dma_start3A_88 = arith.constant 0 : i32
      %dma_start3A_89 = tpu.memref_slice %arg3[%add3A, %dma_start3A, %dma_start3A_88] : memref<32x88x128xf32, #tpu.memory_space<hbm>> -> memref<1x80x128xf32, #tpu.memory_space<hbm>>
      %dma_start3A_90 = tpu.memref_squeeze %dma_start3A_89 : memref<1x80x128xf32, #tpu.memory_space<hbm>> -> memref<80x128xf32, #tpu.memory_space<hbm>>
      %dma_start3A_91 = arith.constant 0 : i32
      %dma_start3A_92 = arith.constant 0 : i32
      %dma_start3A_93 = tpu.memref_slice %arg3[%add3A, %dma_start3A_91, %dma_start3A_92] : memref<32x88x128xf32, #tpu.memory_space<hbm>> -> memref<1x80x128xf32, #tpu.memory_space<hbm>>
      %dma_start3A_94 = tpu.memref_squeeze %dma_start3A_93 : memref<1x80x128xf32, #tpu.memory_space<hbm>> -> memref<80x128xf32, #tpu.memory_space<hbm>>
      tpu.enqueue_dma source(%dma_start3A_94 : memref<80x128xf32, #tpu.memory_space<hbm>>) target(%arg7 : memref<80x128xf32, #tpu.memory_space<vmem>>) target_semaphore(%run_scoped3A : memref<!tpu.dma_semaphore, #tpu.memory_space<semaphore_mem>>)
      %dma_wait3A = arith.constant 0 : i32
      %dma_wait3A_95 = arith.constant 0 : i32
      %dma_wait3A_96 = tpu.memref_slice %arg3[%add3A, %dma_wait3A, %dma_wait3A_95] : memref<32x88x128xf32, #tpu.memory_space<hbm>> -> memref<1x80x128xf32, #tpu.memory_space<hbm>>
      %dma_wait3A_97 = tpu.memref_squeeze %dma_wait3A_96 : memref<1x80x128xf32, #tpu.memory_space<hbm>> -> memref<80x128xf32, #tpu.memory_space<hbm>>
      %dma_wait3A_98 = arith.constant 0 : i32
      %dma_wait3A_99 = arith.constant 0 : i32
      %dma_wait3A_100 = tpu.memref_slice %arg3[%add3A, %dma_wait3A_98, %dma_wait3A_99] : memref<32x88x128xf32, #tpu.memory_space<hbm>> -> memref<1x80x128xf32, #tpu.memory_space<hbm>>
      %dma_wait3A_101 = tpu.memref_squeeze %dma_wait3A_100 : memref<1x80x128xf32, #tpu.memory_space<hbm>> -> memref<80x128xf32, #tpu.memory_space<hbm>>
      tpu.wait_dma2 semaphore(%run_scoped3A : memref<!tpu.dma_semaphore, #tpu.memory_space<semaphore_mem>>) src(%dma_wait3A_101 : memref<80x128xf32, #tpu.memory_space<hbm>>) dst(%arg7 : memref<80x128xf32, #tpu.memory_space<vmem>>)
      tpu.yield
    }) : () -> ()
    %scan3A = arith.constant 0 : i32
    %scan3A_83 = arith.constant 80 : i32
    %scan3A_84 = arith.addi %scan3A, %scan3A_83 : i32
    %scan3A_85 = arith.constant 1 : i32
    scf.for %scan3A_88 = %scan3A to %scan3A_84 step %scan3A_85  : i32 {
      %mul3A_89 = arith.constant 1 : i32
      %mul3A_90 = arith.muli %scan3A_88, %mul3A_89 : i32
      %add3A_91 = arith.constant 0 : i32
      %add3A_92 = arith.addi %add3A_91, %mul3A_90 : i32
      "tpu.region"() ({
        %run_scoped3A = tpu.sem_alloc : memref<!tpu.dma_semaphore, #tpu.memory_space<semaphore_mem>>
        %dma_start3A = arith.constant 0 : i32
        %dma_start3A_93 = tpu.memref_slice %arg7[%add3A_92, %dma_start3A] : memref<80x128xf32, #tpu.memory_space<vmem>> -> memref<1x128xf32, #tpu.memory_space<vmem>>
        %dma_start3A_94 = tpu.memref_squeeze %dma_start3A_93 : memref<1x128xf32, #tpu.memory_space<vmem>> -> memref<128xf32, #tpu.memory_space<vmem>>
        %dma_start3A_95 = arith.constant 0 : i32
        %dma_start3A_96 = tpu.memref_slice %arg6[%add3A_92, %dma_start3A_95] : memref<80x128xi32, #tpu.memory_space<vmem>> -> memref<1x128xi32, #tpu.memory_space<vmem>>
        %dma_start3A_97 = tpu.memref_squeeze %dma_start3A_96 : memref<1x128xi32, #tpu.memory_space<vmem>> -> memref<128xi32, #tpu.memory_space<vmem>>
        %dma_start3A_98 = arith.constant 0 : i32
        %dma_start3A_99 = tpu.memref_slice %arg5[%dma_start3A_98] : memref<10240xf32, #tpu.memory_space<vmem_shared>> -> memref<10240xf32, #tpu.memory_space<vmem_shared>>
        tpu.enqueue_indirect_dma source(%dma_start3A_94 : memref<128xf32, #tpu.memory_space<vmem>>) target(%dma_start3A_99 : memref<10240xf32, #tpu.memory_space<vmem_shared>>) offsets(%dma_start3A_97 : memref<128xi32, #tpu.memory_space<vmem>>) semaphore(%run_scoped3A : memref<!tpu.dma_semaphore, #tpu.memory_space<semaphore_mem>>) {add = true}
        %dma_wait3A = arith.constant 0 : i32
        %dma_wait3A_100 = tpu.memref_slice %arg7[%add3A_92, %dma_wait3A] : memref<80x128xf32, #tpu.memory_space<vmem>> -> memref<1x128xf32, #tpu.memory_space<vmem>>
        %dma_wait3A_101 = tpu.memref_squeeze %dma_wait3A_100 : memref<1x128xf32, #tpu.memory_space<vmem>> -> memref<128xf32, #tpu.memory_space<vmem>>
        %dma_wait3A_102 = arith.constant 0 : i32
        %dma_wait3A_103 = tpu.memref_slice %arg6[%add3A_92, %dma_wait3A_102] : memref<80x128xi32, #tpu.memory_space<vmem>> -> memref<1x128xi32, #tpu.memory_space<vmem>>
        %dma_wait3A_104 = tpu.memref_squeeze %dma_wait3A_103 : memref<1x128xi32, #tpu.memory_space<vmem>> -> memref<128xi32, #tpu.memory_space<vmem>>
        %dma_wait3A_105 = arith.constant 0 : i32
        %dma_wait3A_106 = tpu.memref_slice %arg5[%dma_wait3A_105] : memref<10240xf32, #tpu.memory_space<vmem_shared>> -> memref<10240xf32, #tpu.memory_space<vmem_shared>>
        tpu.wait_indirect_dma semaphore(%run_scoped3A : memref<!tpu.dma_semaphore, #tpu.memory_space<semaphore_mem>>) src(%dma_wait3A_101 : memref<128xf32, #tpu.memory_space<vmem>>) dst(%dma_wait3A_106 : memref<10240xf32, #tpu.memory_space<vmem_shared>>)
        tpu.yield
      }) : () -> ()
    }
    %scan3A_86 = arith.constant 80 : i32
    %barrier3A_87 = arith.constant 0 : index
    tpu.barrier barrier_id(%barrier3A_87)
    "tpu.region"() ({
      %run_scoped3A = tpu.sem_alloc : memref<!tpu.dma_semaphore, #tpu.memory_space<semaphore_mem>>
      %dma_start3A = tpu.memref_slice %arg5[%mul3A_0] : memref<10240xf32, #tpu.memory_space<vmem_shared>> -> memref<640xf32, #tpu.memory_space<vmem_shared>>
      %dma_start3A_88 = tpu.memref_slice %arg5[%mul3A_0] : memref<10240xf32, #tpu.memory_space<vmem_shared>> -> memref<640xf32, #tpu.memory_space<vmem_shared>>
      tpu.enqueue_dma source(%dma_start3A_88 : memref<640xf32, #tpu.memory_space<vmem_shared>>) target(%arg8 : memref<640xf32, #tpu.memory_space<vmem>>) target_semaphore(%run_scoped3A : memref<!tpu.dma_semaphore, #tpu.memory_space<semaphore_mem>>)
      %dma_wait3A = tpu.memref_slice %arg5[%mul3A_0] : memref<10240xf32, #tpu.memory_space<vmem_shared>> -> memref<640xf32, #tpu.memory_space<vmem_shared>>
      %dma_wait3A_89 = tpu.memref_slice %arg5[%mul3A_0] : memref<10240xf32, #tpu.memory_space<vmem_shared>> -> memref<640xf32, #tpu.memory_space<vmem_shared>>
      tpu.wait_dma2 semaphore(%run_scoped3A : memref<!tpu.dma_semaphore, #tpu.memory_space<semaphore_mem>>) src(%dma_wait3A_89 : memref<640xf32, #tpu.memory_space<vmem_shared>>) dst(%arg8 : memref<640xf32, #tpu.memory_space<vmem>>)
      tpu.yield
    }) : () -> ()
    "tpu.region"() ({
      %run_scoped3A = tpu.sem_alloc : memref<!tpu.dma_semaphore, #tpu.memory_space<semaphore_mem>>
      %dma_start3A = tpu.memref_slice %arg4[%arg0, %mul3A_0] : memref<2x10240xf32, #tpu.memory_space<hbm>> -> memref<1x640xf32, #tpu.memory_space<hbm>>
      %dma_start3A_88 = tpu.memref_squeeze %dma_start3A : memref<1x640xf32, #tpu.memory_space<hbm>> -> memref<640xf32, #tpu.memory_space<hbm>>
      %dma_start3A_89 = tpu.memref_slice %arg4[%arg0, %mul3A_0] : memref<2x10240xf32, #tpu.memory_space<hbm>> -> memref<1x640xf32, #tpu.memory_space<hbm>>
      %dma_start3A_90 = tpu.memref_squeeze %dma_start3A_89 : memref<1x640xf32, #tpu.memory_space<hbm>> -> memref<640xf32, #tpu.memory_space<hbm>>
      tpu.enqueue_dma source(%arg8 : memref<640xf32, #tpu.memory_space<vmem>>) target(%dma_start3A_90 : memref<640xf32, #tpu.memory_space<hbm>>) target_semaphore(%run_scoped3A : memref<!tpu.dma_semaphore, #tpu.memory_space<semaphore_mem>>)
      %dma_wait3A = tpu.memref_slice %arg4[%arg0, %mul3A_0] : memref<2x10240xf32, #tpu.memory_space<hbm>> -> memref<1x640xf32, #tpu.memory_space<hbm>>
      %dma_wait3A_91 = tpu.memref_squeeze %dma_wait3A : memref<1x640xf32, #tpu.memory_space<hbm>> -> memref<640xf32, #tpu.memory_space<hbm>>
      %dma_wait3A_92 = tpu.memref_slice %arg4[%arg0, %mul3A_0] : memref<2x10240xf32, #tpu.memory_space<hbm>> -> memref<1x640xf32, #tpu.memory_space<hbm>>
      %dma_wait3A_93 = tpu.memref_squeeze %dma_wait3A_92 : memref<1x640xf32, #tpu.memory_space<hbm>> -> memref<640xf32, #tpu.memory_space<hbm>>
      tpu.wait_dma2 semaphore(%run_scoped3A : memref<!tpu.dma_semaphore, #tpu.memory_space<semaphore_mem>>) src(%arg8 : memref<640xf32, #tpu.memory_space<vmem>>) dst(%dma_wait3A_93 : memref<640xf32, #tpu.memory_space<hbm>>)
      tpu.yield
    }) : () -> ()
    return
  }
}

#map = affine_map<(d0, d1) -> (0, 0)>
#map1 = affine_map<(d0, d1) -> (0, 0, 0)>
module attributes {stable_mosaic.version = 14 : i64} {
  func.func @k(%arg0: i32, %arg1: i32, %arg2: memref<10240x16xf32, #tpu.memory_space<hbm>>, %arg3: memref<2x10240xf32, #tpu.memory_space<hbm>>, %arg4: memref<32x88x128xi32, #tpu.memory_space<hbm>>, %arg5: memref<32x88x128xi32, #tpu.memory_space<hbm>>, %arg6: memref<32x1408x128xf32, #tpu.memory_space<hbm>>, %arg7: memref<2x10240x16xf32, #tpu.memory_space<hbm>>, %arg8: memref<10240x16xf32, #tpu.memory_space<hbm>>, %arg9: memref<10240x16xf32, #tpu.memory_space<vmem_shared>>, %arg10: memref<10240x16xf32, #tpu.memory_space<vmem_shared>>, %arg11: memref<82x128xi32, #tpu.memory_space<vmem>>, %arg12: memref<80x128xi32, #tpu.memory_space<vmem>>, %arg13: memref<128x16xf32, #tpu.memory_space<vmem>>, %arg14: memref<128x16xf32, #tpu.memory_space<vmem>>, %arg15: memref<16x128xf32, #tpu.memory_space<vmem>>, %arg16: memref<16x128xf32, #tpu.memory_space<vmem>>, %arg17: memref<128x16xf32, #tpu.memory_space<vmem>>, %arg18: memref<128x16xf32, #tpu.memory_space<vmem>>, %arg19: memref<640x16xf32, #tpu.memory_space<vmem>>, %arg20: memref<!tpu.dma_semaphore, #tpu.memory_space<semaphore_mem>>, %arg21: memref<!tpu.dma_semaphore, #tpu.memory_space<semaphore_mem>>, %arg22: memref<!tpu.dma_semaphore, #tpu.memory_space<semaphore_mem>>, %arg23: memref<!tpu.dma_semaphore, #tpu.memory_space<semaphore_mem>>, %arg24: memref<!tpu.dma_semaphore, #tpu.memory_space<semaphore_mem>>, %arg25: memref<!tpu.dma_semaphore, #tpu.memory_space<semaphore_mem>>, %arg26: memref<640xf32, #tpu.memory_space<vmem>>, %arg27: memref<640xf32, #tpu.memory_space<vmem>>, %arg28: memref<640xf32, #tpu.memory_space<vmem>>, %arg29: memref<640x16xf32, #tpu.memory_space<vmem>>) attributes {dimension_semantics = [#tpu.dimension_semantics<core_parallel>, #tpu.dimension_semantics<subcore_parallel>], iteration_bounds = array<i64: 2, 16>, scalar_prefetch = 0 : i64, scratch_operands = 21 : i64, tpu.core_type = #tpu.core_type<sc_vector_subcore>, window_params = [{transform_indices = #map}, {transform_indices = #map}, {transform_indices = #map1}, {transform_indices = #map1}, {transform_indices = #map1}, {transform_indices = #map1}, {transform_indices = #map}]} {
    %mul3A = arith.constant 640 : i32
    %mul3A_0 = arith.muli %arg1, %mul3A : i32
    "tpu.region"() ({
      %run_scoped3A_194 = tpu.sem_alloc : memref<!tpu.dma_semaphore, #tpu.memory_space<semaphore_mem>>
      %dma_start3A_195 = arith.constant 0 : i32
      %dma_start3A_196 = tpu.memref_slice %arg2[%mul3A_0, %dma_start3A_195] : memref<10240x16xf32, #tpu.memory_space<hbm>> -> memref<640x16xf32, #tpu.memory_space<hbm>>
      %dma_start3A_197 = arith.constant 0 : i32
      %dma_start3A_198 = tpu.memref_slice %arg2[%mul3A_0, %dma_start3A_197] : memref<10240x16xf32, #tpu.memory_space<hbm>> -> memref<640x16xf32, #tpu.memory_space<hbm>>
      tpu.enqueue_dma source(%dma_start3A_198 : memref<640x16xf32, #tpu.memory_space<hbm>>) target(%arg19 : memref<640x16xf32, #tpu.memory_space<vmem>>) target_semaphore(%run_scoped3A_194 : memref<!tpu.dma_semaphore, #tpu.memory_space<semaphore_mem>>)
      %dma_wait3A_199 = arith.constant 0 : i32
      %dma_wait3A_200 = tpu.memref_slice %arg2[%mul3A_0, %dma_wait3A_199] : memref<10240x16xf32, #tpu.memory_space<hbm>> -> memref<640x16xf32, #tpu.memory_space<hbm>>
      %dma_wait3A_201 = arith.constant 0 : i32
      %dma_wait3A_202 = tpu.memref_slice %arg2[%mul3A_0, %dma_wait3A_201] : memref<10240x16xf32, #tpu.memory_space<hbm>> -> memref<640x16xf32, #tpu.memory_space<hbm>>
      tpu.wait_dma2 semaphore(%run_scoped3A_194 : memref<!tpu.dma_semaphore, #tpu.memory_space<semaphore_mem>>) src(%dma_wait3A_202 : memref<640x16xf32, #tpu.memory_space<hbm>>) dst(%arg19 : memref<640x16xf32, #tpu.memory_space<vmem>>)
      tpu.yield
    }) : () -> ()
    %run_scoped3A = arith.constant 0 : i32
    "tpu.region"() ({
      %run_scoped3A_194 = tpu.sem_alloc : memref<!tpu.dma_semaphore, #tpu.memory_space<semaphore_mem>>
      %dma_start3A_195 = tpu.memref_slice %arg3[%run_scoped3A, %mul3A_0] : memref<2x10240xf32, #tpu.memory_space<hbm>> -> memref<1x640xf32, #tpu.memory_space<hbm>>
      %dma_start3A_196 = tpu.memref_squeeze %dma_start3A_195 : memref<1x640xf32, #tpu.memory_space<hbm>> -> memref<640xf32, #tpu.memory_space<hbm>>
      %dma_start3A_197 = tpu.memref_slice %arg3[%run_scoped3A, %mul3A_0] : memref<2x10240xf32, #tpu.memory_space<hbm>> -> memref<1x640xf32, #tpu.memory_space<hbm>>
      %dma_start3A_198 = tpu.memref_squeeze %dma_start3A_197 : memref<1x640xf32, #tpu.memory_space<hbm>> -> memref<640xf32, #tpu.memory_space<hbm>>
      tpu.enqueue_dma source(%dma_start3A_198 : memref<640xf32, #tpu.memory_space<hbm>>) target(%arg26 : memref<640xf32, #tpu.memory_space<vmem>>) target_semaphore(%run_scoped3A_194 : memref<!tpu.dma_semaphore, #tpu.memory_space<semaphore_mem>>)
      %dma_wait3A_199 = tpu.memref_slice %arg3[%run_scoped3A, %mul3A_0] : memref<2x10240xf32, #tpu.memory_space<hbm>> -> memref<1x640xf32, #tpu.memory_space<hbm>>
      %dma_wait3A_200 = tpu.memref_squeeze %dma_wait3A_199 : memref<1x640xf32, #tpu.memory_space<hbm>> -> memref<640xf32, #tpu.memory_space<hbm>>
      %dma_wait3A_201 = tpu.memref_slice %arg3[%run_scoped3A, %mul3A_0] : memref<2x10240xf32, #tpu.memory_space<hbm>> -> memref<1x640xf32, #tpu.memory_space<hbm>>
      %dma_wait3A_202 = tpu.memref_squeeze %dma_wait3A_201 : memref<1x640xf32, #tpu.memory_space<hbm>> -> memref<640xf32, #tpu.memory_space<hbm>>
      tpu.wait_dma2 semaphore(%run_scoped3A_194 : memref<!tpu.dma_semaphore, #tpu.memory_space<semaphore_mem>>) src(%dma_wait3A_202 : memref<640xf32, #tpu.memory_space<hbm>>) dst(%arg26 : memref<640xf32, #tpu.memory_space<vmem>>)
      tpu.yield
    }) : () -> ()
    %run_scoped3A_1 = arith.constant 1 : i32
    "tpu.region"() ({
      %run_scoped3A_194 = tpu.sem_alloc : memref<!tpu.dma_semaphore, #tpu.memory_space<semaphore_mem>>
      %dma_start3A_195 = tpu.memref_slice %arg3[%run_scoped3A_1, %mul3A_0] : memref<2x10240xf32, #tpu.memory_space<hbm>> -> memref<1x640xf32, #tpu.memory_space<hbm>>
      %dma_start3A_196 = tpu.memref_squeeze %dma_start3A_195 : memref<1x640xf32, #tpu.memory_space<hbm>> -> memref<640xf32, #tpu.memory_space<hbm>>
      %dma_start3A_197 = tpu.memref_slice %arg3[%run_scoped3A_1, %mul3A_0] : memref<2x10240xf32, #tpu.memory_space<hbm>> -> memref<1x640xf32, #tpu.memory_space<hbm>>
      %dma_start3A_198 = tpu.memref_squeeze %dma_start3A_197 : memref<1x640xf32, #tpu.memory_space<hbm>> -> memref<640xf32, #tpu.memory_space<hbm>>
      tpu.enqueue_dma source(%dma_start3A_198 : memref<640xf32, #tpu.memory_space<hbm>>) target(%arg27 : memref<640xf32, #tpu.memory_space<vmem>>) target_semaphore(%run_scoped3A_194 : memref<!tpu.dma_semaphore, #tpu.memory_space<semaphore_mem>>)
      %dma_wait3A_199 = tpu.memref_slice %arg3[%run_scoped3A_1, %mul3A_0] : memref<2x10240xf32, #tpu.memory_space<hbm>> -> memref<1x640xf32, #tpu.memory_space<hbm>>
      %dma_wait3A_200 = tpu.memref_squeeze %dma_wait3A_199 : memref<1x640xf32, #tpu.memory_space<hbm>> -> memref<640xf32, #tpu.memory_space<hbm>>
      %dma_wait3A_201 = tpu.memref_slice %arg3[%run_scoped3A_1, %mul3A_0] : memref<2x10240xf32, #tpu.memory_space<hbm>> -> memref<1x640xf32, #tpu.memory_space<hbm>>
      %dma_wait3A_202 = tpu.memref_squeeze %dma_wait3A_201 : memref<1x640xf32, #tpu.memory_space<hbm>> -> memref<640xf32, #tpu.memory_space<hbm>>
      tpu.wait_dma2 semaphore(%run_scoped3A_194 : memref<!tpu.dma_semaphore, #tpu.memory_space<semaphore_mem>>) src(%dma_wait3A_202 : memref<640xf32, #tpu.memory_space<hbm>>) dst(%arg27 : memref<640xf32, #tpu.memory_space<vmem>>)
      tpu.yield
    }) : () -> ()
    %broadcast_in_dim3A = arith.constant 1597463007 : i32
    %broadcast_in_dim3A_2 = vector.broadcast %broadcast_in_dim3A : i32 to vector<16xi32>
    %broadcast_in_dim3A_3 = arith.constant 5.000000e-01 : f32
    %broadcast_in_dim3A_4 = vector.broadcast %broadcast_in_dim3A_3 : f32 to vector<16xf32>
    %broadcast_in_dim3A_5 = arith.constant 1.500000e+00 : f32
    %broadcast_in_dim3A_6 = vector.broadcast %broadcast_in_dim3A_5 : f32 to vector<16xf32>
    %broadcast_in_dim3A_7 = arith.constant 1.000000e+00 : f32
    %broadcast_in_dim3A_8 = vector.broadcast %broadcast_in_dim3A_7 : f32 to vector<16xf32>
    %scan3A = arith.constant 0 : i32
    %scan3A_9 = arith.constant 40 : i32
    %scan3A_10 = arith.addi %scan3A, %scan3A_9 : i32
    %scan3A_11 = arith.constant 1 : i32
    scf.for %scan3A_194 = %scan3A to %scan3A_10 step %scan3A_11  : i32 {
      %mul3A_195 = arith.constant 1 : i32
      %mul3A_196 = arith.muli %scan3A_194, %mul3A_195 : i32
      %add3A_197 = arith.constant 0 : i32
      %add3A_198 = arith.addi %add3A_197, %mul3A_196 : i32
      %mul3A_199 = arith.constant 16 : i32
      %mul3A_200 = arith.muli %mul3A_199, %add3A_198 : i32
      %get3A = arith.index_cast %mul3A_200 : i32 to index
      %get3A_201 = tpu.vector_load %arg26[%get3A] {strides = array<i32>} : memref<640xf32, #tpu.memory_space<vmem>>, vector<16xf32>,
      %get3A_202 = arith.index_cast %mul3A_200 : i32 to index
      %get3A_203 = tpu.vector_load %arg27[%get3A_202] {strides = array<i32>} : memref<640xf32, #tpu.memory_space<vmem>>, vector<16xf32>,
      %add3A_204 = arith.addf %get3A_201, %get3A_203 : vector<16xf32>
      %add3A_205 = arith.addf %add3A_204, %broadcast_in_dim3A_8 : vector<16xf32>
      %bitcast_convert_type3A = tpu.bitcast %add3A_205 : vector<16xf32> -> vector<16xi32>
      %shift_right_logical3A = arith.constant 1 : i32
      %shift_right_logical3A_206 = vector.broadcast %shift_right_logical3A : i32 to vector<16xi32>
      %shift_right_logical3A_207 = arith.shrui %bitcast_convert_type3A, %shift_right_logical3A_206 : vector<16xi32>
      %sub3A = arith.subi %broadcast_in_dim3A_2, %shift_right_logical3A_207 : vector<16xi32>
      %bitcast_convert_type3A_208 = tpu.bitcast %sub3A : vector<16xi32> -> vector<16xf32>
      %mul3A_209 = arith.mulf %broadcast_in_dim3A_4, %add3A_205 : vector<16xf32>
      %mul3A_210 = arith.mulf %mul3A_209, %bitcast_convert_type3A_208 : vector<16xf32>
      %mul3A_211 = arith.mulf %mul3A_210, %bitcast_convert_type3A_208 : vector<16xf32>
      %sub3A_212 = arith.subf %broadcast_in_dim3A_6, %mul3A_211 : vector<16xf32>
      %mul3A_213 = arith.mulf %bitcast_convert_type3A_208, %sub3A_212 : vector<16xf32>
      %mul3A_214 = arith.mulf %mul3A_209, %mul3A_213 : vector<16xf32>
      %mul3A_215 = arith.mulf %mul3A_214, %mul3A_213 : vector<16xf32>
      %sub3A_216 = arith.subf %broadcast_in_dim3A_6, %mul3A_215 : vector<16xf32>
      %mul3A_217 = arith.mulf %mul3A_213, %sub3A_216 : vector<16xf32>
      %mul3A_218 = arith.mulf %mul3A_209, %mul3A_217 : vector<16xf32>
      %mul3A_219 = arith.mulf %mul3A_218, %mul3A_217 : vector<16xf32>
      %sub3A_220 = arith.subf %broadcast_in_dim3A_6, %mul3A_219 : vector<16xf32>
      %mul3A_221 = arith.mulf %mul3A_217, %sub3A_220 : vector<16xf32>
      %swap3A = arith.index_cast %mul3A_200 : i32 to index
      %swap3A_222 = tpu.vector_load %arg28[%swap3A] {strides = array<i32>} : memref<640xf32, #tpu.memory_space<vmem>>, vector<16xf32>,
      tpu.vector_store %arg28[%swap3A], %mul3A_221 {strides = array<i32>} : memref<640xf32, #tpu.memory_space<vmem>>, vector<16xf32>,
    }
    %scan3A_12 = arith.constant 40 : i32
    %scan3A_13 = arith.constant 0 : i32
    %scan3A_14 = arith.constant 640 : i32
    %scan3A_15 = arith.addi %scan3A_13, %scan3A_14 : i32
    %scan3A_16 = arith.constant 1 : i32
    scf.for %scan3A_194 = %scan3A_13 to %scan3A_15 step %scan3A_16  : i32 {
      %mul3A_195 = arith.constant 1 : i32
      %mul3A_196 = arith.muli %scan3A_194, %mul3A_195 : i32
      %add3A_197 = arith.constant 0 : i32
      %add3A_198 = arith.addi %add3A_197, %mul3A_196 : i32
      %broadcast_in_dim3A_199 = vector.broadcast %add3A_198 : i32 to vector<16xi32>
      %gather3A = tpu.vector_load_idx %arg28[%broadcast_in_dim3A_199] : memref<640xf32, #tpu.memory_space<vmem>>[vector<16xi32>], vector<16xf32>,
      %swap3A = arith.index_cast %add3A_198 : i32 to index
      %swap3A_200 = arith.constant 0 : index
      %swap3A_201 = tpu.vector_load %arg29[%swap3A, %swap3A_200] {strides = array<i32>} : memref<640x16xf32, #tpu.memory_space<vmem>>, vector<16xf32>,
      tpu.vector_store %arg29[%swap3A, %swap3A_200], %gather3A {strides = array<i32>} : memref<640x16xf32, #tpu.memory_space<vmem>>, vector<16xf32>,
      %get3A = arith.index_cast %add3A_198 : i32 to index
      %get3A_202 = arith.constant 0 : index
      %get3A_203 = tpu.vector_load %arg19[%get3A, %get3A_202] {strides = array<i32>} : memref<640x16xf32, #tpu.memory_space<vmem>>, vector<16xf32>,
      %mul3A_204 = arith.mulf %get3A_203, %gather3A : vector<16xf32>
      %swap3A_205 = arith.index_cast %add3A_198 : i32 to index
      %swap3A_206 = arith.constant 0 : index
      %swap3A_207 = tpu.vector_load %arg19[%swap3A_205, %swap3A_206] {strides = array<i32>} : memref<640x16xf32, #tpu.memory_space<vmem>>, vector<16xf32>,
      tpu.vector_store %arg19[%swap3A_205, %swap3A_206], %mul3A_204 {strides = array<i32>} : memref<640x16xf32, #tpu.memory_space<vmem>>, vector<16xf32>,
    }
    %scan3A_17 = arith.constant 640 : i32
    %eq3A = arith.constant 0 : i32
    %eq3A_18 = arith.cmpi eq, %arg0, %eq3A : i32
    %convert_element_type3A = arith.extui %eq3A_18 : i1 to i32
    %cond3A = arith.constant 0 : i32
    %cond3A_19 = arith.cmpi ne, %convert_element_type3A, %cond3A : i32
    scf.if %cond3A_19 {
      "tpu.region"() ({
        %run_scoped3A_194 = tpu.sem_alloc : memref<!tpu.dma_semaphore, #tpu.memory_space<semaphore_mem>>
        %dma_start3A_195 = arith.constant 0 : i32
        %dma_start3A_196 = tpu.memref_slice %arg8[%mul3A_0, %dma_start3A_195] : memref<10240x16xf32, #tpu.memory_space<hbm>> -> memref<640x16xf32, #tpu.memory_space<hbm>>
        %dma_start3A_197 = arith.constant 0 : i32
        %dma_start3A_198 = tpu.memref_slice %arg8[%mul3A_0, %dma_start3A_197] : memref<10240x16xf32, #tpu.memory_space<hbm>> -> memref<640x16xf32, #tpu.memory_space<hbm>>
        tpu.enqueue_dma source(%arg29 : memref<640x16xf32, #tpu.memory_space<vmem>>) target(%dma_start3A_198 : memref<640x16xf32, #tpu.memory_space<hbm>>) target_semaphore(%run_scoped3A_194 : memref<!tpu.dma_semaphore, #tpu.memory_space<semaphore_mem>>)
        %dma_wait3A_199 = arith.constant 0 : i32
        %dma_wait3A_200 = tpu.memref_slice %arg8[%mul3A_0, %dma_wait3A_199] : memref<10240x16xf32, #tpu.memory_space<hbm>> -> memref<640x16xf32, #tpu.memory_space<hbm>>
        %dma_wait3A_201 = arith.constant 0 : i32
        %dma_wait3A_202 = tpu.memref_slice %arg8[%mul3A_0, %dma_wait3A_201] : memref<10240x16xf32, #tpu.memory_space<hbm>> -> memref<640x16xf32, #tpu.memory_space<hbm>>
        tpu.wait_dma2 semaphore(%run_scoped3A_194 : memref<!tpu.dma_semaphore, #tpu.memory_space<semaphore_mem>>) src(%arg29 : memref<640x16xf32, #tpu.memory_space<vmem>>) dst(%dma_wait3A_202 : memref<640x16xf32, #tpu.memory_space<hbm>>)
        tpu.yield
      }) : () -> ()
    } else {
    }
    "tpu.region"() ({
      %run_scoped3A_194 = tpu.sem_alloc : memref<!tpu.dma_semaphore, #tpu.memory_space<semaphore_mem>>
      %dma_start3A_195 = arith.constant 0 : i32
      %dma_start3A_196 = tpu.memref_slice %arg9[%mul3A_0, %dma_start3A_195] : memref<10240x16xf32, #tpu.memory_space<vmem_shared>> -> memref<640x16xf32, #tpu.memory_space<vmem_shared>>
      %dma_start3A_197 = arith.constant 0 : i32
      %dma_start3A_198 = tpu.memref_slice %arg9[%mul3A_0, %dma_start3A_197] : memref<10240x16xf32, #tpu.memory_space<vmem_shared>> -> memref<640x16xf32, #tpu.memory_space<vmem_shared>>
      tpu.enqueue_dma source(%arg19 : memref<640x16xf32, #tpu.memory_space<vmem>>) target(%dma_start3A_198 : memref<640x16xf32, #tpu.memory_space<vmem_shared>>) target_semaphore(%run_scoped3A_194 : memref<!tpu.dma_semaphore, #tpu.memory_space<semaphore_mem>>)
      %dma_wait3A_199 = arith.constant 0 : i32
      %dma_wait3A_200 = tpu.memref_slice %arg9[%mul3A_0, %dma_wait3A_199] : memref<10240x16xf32, #tpu.memory_space<vmem_shared>> -> memref<640x16xf32, #tpu.memory_space<vmem_shared>>
      %dma_wait3A_201 = arith.constant 0 : i32
      %dma_wait3A_202 = tpu.memref_slice %arg9[%mul3A_0, %dma_wait3A_201] : memref<10240x16xf32, #tpu.memory_space<vmem_shared>> -> memref<640x16xf32, #tpu.memory_space<vmem_shared>>
      tpu.wait_dma2 semaphore(%run_scoped3A_194 : memref<!tpu.dma_semaphore, #tpu.memory_space<semaphore_mem>>) src(%arg19 : memref<640x16xf32, #tpu.memory_space<vmem>>) dst(%dma_wait3A_202 : memref<640x16xf32, #tpu.memory_space<vmem_shared>>)
      tpu.yield
    }) : () -> ()
    %eq3A_20 = arith.constant 0 : i32
    %eq3A_21 = arith.cmpi eq, %arg0, %eq3A_20 : i32
    %convert_element_type3A_22 = arith.extui %eq3A_21 : i1 to i32
    %cond3A_23 = arith.constant 0 : i32
    %cond3A_24 = arith.cmpi ne, %convert_element_type3A_22, %cond3A_23 : i32
    scf.if %cond3A_24 {
      "tpu.region"() ({
        %run_scoped3A_194 = tpu.sem_alloc : memref<!tpu.dma_semaphore, #tpu.memory_space<semaphore_mem>>
        %dma_start3A_195 = arith.constant 0 : i32
        %dma_start3A_196 = tpu.memref_slice %arg10[%mul3A_0, %dma_start3A_195] : memref<10240x16xf32, #tpu.memory_space<vmem_shared>> -> memref<640x16xf32, #tpu.memory_space<vmem_shared>>
        %dma_start3A_197 = arith.constant 0 : i32
        %dma_start3A_198 = tpu.memref_slice %arg10[%mul3A_0, %dma_start3A_197] : memref<10240x16xf32, #tpu.memory_space<vmem_shared>> -> memref<640x16xf32, #tpu.memory_space<vmem_shared>>
        tpu.enqueue_dma source(%arg19 : memref<640x16xf32, #tpu.memory_space<vmem>>) target(%dma_start3A_198 : memref<640x16xf32, #tpu.memory_space<vmem_shared>>) target_semaphore(%run_scoped3A_194 : memref<!tpu.dma_semaphore, #tpu.memory_space<semaphore_mem>>)
        %dma_wait3A_199 = arith.constant 0 : i32
        %dma_wait3A_200 = tpu.memref_slice %arg10[%mul3A_0, %dma_wait3A_199] : memref<10240x16xf32, #tpu.memory_space<vmem_shared>> -> memref<640x16xf32, #tpu.memory_space<vmem_shared>>
        %dma_wait3A_201 = arith.constant 0 : i32
        %dma_wait3A_202 = tpu.memref_slice %arg10[%mul3A_0, %dma_wait3A_201] : memref<10240x16xf32, #tpu.memory_space<vmem_shared>> -> memref<640x16xf32, #tpu.memory_space<vmem_shared>>
        tpu.wait_dma2 semaphore(%run_scoped3A_194 : memref<!tpu.dma_semaphore, #tpu.memory_space<semaphore_mem>>) src(%arg19 : memref<640x16xf32, #tpu.memory_space<vmem>>) dst(%dma_wait3A_202 : memref<640x16xf32, #tpu.memory_space<vmem_shared>>)
        tpu.yield
      }) : () -> ()
    } else {
    }
    %eq3A_25 = arith.constant 1 : i32
    %eq3A_26 = arith.cmpi eq, %arg0, %eq3A_25 : i32
    %convert_element_type3A_27 = arith.extui %eq3A_26 : i1 to i32
    %cond3A_28 = arith.constant 0 : i32
    %cond3A_29 = arith.cmpi ne, %convert_element_type3A_27, %cond3A_28 : i32
    scf.if %cond3A_29 {
      %broadcast_in_dim3A_194 = arith.constant 0.000000e+00 : f32
      %broadcast_in_dim3A_195 = vector.broadcast %broadcast_in_dim3A_194 : f32 to vector<16xf32>
      %scan3A_196 = arith.constant 0 : i32
      %scan3A_197 = arith.constant 640 : i32
      %scan3A_198 = arith.addi %scan3A_196, %scan3A_197 : i32
      %scan3A_199 = arith.constant 1 : i32
      scf.for %scan3A_201 = %scan3A_196 to %scan3A_198 step %scan3A_199  : i32 {
        %mul3A_202 = arith.constant 1 : i32
        %mul3A_203 = arith.muli %scan3A_201, %mul3A_202 : i32
        %add3A_204 = arith.constant 0 : i32
        %add3A_205 = arith.addi %add3A_204, %mul3A_203 : i32
        %swap3A = arith.index_cast %add3A_205 : i32 to index
        %swap3A_206 = arith.constant 0 : index
        %swap3A_207 = tpu.vector_load %arg19[%swap3A, %swap3A_206] {strides = array<i32>} : memref<640x16xf32, #tpu.memory_space<vmem>>, vector<16xf32>,
        tpu.vector_store %arg19[%swap3A, %swap3A_206], %broadcast_in_dim3A_195 {strides = array<i32>} : memref<640x16xf32, #tpu.memory_space<vmem>>, vector<16xf32>,
      }
      %scan3A_200 = arith.constant 640 : i32
      "tpu.region"() ({
        %run_scoped3A_201 = tpu.sem_alloc : memref<!tpu.dma_semaphore, #tpu.memory_space<semaphore_mem>>
        %dma_start3A_202 = arith.constant 0 : i32
        %dma_start3A_203 = tpu.memref_slice %arg10[%mul3A_0, %dma_start3A_202] : memref<10240x16xf32, #tpu.memory_space<vmem_shared>> -> memref<640x16xf32, #tpu.memory_space<vmem_shared>>
        %dma_start3A_204 = arith.constant 0 : i32
        %dma_start3A_205 = tpu.memref_slice %arg10[%mul3A_0, %dma_start3A_204] : memref<10240x16xf32, #tpu.memory_space<vmem_shared>> -> memref<640x16xf32, #tpu.memory_space<vmem_shared>>
        tpu.enqueue_dma source(%arg19 : memref<640x16xf32, #tpu.memory_space<vmem>>) target(%dma_start3A_205 : memref<640x16xf32, #tpu.memory_space<vmem_shared>>) target_semaphore(%run_scoped3A_201 : memref<!tpu.dma_semaphore, #tpu.memory_space<semaphore_mem>>)
        %dma_wait3A_206 = arith.constant 0 : i32
        %dma_wait3A_207 = tpu.memref_slice %arg10[%mul3A_0, %dma_wait3A_206] : memref<10240x16xf32, #tpu.memory_space<vmem_shared>> -> memref<640x16xf32, #tpu.memory_space<vmem_shared>>
        %dma_wait3A_208 = arith.constant 0 : i32
        %dma_wait3A_209 = tpu.memref_slice %arg10[%mul3A_0, %dma_wait3A_208] : memref<10240x16xf32, #tpu.memory_space<vmem_shared>> -> memref<640x16xf32, #tpu.memory_space<vmem_shared>>
        tpu.wait_dma2 semaphore(%run_scoped3A_201 : memref<!tpu.dma_semaphore, #tpu.memory_space<semaphore_mem>>) src(%arg19 : memref<640x16xf32, #tpu.memory_space<vmem>>) dst(%dma_wait3A_209 : memref<640x16xf32, #tpu.memory_space<vmem_shared>>)
        tpu.yield
      }) : () -> ()
    } else {
    }
    %barrier3A = arith.constant 0 : index
    tpu.barrier barrier_id(%barrier3A)
    %mul3A_30 = arith.constant 16 : i32
    %mul3A_31 = arith.muli %arg0, %mul3A_30 : i32
    %add3A = arith.addi %mul3A_31, %arg1 : i32
    "tpu.region"() ({
      %run_scoped3A_194 = tpu.sem_alloc : memref<!tpu.dma_semaphore, #tpu.memory_space<semaphore_mem>>
      %dma_start3A_195 = arith.constant 0 : i32
      %dma_start3A_196 = arith.constant 0 : i32
      %dma_start3A_197 = tpu.memref_slice %arg4[%add3A, %dma_start3A_195, %dma_start3A_196] : memref<32x88x128xi32, #tpu.memory_space<hbm>> -> memref<1x82x128xi32, #tpu.memory_space<hbm>>
      %dma_start3A_198 = tpu.memref_squeeze %dma_start3A_197 : memref<1x82x128xi32, #tpu.memory_space<hbm>> -> memref<82x128xi32, #tpu.memory_space<hbm>>
      %dma_start3A_199 = arith.constant 0 : i32
      %dma_start3A_200 = arith.constant 0 : i32
      %dma_start3A_201 = tpu.memref_slice %arg4[%add3A, %dma_start3A_199, %dma_start3A_200] : memref<32x88x128xi32, #tpu.memory_space<hbm>> -> memref<1x82x128xi32, #tpu.memory_space<hbm>>
      %dma_start3A_202 = tpu.memref_squeeze %dma_start3A_201 : memref<1x82x128xi32, #tpu.memory_space<hbm>> -> memref<82x128xi32, #tpu.memory_space<hbm>>
      tpu.enqueue_dma source(%dma_start3A_202 : memref<82x128xi32, #tpu.memory_space<hbm>>) target(%arg11 : memref<82x128xi32, #tpu.memory_space<vmem>>) target_semaphore(%run_scoped3A_194 : memref<!tpu.dma_semaphore, #tpu.memory_space<semaphore_mem>>)
      %dma_wait3A_203 = arith.constant 0 : i32
      %dma_wait3A_204 = arith.constant 0 : i32
      %dma_wait3A_205 = tpu.memref_slice %arg4[%add3A, %dma_wait3A_203, %dma_wait3A_204] : memref<32x88x128xi32, #tpu.memory_space<hbm>> -> memref<1x82x128xi32, #tpu.memory_space<hbm>>
      %dma_wait3A_206 = tpu.memref_squeeze %dma_wait3A_205 : memref<1x82x128xi32, #tpu.memory_space<hbm>> -> memref<82x128xi32, #tpu.memory_space<hbm>>
      %dma_wait3A_207 = arith.constant 0 : i32
      %dma_wait3A_208 = arith.constant 0 : i32
      %dma_wait3A_209 = tpu.memref_slice %arg4[%add3A, %dma_wait3A_207, %dma_wait3A_208] : memref<32x88x128xi32, #tpu.memory_space<hbm>> -> memref<1x82x128xi32, #tpu.memory_space<hbm>>
      %dma_wait3A_210 = tpu.memref_squeeze %dma_wait3A_209 : memref<1x82x128xi32, #tpu.memory_space<hbm>> -> memref<82x128xi32, #tpu.memory_space<hbm>>
      tpu.wait_dma2 semaphore(%run_scoped3A_194 : memref<!tpu.dma_semaphore, #tpu.memory_space<semaphore_mem>>) src(%dma_wait3A_210 : memref<82x128xi32, #tpu.memory_space<hbm>>) dst(%arg11 : memref<82x128xi32, #tpu.memory_space<vmem>>)
      tpu.yield
    }) : () -> ()
    "tpu.region"() ({
      %run_scoped3A_194 = tpu.sem_alloc : memref<!tpu.dma_semaphore, #tpu.memory_space<semaphore_mem>>
      %dma_start3A_195 = arith.constant 0 : i32
      %dma_start3A_196 = arith.constant 0 : i32
      %dma_start3A_197 = tpu.memref_slice %arg5[%add3A, %dma_start3A_195, %dma_start3A_196] : memref<32x88x128xi32, #tpu.memory_space<hbm>> -> memref<1x80x128xi32, #tpu.memory_space<hbm>>
      %dma_start3A_198 = tpu.memref_squeeze %dma_start3A_197 : memref<1x80x128xi32, #tpu.memory_space<hbm>> -> memref<80x128xi32, #tpu.memory_space<hbm>>
      %dma_start3A_199 = arith.constant 0 : i32
      %dma_start3A_200 = arith.constant 0 : i32
      %dma_start3A_201 = tpu.memref_slice %arg5[%add3A, %dma_start3A_199, %dma_start3A_200] : memref<32x88x128xi32, #tpu.memory_space<hbm>> -> memref<1x80x128xi32, #tpu.memory_space<hbm>>
      %dma_start3A_202 = tpu.memref_squeeze %dma_start3A_201 : memref<1x80x128xi32, #tpu.memory_space<hbm>> -> memref<80x128xi32, #tpu.memory_space<hbm>>
      tpu.enqueue_dma source(%dma_start3A_202 : memref<80x128xi32, #tpu.memory_space<hbm>>) target(%arg12 : memref<80x128xi32, #tpu.memory_space<vmem>>) target_semaphore(%run_scoped3A_194 : memref<!tpu.dma_semaphore, #tpu.memory_space<semaphore_mem>>)
      %dma_wait3A_203 = arith.constant 0 : i32
      %dma_wait3A_204 = arith.constant 0 : i32
      %dma_wait3A_205 = tpu.memref_slice %arg5[%add3A, %dma_wait3A_203, %dma_wait3A_204] : memref<32x88x128xi32, #tpu.memory_space<hbm>> -> memref<1x80x128xi32, #tpu.memory_space<hbm>>
      %dma_wait3A_206 = tpu.memref_squeeze %dma_wait3A_205 : memref<1x80x128xi32, #tpu.memory_space<hbm>> -> memref<80x128xi32, #tpu.memory_space<hbm>>
      %dma_wait3A_207 = arith.constant 0 : i32
      %dma_wait3A_208 = arith.constant 0 : i32
      %dma_wait3A_209 = tpu.memref_slice %arg5[%add3A, %dma_wait3A_207, %dma_wait3A_208] : memref<32x88x128xi32, #tpu.memory_space<hbm>> -> memref<1x80x128xi32, #tpu.memory_space<hbm>>
      %dma_wait3A_210 = tpu.memref_squeeze %dma_wait3A_209 : memref<1x80x128xi32, #tpu.memory_space<hbm>> -> memref<80x128xi32, #tpu.memory_space<hbm>>
      tpu.wait_dma2 semaphore(%run_scoped3A_194 : memref<!tpu.dma_semaphore, #tpu.memory_space<semaphore_mem>>) src(%dma_wait3A_210 : memref<80x128xi32, #tpu.memory_space<hbm>>) dst(%arg12 : memref<80x128xi32, #tpu.memory_space<vmem>>)
      tpu.yield
    }) : () -> ()
    %dma_start3A = arith.constant 0 : i32
    %dma_start3A_32 = arith.constant 0 : i32
    %dma_start3A_33 = tpu.memref_slice %arg11[%dma_start3A, %dma_start3A_32] : memref<82x128xi32, #tpu.memory_space<vmem>> -> memref<1x128xi32, #tpu.memory_space<vmem>>
    %dma_start3A_34 = tpu.memref_squeeze %dma_start3A_33 : memref<1x128xi32, #tpu.memory_space<vmem>> -> memref<128xi32, #tpu.memory_space<vmem>>
    %dma_start3A_35 = arith.constant 0 : i32
    %dma_start3A_36 = arith.constant 0 : i32
    %dma_start3A_37 = tpu.memref_slice %arg9[%dma_start3A_35, %dma_start3A_36] : memref<10240x16xf32, #tpu.memory_space<vmem_shared>> -> memref<10240x16xf32, #tpu.memory_space<vmem_shared>>
    tpu.enqueue_indirect_dma source(%dma_start3A_37 : memref<10240x16xf32, #tpu.memory_space<vmem_shared>>) target(%arg13 : memref<128x16xf32, #tpu.memory_space<vmem>>) offsets(%dma_start3A_34 : memref<128xi32, #tpu.memory_space<vmem>>) semaphore(%arg20 : memref<!tpu.dma_semaphore, #tpu.memory_space<semaphore_mem>>)
    %dma_start3A_38 = arith.constant 0 : i32
    %dma_start3A_39 = arith.constant 0 : i32
    %dma_start3A_40 = tpu.memref_slice %arg6[%add3A, %dma_start3A_38, %dma_start3A_39] : memref<32x1408x128xf32, #tpu.memory_space<hbm>> -> memref<1x16x128xf32, #tpu.memory_space<hbm>>
    %dma_start3A_41 = tpu.memref_squeeze %dma_start3A_40 : memref<1x16x128xf32, #tpu.memory_space<hbm>> -> memref<16x128xf32, #tpu.memory_space<hbm>>
    %dma_start3A_42 = arith.constant 0 : i32
    %dma_start3A_43 = arith.constant 0 : i32
    %dma_start3A_44 = tpu.memref_slice %arg6[%add3A, %dma_start3A_42, %dma_start3A_43] : memref<32x1408x128xf32, #tpu.memory_space<hbm>> -> memref<1x16x128xf32, #tpu.memory_space<hbm>>
    %dma_start3A_45 = tpu.memref_squeeze %dma_start3A_44 : memref<1x16x128xf32, #tpu.memory_space<hbm>> -> memref<16x128xf32, #tpu.memory_space<hbm>>
    tpu.enqueue_dma source(%dma_start3A_45 : memref<16x128xf32, #tpu.memory_space<hbm>>) target(%arg15 : memref<16x128xf32, #tpu.memory_space<vmem>>) target_semaphore(%arg22 : memref<!tpu.dma_semaphore, #tpu.memory_space<semaphore_mem>>)
    %dma_start3A_46 = arith.constant 1 : i32
    %dma_start3A_47 = arith.constant 0 : i32
    %dma_start3A_48 = tpu.memref_slice %arg11[%dma_start3A_46, %dma_start3A_47] : memref<82x128xi32, #tpu.memory_space<vmem>> -> memref<1x128xi32, #tpu.memory_space<vmem>>
    %dma_start3A_49 = tpu.memref_squeeze %dma_start3A_48 : memref<1x128xi32, #tpu.memory_space<vmem>> -> memref<128xi32, #tpu.memory_space<vmem>>
    %dma_start3A_50 = arith.constant 0 : i32
    %dma_start3A_51 = arith.constant 0 : i32
    %dma_start3A_52 = tpu.memref_slice %arg9[%dma_start3A_50, %dma_start3A_51] : memref<10240x16xf32, #tpu.memory_space<vmem_shared>> -> memref<10240x16xf32, #tpu.memory_space<vmem_shared>>
    tpu.enqueue_indirect_dma source(%dma_start3A_52 : memref<10240x16xf32, #tpu.memory_space<vmem_shared>>) target(%arg14 : memref<128x16xf32, #tpu.memory_space<vmem>>) offsets(%dma_start3A_49 : memref<128xi32, #tpu.memory_space<vmem>>) semaphore(%arg21 : memref<!tpu.dma_semaphore, #tpu.memory_space<semaphore_mem>>)
    %dma_start3A_53 = arith.constant 16 : i32
    %dma_start3A_54 = arith.constant 0 : i32
    %dma_start3A_55 = tpu.memref_slice %arg6[%add3A, %dma_start3A_53, %dma_start3A_54] : memref<32x1408x128xf32, #tpu.memory_space<hbm>> -> memref<1x16x128xf32, #tpu.memory_space<hbm>>
    %dma_start3A_56 = tpu.memref_squeeze %dma_start3A_55 : memref<1x16x128xf32, #tpu.memory_space<hbm>> -> memref<16x128xf32, #tpu.memory_space<hbm>>
    %dma_start3A_57 = arith.constant 16 : i32
    %dma_start3A_58 = arith.constant 0 : i32
    %dma_start3A_59 = tpu.memref_slice %arg6[%add3A, %dma_start3A_57, %dma_start3A_58] : memref<32x1408x128xf32, #tpu.memory_space<hbm>> -> memref<1x16x128xf32, #tpu.memory_space<hbm>>
    %dma_start3A_60 = tpu.memref_squeeze %dma_start3A_59 : memref<1x16x128xf32, #tpu.memory_space<hbm>> -> memref<16x128xf32, #tpu.memory_space<hbm>>
    tpu.enqueue_dma source(%dma_start3A_60 : memref<16x128xf32, #tpu.memory_space<hbm>>) target(%arg16 : memref<16x128xf32, #tpu.memory_space<vmem>>) target_semaphore(%arg23 : memref<!tpu.dma_semaphore, #tpu.memory_space<semaphore_mem>>)
    %dma_wait3A = arith.constant 0 : i32
    %dma_wait3A_61 = arith.constant 0 : i32
    %dma_wait3A_62 = tpu.memref_slice %arg11[%dma_wait3A, %dma_wait3A_61] : memref<82x128xi32, #tpu.memory_space<vmem>> -> memref<1x128xi32, #tpu.memory_space<vmem>>
    %dma_wait3A_63 = tpu.memref_squeeze %dma_wait3A_62 : memref<1x128xi32, #tpu.memory_space<vmem>> -> memref<128xi32, #tpu.memory_space<vmem>>
    %dma_wait3A_64 = arith.constant 0 : i32
    %dma_wait3A_65 = arith.constant 0 : i32
    %dma_wait3A_66 = tpu.memref_slice %arg9[%dma_wait3A_64, %dma_wait3A_65] : memref<10240x16xf32, #tpu.memory_space<vmem_shared>> -> memref<10240x16xf32, #tpu.memory_space<vmem_shared>>
    tpu.wait_indirect_dma semaphore(%arg20 : memref<!tpu.dma_semaphore, #tpu.memory_space<semaphore_mem>>) src(%dma_wait3A_66 : memref<10240x16xf32, #tpu.memory_space<vmem_shared>>) dst(%arg13 : memref<128x16xf32, #tpu.memory_space<vmem>>)
    %dma_wait3A_67 = arith.constant 0 : i32
    %dma_wait3A_68 = arith.constant 0 : i32
    %dma_wait3A_69 = tpu.memref_slice %arg6[%add3A, %dma_wait3A_67, %dma_wait3A_68] : memref<32x1408x128xf32, #tpu.memory_space<hbm>> -> memref<1x16x128xf32, #tpu.memory_space<hbm>>
    %dma_wait3A_70 = tpu.memref_squeeze %dma_wait3A_69 : memref<1x16x128xf32, #tpu.memory_space<hbm>> -> memref<16x128xf32, #tpu.memory_space<hbm>>
    %dma_wait3A_71 = arith.constant 0 : i32
    %dma_wait3A_72 = arith.constant 0 : i32
    %dma_wait3A_73 = tpu.memref_slice %arg6[%add3A, %dma_wait3A_71, %dma_wait3A_72] : memref<32x1408x128xf32, #tpu.memory_space<hbm>> -> memref<1x16x128xf32, #tpu.memory_space<hbm>>
    %dma_wait3A_74 = tpu.memref_squeeze %dma_wait3A_73 : memref<1x16x128xf32, #tpu.memory_space<hbm>> -> memref<16x128xf32, #tpu.memory_space<hbm>>
    tpu.wait_dma2 semaphore(%arg22 : memref<!tpu.dma_semaphore, #tpu.memory_space<semaphore_mem>>) src(%dma_wait3A_74 : memref<16x128xf32, #tpu.memory_space<hbm>>) dst(%arg15 : memref<16x128xf32, #tpu.memory_space<vmem>>)
    %scan3A_75 = arith.constant 0 : i32
    %scan3A_76 = arith.constant 16 : i32
    %scan3A_77 = arith.addi %scan3A_75, %scan3A_76 : i32
    %scan3A_78 = arith.constant 1 : i32
    scf.for %scan3A_194 = %scan3A_75 to %scan3A_77 step %scan3A_78  : i32 {
      %mul3A_195 = arith.constant 1 : i32
      %mul3A_196 = arith.muli %scan3A_194, %mul3A_195 : i32
      %add3A_197 = arith.constant 0 : i32
      %add3A_198 = arith.addi %add3A_197, %mul3A_196 : i32
      %mul3A_199 = arith.constant 8 : i32
      %mul3A_200 = arith.muli %mul3A_199, %add3A_198 : i32
      %add3A_201 = arith.constant 0 : i32
      %add3A_202 = arith.addi %mul3A_200, %add3A_201 : i32
      %get3A = arith.index_cast %add3A_202 : i32 to index
      %get3A_203 = arith.constant 0 : index
      %get3A_204 = tpu.vector_load %arg13[%get3A, %get3A_203] {strides = array<i32>} : memref<128x16xf32, #tpu.memory_space<vmem>>, vector<16xf32>,
      %get3A_205 = arith.index_cast %add3A_198 : i32 to index
      %get3A_206 = arith.constant 0 : index
      %get3A_207 = tpu.vector_load %arg15[%get3A_205, %get3A_206] {strides = array<i32>} : memref<16x128xf32, #tpu.memory_space<vmem>>, vector<16xf32>,
      %mul3A_208 = arith.mulf %get3A_204, %get3A_207 : vector<16xf32>
      %swap3A = arith.index_cast %add3A_202 : i32 to index
      %swap3A_209 = arith.constant 0 : index
      %swap3A_210 = tpu.vector_load %arg17[%swap3A, %swap3A_209] {strides = array<i32>} : memref<128x16xf32, #tpu.memory_space<vmem>>, vector<16xf32>,
      tpu.vector_store %arg17[%swap3A, %swap3A_209], %mul3A_208 {strides = array<i32>} : memref<128x16xf32, #tpu.memory_space<vmem>>, vector<16xf32>,
      %mul3A_211 = arith.constant 8 : i32
      %mul3A_212 = arith.muli %mul3A_211, %add3A_198 : i32
      %add3A_213 = arith.constant 1 : i32
      %add3A_214 = arith.addi %mul3A_212, %add3A_213 : i32
      %get3A_215 = arith.index_cast %add3A_214 : i32 to index
      %get3A_216 = arith.constant 0 : index
      %get3A_217 = tpu.vector_load %arg13[%get3A_215, %get3A_216] {strides = array<i32>} : memref<128x16xf32, #tpu.memory_space<vmem>>, vector<16xf32>,
      %get3A_218 = arith.index_cast %add3A_198 : i32 to index
      %get3A_219 = arith.constant 16 : index
      %get3A_220 = tpu.vector_load %arg15[%get3A_218, %get3A_219] {strides = array<i32>} : memref<16x128xf32, #tpu.memory_space<vmem>>, vector<16xf32>,
      %mul3A_221 = arith.mulf %get3A_217, %get3A_220 : vector<16xf32>
      %swap3A_222 = arith.index_cast %add3A_214 : i32 to index
      %swap3A_223 = arith.constant 0 : index
      %swap3A_224 = tpu.vector_load %arg17[%swap3A_222, %swap3A_223] {strides = array<i32>} : memref<128x16xf32, #tpu.memory_space<vmem>>, vector<16xf32>,
      tpu.vector_store %arg17[%swap3A_222, %swap3A_223], %mul3A_221 {strides = array<i32>} : memref<128x16xf32, #tpu.memory_space<vmem>>, vector<16xf32>,
      %mul3A_225 = arith.constant 8 : i32
      %mul3A_226 = arith.muli %mul3A_225, %add3A_198 : i32
      %add3A_227 = arith.constant 2 : i32
      %add3A_228 = arith.addi %mul3A_226, %add3A_227 : i32
      %get3A_229 = arith.index_cast %add3A_228 : i32 to index
      %get3A_230 = arith.constant 0 : index
      %get3A_231 = tpu.vector_load %arg13[%get3A_229, %get3A_230] {strides = array<i32>} : memref<128x16xf32, #tpu.memory_space<vmem>>, vector<16xf32>,
      %get3A_232 = arith.index_cast %add3A_198 : i32 to index
      %get3A_233 = arith.constant 32 : index
      %get3A_234 = tpu.vector_load %arg15[%get3A_232, %get3A_233] {strides = array<i32>} : memref<16x128xf32, #tpu.memory_space<vmem>>, vector<16xf32>,
      %mul3A_235 = arith.mulf %get3A_231, %get3A_234 : vector<16xf32>
      %swap3A_236 = arith.index_cast %add3A_228 : i32 to index
      %swap3A_237 = arith.constant 0 : index
      %swap3A_238 = tpu.vector_load %arg17[%swap3A_236, %swap3A_237] {strides = array<i32>} : memref<128x16xf32, #tpu.memory_space<vmem>>, vector<16xf32>,
      tpu.vector_store %arg17[%swap3A_236, %swap3A_237], %mul3A_235 {strides = array<i32>} : memref<128x16xf32, #tpu.memory_space<vmem>>, vector<16xf32>,
      %mul3A_239 = arith.constant 8 : i32
      %mul3A_240 = arith.muli %mul3A_239, %add3A_198 : i32
      %add3A_241 = arith.constant 3 : i32
      %add3A_242 = arith.addi %mul3A_240, %add3A_241 : i32
      %get3A_243 = arith.index_cast %add3A_242 : i32 to index
      %get3A_244 = arith.constant 0 : index
      %get3A_245 = tpu.vector_load %arg13[%get3A_243, %get3A_244] {strides = array<i32>} : memref<128x16xf32, #tpu.memory_space<vmem>>, vector<16xf32>,
      %get3A_246 = arith.index_cast %add3A_198 : i32 to index
      %get3A_247 = arith.constant 48 : index
      %get3A_248 = tpu.vector_load %arg15[%get3A_246, %get3A_247] {strides = array<i32>} : memref<16x128xf32, #tpu.memory_space<vmem>>, vector<16xf32>,
      %mul3A_249 = arith.mulf %get3A_245, %get3A_248 : vector<16xf32>
      %swap3A_250 = arith.index_cast %add3A_242 : i32 to index
      %swap3A_251 = arith.constant 0 : index
      %swap3A_252 = tpu.vector_load %arg17[%swap3A_250, %swap3A_251] {strides = array<i32>} : memref<128x16xf32, #tpu.memory_space<vmem>>, vector<16xf32>,
      tpu.vector_store %arg17[%swap3A_250, %swap3A_251], %mul3A_249 {strides = array<i32>} : memref<128x16xf32, #tpu.memory_space<vmem>>, vector<16xf32>,
      %mul3A_253 = arith.constant 8 : i32
      %mul3A_254 = arith.muli %mul3A_253, %add3A_198 : i32
      %add3A_255 = arith.constant 4 : i32
      %add3A_256 = arith.addi %mul3A_254, %add3A_255 : i32
      %get3A_257 = arith.index_cast %add3A_256 : i32 to index
      %get3A_258 = arith.constant 0 : index
      %get3A_259 = tpu.vector_load %arg13[%get3A_257, %get3A_258] {strides = array<i32>} : memref<128x16xf32, #tpu.memory_space<vmem>>, vector<16xf32>,
      %get3A_260 = arith.index_cast %add3A_198 : i32 to index
      %get3A_261 = arith.constant 64 : index
      %get3A_262 = tpu.vector_load %arg15[%get3A_260, %get3A_261] {strides = array<i32>} : memref<16x128xf32, #tpu.memory_space<vmem>>, vector<16xf32>,
      %mul3A_263 = arith.mulf %get3A_259, %get3A_262 : vector<16xf32>
      %swap3A_264 = arith.index_cast %add3A_256 : i32 to index
      %swap3A_265 = arith.constant 0 : index
      %swap3A_266 = tpu.vector_load %arg17[%swap3A_264, %swap3A_265] {strides = array<i32>} : memref<128x16xf32, #tpu.memory_space<vmem>>, vector<16xf32>,
      tpu.vector_store %arg17[%swap3A_264, %swap3A_265], %mul3A_263 {strides = array<i32>} : memref<128x16xf32, #tpu.memory_space<vmem>>, vector<16xf32>,
      %mul3A_267 = arith.constant 8 : i32
      %mul3A_268 = arith.muli %mul3A_267, %add3A_198 : i32
      %add3A_269 = arith.constant 5 : i32
      %add3A_270 = arith.addi %mul3A_268, %add3A_269 : i32
      %get3A_271 = arith.index_cast %add3A_270 : i32 to index
      %get3A_272 = arith.constant 0 : index
      %get3A_273 = tpu.vector_load %arg13[%get3A_271, %get3A_272] {strides = array<i32>} : memref<128x16xf32, #tpu.memory_space<vmem>>, vector<16xf32>,
      %get3A_274 = arith.index_cast %add3A_198 : i32 to index
      %get3A_275 = arith.constant 80 : index
      %get3A_276 = tpu.vector_load %arg15[%get3A_274, %get3A_275] {strides = array<i32>} : memref<16x128xf32, #tpu.memory_space<vmem>>, vector<16xf32>,
      %mul3A_277 = arith.mulf %get3A_273, %get3A_276 : vector<16xf32>
      %swap3A_278 = arith.index_cast %add3A_270 : i32 to index
      %swap3A_279 = arith.constant 0 : index
      %swap3A_280 = tpu.vector_load %arg17[%swap3A_278, %swap3A_279] {strides = array<i32>} : memref<128x16xf32, #tpu.memory_space<vmem>>, vector<16xf32>,
      tpu.vector_store %arg17[%swap3A_278, %swap3A_279], %mul3A_277 {strides = array<i32>} : memref<128x16xf32, #tpu.memory_space<vmem>>, vector<16xf32>,
      %mul3A_281 = arith.constant 8 : i32
      %mul3A_282 = arith.muli %mul3A_281, %add3A_198 : i32
      %add3A_283 = arith.constant 6 : i32
      %add3A_284 = arith.addi %mul3A_282, %add3A_283 : i32
      %get3A_285 = arith.index_cast %add3A_284 : i32 to index
      %get3A_286 = arith.constant 0 : index
      %get3A_287 = tpu.vector_load %arg13[%get3A_285, %get3A_286] {strides = array<i32>} : memref<128x16xf32, #tpu.memory_space<vmem>>, vector<16xf32>,
      %get3A_288 = arith.index_cast %add3A_198 : i32 to index
      %get3A_289 = arith.constant 96 : index
      %get3A_290 = tpu.vector_load %arg15[%get3A_288, %get3A_289] {strides = array<i32>} : memref<16x128xf32, #tpu.memory_space<vmem>>, vector<16xf32>,
      %mul3A_291 = arith.mulf %get3A_287, %get3A_290 : vector<16xf32>
      %swap3A_292 = arith.index_cast %add3A_284 : i32 to index
      %swap3A_293 = arith.constant 0 : index
      %swap3A_294 = tpu.vector_load %arg17[%swap3A_292, %swap3A_293] {strides = array<i32>} : memref<128x16xf32, #tpu.memory_space<vmem>>, vector<16xf32>,
      tpu.vector_store %arg17[%swap3A_292, %swap3A_293], %mul3A_291 {strides = array<i32>} : memref<128x16xf32, #tpu.memory_space<vmem>>, vector<16xf32>,
      %mul3A_295 = arith.constant 8 : i32
      %mul3A_296 = arith.muli %mul3A_295, %add3A_198 : i32
      %add3A_297 = arith.constant 7 : i32
      %add3A_298 = arith.addi %mul3A_296, %add3A_297 : i32
      %get3A_299 = arith.index_cast %add3A_298 : i32 to index
      %get3A_300 = arith.constant 0 : index
      %get3A_301 = tpu.vector_load %arg13[%get3A_299, %get3A_300] {strides = array<i32>} : memref<128x16xf32, #tpu.memory_space<vmem>>, vector<16xf32>,
      %get3A_302 = arith.index_cast %add3A_198 : i32 to index
      %get3A_303 = arith.constant 112 : index
      %get3A_304 = tpu.vector_load %arg15[%get3A_302, %get3A_303] {strides = array<i32>} : memref<16x128xf32, #tpu.memory_space<vmem>>, vector<16xf32>,
      %mul3A_305 = arith.mulf %get3A_301, %get3A_304 : vector<16xf32>
      %swap3A_306 = arith.index_cast %add3A_298 : i32 to index
      %swap3A_307 = arith.constant 0 : index
      %swap3A_308 = tpu.vector_load %arg17[%swap3A_306, %swap3A_307] {strides = array<i32>} : memref<128x16xf32, #tpu.memory_space<vmem>>, vector<16xf32>,
      tpu.vector_store %arg17[%swap3A_306, %swap3A_307], %mul3A_305 {strides = array<i32>} : memref<128x16xf32, #tpu.memory_space<vmem>>, vector<16xf32>,
    }
    %scan3A_79 = arith.constant 16 : i32
    %dma_start3A_80 = arith.constant 0 : i32
    %dma_start3A_81 = arith.constant 0 : i32
    %dma_start3A_82 = tpu.memref_slice %arg12[%dma_start3A_80, %dma_start3A_81] : memref<80x128xi32, #tpu.memory_space<vmem>> -> memref<1x128xi32, #tpu.memory_space<vmem>>
    %dma_start3A_83 = tpu.memref_squeeze %dma_start3A_82 : memref<1x128xi32, #tpu.memory_space<vmem>> -> memref<128xi32, #tpu.memory_space<vmem>>
    %dma_start3A_84 = arith.constant 0 : i32
    %dma_start3A_85 = arith.constant 0 : i32
    %dma_start3A_86 = tpu.memref_slice %arg10[%dma_start3A_84, %dma_start3A_85] : memref<10240x16xf32, #tpu.memory_space<vmem_shared>> -> memref<10240x16xf32, #tpu.memory_space<vmem_shared>>
    tpu.enqueue_indirect_dma source(%arg17 : memref<128x16xf32, #tpu.memory_space<vmem>>) target(%dma_start3A_86 : memref<10240x16xf32, #tpu.memory_space<vmem_shared>>) offsets(%dma_start3A_83 : memref<128xi32, #tpu.memory_space<vmem>>) semaphore(%arg24 : memref<!tpu.dma_semaphore, #tpu.memory_space<semaphore_mem>>) {add = true}
    %dma_start3A_87 = arith.constant 2 : i32
    %dma_start3A_88 = arith.constant 0 : i32
    %dma_start3A_89 = tpu.memref_slice %arg11[%dma_start3A_87, %dma_start3A_88] : memref<82x128xi32, #tpu.memory_space<vmem>> -> memref<1x128xi32, #tpu.memory_space<vmem>>
    %dma_start3A_90 = tpu.memref_squeeze %dma_start3A_89 : memref<1x128xi32, #tpu.memory_space<vmem>> -> memref<128xi32, #tpu.memory_space<vmem>>
    %dma_start3A_91 = arith.constant 0 : i32
    %dma_start3A_92 = arith.constant 0 : i32
    %dma_start3A_93 = tpu.memref_slice %arg9[%dma_start3A_91, %dma_start3A_92] : memref<10240x16xf32, #tpu.memory_space<vmem_shared>> -> memref<10240x16xf32, #tpu.memory_space<vmem_shared>>
    tpu.enqueue_indirect_dma source(%dma_start3A_93 : memref<10240x16xf32, #tpu.memory_space<vmem_shared>>) target(%arg13 : memref<128x16xf32, #tpu.memory_space<vmem>>) offsets(%dma_start3A_90 : memref<128xi32, #tpu.memory_space<vmem>>) semaphore(%arg20 : memref<!tpu.dma_semaphore, #tpu.memory_space<semaphore_mem>>)
    %dma_start3A_94 = arith.constant 32 : i32
    %dma_start3A_95 = arith.constant 0 : i32
    %dma_start3A_96 = tpu.memref_slice %arg6[%add3A, %dma_start3A_94, %dma_start3A_95] : memref<32x1408x128xf32, #tpu.memory_space<hbm>> -> memref<1x16x128xf32, #tpu.memory_space<hbm>>
    %dma_start3A_97 = tpu.memref_squeeze %dma_start3A_96 : memref<1x16x128xf32, #tpu.memory_space<hbm>> -> memref<16x128xf32, #tpu.memory_space<hbm>>
    %dma_start3A_98 = arith.constant 32 : i32
    %dma_start3A_99 = arith.constant 0 : i32
    %dma_start3A_100 = tpu.memref_slice %arg6[%add3A, %dma_start3A_98, %dma_start3A_99] : memref<32x1408x128xf32, #tpu.memory_space<hbm>> -> memref<1x16x128xf32, #tpu.memory_space<hbm>>
    %dma_start3A_101 = tpu.memref_squeeze %dma_start3A_100 : memref<1x16x128xf32, #tpu.memory_space<hbm>> -> memref<16x128xf32, #tpu.memory_space<hbm>>
    tpu.enqueue_dma source(%dma_start3A_101 : memref<16x128xf32, #tpu.memory_space<hbm>>) target(%arg15 : memref<16x128xf32, #tpu.memory_space<vmem>>) target_semaphore(%arg22 : memref<!tpu.dma_semaphore, #tpu.memory_space<semaphore_mem>>)
    %dma_wait3A_102 = arith.constant 1 : i32
    %dma_wait3A_103 = arith.constant 0 : i32
    %dma_wait3A_104 = tpu.memref_slice %arg11[%dma_wait3A_102, %dma_wait3A_103] : memref<82x128xi32, #tpu.memory_space<vmem>> -> memref<1x128xi32, #tpu.memory_space<vmem>>
    %dma_wait3A_105 = tpu.memref_squeeze %dma_wait3A_104 : memref<1x128xi32, #tpu.memory_space<vmem>> -> memref<128xi32, #tpu.memory_space<vmem>>
    %dma_wait3A_106 = arith.constant 0 : i32
    %dma_wait3A_107 = arith.constant 0 : i32
    %dma_wait3A_108 = tpu.memref_slice %arg9[%dma_wait3A_106, %dma_wait3A_107] : memref<10240x16xf32, #tpu.memory_space<vmem_shared>> -> memref<10240x16xf32, #tpu.memory_space<vmem_shared>>
    tpu.wait_indirect_dma semaphore(%arg21 : memref<!tpu.dma_semaphore, #tpu.memory_space<semaphore_mem>>) src(%dma_wait3A_108 : memref<10240x16xf32, #tpu.memory_space<vmem_shared>>) dst(%arg14 : memref<128x16xf32, #tpu.memory_space<vmem>>)
    %dma_wait3A_109 = arith.constant 0 : i32
    %dma_wait3A_110 = arith.constant 0 : i32
    %dma_wait3A_111 = tpu.memref_slice %arg6[%add3A, %dma_wait3A_109, %dma_wait3A_110] : memref<32x1408x128xf32, #tpu.memory_space<hbm>> -> memref<1x16x128xf32, #tpu.memory_space<hbm>>
    %dma_wait3A_112 = tpu.memref_squeeze %dma_wait3A_111 : memref<1x16x128xf32, #tpu.memory_space<hbm>> -> memref<16x128xf32, #tpu.memory_space<hbm>>
    %dma_wait3A_113 = arith.constant 0 : i32
    %dma_wait3A_114 = arith.constant 0 : i32
    %dma_wait3A_115 = tpu.memref_slice %arg6[%add3A, %dma_wait3A_113, %dma_wait3A_114] : memref<32x1408x128xf32, #tpu.memory_space<hbm>> -> memref<1x16x128xf32, #tpu.memory_space<hbm>>
    %dma_wait3A_116 = tpu.memref_squeeze %dma_wait3A_115 : memref<1x16x128xf32, #tpu.memory_space<hbm>> -> memref<16x128xf32, #tpu.memory_space<hbm>>
    tpu.wait_dma2 semaphore(%arg23 : memref<!tpu.dma_semaphore, #tpu.memory_space<semaphore_mem>>) src(%dma_wait3A_116 : memref<16x128xf32, #tpu.memory_space<hbm>>) dst(%arg16 : memref<16x128xf32, #tpu.memory_space<vmem>>)
    %scan3A_117 = arith.constant 0 : i32
    %scan3A_118 = arith.constant 16 : i32
    %scan3A_119 = arith.addi %scan3A_117, %scan3A_118 : i32
    %scan3A_120 = arith.constant 1 : i32
    scf.for %scan3A_194 = %scan3A_117 to %scan3A_119 step %scan3A_120  : i32 {
      %mul3A_195 = arith.constant 1 : i32
      %mul3A_196 = arith.muli %scan3A_194, %mul3A_195 : i32
      %add3A_197 = arith.constant 0 : i32
      %add3A_198 = arith.addi %add3A_197, %mul3A_196 : i32
      %mul3A_199 = arith.constant 8 : i32
      %mul3A_200 = arith.muli %mul3A_199, %add3A_198 : i32
      %add3A_201 = arith.constant 0 : i32
      %add3A_202 = arith.addi %mul3A_200, %add3A_201 : i32
      %get3A = arith.index_cast %add3A_202 : i32 to index
      %get3A_203 = arith.constant 0 : index
      %get3A_204 = tpu.vector_load %arg14[%get3A, %get3A_203] {strides = array<i32>} : memref<128x16xf32, #tpu.memory_space<vmem>>, vector<16xf32>,
      %get3A_205 = arith.index_cast %add3A_198 : i32 to index
      %get3A_206 = arith.constant 0 : index
      %get3A_207 = tpu.vector_load %arg16[%get3A_205, %get3A_206] {strides = array<i32>} : memref<16x128xf32, #tpu.memory_space<vmem>>, vector<16xf32>,
      %mul3A_208 = arith.mulf %get3A_204, %get3A_207 : vector<16xf32>
      %swap3A = arith.index_cast %add3A_202 : i32 to index
      %swap3A_209 = arith.constant 0 : index
      %swap3A_210 = tpu.vector_load %arg18[%swap3A, %swap3A_209] {strides = array<i32>} : memref<128x16xf32, #tpu.memory_space<vmem>>, vector<16xf32>,
      tpu.vector_store %arg18[%swap3A, %swap3A_209], %mul3A_208 {strides = array<i32>} : memref<128x16xf32, #tpu.memory_space<vmem>>, vector<16xf32>,
      %mul3A_211 = arith.constant 8 : i32
      %mul3A_212 = arith.muli %mul3A_211, %add3A_198 : i32
      %add3A_213 = arith.constant 1 : i32
      %add3A_214 = arith.addi %mul3A_212, %add3A_213 : i32
      %get3A_215 = arith.index_cast %add3A_214 : i32 to index
      %get3A_216 = arith.constant 0 : index
      %get3A_217 = tpu.vector_load %arg14[%get3A_215, %get3A_216] {strides = array<i32>} : memref<128x16xf32, #tpu.memory_space<vmem>>, vector<16xf32>,
      %get3A_218 = arith.index_cast %add3A_198 : i32 to index
      %get3A_219 = arith.constant 16 : index
      %get3A_220 = tpu.vector_load %arg16[%get3A_218, %get3A_219] {strides = array<i32>} : memref<16x128xf32, #tpu.memory_space<vmem>>, vector<16xf32>,
      %mul3A_221 = arith.mulf %get3A_217, %get3A_220 : vector<16xf32>
      %swap3A_222 = arith.index_cast %add3A_214 : i32 to index
      %swap3A_223 = arith.constant 0 : index
      %swap3A_224 = tpu.vector_load %arg18[%swap3A_222, %swap3A_223] {strides = array<i32>} : memref<128x16xf32, #tpu.memory_space<vmem>>, vector<16xf32>,
      tpu.vector_store %arg18[%swap3A_222, %swap3A_223], %mul3A_221 {strides = array<i32>} : memref<128x16xf32, #tpu.memory_space<vmem>>, vector<16xf32>,
      %mul3A_225 = arith.constant 8 : i32
      %mul3A_226 = arith.muli %mul3A_225, %add3A_198 : i32
      %add3A_227 = arith.constant 2 : i32
      %add3A_228 = arith.addi %mul3A_226, %add3A_227 : i32
      %get3A_229 = arith.index_cast %add3A_228 : i32 to index
      %get3A_230 = arith.constant 0 : index
      %get3A_231 = tpu.vector_load %arg14[%get3A_229, %get3A_230] {strides = array<i32>} : memref<128x16xf32, #tpu.memory_space<vmem>>, vector<16xf32>,
      %get3A_232 = arith.index_cast %add3A_198 : i32 to index
      %get3A_233 = arith.constant 32 : index
      %get3A_234 = tpu.vector_load %arg16[%get3A_232, %get3A_233] {strides = array<i32>} : memref<16x128xf32, #tpu.memory_space<vmem>>, vector<16xf32>,
      %mul3A_235 = arith.mulf %get3A_231, %get3A_234 : vector<16xf32>
      %swap3A_236 = arith.index_cast %add3A_228 : i32 to index
      %swap3A_237 = arith.constant 0 : index
      %swap3A_238 = tpu.vector_load %arg18[%swap3A_236, %swap3A_237] {strides = array<i32>} : memref<128x16xf32, #tpu.memory_space<vmem>>, vector<16xf32>,
      tpu.vector_store %arg18[%swap3A_236, %swap3A_237], %mul3A_235 {strides = array<i32>} : memref<128x16xf32, #tpu.memory_space<vmem>>, vector<16xf32>,
      %mul3A_239 = arith.constant 8 : i32
      %mul3A_240 = arith.muli %mul3A_239, %add3A_198 : i32
      %add3A_241 = arith.constant 3 : i32
      %add3A_242 = arith.addi %mul3A_240, %add3A_241 : i32
      %get3A_243 = arith.index_cast %add3A_242 : i32 to index
      %get3A_244 = arith.constant 0 : index
      %get3A_245 = tpu.vector_load %arg14[%get3A_243, %get3A_244] {strides = array<i32>} : memref<128x16xf32, #tpu.memory_space<vmem>>, vector<16xf32>,
      %get3A_246 = arith.index_cast %add3A_198 : i32 to index
      %get3A_247 = arith.constant 48 : index
      %get3A_248 = tpu.vector_load %arg16[%get3A_246, %get3A_247] {strides = array<i32>} : memref<16x128xf32, #tpu.memory_space<vmem>>, vector<16xf32>,
      %mul3A_249 = arith.mulf %get3A_245, %get3A_248 : vector<16xf32>
      %swap3A_250 = arith.index_cast %add3A_242 : i32 to index
      %swap3A_251 = arith.constant 0 : index
      %swap3A_252 = tpu.vector_load %arg18[%swap3A_250, %swap3A_251] {strides = array<i32>} : memref<128x16xf32, #tpu.memory_space<vmem>>, vector<16xf32>,
      tpu.vector_store %arg18[%swap3A_250, %swap3A_251], %mul3A_249 {strides = array<i32>} : memref<128x16xf32, #tpu.memory_space<vmem>>, vector<16xf32>,
      %mul3A_253 = arith.constant 8 : i32
      %mul3A_254 = arith.muli %mul3A_253, %add3A_198 : i32
      %add3A_255 = arith.constant 4 : i32
      %add3A_256 = arith.addi %mul3A_254, %add3A_255 : i32
      %get3A_257 = arith.index_cast %add3A_256 : i32 to index
      %get3A_258 = arith.constant 0 : index
      %get3A_259 = tpu.vector_load %arg14[%get3A_257, %get3A_258] {strides = array<i32>} : memref<128x16xf32, #tpu.memory_space<vmem>>, vector<16xf32>,
      %get3A_260 = arith.index_cast %add3A_198 : i32 to index
      %get3A_261 = arith.constant 64 : index
      %get3A_262 = tpu.vector_load %arg16[%get3A_260, %get3A_261] {strides = array<i32>} : memref<16x128xf32, #tpu.memory_space<vmem>>, vector<16xf32>,
      %mul3A_263 = arith.mulf %get3A_259, %get3A_262 : vector<16xf32>
      %swap3A_264 = arith.index_cast %add3A_256 : i32 to index
      %swap3A_265 = arith.constant 0 : index
      %swap3A_266 = tpu.vector_load %arg18[%swap3A_264, %swap3A_265] {strides = array<i32>} : memref<128x16xf32, #tpu.memory_space<vmem>>, vector<16xf32>,
      tpu.vector_store %arg18[%swap3A_264, %swap3A_265], %mul3A_263 {strides = array<i32>} : memref<128x16xf32, #tpu.memory_space<vmem>>, vector<16xf32>,
      %mul3A_267 = arith.constant 8 : i32
      %mul3A_268 = arith.muli %mul3A_267, %add3A_198 : i32
      %add3A_269 = arith.constant 5 : i32
      %add3A_270 = arith.addi %mul3A_268, %add3A_269 : i32
      %get3A_271 = arith.index_cast %add3A_270 : i32 to index
      %get3A_272 = arith.constant 0 : index
      %get3A_273 = tpu.vector_load %arg14[%get3A_271, %get3A_272] {strides = array<i32>} : memref<128x16xf32, #tpu.memory_space<vmem>>, vector<16xf32>,
      %get3A_274 = arith.index_cast %add3A_198 : i32 to index
      %get3A_275 = arith.constant 80 : index
      %get3A_276 = tpu.vector_load %arg16[%get3A_274, %get3A_275] {strides = array<i32>} : memref<16x128xf32, #tpu.memory_space<vmem>>, vector<16xf32>,
      %mul3A_277 = arith.mulf %get3A_273, %get3A_276 : vector<16xf32>
      %swap3A_278 = arith.index_cast %add3A_270 : i32 to index
      %swap3A_279 = arith.constant 0 : index
      %swap3A_280 = tpu.vector_load %arg18[%swap3A_278, %swap3A_279] {strides = array<i32>} : memref<128x16xf32, #tpu.memory_space<vmem>>, vector<16xf32>,
      tpu.vector_store %arg18[%swap3A_278, %swap3A_279], %mul3A_277 {strides = array<i32>} : memref<128x16xf32, #tpu.memory_space<vmem>>, vector<16xf32>,
      %mul3A_281 = arith.constant 8 : i32
      %mul3A_282 = arith.muli %mul3A_281, %add3A_198 : i32
      %add3A_283 = arith.constant 6 : i32
      %add3A_284 = arith.addi %mul3A_282, %add3A_283 : i32
      %get3A_285 = arith.index_cast %add3A_284 : i32 to index
      %get3A_286 = arith.constant 0 : index
      %get3A_287 = tpu.vector_load %arg14[%get3A_285, %get3A_286] {strides = array<i32>} : memref<128x16xf32, #tpu.memory_space<vmem>>, vector<16xf32>,
      %get3A_288 = arith.index_cast %add3A_198 : i32 to index
      %get3A_289 = arith.constant 96 : index
      %get3A_290 = tpu.vector_load %arg16[%get3A_288, %get3A_289] {strides = array<i32>} : memref<16x128xf32, #tpu.memory_space<vmem>>, vector<16xf32>,
      %mul3A_291 = arith.mulf %get3A_287, %get3A_290 : vector<16xf32>
      %swap3A_292 = arith.index_cast %add3A_284 : i32 to index
      %swap3A_293 = arith.constant 0 : index
      %swap3A_294 = tpu.vector_load %arg18[%swap3A_292, %swap3A_293] {strides = array<i32>} : memref<128x16xf32, #tpu.memory_space<vmem>>, vector<16xf32>,
      tpu.vector_store %arg18[%swap3A_292, %swap3A_293], %mul3A_291 {strides = array<i32>} : memref<128x16xf32, #tpu.memory_space<vmem>>, vector<16xf32>,
      %mul3A_295 = arith.constant 8 : i32
      %mul3A_296 = arith.muli %mul3A_295, %add3A_198 : i32
      %add3A_297 = arith.constant 7 : i32
      %add3A_298 = arith.addi %mul3A_296, %add3A_297 : i32
      %get3A_299 = arith.index_cast %add3A_298 : i32 to index
      %get3A_300 = arith.constant 0 : index
      %get3A_301 = tpu.vector_load %arg14[%get3A_299, %get3A_300] {strides = array<i32>} : memref<128x16xf32, #tpu.memory_space<vmem>>, vector<16xf32>,
      %get3A_302 = arith.index_cast %add3A_198 : i32 to index
      %get3A_303 = arith.constant 112 : index
      %get3A_304 = tpu.vector_load %arg16[%get3A_302, %get3A_303] {strides = array<i32>} : memref<16x128xf32, #tpu.memory_space<vmem>>, vector<16xf32>,
      %mul3A_305 = arith.mulf %get3A_301, %get3A_304 : vector<16xf32>
      %swap3A_306 = arith.index_cast %add3A_298 : i32 to index
      %swap3A_307 = arith.constant 0 : index
      %swap3A_308 = tpu.vector_load %arg18[%swap3A_306, %swap3A_307] {strides = array<i32>} : memref<128x16xf32, #tpu.memory_space<vmem>>, vector<16xf32>,
      tpu.vector_store %arg18[%swap3A_306, %swap3A_307], %mul3A_305 {strides = array<i32>} : memref<128x16xf32, #tpu.memory_space<vmem>>, vector<16xf32>,
    }
    %scan3A_121 = arith.constant 16 : i32
    %dma_start3A_122 = arith.constant 1 : i32
    %dma_start3A_123 = arith.constant 0 : i32
    %dma_start3A_124 = tpu.memref_slice %arg12[%dma_start3A_122, %dma_start3A_123] : memref<80x128xi32, #tpu.memory_space<vmem>> -> memref<1x128xi32, #tpu.memory_space<vmem>>
    %dma_start3A_125 = tpu.memref_squeeze %dma_start3A_124 : memref<1x128xi32, #tpu.memory_space<vmem>> -> memref<128xi32, #tpu.memory_space<vmem>>
    %dma_start3A_126 = arith.constant 0 : i32
    %dma_start3A_127 = arith.constant 0 : i32
    %dma_start3A_128 = tpu.memref_slice %arg10[%dma_start3A_126, %dma_start3A_127] : memref<10240x16xf32, #tpu.memory_space<vmem_shared>> -> memref<10240x16xf32, #tpu.memory_space<vmem_shared>>
    tpu.enqueue_indirect_dma source(%arg18 : memref<128x16xf32, #tpu.memory_space<vmem>>) target(%dma_start3A_128 : memref<10240x16xf32, #tpu.memory_space<vmem_shared>>) offsets(%dma_start3A_125 : memref<128xi32, #tpu.memory_space<vmem>>) semaphore(%arg25 : memref<!tpu.dma_semaphore, #tpu.memory_space<semaphore_mem>>) {add = true}
    %dma_start3A_129 = arith.constant 3 : i32
    %dma_start3A_130 = arith.constant 0 : i32
    %dma_start3A_131 = tpu.memref_slice %arg11[%dma_start3A_129, %dma_start3A_130] : memref<82x128xi32, #tpu.memory_space<vmem>> -> memref<1x128xi32, #tpu.memory_space<vmem>>
    %dma_start3A_132 = tpu.memref_squeeze %dma_start3A_131 : memref<1x128xi32, #tpu.memory_space<vmem>> -> memref<128xi32, #tpu.memory_space<vmem>>
    %dma_start3A_133 = arith.constant 0 : i32
    %dma_start3A_134 = arith.constant 0 : i32
    %dma_start3A_135 = tpu.memref_slice %arg9[%dma_start3A_133, %dma_start3A_134] : memref<10240x16xf32, #tpu.memory_space<vmem_shared>> -> memref<10240x16xf32, #tpu.memory_space<vmem_shared>>
    tpu.enqueue_indirect_dma source(%dma_start3A_135 : memref<10240x16xf32, #tpu.memory_space<vmem_shared>>) target(%arg14 : memref<128x16xf32, #tpu.memory_space<vmem>>) offsets(%dma_start3A_132 : memref<128xi32, #tpu.memory_space<vmem>>) semaphore(%arg21 : memref<!tpu.dma_semaphore, #tpu.memory_space<semaphore_mem>>)
    %dma_start3A_136 = arith.constant 48 : i32
    %dma_start3A_137 = arith.constant 0 : i32
    %dma_start3A_138 = tpu.memref_slice %arg6[%add3A, %dma_start3A_136, %dma_start3A_137] : memref<32x1408x128xf32, #tpu.memory_space<hbm>> -> memref<1x16x128xf32, #tpu.memory_space<hbm>>
    %dma_start3A_139 = tpu.memref_squeeze %dma_start3A_138 : memref<1x16x128xf32, #tpu.memory_space<hbm>> -> memref<16x128xf32, #tpu.memory_space<hbm>>
    %dma_start3A_140 = arith.constant 48 : i32
    %dma_start3A_141 = arith.constant 0 : i32
    %dma_start3A_142 = tpu.memref_slice %arg6[%add3A, %dma_start3A_140, %dma_start3A_141] : memref<32x1408x128xf32, #tpu.memory_space<hbm>> -> memref<1x16x128xf32, #tpu.memory_space<hbm>>
    %dma_start3A_143 = tpu.memref_squeeze %dma_start3A_142 : memref<1x16x128xf32, #tpu.memory_space<hbm>> -> memref<16x128xf32, #tpu.memory_space<hbm>>
    tpu.enqueue_dma source(%dma_start3A_143 : memref<16x128xf32, #tpu.memory_space<hbm>>) target(%arg16 : memref<16x128xf32, #tpu.memory_space<vmem>>) target_semaphore(%arg23 : memref<!tpu.dma_semaphore, #tpu.memory_space<semaphore_mem>>)
    %scan3A_144 = arith.constant 0 : i32
    %scan3A_145 = arith.constant 39 : i32
    %scan3A_146 = arith.addi %scan3A_144, %scan3A_145 : i32
    %scan3A_147 = arith.constant 1 : i32
    scf.for %scan3A_194 = %scan3A_144 to %scan3A_146 step %scan3A_147  : i32 {
      %mul3A_195 = arith.constant 1 : i32
      %mul3A_196 = arith.muli %scan3A_194, %mul3A_195 : i32
      %add3A_197 = arith.constant 1 : i32
      %add3A_198 = arith.addi %add3A_197, %mul3A_196 : i32
      %mul3A_199 = arith.constant 2 : i32
      %mul3A_200 = arith.muli %mul3A_199, %add3A_198 : i32
      %add3A_201 = arith.constant 0 : i32
      %add3A_202 = arith.addi %mul3A_200, %add3A_201 : i32
      %dma_wait3A_203 = arith.constant 0 : i32
      %dma_wait3A_204 = tpu.memref_slice %arg11[%add3A_202, %dma_wait3A_203] : memref<82x128xi32, #tpu.memory_space<vmem>> -> memref<1x128xi32, #tpu.memory_space<vmem>>
      %dma_wait3A_205 = tpu.memref_squeeze %dma_wait3A_204 : memref<1x128xi32, #tpu.memory_space<vmem>> -> memref<128xi32, #tpu.memory_space<vmem>>
      %dma_wait3A_206 = arith.constant 0 : i32
      %dma_wait3A_207 = arith.constant 0 : i32
      %dma_wait3A_208 = tpu.memref_slice %arg9[%dma_wait3A_206, %dma_wait3A_207] : memref<10240x16xf32, #tpu.memory_space<vmem_shared>> -> memref<10240x16xf32, #tpu.memory_space<vmem_shared>>
      tpu.wait_indirect_dma semaphore(%arg20 : memref<!tpu.dma_semaphore, #tpu.memory_space<semaphore_mem>>) src(%dma_wait3A_208 : memref<10240x16xf32, #tpu.memory_space<vmem_shared>>) dst(%arg13 : memref<128x16xf32, #tpu.memory_space<vmem>>)
      %dma_wait3A_209 = arith.constant 0 : i32
      %dma_wait3A_210 = arith.constant 0 : i32
      %dma_wait3A_211 = tpu.memref_slice %arg6[%add3A, %dma_wait3A_209, %dma_wait3A_210] : memref<32x1408x128xf32, #tpu.memory_space<hbm>> -> memref<1x16x128xf32, #tpu.memory_space<hbm>>
      %dma_wait3A_212 = tpu.memref_squeeze %dma_wait3A_211 : memref<1x16x128xf32, #tpu.memory_space<hbm>> -> memref<16x128xf32, #tpu.memory_space<hbm>>
      %dma_wait3A_213 = arith.constant 0 : i32
      %dma_wait3A_214 = arith.constant 0 : i32
      %dma_wait3A_215 = tpu.memref_slice %arg6[%add3A, %dma_wait3A_213, %dma_wait3A_214] : memref<32x1408x128xf32, #tpu.memory_space<hbm>> -> memref<1x16x128xf32, #tpu.memory_space<hbm>>
      %dma_wait3A_216 = tpu.memref_squeeze %dma_wait3A_215 : memref<1x16x128xf32, #tpu.memory_space<hbm>> -> memref<16x128xf32, #tpu.memory_space<hbm>>
      tpu.wait_dma2 semaphore(%arg22 : memref<!tpu.dma_semaphore, #tpu.memory_space<semaphore_mem>>) src(%dma_wait3A_216 : memref<16x128xf32, #tpu.memory_space<hbm>>) dst(%arg15 : memref<16x128xf32, #tpu.memory_space<vmem>>)
      %dma_wait3A_217 = arith.constant 0 : i32
      %dma_wait3A_218 = tpu.memref_slice %arg12[%add3A_202, %dma_wait3A_217] : memref<80x128xi32, #tpu.memory_space<vmem>> -> memref<1x128xi32, #tpu.memory_space<vmem>>
      %dma_wait3A_219 = tpu.memref_squeeze %dma_wait3A_218 : memref<1x128xi32, #tpu.memory_space<vmem>> -> memref<128xi32, #tpu.memory_space<vmem>>
      %dma_wait3A_220 = arith.constant 0 : i32
      %dma_wait3A_221 = arith.constant 0 : i32
      %dma_wait3A_222 = tpu.memref_slice %arg10[%dma_wait3A_220, %dma_wait3A_221] : memref<10240x16xf32, #tpu.memory_space<vmem_shared>> -> memref<10240x16xf32, #tpu.memory_space<vmem_shared>>
      tpu.wait_indirect_dma semaphore(%arg24 : memref<!tpu.dma_semaphore, #tpu.memory_space<semaphore_mem>>) src(%arg17 : memref<128x16xf32, #tpu.memory_space<vmem>>) dst(%dma_wait3A_222 : memref<10240x16xf32, #tpu.memory_space<vmem_shared>>)
      %scan3A_223 = arith.constant 0 : i32
      %scan3A_224 = arith.constant 16 : i32
      %scan3A_225 = arith.addi %scan3A_223, %scan3A_224 : i32
      %scan3A_226 = arith.constant 1 : i32
      scf.for %scan3A_301 = %scan3A_223 to %scan3A_225 step %scan3A_226  : i32 {
        %mul3A_302 = arith.constant 1 : i32
        %mul3A_303 = arith.muli %scan3A_301, %mul3A_302 : i32
        %add3A_304 = arith.constant 0 : i32
        %add3A_305 = arith.addi %add3A_304, %mul3A_303 : i32
        %mul3A_306 = arith.constant 8 : i32
        %mul3A_307 = arith.muli %mul3A_306, %add3A_305 : i32
        %add3A_308 = arith.constant 0 : i32
        %add3A_309 = arith.addi %mul3A_307, %add3A_308 : i32
        %get3A = arith.index_cast %add3A_309 : i32 to index
        %get3A_310 = arith.constant 0 : index
        %get3A_311 = tpu.vector_load %arg13[%get3A, %get3A_310] {strides = array<i32>} : memref<128x16xf32, #tpu.memory_space<vmem>>, vector<16xf32>,
        %get3A_312 = arith.index_cast %add3A_305 : i32 to index
        %get3A_313 = arith.constant 0 : index
        %get3A_314 = tpu.vector_load %arg15[%get3A_312, %get3A_313] {strides = array<i32>} : memref<16x128xf32, #tpu.memory_space<vmem>>, vector<16xf32>,
        %mul3A_315 = arith.mulf %get3A_311, %get3A_314 : vector<16xf32>
        %swap3A = arith.index_cast %add3A_309 : i32 to index
        %swap3A_316 = arith.constant 0 : index
        %swap3A_317 = tpu.vector_load %arg17[%swap3A, %swap3A_316] {strides = array<i32>} : memref<128x16xf32, #tpu.memory_space<vmem>>, vector<16xf32>,
        tpu.vector_store %arg17[%swap3A, %swap3A_316], %mul3A_315 {strides = array<i32>} : memref<128x16xf32, #tpu.memory_space<vmem>>, vector<16xf32>,
        %mul3A_318 = arith.constant 8 : i32
        %mul3A_319 = arith.muli %mul3A_318, %add3A_305 : i32
        %add3A_320 = arith.constant 1 : i32
        %add3A_321 = arith.addi %mul3A_319, %add3A_320 : i32
        %get3A_322 = arith.index_cast %add3A_321 : i32 to index
        %get3A_323 = arith.constant 0 : index
        %get3A_324 = tpu.vector_load %arg13[%get3A_322, %get3A_323] {strides = array<i32>} : memref<128x16xf32, #tpu.memory_space<vmem>>, vector<16xf32>,
        %get3A_325 = arith.index_cast %add3A_305 : i32 to index
        %get3A_326 = arith.constant 16 : index
        %get3A_327 = tpu.vector_load %arg15[%get3A_325, %get3A_326] {strides = array<i32>} : memref<16x128xf32, #tpu.memory_space<vmem>>, vector<16xf32>,
        %mul3A_328 = arith.mulf %get3A_324, %get3A_327 : vector<16xf32>
        %swap3A_329 = arith.index_cast %add3A_321 : i32 to index
        %swap3A_330 = arith.constant 0 : index
        %swap3A_331 = tpu.vector_load %arg17[%swap3A_329, %swap3A_330] {strides = array<i32>} : memref<128x16xf32, #tpu.memory_space<vmem>>, vector<16xf32>,
        tpu.vector_store %arg17[%swap3A_329, %swap3A_330], %mul3A_328 {strides = array<i32>} : memref<128x16xf32, #tpu.memory_space<vmem>>, vector<16xf32>,
        %mul3A_332 = arith.constant 8 : i32
        %mul3A_333 = arith.muli %mul3A_332, %add3A_305 : i32
        %add3A_334 = arith.constant 2 : i32
        %add3A_335 = arith.addi %mul3A_333, %add3A_334 : i32
        %get3A_336 = arith.index_cast %add3A_335 : i32 to index
        %get3A_337 = arith.constant 0 : index
        %get3A_338 = tpu.vector_load %arg13[%get3A_336, %get3A_337] {strides = array<i32>} : memref<128x16xf32, #tpu.memory_space<vmem>>, vector<16xf32>,
        %get3A_339 = arith.index_cast %add3A_305 : i32 to index
        %get3A_340 = arith.constant 32 : index
        %get3A_341 = tpu.vector_load %arg15[%get3A_339, %get3A_340] {strides = array<i32>} : memref<16x128xf32, #tpu.memory_space<vmem>>, vector<16xf32>,
        %mul3A_342 = arith.mulf %get3A_338, %get3A_341 : vector<16xf32>
        %swap3A_343 = arith.index_cast %add3A_335 : i32 to index
        %swap3A_344 = arith.constant 0 : index
        %swap3A_345 = tpu.vector_load %arg17[%swap3A_343, %swap3A_344] {strides = array<i32>} : memref<128x16xf32, #tpu.memory_space<vmem>>, vector<16xf32>,
        tpu.vector_store %arg17[%swap3A_343, %swap3A_344], %mul3A_342 {strides = array<i32>} : memref<128x16xf32, #tpu.memory_space<vmem>>, vector<16xf32>,
        %mul3A_346 = arith.constant 8 : i32
        %mul3A_347 = arith.muli %mul3A_346, %add3A_305 : i32
        %add3A_348 = arith.constant 3 : i32
        %add3A_349 = arith.addi %mul3A_347, %add3A_348 : i32
        %get3A_350 = arith.index_cast %add3A_349 : i32 to index
        %get3A_351 = arith.constant 0 : index
        %get3A_352 = tpu.vector_load %arg13[%get3A_350, %get3A_351] {strides = array<i32>} : memref<128x16xf32, #tpu.memory_space<vmem>>, vector<16xf32>,
        %get3A_353 = arith.index_cast %add3A_305 : i32 to index
        %get3A_354 = arith.constant 48 : index
        %get3A_355 = tpu.vector_load %arg15[%get3A_353, %get3A_354] {strides = array<i32>} : memref<16x128xf32, #tpu.memory_space<vmem>>, vector<16xf32>,
        %mul3A_356 = arith.mulf %get3A_352, %get3A_355 : vector<16xf32>
        %swap3A_357 = arith.index_cast %add3A_349 : i32 to index
        %swap3A_358 = arith.constant 0 : index
        %swap3A_359 = tpu.vector_load %arg17[%swap3A_357, %swap3A_358] {strides = array<i32>} : memref<128x16xf32, #tpu.memory_space<vmem>>, vector<16xf32>,
        tpu.vector_store %arg17[%swap3A_357, %swap3A_358], %mul3A_356 {strides = array<i32>} : memref<128x16xf32, #tpu.memory_space<vmem>>, vector<16xf32>,
        %mul3A_360 = arith.constant 8 : i32
        %mul3A_361 = arith.muli %mul3A_360, %add3A_305 : i32
        %add3A_362 = arith.constant 4 : i32
        %add3A_363 = arith.addi %mul3A_361, %add3A_362 : i32
        %get3A_364 = arith.index_cast %add3A_363 : i32 to index
        %get3A_365 = arith.constant 0 : index
        %get3A_366 = tpu.vector_load %arg13[%get3A_364, %get3A_365] {strides = array<i32>} : memref<128x16xf32, #tpu.memory_space<vmem>>, vector<16xf32>,
        %get3A_367 = arith.index_cast %add3A_305 : i32 to index
        %get3A_368 = arith.constant 64 : index
        %get3A_369 = tpu.vector_load %arg15[%get3A_367, %get3A_368] {strides = array<i32>} : memref<16x128xf32, #tpu.memory_space<vmem>>, vector<16xf32>,
        %mul3A_370 = arith.mulf %get3A_366, %get3A_369 : vector<16xf32>
        %swap3A_371 = arith.index_cast %add3A_363 : i32 to index
        %swap3A_372 = arith.constant 0 : index
        %swap3A_373 = tpu.vector_load %arg17[%swap3A_371, %swap3A_372] {strides = array<i32>} : memref<128x16xf32, #tpu.memory_space<vmem>>, vector<16xf32>,
        tpu.vector_store %arg17[%swap3A_371, %swap3A_372], %mul3A_370 {strides = array<i32>} : memref<128x16xf32, #tpu.memory_space<vmem>>, vector<16xf32>,
        %mul3A_374 = arith.constant 8 : i32
        %mul3A_375 = arith.muli %mul3A_374, %add3A_305 : i32
        %add3A_376 = arith.constant 5 : i32
        %add3A_377 = arith.addi %mul3A_375, %add3A_376 : i32
        %get3A_378 = arith.index_cast %add3A_377 : i32 to index
        %get3A_379 = arith.constant 0 : index
        %get3A_380 = tpu.vector_load %arg13[%get3A_378, %get3A_379] {strides = array<i32>} : memref<128x16xf32, #tpu.memory_space<vmem>>, vector<16xf32>,
        %get3A_381 = arith.index_cast %add3A_305 : i32 to index
        %get3A_382 = arith.constant 80 : index
        %get3A_383 = tpu.vector_load %arg15[%get3A_381, %get3A_382] {strides = array<i32>} : memref<16x128xf32, #tpu.memory_space<vmem>>, vector<16xf32>,
        %mul3A_384 = arith.mulf %get3A_380, %get3A_383 : vector<16xf32>
        %swap3A_385 = arith.index_cast %add3A_377 : i32 to index
        %swap3A_386 = arith.constant 0 : index
        %swap3A_387 = tpu.vector_load %arg17[%swap3A_385, %swap3A_386] {strides = array<i32>} : memref<128x16xf32, #tpu.memory_space<vmem>>, vector<16xf32>,
        tpu.vector_store %arg17[%swap3A_385, %swap3A_386], %mul3A_384 {strides = array<i32>} : memref<128x16xf32, #tpu.memory_space<vmem>>, vector<16xf32>,
        %mul3A_388 = arith.constant 8 : i32
        %mul3A_389 = arith.muli %mul3A_388, %add3A_305 : i32
        %add3A_390 = arith.constant 6 : i32
        %add3A_391 = arith.addi %mul3A_389, %add3A_390 : i32
        %get3A_392 = arith.index_cast %add3A_391 : i32 to index
        %get3A_393 = arith.constant 0 : index
        %get3A_394 = tpu.vector_load %arg13[%get3A_392, %get3A_393] {strides = array<i32>} : memref<128x16xf32, #tpu.memory_space<vmem>>, vector<16xf32>,
        %get3A_395 = arith.index_cast %add3A_305 : i32 to index
        %get3A_396 = arith.constant 96 : index
        %get3A_397 = tpu.vector_load %arg15[%get3A_395, %get3A_396] {strides = array<i32>} : memref<16x128xf32, #tpu.memory_space<vmem>>, vector<16xf32>,
        %mul3A_398 = arith.mulf %get3A_394, %get3A_397 : vector<16xf32>
        %swap3A_399 = arith.index_cast %add3A_391 : i32 to index
        %swap3A_400 = arith.constant 0 : index
        %swap3A_401 = tpu.vector_load %arg17[%swap3A_399, %swap3A_400] {strides = array<i32>} : memref<128x16xf32, #tpu.memory_space<vmem>>, vector<16xf32>,
        tpu.vector_store %arg17[%swap3A_399, %swap3A_400], %mul3A_398 {strides = array<i32>} : memref<128x16xf32, #tpu.memory_space<vmem>>, vector<16xf32>,
        %mul3A_402 = arith.constant 8 : i32
        %mul3A_403 = arith.muli %mul3A_402, %add3A_305 : i32
        %add3A_404 = arith.constant 7 : i32
        %add3A_405 = arith.addi %mul3A_403, %add3A_404 : i32
        %get3A_406 = arith.index_cast %add3A_405 : i32 to index
        %get3A_407 = arith.constant 0 : index
        %get3A_408 = tpu.vector_load %arg13[%get3A_406, %get3A_407] {strides = array<i32>} : memref<128x16xf32, #tpu.memory_space<vmem>>, vector<16xf32>,
        %get3A_409 = arith.index_cast %add3A_305 : i32 to index
        %get3A_410 = arith.constant 112 : index
        %get3A_411 = tpu.vector_load %arg15[%get3A_409, %get3A_410] {strides = array<i32>} : memref<16x128xf32, #tpu.memory_space<vmem>>, vector<16xf32>,
        %mul3A_412 = arith.mulf %get3A_408, %get3A_411 : vector<16xf32>
        %swap3A_413 = arith.index_cast %add3A_405 : i32 to index
        %swap3A_414 = arith.constant 0 : index
        %swap3A_415 = tpu.vector_load %arg17[%swap3A_413, %swap3A_414] {strides = array<i32>} : memref<128x16xf32, #tpu.memory_space<vmem>>, vector<16xf32>,
        tpu.vector_store %arg17[%swap3A_413, %swap3A_414], %mul3A_412 {strides = array<i32>} : memref<128x16xf32, #tpu.memory_space<vmem>>, vector<16xf32>,
      }
      %scan3A_227 = arith.constant 16 : i32
      %dma_start3A_228 = arith.constant 0 : i32
      %dma_start3A_229 = tpu.memref_slice %arg12[%add3A_202, %dma_start3A_228] : memref<80x128xi32, #tpu.memory_space<vmem>> -> memref<1x128xi32, #tpu.memory_space<vmem>>
      %dma_start3A_230 = tpu.memref_squeeze %dma_start3A_229 : memref<1x128xi32, #tpu.memory_space<vmem>> -> memref<128xi32, #tpu.memory_space<vmem>>
      %dma_start3A_231 = arith.constant 0 : i32
      %dma_start3A_232 = arith.constant 0 : i32
      %dma_start3A_233 = tpu.memref_slice %arg10[%dma_start3A_231, %dma_start3A_232] : memref<10240x16xf32, #tpu.memory_space<vmem_shared>> -> memref<10240x16xf32, #tpu.memory_space<vmem_shared>>
      tpu.enqueue_indirect_dma source(%arg17 : memref<128x16xf32, #tpu.memory_space<vmem>>) target(%dma_start3A_233 : memref<10240x16xf32, #tpu.memory_space<vmem_shared>>) offsets(%dma_start3A_230 : memref<128xi32, #tpu.memory_space<vmem>>) semaphore(%arg24 : memref<!tpu.dma_semaphore, #tpu.memory_space<semaphore_mem>>) {add = true}
      %add3A_234 = arith.constant 2 : i32
      %add3A_235 = arith.addi %add3A_202, %add3A_234 : i32
      %dma_start3A_236 = arith.constant 0 : i32
      %dma_start3A_237 = tpu.memref_slice %arg11[%add3A_235, %dma_start3A_236] : memref<82x128xi32, #tpu.memory_space<vmem>> -> memref<1x128xi32, #tpu.memory_space<vmem>>
      %dma_start3A_238 = tpu.memref_squeeze %dma_start3A_237 : memref<1x128xi32, #tpu.memory_space<vmem>> -> memref<128xi32, #tpu.memory_space<vmem>>
      %dma_start3A_239 = arith.constant 0 : i32
      %dma_start3A_240 = arith.constant 0 : i32
      %dma_start3A_241 = tpu.memref_slice %arg9[%dma_start3A_239, %dma_start3A_240] : memref<10240x16xf32, #tpu.memory_space<vmem_shared>> -> memref<10240x16xf32, #tpu.memory_space<vmem_shared>>
      tpu.enqueue_indirect_dma source(%dma_start3A_241 : memref<10240x16xf32, #tpu.memory_space<vmem_shared>>) target(%arg13 : memref<128x16xf32, #tpu.memory_space<vmem>>) offsets(%dma_start3A_238 : memref<128xi32, #tpu.memory_space<vmem>>) semaphore(%arg20 : memref<!tpu.dma_semaphore, #tpu.memory_space<semaphore_mem>>)
      %mul3A_242 = arith.constant 16 : i32
      %mul3A_243 = arith.muli %mul3A_242, %add3A_235 : i32
      %dma_start3A_244 = arith.constant 0 : i32
      %dma_start3A_245 = tpu.memref_slice %arg6[%add3A, %mul3A_243, %dma_start3A_244] : memref<32x1408x128xf32, #tpu.memory_space<hbm>> -> memref<1x16x128xf32, #tpu.memory_space<hbm>>
      %dma_start3A_246 = tpu.memref_squeeze %dma_start3A_245 : memref<1x16x128xf32, #tpu.memory_space<hbm>> -> memref<16x128xf32, #tpu.memory_space<hbm>>
      %dma_start3A_247 = arith.constant 0 : i32
      %dma_start3A_248 = tpu.memref_slice %arg6[%add3A, %mul3A_243, %dma_start3A_247] : memref<32x1408x128xf32, #tpu.memory_space<hbm>> -> memref<1x16x128xf32, #tpu.memory_space<hbm>>
      %dma_start3A_249 = tpu.memref_squeeze %dma_start3A_248 : memref<1x16x128xf32, #tpu.memory_space<hbm>> -> memref<16x128xf32, #tpu.memory_space<hbm>>
      tpu.enqueue_dma source(%dma_start3A_249 : memref<16x128xf32, #tpu.memory_space<hbm>>) target(%arg15 : memref<16x128xf32, #tpu.memory_space<vmem>>) target_semaphore(%arg22 : memref<!tpu.dma_semaphore, #tpu.memory_space<semaphore_mem>>)
      %mul3A_250 = arith.constant 2 : i32
      %mul3A_251 = arith.muli %mul3A_250, %add3A_198 : i32
      %add3A_252 = arith.constant 1 : i32
      %add3A_253 = arith.addi %mul3A_251, %add3A_252 : i32
      %dma_wait3A_254 = arith.constant 0 : i32
      %dma_wait3A_255 = tpu.memref_slice %arg11[%add3A_253, %dma_wait3A_254] : memref<82x128xi32, #tpu.memory_space<vmem>> -> memref<1x128xi32, #tpu.memory_space<vmem>>
      %dma_wait3A_256 = tpu.memref_squeeze %dma_wait3A_255 : memref<1x128xi32, #tpu.memory_space<vmem>> -> memref<128xi32, #tpu.memory_space<vmem>>
      %dma_wait3A_257 = arith.constant 0 : i32
      %dma_wait3A_258 = arith.constant 0 : i32
      %dma_wait3A_259 = tpu.memref_slice %arg9[%dma_wait3A_257, %dma_wait3A_258] : memref<10240x16xf32, #tpu.memory_space<vmem_shared>> -> memref<10240x16xf32, #tpu.memory_space<vmem_shared>>
      tpu.wait_indirect_dma semaphore(%arg21 : memref<!tpu.dma_semaphore, #tpu.memory_space<semaphore_mem>>) src(%dma_wait3A_259 : memref<10240x16xf32, #tpu.memory_space<vmem_shared>>) dst(%arg14 : memref<128x16xf32, #tpu.memory_space<vmem>>)
      %dma_wait3A_260 = arith.constant 0 : i32
      %dma_wait3A_261 = arith.constant 0 : i32
      %dma_wait3A_262 = tpu.memref_slice %arg6[%add3A, %dma_wait3A_260, %dma_wait3A_261] : memref<32x1408x128xf32, #tpu.memory_space<hbm>> -> memref<1x16x128xf32, #tpu.memory_space<hbm>>
      %dma_wait3A_263 = tpu.memref_squeeze %dma_wait3A_262 : memref<1x16x128xf32, #tpu.memory_space<hbm>> -> memref<16x128xf32, #tpu.memory_space<hbm>>
      %dma_wait3A_264 = arith.constant 0 : i32
      %dma_wait3A_265 = arith.constant 0 : i32
      %dma_wait3A_266 = tpu.memref_slice %arg6[%add3A, %dma_wait3A_264, %dma_wait3A_265] : memref<32x1408x128xf32, #tpu.memory_space<hbm>> -> memref<1x16x128xf32, #tpu.memory_space<hbm>>
      %dma_wait3A_267 = tpu.memref_squeeze %dma_wait3A_266 : memref<1x16x128xf32, #tpu.memory_space<hbm>> -> memref<16x128xf32, #tpu.memory_space<hbm>>
      tpu.wait_dma2 semaphore(%arg23 : memref<!tpu.dma_semaphore, #tpu.memory_space<semaphore_mem>>) src(%dma_wait3A_267 : memref<16x128xf32, #tpu.memory_space<hbm>>) dst(%arg16 : memref<16x128xf32, #tpu.memory_space<vmem>>)
      %dma_wait3A_268 = arith.constant 0 : i32
      %dma_wait3A_269 = tpu.memref_slice %arg12[%add3A_253, %dma_wait3A_268] : memref<80x128xi32, #tpu.memory_space<vmem>> -> memref<1x128xi32, #tpu.memory_space<vmem>>
      %dma_wait3A_270 = tpu.memref_squeeze %dma_wait3A_269 : memref<1x128xi32, #tpu.memory_space<vmem>> -> memref<128xi32, #tpu.memory_space<vmem>>
      %dma_wait3A_271 = arith.constant 0 : i32
      %dma_wait3A_272 = arith.constant 0 : i32
      %dma_wait3A_273 = tpu.memref_slice %arg10[%dma_wait3A_271, %dma_wait3A_272] : memref<10240x16xf32, #tpu.memory_space<vmem_shared>> -> memref<10240x16xf32, #tpu.memory_space<vmem_shared>>
      tpu.wait_indirect_dma semaphore(%arg25 : memref<!tpu.dma_semaphore, #tpu.memory_space<semaphore_mem>>) src(%arg18 : memref<128x16xf32, #tpu.memory_space<vmem>>) dst(%dma_wait3A_273 : memref<10240x16xf32, #tpu.memory_space<vmem_shared>>)
      %scan3A_274 = arith.constant 0 : i32
      %scan3A_275 = arith.constant 16 : i32
      %scan3A_276 = arith.addi %scan3A_274, %scan3A_275 : i32
      %scan3A_277 = arith.constant 1 : i32
      scf.for %scan3A_301 = %scan3A_274 to %scan3A_276 step %scan3A_277  : i32 {
        %mul3A_302 = arith.constant 1 : i32
        %mul3A_303 = arith.muli %scan3A_301, %mul3A_302 : i32
        %add3A_304 = arith.constant 0 : i32
        %add3A_305 = arith.addi %add3A_304, %mul3A_303 : i32
        %mul3A_306 = arith.constant 8 : i32
        %mul3A_307 = arith.muli %mul3A_306, %add3A_305 : i32
        %add3A_308 = arith.constant 0 : i32
        %add3A_309 = arith.addi %mul3A_307, %add3A_308 : i32
        %get3A = arith.index_cast %add3A_309 : i32 to index
        %get3A_310 = arith.constant 0 : index
        %get3A_311 = tpu.vector_load %arg14[%get3A, %get3A_310] {strides = array<i32>} : memref<128x16xf32, #tpu.memory_space<vmem>>, vector<16xf32>,
        %get3A_312 = arith.index_cast %add3A_305 : i32 to index
        %get3A_313 = arith.constant 0 : index
        %get3A_314 = tpu.vector_load %arg16[%get3A_312, %get3A_313] {strides = array<i32>} : memref<16x128xf32, #tpu.memory_space<vmem>>, vector<16xf32>,
        %mul3A_315 = arith.mulf %get3A_311, %get3A_314 : vector<16xf32>
        %swap3A = arith.index_cast %add3A_309 : i32 to index
        %swap3A_316 = arith.constant 0 : index
        %swap3A_317 = tpu.vector_load %arg18[%swap3A, %swap3A_316] {strides = array<i32>} : memref<128x16xf32, #tpu.memory_space<vmem>>, vector<16xf32>,
        tpu.vector_store %arg18[%swap3A, %swap3A_316], %mul3A_315 {strides = array<i32>} : memref<128x16xf32, #tpu.memory_space<vmem>>, vector<16xf32>,
        %mul3A_318 = arith.constant 8 : i32
        %mul3A_319 = arith.muli %mul3A_318, %add3A_305 : i32
        %add3A_320 = arith.constant 1 : i32
        %add3A_321 = arith.addi %mul3A_319, %add3A_320 : i32
        %get3A_322 = arith.index_cast %add3A_321 : i32 to index
        %get3A_323 = arith.constant 0 : index
        %get3A_324 = tpu.vector_load %arg14[%get3A_322, %get3A_323] {strides = array<i32>} : memref<128x16xf32, #tpu.memory_space<vmem>>, vector<16xf32>,
        %get3A_325 = arith.index_cast %add3A_305 : i32 to index
        %get3A_326 = arith.constant 16 : index
        %get3A_327 = tpu.vector_load %arg16[%get3A_325, %get3A_326] {strides = array<i32>} : memref<16x128xf32, #tpu.memory_space<vmem>>, vector<16xf32>,
        %mul3A_328 = arith.mulf %get3A_324, %get3A_327 : vector<16xf32>
        %swap3A_329 = arith.index_cast %add3A_321 : i32 to index
        %swap3A_330 = arith.constant 0 : index
        %swap3A_331 = tpu.vector_load %arg18[%swap3A_329, %swap3A_330] {strides = array<i32>} : memref<128x16xf32, #tpu.memory_space<vmem>>, vector<16xf32>,
        tpu.vector_store %arg18[%swap3A_329, %swap3A_330], %mul3A_328 {strides = array<i32>} : memref<128x16xf32, #tpu.memory_space<vmem>>, vector<16xf32>,
        %mul3A_332 = arith.constant 8 : i32
        %mul3A_333 = arith.muli %mul3A_332, %add3A_305 : i32
        %add3A_334 = arith.constant 2 : i32
        %add3A_335 = arith.addi %mul3A_333, %add3A_334 : i32
        %get3A_336 = arith.index_cast %add3A_335 : i32 to index
        %get3A_337 = arith.constant 0 : index
        %get3A_338 = tpu.vector_load %arg14[%get3A_336, %get3A_337] {strides = array<i32>} : memref<128x16xf32, #tpu.memory_space<vmem>>, vector<16xf32>,
        %get3A_339 = arith.index_cast %add3A_305 : i32 to index
        %get3A_340 = arith.constant 32 : index
        %get3A_341 = tpu.vector_load %arg16[%get3A_339, %get3A_340] {strides = array<i32>} : memref<16x128xf32, #tpu.memory_space<vmem>>, vector<16xf32>,
        %mul3A_342 = arith.mulf %get3A_338, %get3A_341 : vector<16xf32>
        %swap3A_343 = arith.index_cast %add3A_335 : i32 to index
        %swap3A_344 = arith.constant 0 : index
        %swap3A_345 = tpu.vector_load %arg18[%swap3A_343, %swap3A_344] {strides = array<i32>} : memref<128x16xf32, #tpu.memory_space<vmem>>, vector<16xf32>,
        tpu.vector_store %arg18[%swap3A_343, %swap3A_344], %mul3A_342 {strides = array<i32>} : memref<128x16xf32, #tpu.memory_space<vmem>>, vector<16xf32>,
        %mul3A_346 = arith.constant 8 : i32
        %mul3A_347 = arith.muli %mul3A_346, %add3A_305 : i32
        %add3A_348 = arith.constant 3 : i32
        %add3A_349 = arith.addi %mul3A_347, %add3A_348 : i32
        %get3A_350 = arith.index_cast %add3A_349 : i32 to index
        %get3A_351 = arith.constant 0 : index
        %get3A_352 = tpu.vector_load %arg14[%get3A_350, %get3A_351] {strides = array<i32>} : memref<128x16xf32, #tpu.memory_space<vmem>>, vector<16xf32>,
        %get3A_353 = arith.index_cast %add3A_305 : i32 to index
        %get3A_354 = arith.constant 48 : index
        %get3A_355 = tpu.vector_load %arg16[%get3A_353, %get3A_354] {strides = array<i32>} : memref<16x128xf32, #tpu.memory_space<vmem>>, vector<16xf32>,
        %mul3A_356 = arith.mulf %get3A_352, %get3A_355 : vector<16xf32>
        %swap3A_357 = arith.index_cast %add3A_349 : i32 to index
        %swap3A_358 = arith.constant 0 : index
        %swap3A_359 = tpu.vector_load %arg18[%swap3A_357, %swap3A_358] {strides = array<i32>} : memref<128x16xf32, #tpu.memory_space<vmem>>, vector<16xf32>,
        tpu.vector_store %arg18[%swap3A_357, %swap3A_358], %mul3A_356 {strides = array<i32>} : memref<128x16xf32, #tpu.memory_space<vmem>>, vector<16xf32>,
        %mul3A_360 = arith.constant 8 : i32
        %mul3A_361 = arith.muli %mul3A_360, %add3A_305 : i32
        %add3A_362 = arith.constant 4 : i32
        %add3A_363 = arith.addi %mul3A_361, %add3A_362 : i32
        %get3A_364 = arith.index_cast %add3A_363 : i32 to index
        %get3A_365 = arith.constant 0 : index
        %get3A_366 = tpu.vector_load %arg14[%get3A_364, %get3A_365] {strides = array<i32>} : memref<128x16xf32, #tpu.memory_space<vmem>>, vector<16xf32>,
        %get3A_367 = arith.index_cast %add3A_305 : i32 to index
        %get3A_368 = arith.constant 64 : index
        %get3A_369 = tpu.vector_load %arg16[%get3A_367, %get3A_368] {strides = array<i32>} : memref<16x128xf32, #tpu.memory_space<vmem>>, vector<16xf32>,
        %mul3A_370 = arith.mulf %get3A_366, %get3A_369 : vector<16xf32>
        %swap3A_371 = arith.index_cast %add3A_363 : i32 to index
        %swap3A_372 = arith.constant 0 : index
        %swap3A_373 = tpu.vector_load %arg18[%swap3A_371, %swap3A_372] {strides = array<i32>} : memref<128x16xf32, #tpu.memory_space<vmem>>, vector<16xf32>,
        tpu.vector_store %arg18[%swap3A_371, %swap3A_372], %mul3A_370 {strides = array<i32>} : memref<128x16xf32, #tpu.memory_space<vmem>>, vector<16xf32>,
        %mul3A_374 = arith.constant 8 : i32
        %mul3A_375 = arith.muli %mul3A_374, %add3A_305 : i32
        %add3A_376 = arith.constant 5 : i32
        %add3A_377 = arith.addi %mul3A_375, %add3A_376 : i32
        %get3A_378 = arith.index_cast %add3A_377 : i32 to index
        %get3A_379 = arith.constant 0 : index
        %get3A_380 = tpu.vector_load %arg14[%get3A_378, %get3A_379] {strides = array<i32>} : memref<128x16xf32, #tpu.memory_space<vmem>>, vector<16xf32>,
        %get3A_381 = arith.index_cast %add3A_305 : i32 to index
        %get3A_382 = arith.constant 80 : index
        %get3A_383 = tpu.vector_load %arg16[%get3A_381, %get3A_382] {strides = array<i32>} : memref<16x128xf32, #tpu.memory_space<vmem>>, vector<16xf32>,
        %mul3A_384 = arith.mulf %get3A_380, %get3A_383 : vector<16xf32>
        %swap3A_385 = arith.index_cast %add3A_377 : i32 to index
        %swap3A_386 = arith.constant 0 : index
        %swap3A_387 = tpu.vector_load %arg18[%swap3A_385, %swap3A_386] {strides = array<i32>} : memref<128x16xf32, #tpu.memory_space<vmem>>, vector<16xf32>,
        tpu.vector_store %arg18[%swap3A_385, %swap3A_386], %mul3A_384 {strides = array<i32>} : memref<128x16xf32, #tpu.memory_space<vmem>>, vector<16xf32>,
        %mul3A_388 = arith.constant 8 : i32
        %mul3A_389 = arith.muli %mul3A_388, %add3A_305 : i32
        %add3A_390 = arith.constant 6 : i32
        %add3A_391 = arith.addi %mul3A_389, %add3A_390 : i32
        %get3A_392 = arith.index_cast %add3A_391 : i32 to index
        %get3A_393 = arith.constant 0 : index
        %get3A_394 = tpu.vector_load %arg14[%get3A_392, %get3A_393] {strides = array<i32>} : memref<128x16xf32, #tpu.memory_space<vmem>>, vector<16xf32>,
        %get3A_395 = arith.index_cast %add3A_305 : i32 to index
        %get3A_396 = arith.constant 96 : index
        %get3A_397 = tpu.vector_load %arg16[%get3A_395, %get3A_396] {strides = array<i32>} : memref<16x128xf32, #tpu.memory_space<vmem>>, vector<16xf32>,
        %mul3A_398 = arith.mulf %get3A_394, %get3A_397 : vector<16xf32>
        %swap3A_399 = arith.index_cast %add3A_391 : i32 to index
        %swap3A_400 = arith.constant 0 : index
        %swap3A_401 = tpu.vector_load %arg18[%swap3A_399, %swap3A_400] {strides = array<i32>} : memref<128x16xf32, #tpu.memory_space<vmem>>, vector<16xf32>,
        tpu.vector_store %arg18[%swap3A_399, %swap3A_400], %mul3A_398 {strides = array<i32>} : memref<128x16xf32, #tpu.memory_space<vmem>>, vector<16xf32>,
        %mul3A_402 = arith.constant 8 : i32
        %mul3A_403 = arith.muli %mul3A_402, %add3A_305 : i32
        %add3A_404 = arith.constant 7 : i32
        %add3A_405 = arith.addi %mul3A_403, %add3A_404 : i32
        %get3A_406 = arith.index_cast %add3A_405 : i32 to index
        %get3A_407 = arith.constant 0 : index
        %get3A_408 = tpu.vector_load %arg14[%get3A_406, %get3A_407] {strides = array<i32>} : memref<128x16xf32, #tpu.memory_space<vmem>>, vector<16xf32>,
        %get3A_409 = arith.index_cast %add3A_305 : i32 to index
        %get3A_410 = arith.constant 112 : index
        %get3A_411 = tpu.vector_load %arg16[%get3A_409, %get3A_410] {strides = array<i32>} : memref<16x128xf32, #tpu.memory_space<vmem>>, vector<16xf32>,
        %mul3A_412 = arith.mulf %get3A_408, %get3A_411 : vector<16xf32>
        %swap3A_413 = arith.index_cast %add3A_405 : i32 to index
        %swap3A_414 = arith.constant 0 : index
        %swap3A_415 = tpu.vector_load %arg18[%swap3A_413, %swap3A_414] {strides = array<i32>} : memref<128x16xf32, #tpu.memory_space<vmem>>, vector<16xf32>,
        tpu.vector_store %arg18[%swap3A_413, %swap3A_414], %mul3A_412 {strides = array<i32>} : memref<128x16xf32, #tpu.memory_space<vmem>>, vector<16xf32>,
      }
      %scan3A_278 = arith.constant 16 : i32
      %dma_start3A_279 = arith.constant 0 : i32
      %dma_start3A_280 = tpu.memref_slice %arg12[%add3A_253, %dma_start3A_279] : memref<80x128xi32, #tpu.memory_space<vmem>> -> memref<1x128xi32, #tpu.memory_space<vmem>>
      %dma_start3A_281 = tpu.memref_squeeze %dma_start3A_280 : memref<1x128xi32, #tpu.memory_space<vmem>> -> memref<128xi32, #tpu.memory_space<vmem>>
      %dma_start3A_282 = arith.constant 0 : i32
      %dma_start3A_283 = arith.constant 0 : i32
      %dma_start3A_284 = tpu.memref_slice %arg10[%dma_start3A_282, %dma_start3A_283] : memref<10240x16xf32, #tpu.memory_space<vmem_shared>> -> memref<10240x16xf32, #tpu.memory_space<vmem_shared>>
      tpu.enqueue_indirect_dma source(%arg18 : memref<128x16xf32, #tpu.memory_space<vmem>>) target(%dma_start3A_284 : memref<10240x16xf32, #tpu.memory_space<vmem_shared>>) offsets(%dma_start3A_281 : memref<128xi32, #tpu.memory_space<vmem>>) semaphore(%arg25 : memref<!tpu.dma_semaphore, #tpu.memory_space<semaphore_mem>>) {add = true}
      %add3A_285 = arith.constant 2 : i32
      %add3A_286 = arith.addi %add3A_253, %add3A_285 : i32
      %dma_start3A_287 = arith.constant 0 : i32
      %dma_start3A_288 = tpu.memref_slice %arg11[%add3A_286, %dma_start3A_287] : memref<82x128xi32, #tpu.memory_space<vmem>> -> memref<1x128xi32, #tpu.memory_space<vmem>>
      %dma_start3A_289 = tpu.memref_squeeze %dma_start3A_288 : memref<1x128xi32, #tpu.memory_space<vmem>> -> memref<128xi32, #tpu.memory_space<vmem>>
      %dma_start3A_290 = arith.constant 0 : i32
      %dma_start3A_291 = arith.constant 0 : i32
      %dma_start3A_292 = tpu.memref_slice %arg9[%dma_start3A_290, %dma_start3A_291] : memref<10240x16xf32, #tpu.memory_space<vmem_shared>> -> memref<10240x16xf32, #tpu.memory_space<vmem_shared>>
      tpu.enqueue_indirect_dma source(%dma_start3A_292 : memref<10240x16xf32, #tpu.memory_space<vmem_shared>>) target(%arg14 : memref<128x16xf32, #tpu.memory_space<vmem>>) offsets(%dma_start3A_289 : memref<128xi32, #tpu.memory_space<vmem>>) semaphore(%arg21 : memref<!tpu.dma_semaphore, #tpu.memory_space<semaphore_mem>>)
      %mul3A_293 = arith.constant 16 : i32
      %mul3A_294 = arith.muli %mul3A_293, %add3A_286 : i32
      %dma_start3A_295 = arith.constant 0 : i32
      %dma_start3A_296 = tpu.memref_slice %arg6[%add3A, %mul3A_294, %dma_start3A_295] : memref<32x1408x128xf32, #tpu.memory_space<hbm>> -> memref<1x16x128xf32, #tpu.memory_space<hbm>>
      %dma_start3A_297 = tpu.memref_squeeze %dma_start3A_296 : memref<1x16x128xf32, #tpu.memory_space<hbm>> -> memref<16x128xf32, #tpu.memory_space<hbm>>
      %dma_start3A_298 = arith.constant 0 : i32
      %dma_start3A_299 = tpu.memref_slice %arg6[%add3A, %mul3A_294, %dma_start3A_298] : memref<32x1408x128xf32, #tpu.memory_space<hbm>> -> memref<1x16x128xf32, #tpu.memory_space<hbm>>
      %dma_start3A_300 = tpu.memref_squeeze %dma_start3A_299 : memref<1x16x128xf32, #tpu.memory_space<hbm>> -> memref<16x128xf32, #tpu.memory_space<hbm>>
      tpu.enqueue_dma source(%dma_start3A_300 : memref<16x128xf32, #tpu.memory_space<hbm>>) target(%arg16 : memref<16x128xf32, #tpu.memory_space<vmem>>) target_semaphore(%arg23 : memref<!tpu.dma_semaphore, #tpu.memory_space<semaphore_mem>>)
    }
    %scan3A_148 = arith.constant 39 : i32
    %dma_wait3A_149 = arith.constant 78 : i32
    %dma_wait3A_150 = arith.constant 0 : i32
    %dma_wait3A_151 = tpu.memref_slice %arg12[%dma_wait3A_149, %dma_wait3A_150] : memref<80x128xi32, #tpu.memory_space<vmem>> -> memref<1x128xi32, #tpu.memory_space<vmem>>
    %dma_wait3A_152 = tpu.memref_squeeze %dma_wait3A_151 : memref<1x128xi32, #tpu.memory_space<vmem>> -> memref<128xi32, #tpu.memory_space<vmem>>
    %dma_wait3A_153 = arith.constant 0 : i32
    %dma_wait3A_154 = arith.constant 0 : i32
    %dma_wait3A_155 = tpu.memref_slice %arg10[%dma_wait3A_153, %dma_wait3A_154] : memref<10240x16xf32, #tpu.memory_space<vmem_shared>> -> memref<10240x16xf32, #tpu.memory_space<vmem_shared>>
    tpu.wait_indirect_dma semaphore(%arg24 : memref<!tpu.dma_semaphore, #tpu.memory_space<semaphore_mem>>) src(%arg17 : memref<128x16xf32, #tpu.memory_space<vmem>>) dst(%dma_wait3A_155 : memref<10240x16xf32, #tpu.memory_space<vmem_shared>>)
    %dma_wait3A_156 = arith.constant 80 : i32
    %dma_wait3A_157 = arith.constant 0 : i32
    %dma_wait3A_158 = tpu.memref_slice %arg11[%dma_wait3A_156, %dma_wait3A_157] : memref<82x128xi32, #tpu.memory_space<vmem>> -> memref<1x128xi32, #tpu.memory_space<vmem>>
    %dma_wait3A_159 = tpu.memref_squeeze %dma_wait3A_158 : memref<1x128xi32, #tpu.memory_space<vmem>> -> memref<128xi32, #tpu.memory_space<vmem>>
    %dma_wait3A_160 = arith.constant 0 : i32
    %dma_wait3A_161 = arith.constant 0 : i32
    %dma_wait3A_162 = tpu.memref_slice %arg9[%dma_wait3A_160, %dma_wait3A_161] : memref<10240x16xf32, #tpu.memory_space<vmem_shared>> -> memref<10240x16xf32, #tpu.memory_space<vmem_shared>>
    tpu.wait_indirect_dma semaphore(%arg20 : memref<!tpu.dma_semaphore, #tpu.memory_space<semaphore_mem>>) src(%dma_wait3A_162 : memref<10240x16xf32, #tpu.memory_space<vmem_shared>>) dst(%arg13 : memref<128x16xf32, #tpu.memory_space<vmem>>)
    %dma_wait3A_163 = arith.constant 0 : i32
    %dma_wait3A_164 = arith.constant 0 : i32
    %dma_wait3A_165 = tpu.memref_slice %arg6[%add3A, %dma_wait3A_163, %dma_wait3A_164] : memref<32x1408x128xf32, #tpu.memory_space<hbm>> -> memref<1x16x128xf32, #tpu.memory_space<hbm>>
    %dma_wait3A_166 = tpu.memref_squeeze %dma_wait3A_165 : memref<1x16x128xf32, #tpu.memory_space<hbm>> -> memref<16x128xf32, #tpu.memory_space<hbm>>
    %dma_wait3A_167 = arith.constant 0 : i32
    %dma_wait3A_168 = arith.constant 0 : i32
    %dma_wait3A_169 = tpu.memref_slice %arg6[%add3A, %dma_wait3A_167, %dma_wait3A_168] : memref<32x1408x128xf32, #tpu.memory_space<hbm>> -> memref<1x16x128xf32, #tpu.memory_space<hbm>>
    %dma_wait3A_170 = tpu.memref_squeeze %dma_wait3A_169 : memref<1x16x128xf32, #tpu.memory_space<hbm>> -> memref<16x128xf32, #tpu.memory_space<hbm>>
    tpu.wait_dma2 semaphore(%arg22 : memref<!tpu.dma_semaphore, #tpu.memory_space<semaphore_mem>>) src(%dma_wait3A_170 : memref<16x128xf32, #tpu.memory_space<hbm>>) dst(%arg15 : memref<16x128xf32, #tpu.memory_space<vmem>>)
    %dma_wait3A_171 = arith.constant 79 : i32
    %dma_wait3A_172 = arith.constant 0 : i32
    %dma_wait3A_173 = tpu.memref_slice %arg12[%dma_wait3A_171, %dma_wait3A_172] : memref<80x128xi32, #tpu.memory_space<vmem>> -> memref<1x128xi32, #tpu.memory_space<vmem>>
    %dma_wait3A_174 = tpu.memref_squeeze %dma_wait3A_173 : memref<1x128xi32, #tpu.memory_space<vmem>> -> memref<128xi32, #tpu.memory_space<vmem>>
    %dma_wait3A_175 = arith.constant 0 : i32
    %dma_wait3A_176 = arith.constant 0 : i32
    %dma_wait3A_177 = tpu.memref_slice %arg10[%dma_wait3A_175, %dma_wait3A_176] : memref<10240x16xf32, #tpu.memory_space<vmem_shared>> -> memref<10240x16xf32, #tpu.memory_space<vmem_shared>>
    tpu.wait_indirect_dma semaphore(%arg25 : memref<!tpu.dma_semaphore, #tpu.memory_space<semaphore_mem>>) src(%arg18 : memref<128x16xf32, #tpu.memory_space<vmem>>) dst(%dma_wait3A_177 : memref<10240x16xf32, #tpu.memory_space<vmem_shared>>)
    %dma_wait3A_178 = arith.constant 81 : i32
    %dma_wait3A_179 = arith.constant 0 : i32
    %dma_wait3A_180 = tpu.memref_slice %arg11[%dma_wait3A_178, %dma_wait3A_179] : memref<82x128xi32, #tpu.memory_space<vmem>> -> memref<1x128xi32, #tpu.memory_space<vmem>>
    %dma_wait3A_181 = tpu.memref_squeeze %dma_wait3A_180 : memref<1x128xi32, #tpu.memory_space<vmem>> -> memref<128xi32, #tpu.memory_space<vmem>>
    %dma_wait3A_182 = arith.constant 0 : i32
    %dma_wait3A_183 = arith.constant 0 : i32
    %dma_wait3A_184 = tpu.memref_slice %arg9[%dma_wait3A_182, %dma_wait3A_183] : memref<10240x16xf32, #tpu.memory_space<vmem_shared>> -> memref<10240x16xf32, #tpu.memory_space<vmem_shared>>
    tpu.wait_indirect_dma semaphore(%arg21 : memref<!tpu.dma_semaphore, #tpu.memory_space<semaphore_mem>>) src(%dma_wait3A_184 : memref<10240x16xf32, #tpu.memory_space<vmem_shared>>) dst(%arg14 : memref<128x16xf32, #tpu.memory_space<vmem>>)
    %dma_wait3A_185 = arith.constant 0 : i32
    %dma_wait3A_186 = arith.constant 0 : i32
    %dma_wait3A_187 = tpu.memref_slice %arg6[%add3A, %dma_wait3A_185, %dma_wait3A_186] : memref<32x1408x128xf32, #tpu.memory_space<hbm>> -> memref<1x16x128xf32, #tpu.memory_space<hbm>>
    %dma_wait3A_188 = tpu.memref_squeeze %dma_wait3A_187 : memref<1x16x128xf32, #tpu.memory_space<hbm>> -> memref<16x128xf32, #tpu.memory_space<hbm>>
    %dma_wait3A_189 = arith.constant 0 : i32
    %dma_wait3A_190 = arith.constant 0 : i32
    %dma_wait3A_191 = tpu.memref_slice %arg6[%add3A, %dma_wait3A_189, %dma_wait3A_190] : memref<32x1408x128xf32, #tpu.memory_space<hbm>> -> memref<1x16x128xf32, #tpu.memory_space<hbm>>
    %dma_wait3A_192 = tpu.memref_squeeze %dma_wait3A_191 : memref<1x16x128xf32, #tpu.memory_space<hbm>> -> memref<16x128xf32, #tpu.memory_space<hbm>>
    tpu.wait_dma2 semaphore(%arg23 : memref<!tpu.dma_semaphore, #tpu.memory_space<semaphore_mem>>) src(%dma_wait3A_192 : memref<16x128xf32, #tpu.memory_space<hbm>>) dst(%arg16 : memref<16x128xf32, #tpu.memory_space<vmem>>)
    %barrier3A_193 = arith.constant 0 : index
    tpu.barrier barrier_id(%barrier3A_193)
    "tpu.region"() ({
      %run_scoped3A_194 = tpu.sem_alloc : memref<!tpu.dma_semaphore, #tpu.memory_space<semaphore_mem>>
      %dma_start3A_195 = arith.constant 0 : i32
      %dma_start3A_196 = tpu.memref_slice %arg10[%mul3A_0, %dma_start3A_195] : memref<10240x16xf32, #tpu.memory_space<vmem_shared>> -> memref<640x16xf32, #tpu.memory_space<vmem_shared>>
      %dma_start3A_197 = arith.constant 0 : i32
      %dma_start3A_198 = tpu.memref_slice %arg10[%mul3A_0, %dma_start3A_197] : memref<10240x16xf32, #tpu.memory_space<vmem_shared>> -> memref<640x16xf32, #tpu.memory_space<vmem_shared>>
      tpu.enqueue_dma source(%dma_start3A_198 : memref<640x16xf32, #tpu.memory_space<vmem_shared>>) target(%arg19 : memref<640x16xf32, #tpu.memory_space<vmem>>) target_semaphore(%run_scoped3A_194 : memref<!tpu.dma_semaphore, #tpu.memory_space<semaphore_mem>>)
      %dma_wait3A_199 = arith.constant 0 : i32
      %dma_wait3A_200 = tpu.memref_slice %arg10[%mul3A_0, %dma_wait3A_199] : memref<10240x16xf32, #tpu.memory_space<vmem_shared>> -> memref<640x16xf32, #tpu.memory_space<vmem_shared>>
      %dma_wait3A_201 = arith.constant 0 : i32
      %dma_wait3A_202 = tpu.memref_slice %arg10[%mul3A_0, %dma_wait3A_201] : memref<10240x16xf32, #tpu.memory_space<vmem_shared>> -> memref<640x16xf32, #tpu.memory_space<vmem_shared>>
      tpu.wait_dma2 semaphore(%run_scoped3A_194 : memref<!tpu.dma_semaphore, #tpu.memory_space<semaphore_mem>>) src(%dma_wait3A_202 : memref<640x16xf32, #tpu.memory_space<vmem_shared>>) dst(%arg19 : memref<640x16xf32, #tpu.memory_space<vmem>>)
      tpu.yield
    }) : () -> ()
    "tpu.region"() ({
      %run_scoped3A_194 = tpu.sem_alloc : memref<!tpu.dma_semaphore, #tpu.memory_space<semaphore_mem>>
      %dma_start3A_195 = arith.constant 0 : i32
      %dma_start3A_196 = tpu.memref_slice %arg7[%arg0, %mul3A_0, %dma_start3A_195] : memref<2x10240x16xf32, #tpu.memory_space<hbm>> -> memref<1x640x16xf32, #tpu.memory_space<hbm>>
      %dma_start3A_197 = tpu.memref_squeeze %dma_start3A_196 : memref<1x640x16xf32, #tpu.memory_space<hbm>> -> memref<640x16xf32, #tpu.memory_space<hbm>>
      %dma_start3A_198 = arith.constant 0 : i32
      %dma_start3A_199 = tpu.memref_slice %arg7[%arg0, %mul3A_0, %dma_start3A_198] : memref<2x10240x16xf32, #tpu.memory_space<hbm>> -> memref<1x640x16xf32, #tpu.memory_space<hbm>>
      %dma_start3A_200 = tpu.memref_squeeze %dma_start3A_199 : memref<1x640x16xf32, #tpu.memory_space<hbm>> -> memref<640x16xf32, #tpu.memory_space<hbm>>
      tpu.enqueue_dma source(%arg19 : memref<640x16xf32, #tpu.memory_space<vmem>>) target(%dma_start3A_200 : memref<640x16xf32, #tpu.memory_space<hbm>>) target_semaphore(%run_scoped3A_194 : memref<!tpu.dma_semaphore, #tpu.memory_space<semaphore_mem>>)
      %dma_wait3A_201 = arith.constant 0 : i32
      %dma_wait3A_202 = tpu.memref_slice %arg7[%arg0, %mul3A_0, %dma_wait3A_201] : memref<2x10240x16xf32, #tpu.memory_space<hbm>> -> memref<1x640x16xf32, #tpu.memory_space<hbm>>
      %dma_wait3A_203 = tpu.memref_squeeze %dma_wait3A_202 : memref<1x640x16xf32, #tpu.memory_space<hbm>> -> memref<640x16xf32, #tpu.memory_space<hbm>>
      %dma_wait3A_204 = arith.constant 0 : i32
      %dma_wait3A_205 = tpu.memref_slice %arg7[%arg0, %mul3A_0, %dma_wait3A_204] : memref<2x10240x16xf32, #tpu.memory_space<hbm>> -> memref<1x640x16xf32, #tpu.memory_space<hbm>>
      %dma_wait3A_206 = tpu.memref_squeeze %dma_wait3A_205 : memref<1x640x16xf32, #tpu.memory_space<hbm>> -> memref<640x16xf32, #tpu.memory_space<hbm>>
      tpu.wait_dma2 semaphore(%run_scoped3A_194 : memref<!tpu.dma_semaphore, #tpu.memory_space<semaphore_mem>>) src(%arg19 : memref<640x16xf32, #tpu.memory_space<vmem>>) dst(%dma_wait3A_206 : memref<640x16xf32, #tpu.memory_space<hbm>>)
      tpu.yield
    }) : () -> ()
    return
  }
}

#map = affine_map<(d0, d1) -> (0, 0, 0)>
#map1 = affine_map<(d0, d1) -> (0, 0)>
module attributes {stable_mosaic.version = 14 : i64} {
  func.func @k(%arg0: i32, %arg1: i32, %arg2: memref<2x10240x16xf32, #tpu.memory_space<hbm>>, %arg3: memref<10240x16xf32, #tpu.memory_space<hbm>>, %arg4: memref<1x16xf32, #tpu.memory_space<hbm>>, %arg5: memref<32x88x128xi32, #tpu.memory_space<hbm>>, %arg6: memref<32x88x128xi32, #tpu.memory_space<hbm>>, %arg7: memref<32x1408x128xf32, #tpu.memory_space<hbm>>, %arg8: memref<2x10240x16xf32, #tpu.memory_space<hbm>>, %arg9: memref<10240x16xf32, #tpu.memory_space<vmem_shared>>, %arg10: memref<10240x16xf32, #tpu.memory_space<vmem_shared>>, %arg11: memref<82x128xi32, #tpu.memory_space<vmem>>, %arg12: memref<80x128xi32, #tpu.memory_space<vmem>>, %arg13: memref<128x16xf32, #tpu.memory_space<vmem>>, %arg14: memref<128x16xf32, #tpu.memory_space<vmem>>, %arg15: memref<16x128xf32, #tpu.memory_space<vmem>>, %arg16: memref<16x128xf32, #tpu.memory_space<vmem>>, %arg17: memref<128x16xf32, #tpu.memory_space<vmem>>, %arg18: memref<128x16xf32, #tpu.memory_space<vmem>>, %arg19: memref<640x16xf32, #tpu.memory_space<vmem>>, %arg20: memref<!tpu.dma_semaphore, #tpu.memory_space<semaphore_mem>>, %arg21: memref<!tpu.dma_semaphore, #tpu.memory_space<semaphore_mem>>, %arg22: memref<!tpu.dma_semaphore, #tpu.memory_space<semaphore_mem>>, %arg23: memref<!tpu.dma_semaphore, #tpu.memory_space<semaphore_mem>>, %arg24: memref<!tpu.dma_semaphore, #tpu.memory_space<semaphore_mem>>, %arg25: memref<!tpu.dma_semaphore, #tpu.memory_space<semaphore_mem>>, %arg26: memref<640x16xf32, #tpu.memory_space<vmem>>, %arg27: memref<640x16xf32, #tpu.memory_space<vmem>>, %arg28: memref<640x16xf32, #tpu.memory_space<vmem>>, %arg29: memref<1x16xf32, #tpu.memory_space<vmem>>) attributes {dimension_semantics = [#tpu.dimension_semantics<core_parallel>, #tpu.dimension_semantics<subcore_parallel>], iteration_bounds = array<i64: 2, 16>, scalar_prefetch = 0 : i64, scratch_operands = 21 : i64, tpu.core_type = #tpu.core_type<sc_vector_subcore>, window_params = [{transform_indices = #map}, {transform_indices = #map1}, {transform_indices = #map1}, {transform_indices = #map}, {transform_indices = #map}, {transform_indices = #map}, {transform_indices = #map}]} {
    %mul3A = arith.constant 640 : i32
    %mul3A_0 = arith.muli %arg1, %mul3A : i32
    %run_scoped3A = arith.constant 0 : i32
    "tpu.region"() ({
      %run_scoped3A_180 = tpu.sem_alloc : memref<!tpu.dma_semaphore, #tpu.memory_space<semaphore_mem>>
      %dma_start3A_181 = arith.constant 0 : i32
      %dma_start3A_182 = tpu.memref_slice %arg2[%run_scoped3A, %mul3A_0, %dma_start3A_181] : memref<2x10240x16xf32, #tpu.memory_space<hbm>> -> memref<1x640x16xf32, #tpu.memory_space<hbm>>
      %dma_start3A_183 = tpu.memref_squeeze %dma_start3A_182 : memref<1x640x16xf32, #tpu.memory_space<hbm>> -> memref<640x16xf32, #tpu.memory_space<hbm>>
      %dma_start3A_184 = arith.constant 0 : i32
      %dma_start3A_185 = tpu.memref_slice %arg2[%run_scoped3A, %mul3A_0, %dma_start3A_184] : memref<2x10240x16xf32, #tpu.memory_space<hbm>> -> memref<1x640x16xf32, #tpu.memory_space<hbm>>
      %dma_start3A_186 = tpu.memref_squeeze %dma_start3A_185 : memref<1x640x16xf32, #tpu.memory_space<hbm>> -> memref<640x16xf32, #tpu.memory_space<hbm>>
      tpu.enqueue_dma source(%dma_start3A_186 : memref<640x16xf32, #tpu.memory_space<hbm>>) target(%arg26 : memref<640x16xf32, #tpu.memory_space<vmem>>) target_semaphore(%run_scoped3A_180 : memref<!tpu.dma_semaphore, #tpu.memory_space<semaphore_mem>>)
      %dma_wait3A_187 = arith.constant 0 : i32
      %dma_wait3A_188 = tpu.memref_slice %arg2[%run_scoped3A, %mul3A_0, %dma_wait3A_187] : memref<2x10240x16xf32, #tpu.memory_space<hbm>> -> memref<1x640x16xf32, #tpu.memory_space<hbm>>
      %dma_wait3A_189 = tpu.memref_squeeze %dma_wait3A_188 : memref<1x640x16xf32, #tpu.memory_space<hbm>> -> memref<640x16xf32, #tpu.memory_space<hbm>>
      %dma_wait3A_190 = arith.constant 0 : i32
      %dma_wait3A_191 = tpu.memref_slice %arg2[%run_scoped3A, %mul3A_0, %dma_wait3A_190] : memref<2x10240x16xf32, #tpu.memory_space<hbm>> -> memref<1x640x16xf32, #tpu.memory_space<hbm>>
      %dma_wait3A_192 = tpu.memref_squeeze %dma_wait3A_191 : memref<1x640x16xf32, #tpu.memory_space<hbm>> -> memref<640x16xf32, #tpu.memory_space<hbm>>
      tpu.wait_dma2 semaphore(%run_scoped3A_180 : memref<!tpu.dma_semaphore, #tpu.memory_space<semaphore_mem>>) src(%dma_wait3A_192 : memref<640x16xf32, #tpu.memory_space<hbm>>) dst(%arg26 : memref<640x16xf32, #tpu.memory_space<vmem>>)
      tpu.yield
    }) : () -> ()
    %run_scoped3A_1 = arith.constant 1 : i32
    "tpu.region"() ({
      %run_scoped3A_180 = tpu.sem_alloc : memref<!tpu.dma_semaphore, #tpu.memory_space<semaphore_mem>>
      %dma_start3A_181 = arith.constant 0 : i32
      %dma_start3A_182 = tpu.memref_slice %arg2[%run_scoped3A_1, %mul3A_0, %dma_start3A_181] : memref<2x10240x16xf32, #tpu.memory_space<hbm>> -> memref<1x640x16xf32, #tpu.memory_space<hbm>>
      %dma_start3A_183 = tpu.memref_squeeze %dma_start3A_182 : memref<1x640x16xf32, #tpu.memory_space<hbm>> -> memref<640x16xf32, #tpu.memory_space<hbm>>
      %dma_start3A_184 = arith.constant 0 : i32
      %dma_start3A_185 = tpu.memref_slice %arg2[%run_scoped3A_1, %mul3A_0, %dma_start3A_184] : memref<2x10240x16xf32, #tpu.memory_space<hbm>> -> memref<1x640x16xf32, #tpu.memory_space<hbm>>
      %dma_start3A_186 = tpu.memref_squeeze %dma_start3A_185 : memref<1x640x16xf32, #tpu.memory_space<hbm>> -> memref<640x16xf32, #tpu.memory_space<hbm>>
      tpu.enqueue_dma source(%dma_start3A_186 : memref<640x16xf32, #tpu.memory_space<hbm>>) target(%arg27 : memref<640x16xf32, #tpu.memory_space<vmem>>) target_semaphore(%run_scoped3A_180 : memref<!tpu.dma_semaphore, #tpu.memory_space<semaphore_mem>>)
      %dma_wait3A_187 = arith.constant 0 : i32
      %dma_wait3A_188 = tpu.memref_slice %arg2[%run_scoped3A_1, %mul3A_0, %dma_wait3A_187] : memref<2x10240x16xf32, #tpu.memory_space<hbm>> -> memref<1x640x16xf32, #tpu.memory_space<hbm>>
      %dma_wait3A_189 = tpu.memref_squeeze %dma_wait3A_188 : memref<1x640x16xf32, #tpu.memory_space<hbm>> -> memref<640x16xf32, #tpu.memory_space<hbm>>
      %dma_wait3A_190 = arith.constant 0 : i32
      %dma_wait3A_191 = tpu.memref_slice %arg2[%run_scoped3A_1, %mul3A_0, %dma_wait3A_190] : memref<2x10240x16xf32, #tpu.memory_space<hbm>> -> memref<1x640x16xf32, #tpu.memory_space<hbm>>
      %dma_wait3A_192 = tpu.memref_squeeze %dma_wait3A_191 : memref<1x640x16xf32, #tpu.memory_space<hbm>> -> memref<640x16xf32, #tpu.memory_space<hbm>>
      tpu.wait_dma2 semaphore(%run_scoped3A_180 : memref<!tpu.dma_semaphore, #tpu.memory_space<semaphore_mem>>) src(%dma_wait3A_192 : memref<640x16xf32, #tpu.memory_space<hbm>>) dst(%arg27 : memref<640x16xf32, #tpu.memory_space<vmem>>)
      tpu.yield
    }) : () -> ()
    "tpu.region"() ({
      %run_scoped3A_180 = tpu.sem_alloc : memref<!tpu.dma_semaphore, #tpu.memory_space<semaphore_mem>>
      %dma_start3A_181 = arith.constant 0 : i32
      %dma_start3A_182 = tpu.memref_slice %arg3[%mul3A_0, %dma_start3A_181] : memref<10240x16xf32, #tpu.memory_space<hbm>> -> memref<640x16xf32, #tpu.memory_space<hbm>>
      %dma_start3A_183 = arith.constant 0 : i32
      %dma_start3A_184 = tpu.memref_slice %arg3[%mul3A_0, %dma_start3A_183] : memref<10240x16xf32, #tpu.memory_space<hbm>> -> memref<640x16xf32, #tpu.memory_space<hbm>>
      tpu.enqueue_dma source(%dma_start3A_184 : memref<640x16xf32, #tpu.memory_space<hbm>>) target(%arg28 : memref<640x16xf32, #tpu.memory_space<vmem>>) target_semaphore(%run_scoped3A_180 : memref<!tpu.dma_semaphore, #tpu.memory_space<semaphore_mem>>)
      %dma_wait3A_185 = arith.constant 0 : i32
      %dma_wait3A_186 = tpu.memref_slice %arg3[%mul3A_0, %dma_wait3A_185] : memref<10240x16xf32, #tpu.memory_space<hbm>> -> memref<640x16xf32, #tpu.memory_space<hbm>>
      %dma_wait3A_187 = arith.constant 0 : i32
      %dma_wait3A_188 = tpu.memref_slice %arg3[%mul3A_0, %dma_wait3A_187] : memref<10240x16xf32, #tpu.memory_space<hbm>> -> memref<640x16xf32, #tpu.memory_space<hbm>>
      tpu.wait_dma2 semaphore(%run_scoped3A_180 : memref<!tpu.dma_semaphore, #tpu.memory_space<semaphore_mem>>) src(%dma_wait3A_188 : memref<640x16xf32, #tpu.memory_space<hbm>>) dst(%arg28 : memref<640x16xf32, #tpu.memory_space<vmem>>)
      tpu.yield
    }) : () -> ()
    "tpu.region"() ({
      %run_scoped3A_180 = tpu.sem_alloc : memref<!tpu.dma_semaphore, #tpu.memory_space<semaphore_mem>>
      tpu.enqueue_dma source(%arg4 : memref<1x16xf32, #tpu.memory_space<hbm>>) target(%arg29 : memref<1x16xf32, #tpu.memory_space<vmem>>) target_semaphore(%run_scoped3A_180 : memref<!tpu.dma_semaphore, #tpu.memory_space<semaphore_mem>>)
      tpu.wait_dma2 semaphore(%run_scoped3A_180 : memref<!tpu.dma_semaphore, #tpu.memory_space<semaphore_mem>>) src(%arg4 : memref<1x16xf32, #tpu.memory_space<hbm>>) dst(%arg29 : memref<1x16xf32, #tpu.memory_space<vmem>>)
      tpu.yield
    }) : () -> ()
    %get3A = arith.constant 0 : i32
    %get3A_2 = arith.index_cast %get3A : i32 to index
    %get3A_3 = arith.constant 0 : index
    %get3A_4 = tpu.vector_load %arg29[%get3A_2, %get3A_3] {strides = array<i32>} : memref<1x16xf32, #tpu.memory_space<vmem>>, vector<16xf32>,
    %scan3A = arith.constant 0 : i32
    %scan3A_5 = arith.constant 640 : i32
    %scan3A_6 = arith.addi %scan3A, %scan3A_5 : i32
    %scan3A_7 = arith.constant 1 : i32
    scf.for %scan3A_180 = %scan3A to %scan3A_6 step %scan3A_7  : i32 {
      %mul3A_181 = arith.constant 1 : i32
      %mul3A_182 = arith.muli %scan3A_180, %mul3A_181 : i32
      %add3A_183 = arith.constant 0 : i32
      %add3A_184 = arith.addi %add3A_183, %mul3A_182 : i32
      %get3A_185 = arith.index_cast %add3A_184 : i32 to index
      %get3A_186 = arith.constant 0 : index
      %get3A_187 = tpu.vector_load %arg28[%get3A_185, %get3A_186] {strides = array<i32>} : memref<640x16xf32, #tpu.memory_space<vmem>>, vector<16xf32>,
      %get3A_188 = arith.index_cast %add3A_184 : i32 to index
      %get3A_189 = arith.constant 0 : index
      %get3A_190 = tpu.vector_load %arg26[%get3A_188, %get3A_189] {strides = array<i32>} : memref<640x16xf32, #tpu.memory_space<vmem>>, vector<16xf32>,
      %get3A_191 = arith.index_cast %add3A_184 : i32 to index
      %get3A_192 = arith.constant 0 : index
      %get3A_193 = tpu.vector_load %arg27[%get3A_191, %get3A_192] {strides = array<i32>} : memref<640x16xf32, #tpu.memory_space<vmem>>, vector<16xf32>,
      %add3A_194 = arith.addf %get3A_190, %get3A_193 : vector<16xf32>
      %mul3A_195 = arith.mulf %get3A_187, %add3A_194 : vector<16xf32>
      %add3A_196 = arith.addf %mul3A_195, %get3A_4 : vector<16xf32>
      %max3A = arith.constant 0.000000e+00 : f32
      %max3A_197 = vector.broadcast %max3A : f32 to vector<16xf32>
      %max3A_198 = arith.maximumf %add3A_196, %max3A_197 : vector<16xf32>
      %mul3A_199 = arith.mulf %get3A_187, %max3A_198 : vector<16xf32>
      %swap3A = arith.index_cast %add3A_184 : i32 to index
      %swap3A_200 = arith.constant 0 : index
      %swap3A_201 = tpu.vector_load %arg19[%swap3A, %swap3A_200] {strides = array<i32>} : memref<640x16xf32, #tpu.memory_space<vmem>>, vector<16xf32>,
      tpu.vector_store %arg19[%swap3A, %swap3A_200], %mul3A_199 {strides = array<i32>} : memref<640x16xf32, #tpu.memory_space<vmem>>, vector<16xf32>,
    }
    %scan3A_8 = arith.constant 640 : i32
    "tpu.region"() ({
      %run_scoped3A_180 = tpu.sem_alloc : memref<!tpu.dma_semaphore, #tpu.memory_space<semaphore_mem>>
      %dma_start3A_181 = arith.constant 0 : i32
      %dma_start3A_182 = tpu.memref_slice %arg9[%mul3A_0, %dma_start3A_181] : memref<10240x16xf32, #tpu.memory_space<vmem_shared>> -> memref<640x16xf32, #tpu.memory_space<vmem_shared>>
      %dma_start3A_183 = arith.constant 0 : i32
      %dma_start3A_184 = tpu.memref_slice %arg9[%mul3A_0, %dma_start3A_183] : memref<10240x16xf32, #tpu.memory_space<vmem_shared>> -> memref<640x16xf32, #tpu.memory_space<vmem_shared>>
      tpu.enqueue_dma source(%arg19 : memref<640x16xf32, #tpu.memory_space<vmem>>) target(%dma_start3A_184 : memref<640x16xf32, #tpu.memory_space<vmem_shared>>) target_semaphore(%run_scoped3A_180 : memref<!tpu.dma_semaphore, #tpu.memory_space<semaphore_mem>>)
      %dma_wait3A_185 = arith.constant 0 : i32
      %dma_wait3A_186 = tpu.memref_slice %arg9[%mul3A_0, %dma_wait3A_185] : memref<10240x16xf32, #tpu.memory_space<vmem_shared>> -> memref<640x16xf32, #tpu.memory_space<vmem_shared>>
      %dma_wait3A_187 = arith.constant 0 : i32
      %dma_wait3A_188 = tpu.memref_slice %arg9[%mul3A_0, %dma_wait3A_187] : memref<10240x16xf32, #tpu.memory_space<vmem_shared>> -> memref<640x16xf32, #tpu.memory_space<vmem_shared>>
      tpu.wait_dma2 semaphore(%run_scoped3A_180 : memref<!tpu.dma_semaphore, #tpu.memory_space<semaphore_mem>>) src(%arg19 : memref<640x16xf32, #tpu.memory_space<vmem>>) dst(%dma_wait3A_188 : memref<640x16xf32, #tpu.memory_space<vmem_shared>>)
      tpu.yield
    }) : () -> ()
    %eq3A = arith.constant 0 : i32
    %eq3A_9 = arith.cmpi eq, %arg0, %eq3A : i32
    %convert_element_type3A = arith.extui %eq3A_9 : i1 to i32
    %cond3A = arith.constant 0 : i32
    %cond3A_10 = arith.cmpi ne, %convert_element_type3A, %cond3A : i32
    scf.if %cond3A_10 {
      "tpu.region"() ({
        %run_scoped3A_180 = tpu.sem_alloc : memref<!tpu.dma_semaphore, #tpu.memory_space<semaphore_mem>>
        %dma_start3A_181 = arith.constant 0 : i32
        %dma_start3A_182 = tpu.memref_slice %arg10[%mul3A_0, %dma_start3A_181] : memref<10240x16xf32, #tpu.memory_space<vmem_shared>> -> memref<640x16xf32, #tpu.memory_space<vmem_shared>>
        %dma_start3A_183 = arith.constant 0 : i32
        %dma_start3A_184 = tpu.memref_slice %arg10[%mul3A_0, %dma_start3A_183] : memref<10240x16xf32, #tpu.memory_space<vmem_shared>> -> memref<640x16xf32, #tpu.memory_space<vmem_shared>>
        tpu.enqueue_dma source(%arg19 : memref<640x16xf32, #tpu.memory_space<vmem>>) target(%dma_start3A_184 : memref<640x16xf32, #tpu.memory_space<vmem_shared>>) target_semaphore(%run_scoped3A_180 : memref<!tpu.dma_semaphore, #tpu.memory_space<semaphore_mem>>)
        %dma_wait3A_185 = arith.constant 0 : i32
        %dma_wait3A_186 = tpu.memref_slice %arg10[%mul3A_0, %dma_wait3A_185] : memref<10240x16xf32, #tpu.memory_space<vmem_shared>> -> memref<640x16xf32, #tpu.memory_space<vmem_shared>>
        %dma_wait3A_187 = arith.constant 0 : i32
        %dma_wait3A_188 = tpu.memref_slice %arg10[%mul3A_0, %dma_wait3A_187] : memref<10240x16xf32, #tpu.memory_space<vmem_shared>> -> memref<640x16xf32, #tpu.memory_space<vmem_shared>>
        tpu.wait_dma2 semaphore(%run_scoped3A_180 : memref<!tpu.dma_semaphore, #tpu.memory_space<semaphore_mem>>) src(%arg19 : memref<640x16xf32, #tpu.memory_space<vmem>>) dst(%dma_wait3A_188 : memref<640x16xf32, #tpu.memory_space<vmem_shared>>)
        tpu.yield
      }) : () -> ()
    } else {
    }
    %eq3A_11 = arith.constant 1 : i32
    %eq3A_12 = arith.cmpi eq, %arg0, %eq3A_11 : i32
    %convert_element_type3A_13 = arith.extui %eq3A_12 : i1 to i32
    %cond3A_14 = arith.constant 0 : i32
    %cond3A_15 = arith.cmpi ne, %convert_element_type3A_13, %cond3A_14 : i32
    scf.if %cond3A_15 {
      %broadcast_in_dim3A = arith.constant 0.000000e+00 : f32
      %broadcast_in_dim3A_180 = vector.broadcast %broadcast_in_dim3A : f32 to vector<16xf32>
      %scan3A_181 = arith.constant 0 : i32
      %scan3A_182 = arith.constant 640 : i32
      %scan3A_183 = arith.addi %scan3A_181, %scan3A_182 : i32
      %scan3A_184 = arith.constant 1 : i32
      scf.for %scan3A_186 = %scan3A_181 to %scan3A_183 step %scan3A_184  : i32 {
        %mul3A_187 = arith.constant 1 : i32
        %mul3A_188 = arith.muli %scan3A_186, %mul3A_187 : i32
        %add3A_189 = arith.constant 0 : i32
        %add3A_190 = arith.addi %add3A_189, %mul3A_188 : i32
        %swap3A = arith.index_cast %add3A_190 : i32 to index
        %swap3A_191 = arith.constant 0 : index
        %swap3A_192 = tpu.vector_load %arg19[%swap3A, %swap3A_191] {strides = array<i32>} : memref<640x16xf32, #tpu.memory_space<vmem>>, vector<16xf32>,
        tpu.vector_store %arg19[%swap3A, %swap3A_191], %broadcast_in_dim3A_180 {strides = array<i32>} : memref<640x16xf32, #tpu.memory_space<vmem>>, vector<16xf32>,
      }
      %scan3A_185 = arith.constant 640 : i32
      "tpu.region"() ({
        %run_scoped3A_186 = tpu.sem_alloc : memref<!tpu.dma_semaphore, #tpu.memory_space<semaphore_mem>>
        %dma_start3A_187 = arith.constant 0 : i32
        %dma_start3A_188 = tpu.memref_slice %arg10[%mul3A_0, %dma_start3A_187] : memref<10240x16xf32, #tpu.memory_space<vmem_shared>> -> memref<640x16xf32, #tpu.memory_space<vmem_shared>>
        %dma_start3A_189 = arith.constant 0 : i32
        %dma_start3A_190 = tpu.memref_slice %arg10[%mul3A_0, %dma_start3A_189] : memref<10240x16xf32, #tpu.memory_space<vmem_shared>> -> memref<640x16xf32, #tpu.memory_space<vmem_shared>>
        tpu.enqueue_dma source(%arg19 : memref<640x16xf32, #tpu.memory_space<vmem>>) target(%dma_start3A_190 : memref<640x16xf32, #tpu.memory_space<vmem_shared>>) target_semaphore(%run_scoped3A_186 : memref<!tpu.dma_semaphore, #tpu.memory_space<semaphore_mem>>)
        %dma_wait3A_191 = arith.constant 0 : i32
        %dma_wait3A_192 = tpu.memref_slice %arg10[%mul3A_0, %dma_wait3A_191] : memref<10240x16xf32, #tpu.memory_space<vmem_shared>> -> memref<640x16xf32, #tpu.memory_space<vmem_shared>>
        %dma_wait3A_193 = arith.constant 0 : i32
        %dma_wait3A_194 = tpu.memref_slice %arg10[%mul3A_0, %dma_wait3A_193] : memref<10240x16xf32, #tpu.memory_space<vmem_shared>> -> memref<640x16xf32, #tpu.memory_space<vmem_shared>>
        tpu.wait_dma2 semaphore(%run_scoped3A_186 : memref<!tpu.dma_semaphore, #tpu.memory_space<semaphore_mem>>) src(%arg19 : memref<640x16xf32, #tpu.memory_space<vmem>>) dst(%dma_wait3A_194 : memref<640x16xf32, #tpu.memory_space<vmem_shared>>)
        tpu.yield
      }) : () -> ()
    } else {
    }
    %barrier3A = arith.constant 0 : index
    tpu.barrier barrier_id(%barrier3A)
    %mul3A_16 = arith.constant 16 : i32
    %mul3A_17 = arith.muli %arg0, %mul3A_16 : i32
    %add3A = arith.addi %mul3A_17, %arg1 : i32
    "tpu.region"() ({
      %run_scoped3A_180 = tpu.sem_alloc : memref<!tpu.dma_semaphore, #tpu.memory_space<semaphore_mem>>
      %dma_start3A_181 = arith.constant 0 : i32
      %dma_start3A_182 = arith.constant 0 : i32
      %dma_start3A_183 = tpu.memref_slice %arg5[%add3A, %dma_start3A_181, %dma_start3A_182] : memref<32x88x128xi32, #tpu.memory_space<hbm>> -> memref<1x82x128xi32, #tpu.memory_space<hbm>>
      %dma_start3A_184 = tpu.memref_squeeze %dma_start3A_183 : memref<1x82x128xi32, #tpu.memory_space<hbm>> -> memref<82x128xi32, #tpu.memory_space<hbm>>
      %dma_start3A_185 = arith.constant 0 : i32
      %dma_start3A_186 = arith.constant 0 : i32
      %dma_start3A_187 = tpu.memref_slice %arg5[%add3A, %dma_start3A_185, %dma_start3A_186] : memref<32x88x128xi32, #tpu.memory_space<hbm>> -> memref<1x82x128xi32, #tpu.memory_space<hbm>>
      %dma_start3A_188 = tpu.memref_squeeze %dma_start3A_187 : memref<1x82x128xi32, #tpu.memory_space<hbm>> -> memref<82x128xi32, #tpu.memory_space<hbm>>
      tpu.enqueue_dma source(%dma_start3A_188 : memref<82x128xi32, #tpu.memory_space<hbm>>) target(%arg11 : memref<82x128xi32, #tpu.memory_space<vmem>>) target_semaphore(%run_scoped3A_180 : memref<!tpu.dma_semaphore, #tpu.memory_space<semaphore_mem>>)
      %dma_wait3A_189 = arith.constant 0 : i32
      %dma_wait3A_190 = arith.constant 0 : i32
      %dma_wait3A_191 = tpu.memref_slice %arg5[%add3A, %dma_wait3A_189, %dma_wait3A_190] : memref<32x88x128xi32, #tpu.memory_space<hbm>> -> memref<1x82x128xi32, #tpu.memory_space<hbm>>
      %dma_wait3A_192 = tpu.memref_squeeze %dma_wait3A_191 : memref<1x82x128xi32, #tpu.memory_space<hbm>> -> memref<82x128xi32, #tpu.memory_space<hbm>>
      %dma_wait3A_193 = arith.constant 0 : i32
      %dma_wait3A_194 = arith.constant 0 : i32
      %dma_wait3A_195 = tpu.memref_slice %arg5[%add3A, %dma_wait3A_193, %dma_wait3A_194] : memref<32x88x128xi32, #tpu.memory_space<hbm>> -> memref<1x82x128xi32, #tpu.memory_space<hbm>>
      %dma_wait3A_196 = tpu.memref_squeeze %dma_wait3A_195 : memref<1x82x128xi32, #tpu.memory_space<hbm>> -> memref<82x128xi32, #tpu.memory_space<hbm>>
      tpu.wait_dma2 semaphore(%run_scoped3A_180 : memref<!tpu.dma_semaphore, #tpu.memory_space<semaphore_mem>>) src(%dma_wait3A_196 : memref<82x128xi32, #tpu.memory_space<hbm>>) dst(%arg11 : memref<82x128xi32, #tpu.memory_space<vmem>>)
      tpu.yield
    }) : () -> ()
    "tpu.region"() ({
      %run_scoped3A_180 = tpu.sem_alloc : memref<!tpu.dma_semaphore, #tpu.memory_space<semaphore_mem>>
      %dma_start3A_181 = arith.constant 0 : i32
      %dma_start3A_182 = arith.constant 0 : i32
      %dma_start3A_183 = tpu.memref_slice %arg6[%add3A, %dma_start3A_181, %dma_start3A_182] : memref<32x88x128xi32, #tpu.memory_space<hbm>> -> memref<1x80x128xi32, #tpu.memory_space<hbm>>
      %dma_start3A_184 = tpu.memref_squeeze %dma_start3A_183 : memref<1x80x128xi32, #tpu.memory_space<hbm>> -> memref<80x128xi32, #tpu.memory_space<hbm>>
      %dma_start3A_185 = arith.constant 0 : i32
      %dma_start3A_186 = arith.constant 0 : i32
      %dma_start3A_187 = tpu.memref_slice %arg6[%add3A, %dma_start3A_185, %dma_start3A_186] : memref<32x88x128xi32, #tpu.memory_space<hbm>> -> memref<1x80x128xi32, #tpu.memory_space<hbm>>
      %dma_start3A_188 = tpu.memref_squeeze %dma_start3A_187 : memref<1x80x128xi32, #tpu.memory_space<hbm>> -> memref<80x128xi32, #tpu.memory_space<hbm>>
      tpu.enqueue_dma source(%dma_start3A_188 : memref<80x128xi32, #tpu.memory_space<hbm>>) target(%arg12 : memref<80x128xi32, #tpu.memory_space<vmem>>) target_semaphore(%run_scoped3A_180 : memref<!tpu.dma_semaphore, #tpu.memory_space<semaphore_mem>>)
      %dma_wait3A_189 = arith.constant 0 : i32
      %dma_wait3A_190 = arith.constant 0 : i32
      %dma_wait3A_191 = tpu.memref_slice %arg6[%add3A, %dma_wait3A_189, %dma_wait3A_190] : memref<32x88x128xi32, #tpu.memory_space<hbm>> -> memref<1x80x128xi32, #tpu.memory_space<hbm>>
      %dma_wait3A_192 = tpu.memref_squeeze %dma_wait3A_191 : memref<1x80x128xi32, #tpu.memory_space<hbm>> -> memref<80x128xi32, #tpu.memory_space<hbm>>
      %dma_wait3A_193 = arith.constant 0 : i32
      %dma_wait3A_194 = arith.constant 0 : i32
      %dma_wait3A_195 = tpu.memref_slice %arg6[%add3A, %dma_wait3A_193, %dma_wait3A_194] : memref<32x88x128xi32, #tpu.memory_space<hbm>> -> memref<1x80x128xi32, #tpu.memory_space<hbm>>
      %dma_wait3A_196 = tpu.memref_squeeze %dma_wait3A_195 : memref<1x80x128xi32, #tpu.memory_space<hbm>> -> memref<80x128xi32, #tpu.memory_space<hbm>>
      tpu.wait_dma2 semaphore(%run_scoped3A_180 : memref<!tpu.dma_semaphore, #tpu.memory_space<semaphore_mem>>) src(%dma_wait3A_196 : memref<80x128xi32, #tpu.memory_space<hbm>>) dst(%arg12 : memref<80x128xi32, #tpu.memory_space<vmem>>)
      tpu.yield
    }) : () -> ()
    %dma_start3A = arith.constant 0 : i32
    %dma_start3A_18 = arith.constant 0 : i32
    %dma_start3A_19 = tpu.memref_slice %arg11[%dma_start3A, %dma_start3A_18] : memref<82x128xi32, #tpu.memory_space<vmem>> -> memref<1x128xi32, #tpu.memory_space<vmem>>
    %dma_start3A_20 = tpu.memref_squeeze %dma_start3A_19 : memref<1x128xi32, #tpu.memory_space<vmem>> -> memref<128xi32, #tpu.memory_space<vmem>>
    %dma_start3A_21 = arith.constant 0 : i32
    %dma_start3A_22 = arith.constant 0 : i32
    %dma_start3A_23 = tpu.memref_slice %arg9[%dma_start3A_21, %dma_start3A_22] : memref<10240x16xf32, #tpu.memory_space<vmem_shared>> -> memref<10240x16xf32, #tpu.memory_space<vmem_shared>>
    tpu.enqueue_indirect_dma source(%dma_start3A_23 : memref<10240x16xf32, #tpu.memory_space<vmem_shared>>) target(%arg13 : memref<128x16xf32, #tpu.memory_space<vmem>>) offsets(%dma_start3A_20 : memref<128xi32, #tpu.memory_space<vmem>>) semaphore(%arg20 : memref<!tpu.dma_semaphore, #tpu.memory_space<semaphore_mem>>)
    %dma_start3A_24 = arith.constant 0 : i32
    %dma_start3A_25 = arith.constant 0 : i32
    %dma_start3A_26 = tpu.memref_slice %arg7[%add3A, %dma_start3A_24, %dma_start3A_25] : memref<32x1408x128xf32, #tpu.memory_space<hbm>> -> memref<1x16x128xf32, #tpu.memory_space<hbm>>
    %dma_start3A_27 = tpu.memref_squeeze %dma_start3A_26 : memref<1x16x128xf32, #tpu.memory_space<hbm>> -> memref<16x128xf32, #tpu.memory_space<hbm>>
    %dma_start3A_28 = arith.constant 0 : i32
    %dma_start3A_29 = arith.constant 0 : i32
    %dma_start3A_30 = tpu.memref_slice %arg7[%add3A, %dma_start3A_28, %dma_start3A_29] : memref<32x1408x128xf32, #tpu.memory_space<hbm>> -> memref<1x16x128xf32, #tpu.memory_space<hbm>>
    %dma_start3A_31 = tpu.memref_squeeze %dma_start3A_30 : memref<1x16x128xf32, #tpu.memory_space<hbm>> -> memref<16x128xf32, #tpu.memory_space<hbm>>
    tpu.enqueue_dma source(%dma_start3A_31 : memref<16x128xf32, #tpu.memory_space<hbm>>) target(%arg15 : memref<16x128xf32, #tpu.memory_space<vmem>>) target_semaphore(%arg22 : memref<!tpu.dma_semaphore, #tpu.memory_space<semaphore_mem>>)
    %dma_start3A_32 = arith.constant 1 : i32
    %dma_start3A_33 = arith.constant 0 : i32
    %dma_start3A_34 = tpu.memref_slice %arg11[%dma_start3A_32, %dma_start3A_33] : memref<82x128xi32, #tpu.memory_space<vmem>> -> memref<1x128xi32, #tpu.memory_space<vmem>>
    %dma_start3A_35 = tpu.memref_squeeze %dma_start3A_34 : memref<1x128xi32, #tpu.memory_space<vmem>> -> memref<128xi32, #tpu.memory_space<vmem>>
    %dma_start3A_36 = arith.constant 0 : i32
    %dma_start3A_37 = arith.constant 0 : i32
    %dma_start3A_38 = tpu.memref_slice %arg9[%dma_start3A_36, %dma_start3A_37] : memref<10240x16xf32, #tpu.memory_space<vmem_shared>> -> memref<10240x16xf32, #tpu.memory_space<vmem_shared>>
    tpu.enqueue_indirect_dma source(%dma_start3A_38 : memref<10240x16xf32, #tpu.memory_space<vmem_shared>>) target(%arg14 : memref<128x16xf32, #tpu.memory_space<vmem>>) offsets(%dma_start3A_35 : memref<128xi32, #tpu.memory_space<vmem>>) semaphore(%arg21 : memref<!tpu.dma_semaphore, #tpu.memory_space<semaphore_mem>>)
    %dma_start3A_39 = arith.constant 16 : i32
    %dma_start3A_40 = arith.constant 0 : i32
    %dma_start3A_41 = tpu.memref_slice %arg7[%add3A, %dma_start3A_39, %dma_start3A_40] : memref<32x1408x128xf32, #tpu.memory_space<hbm>> -> memref<1x16x128xf32, #tpu.memory_space<hbm>>
    %dma_start3A_42 = tpu.memref_squeeze %dma_start3A_41 : memref<1x16x128xf32, #tpu.memory_space<hbm>> -> memref<16x128xf32, #tpu.memory_space<hbm>>
    %dma_start3A_43 = arith.constant 16 : i32
    %dma_start3A_44 = arith.constant 0 : i32
    %dma_start3A_45 = tpu.memref_slice %arg7[%add3A, %dma_start3A_43, %dma_start3A_44] : memref<32x1408x128xf32, #tpu.memory_space<hbm>> -> memref<1x16x128xf32, #tpu.memory_space<hbm>>
    %dma_start3A_46 = tpu.memref_squeeze %dma_start3A_45 : memref<1x16x128xf32, #tpu.memory_space<hbm>> -> memref<16x128xf32, #tpu.memory_space<hbm>>
    tpu.enqueue_dma source(%dma_start3A_46 : memref<16x128xf32, #tpu.memory_space<hbm>>) target(%arg16 : memref<16x128xf32, #tpu.memory_space<vmem>>) target_semaphore(%arg23 : memref<!tpu.dma_semaphore, #tpu.memory_space<semaphore_mem>>)
    %dma_wait3A = arith.constant 0 : i32
    %dma_wait3A_47 = arith.constant 0 : i32
    %dma_wait3A_48 = tpu.memref_slice %arg11[%dma_wait3A, %dma_wait3A_47] : memref<82x128xi32, #tpu.memory_space<vmem>> -> memref<1x128xi32, #tpu.memory_space<vmem>>
    %dma_wait3A_49 = tpu.memref_squeeze %dma_wait3A_48 : memref<1x128xi32, #tpu.memory_space<vmem>> -> memref<128xi32, #tpu.memory_space<vmem>>
    %dma_wait3A_50 = arith.constant 0 : i32
    %dma_wait3A_51 = arith.constant 0 : i32
    %dma_wait3A_52 = tpu.memref_slice %arg9[%dma_wait3A_50, %dma_wait3A_51] : memref<10240x16xf32, #tpu.memory_space<vmem_shared>> -> memref<10240x16xf32, #tpu.memory_space<vmem_shared>>
    tpu.wait_indirect_dma semaphore(%arg20 : memref<!tpu.dma_semaphore, #tpu.memory_space<semaphore_mem>>) src(%dma_wait3A_52 : memref<10240x16xf32, #tpu.memory_space<vmem_shared>>) dst(%arg13 : memref<128x16xf32, #tpu.memory_space<vmem>>)
    %dma_wait3A_53 = arith.constant 0 : i32
    %dma_wait3A_54 = arith.constant 0 : i32
    %dma_wait3A_55 = tpu.memref_slice %arg7[%add3A, %dma_wait3A_53, %dma_wait3A_54] : memref<32x1408x128xf32, #tpu.memory_space<hbm>> -> memref<1x16x128xf32, #tpu.memory_space<hbm>>
    %dma_wait3A_56 = tpu.memref_squeeze %dma_wait3A_55 : memref<1x16x128xf32, #tpu.memory_space<hbm>> -> memref<16x128xf32, #tpu.memory_space<hbm>>
    %dma_wait3A_57 = arith.constant 0 : i32
    %dma_wait3A_58 = arith.constant 0 : i32
    %dma_wait3A_59 = tpu.memref_slice %arg7[%add3A, %dma_wait3A_57, %dma_wait3A_58] : memref<32x1408x128xf32, #tpu.memory_space<hbm>> -> memref<1x16x128xf32, #tpu.memory_space<hbm>>
    %dma_wait3A_60 = tpu.memref_squeeze %dma_wait3A_59 : memref<1x16x128xf32, #tpu.memory_space<hbm>> -> memref<16x128xf32, #tpu.memory_space<hbm>>
    tpu.wait_dma2 semaphore(%arg22 : memref<!tpu.dma_semaphore, #tpu.memory_space<semaphore_mem>>) src(%dma_wait3A_60 : memref<16x128xf32, #tpu.memory_space<hbm>>) dst(%arg15 : memref<16x128xf32, #tpu.memory_space<vmem>>)
    %scan3A_61 = arith.constant 0 : i32
    %scan3A_62 = arith.constant 16 : i32
    %scan3A_63 = arith.addi %scan3A_61, %scan3A_62 : i32
    %scan3A_64 = arith.constant 1 : i32
    scf.for %scan3A_180 = %scan3A_61 to %scan3A_63 step %scan3A_64  : i32 {
      %mul3A_181 = arith.constant 1 : i32
      %mul3A_182 = arith.muli %scan3A_180, %mul3A_181 : i32
      %add3A_183 = arith.constant 0 : i32
      %add3A_184 = arith.addi %add3A_183, %mul3A_182 : i32
      %mul3A_185 = arith.constant 8 : i32
      %mul3A_186 = arith.muli %mul3A_185, %add3A_184 : i32
      %add3A_187 = arith.constant 0 : i32
      %add3A_188 = arith.addi %mul3A_186, %add3A_187 : i32
      %get3A_189 = arith.index_cast %add3A_188 : i32 to index
      %get3A_190 = arith.constant 0 : index
      %get3A_191 = tpu.vector_load %arg13[%get3A_189, %get3A_190] {strides = array<i32>} : memref<128x16xf32, #tpu.memory_space<vmem>>, vector<16xf32>,
      %get3A_192 = arith.index_cast %add3A_184 : i32 to index
      %get3A_193 = arith.constant 0 : index
      %get3A_194 = tpu.vector_load %arg15[%get3A_192, %get3A_193] {strides = array<i32>} : memref<16x128xf32, #tpu.memory_space<vmem>>, vector<16xf32>,
      %mul3A_195 = arith.mulf %get3A_191, %get3A_194 : vector<16xf32>
      %swap3A = arith.index_cast %add3A_188 : i32 to index
      %swap3A_196 = arith.constant 0 : index
      %swap3A_197 = tpu.vector_load %arg17[%swap3A, %swap3A_196] {strides = array<i32>} : memref<128x16xf32, #tpu.memory_space<vmem>>, vector<16xf32>,
      tpu.vector_store %arg17[%swap3A, %swap3A_196], %mul3A_195 {strides = array<i32>} : memref<128x16xf32, #tpu.memory_space<vmem>>, vector<16xf32>,
      %mul3A_198 = arith.constant 8 : i32
      %mul3A_199 = arith.muli %mul3A_198, %add3A_184 : i32
      %add3A_200 = arith.constant 1 : i32
      %add3A_201 = arith.addi %mul3A_199, %add3A_200 : i32
      %get3A_202 = arith.index_cast %add3A_201 : i32 to index
      %get3A_203 = arith.constant 0 : index
      %get3A_204 = tpu.vector_load %arg13[%get3A_202, %get3A_203] {strides = array<i32>} : memref<128x16xf32, #tpu.memory_space<vmem>>, vector<16xf32>,
      %get3A_205 = arith.index_cast %add3A_184 : i32 to index
      %get3A_206 = arith.constant 16 : index
      %get3A_207 = tpu.vector_load %arg15[%get3A_205, %get3A_206] {strides = array<i32>} : memref<16x128xf32, #tpu.memory_space<vmem>>, vector<16xf32>,
      %mul3A_208 = arith.mulf %get3A_204, %get3A_207 : vector<16xf32>
      %swap3A_209 = arith.index_cast %add3A_201 : i32 to index
      %swap3A_210 = arith.constant 0 : index
      %swap3A_211 = tpu.vector_load %arg17[%swap3A_209, %swap3A_210] {strides = array<i32>} : memref<128x16xf32, #tpu.memory_space<vmem>>, vector<16xf32>,
      tpu.vector_store %arg17[%swap3A_209, %swap3A_210], %mul3A_208 {strides = array<i32>} : memref<128x16xf32, #tpu.memory_space<vmem>>, vector<16xf32>,
      %mul3A_212 = arith.constant 8 : i32
      %mul3A_213 = arith.muli %mul3A_212, %add3A_184 : i32
      %add3A_214 = arith.constant 2 : i32
      %add3A_215 = arith.addi %mul3A_213, %add3A_214 : i32
      %get3A_216 = arith.index_cast %add3A_215 : i32 to index
      %get3A_217 = arith.constant 0 : index
      %get3A_218 = tpu.vector_load %arg13[%get3A_216, %get3A_217] {strides = array<i32>} : memref<128x16xf32, #tpu.memory_space<vmem>>, vector<16xf32>,
      %get3A_219 = arith.index_cast %add3A_184 : i32 to index
      %get3A_220 = arith.constant 32 : index
      %get3A_221 = tpu.vector_load %arg15[%get3A_219, %get3A_220] {strides = array<i32>} : memref<16x128xf32, #tpu.memory_space<vmem>>, vector<16xf32>,
      %mul3A_222 = arith.mulf %get3A_218, %get3A_221 : vector<16xf32>
      %swap3A_223 = arith.index_cast %add3A_215 : i32 to index
      %swap3A_224 = arith.constant 0 : index
      %swap3A_225 = tpu.vector_load %arg17[%swap3A_223, %swap3A_224] {strides = array<i32>} : memref<128x16xf32, #tpu.memory_space<vmem>>, vector<16xf32>,
      tpu.vector_store %arg17[%swap3A_223, %swap3A_224], %mul3A_222 {strides = array<i32>} : memref<128x16xf32, #tpu.memory_space<vmem>>, vector<16xf32>,
      %mul3A_226 = arith.constant 8 : i32
      %mul3A_227 = arith.muli %mul3A_226, %add3A_184 : i32
      %add3A_228 = arith.constant 3 : i32
      %add3A_229 = arith.addi %mul3A_227, %add3A_228 : i32
      %get3A_230 = arith.index_cast %add3A_229 : i32 to index
      %get3A_231 = arith.constant 0 : index
      %get3A_232 = tpu.vector_load %arg13[%get3A_230, %get3A_231] {strides = array<i32>} : memref<128x16xf32, #tpu.memory_space<vmem>>, vector<16xf32>,
      %get3A_233 = arith.index_cast %add3A_184 : i32 to index
      %get3A_234 = arith.constant 48 : index
      %get3A_235 = tpu.vector_load %arg15[%get3A_233, %get3A_234] {strides = array<i32>} : memref<16x128xf32, #tpu.memory_space<vmem>>, vector<16xf32>,
      %mul3A_236 = arith.mulf %get3A_232, %get3A_235 : vector<16xf32>
      %swap3A_237 = arith.index_cast %add3A_229 : i32 to index
      %swap3A_238 = arith.constant 0 : index
      %swap3A_239 = tpu.vector_load %arg17[%swap3A_237, %swap3A_238] {strides = array<i32>} : memref<128x16xf32, #tpu.memory_space<vmem>>, vector<16xf32>,
      tpu.vector_store %arg17[%swap3A_237, %swap3A_238], %mul3A_236 {strides = array<i32>} : memref<128x16xf32, #tpu.memory_space<vmem>>, vector<16xf32>,
      %mul3A_240 = arith.constant 8 : i32
      %mul3A_241 = arith.muli %mul3A_240, %add3A_184 : i32
      %add3A_242 = arith.constant 4 : i32
      %add3A_243 = arith.addi %mul3A_241, %add3A_242 : i32
      %get3A_244 = arith.index_cast %add3A_243 : i32 to index
      %get3A_245 = arith.constant 0 : index
      %get3A_246 = tpu.vector_load %arg13[%get3A_244, %get3A_245] {strides = array<i32>} : memref<128x16xf32, #tpu.memory_space<vmem>>, vector<16xf32>,
      %get3A_247 = arith.index_cast %add3A_184 : i32 to index
      %get3A_248 = arith.constant 64 : index
      %get3A_249 = tpu.vector_load %arg15[%get3A_247, %get3A_248] {strides = array<i32>} : memref<16x128xf32, #tpu.memory_space<vmem>>, vector<16xf32>,
      %mul3A_250 = arith.mulf %get3A_246, %get3A_249 : vector<16xf32>
      %swap3A_251 = arith.index_cast %add3A_243 : i32 to index
      %swap3A_252 = arith.constant 0 : index
      %swap3A_253 = tpu.vector_load %arg17[%swap3A_251, %swap3A_252] {strides = array<i32>} : memref<128x16xf32, #tpu.memory_space<vmem>>, vector<16xf32>,
      tpu.vector_store %arg17[%swap3A_251, %swap3A_252], %mul3A_250 {strides = array<i32>} : memref<128x16xf32, #tpu.memory_space<vmem>>, vector<16xf32>,
      %mul3A_254 = arith.constant 8 : i32
      %mul3A_255 = arith.muli %mul3A_254, %add3A_184 : i32
      %add3A_256 = arith.constant 5 : i32
      %add3A_257 = arith.addi %mul3A_255, %add3A_256 : i32
      %get3A_258 = arith.index_cast %add3A_257 : i32 to index
      %get3A_259 = arith.constant 0 : index
      %get3A_260 = tpu.vector_load %arg13[%get3A_258, %get3A_259] {strides = array<i32>} : memref<128x16xf32, #tpu.memory_space<vmem>>, vector<16xf32>,
      %get3A_261 = arith.index_cast %add3A_184 : i32 to index
      %get3A_262 = arith.constant 80 : index
      %get3A_263 = tpu.vector_load %arg15[%get3A_261, %get3A_262] {strides = array<i32>} : memref<16x128xf32, #tpu.memory_space<vmem>>, vector<16xf32>,
      %mul3A_264 = arith.mulf %get3A_260, %get3A_263 : vector<16xf32>
      %swap3A_265 = arith.index_cast %add3A_257 : i32 to index
      %swap3A_266 = arith.constant 0 : index
      %swap3A_267 = tpu.vector_load %arg17[%swap3A_265, %swap3A_266] {strides = array<i32>} : memref<128x16xf32, #tpu.memory_space<vmem>>, vector<16xf32>,
      tpu.vector_store %arg17[%swap3A_265, %swap3A_266], %mul3A_264 {strides = array<i32>} : memref<128x16xf32, #tpu.memory_space<vmem>>, vector<16xf32>,
      %mul3A_268 = arith.constant 8 : i32
      %mul3A_269 = arith.muli %mul3A_268, %add3A_184 : i32
      %add3A_270 = arith.constant 6 : i32
      %add3A_271 = arith.addi %mul3A_269, %add3A_270 : i32
      %get3A_272 = arith.index_cast %add3A_271 : i32 to index
      %get3A_273 = arith.constant 0 : index
      %get3A_274 = tpu.vector_load %arg13[%get3A_272, %get3A_273] {strides = array<i32>} : memref<128x16xf32, #tpu.memory_space<vmem>>, vector<16xf32>,
      %get3A_275 = arith.index_cast %add3A_184 : i32 to index
      %get3A_276 = arith.constant 96 : index
      %get3A_277 = tpu.vector_load %arg15[%get3A_275, %get3A_276] {strides = array<i32>} : memref<16x128xf32, #tpu.memory_space<vmem>>, vector<16xf32>,
      %mul3A_278 = arith.mulf %get3A_274, %get3A_277 : vector<16xf32>
      %swap3A_279 = arith.index_cast %add3A_271 : i32 to index
      %swap3A_280 = arith.constant 0 : index
      %swap3A_281 = tpu.vector_load %arg17[%swap3A_279, %swap3A_280] {strides = array<i32>} : memref<128x16xf32, #tpu.memory_space<vmem>>, vector<16xf32>,
      tpu.vector_store %arg17[%swap3A_279, %swap3A_280], %mul3A_278 {strides = array<i32>} : memref<128x16xf32, #tpu.memory_space<vmem>>, vector<16xf32>,
      %mul3A_282 = arith.constant 8 : i32
      %mul3A_283 = arith.muli %mul3A_282, %add3A_184 : i32
      %add3A_284 = arith.constant 7 : i32
      %add3A_285 = arith.addi %mul3A_283, %add3A_284 : i32
      %get3A_286 = arith.index_cast %add3A_285 : i32 to index
      %get3A_287 = arith.constant 0 : index
      %get3A_288 = tpu.vector_load %arg13[%get3A_286, %get3A_287] {strides = array<i32>} : memref<128x16xf32, #tpu.memory_space<vmem>>, vector<16xf32>,
      %get3A_289 = arith.index_cast %add3A_184 : i32 to index
      %get3A_290 = arith.constant 112 : index
      %get3A_291 = tpu.vector_load %arg15[%get3A_289, %get3A_290] {strides = array<i32>} : memref<16x128xf32, #tpu.memory_space<vmem>>, vector<16xf32>,
      %mul3A_292 = arith.mulf %get3A_288, %get3A_291 : vector<16xf32>
      %swap3A_293 = arith.index_cast %add3A_285 : i32 to index
      %swap3A_294 = arith.constant 0 : index
      %swap3A_295 = tpu.vector_load %arg17[%swap3A_293, %swap3A_294] {strides = array<i32>} : memref<128x16xf32, #tpu.memory_space<vmem>>, vector<16xf32>,
      tpu.vector_store %arg17[%swap3A_293, %swap3A_294], %mul3A_292 {strides = array<i32>} : memref<128x16xf32, #tpu.memory_space<vmem>>, vector<16xf32>,
    }
    %scan3A_65 = arith.constant 16 : i32
    %dma_start3A_66 = arith.constant 0 : i32
    %dma_start3A_67 = arith.constant 0 : i32
    %dma_start3A_68 = tpu.memref_slice %arg12[%dma_start3A_66, %dma_start3A_67] : memref<80x128xi32, #tpu.memory_space<vmem>> -> memref<1x128xi32, #tpu.memory_space<vmem>>
    %dma_start3A_69 = tpu.memref_squeeze %dma_start3A_68 : memref<1x128xi32, #tpu.memory_space<vmem>> -> memref<128xi32, #tpu.memory_space<vmem>>
    %dma_start3A_70 = arith.constant 0 : i32
    %dma_start3A_71 = arith.constant 0 : i32
    %dma_start3A_72 = tpu.memref_slice %arg10[%dma_start3A_70, %dma_start3A_71] : memref<10240x16xf32, #tpu.memory_space<vmem_shared>> -> memref<10240x16xf32, #tpu.memory_space<vmem_shared>>
    tpu.enqueue_indirect_dma source(%arg17 : memref<128x16xf32, #tpu.memory_space<vmem>>) target(%dma_start3A_72 : memref<10240x16xf32, #tpu.memory_space<vmem_shared>>) offsets(%dma_start3A_69 : memref<128xi32, #tpu.memory_space<vmem>>) semaphore(%arg24 : memref<!tpu.dma_semaphore, #tpu.memory_space<semaphore_mem>>) {add = true}
    %dma_start3A_73 = arith.constant 2 : i32
    %dma_start3A_74 = arith.constant 0 : i32
    %dma_start3A_75 = tpu.memref_slice %arg11[%dma_start3A_73, %dma_start3A_74] : memref<82x128xi32, #tpu.memory_space<vmem>> -> memref<1x128xi32, #tpu.memory_space<vmem>>
    %dma_start3A_76 = tpu.memref_squeeze %dma_start3A_75 : memref<1x128xi32, #tpu.memory_space<vmem>> -> memref<128xi32, #tpu.memory_space<vmem>>
    %dma_start3A_77 = arith.constant 0 : i32
    %dma_start3A_78 = arith.constant 0 : i32
    %dma_start3A_79 = tpu.memref_slice %arg9[%dma_start3A_77, %dma_start3A_78] : memref<10240x16xf32, #tpu.memory_space<vmem_shared>> -> memref<10240x16xf32, #tpu.memory_space<vmem_shared>>
    tpu.enqueue_indirect_dma source(%dma_start3A_79 : memref<10240x16xf32, #tpu.memory_space<vmem_shared>>) target(%arg13 : memref<128x16xf32, #tpu.memory_space<vmem>>) offsets(%dma_start3A_76 : memref<128xi32, #tpu.memory_space<vmem>>) semaphore(%arg20 : memref<!tpu.dma_semaphore, #tpu.memory_space<semaphore_mem>>)
    %dma_start3A_80 = arith.constant 32 : i32
    %dma_start3A_81 = arith.constant 0 : i32
    %dma_start3A_82 = tpu.memref_slice %arg7[%add3A, %dma_start3A_80, %dma_start3A_81] : memref<32x1408x128xf32, #tpu.memory_space<hbm>> -> memref<1x16x128xf32, #tpu.memory_space<hbm>>
    %dma_start3A_83 = tpu.memref_squeeze %dma_start3A_82 : memref<1x16x128xf32, #tpu.memory_space<hbm>> -> memref<16x128xf32, #tpu.memory_space<hbm>>
    %dma_start3A_84 = arith.constant 32 : i32
    %dma_start3A_85 = arith.constant 0 : i32
    %dma_start3A_86 = tpu.memref_slice %arg7[%add3A, %dma_start3A_84, %dma_start3A_85] : memref<32x1408x128xf32, #tpu.memory_space<hbm>> -> memref<1x16x128xf32, #tpu.memory_space<hbm>>
    %dma_start3A_87 = tpu.memref_squeeze %dma_start3A_86 : memref<1x16x128xf32, #tpu.memory_space<hbm>> -> memref<16x128xf32, #tpu.memory_space<hbm>>
    tpu.enqueue_dma source(%dma_start3A_87 : memref<16x128xf32, #tpu.memory_space<hbm>>) target(%arg15 : memref<16x128xf32, #tpu.memory_space<vmem>>) target_semaphore(%arg22 : memref<!tpu.dma_semaphore, #tpu.memory_space<semaphore_mem>>)
    %dma_wait3A_88 = arith.constant 1 : i32
    %dma_wait3A_89 = arith.constant 0 : i32
    %dma_wait3A_90 = tpu.memref_slice %arg11[%dma_wait3A_88, %dma_wait3A_89] : memref<82x128xi32, #tpu.memory_space<vmem>> -> memref<1x128xi32, #tpu.memory_space<vmem>>
    %dma_wait3A_91 = tpu.memref_squeeze %dma_wait3A_90 : memref<1x128xi32, #tpu.memory_space<vmem>> -> memref<128xi32, #tpu.memory_space<vmem>>
    %dma_wait3A_92 = arith.constant 0 : i32
    %dma_wait3A_93 = arith.constant 0 : i32
    %dma_wait3A_94 = tpu.memref_slice %arg9[%dma_wait3A_92, %dma_wait3A_93] : memref<10240x16xf32, #tpu.memory_space<vmem_shared>> -> memref<10240x16xf32, #tpu.memory_space<vmem_shared>>
    tpu.wait_indirect_dma semaphore(%arg21 : memref<!tpu.dma_semaphore, #tpu.memory_space<semaphore_mem>>) src(%dma_wait3A_94 : memref<10240x16xf32, #tpu.memory_space<vmem_shared>>) dst(%arg14 : memref<128x16xf32, #tpu.memory_space<vmem>>)
    %dma_wait3A_95 = arith.constant 0 : i32
    %dma_wait3A_96 = arith.constant 0 : i32
    %dma_wait3A_97 = tpu.memref_slice %arg7[%add3A, %dma_wait3A_95, %dma_wait3A_96] : memref<32x1408x128xf32, #tpu.memory_space<hbm>> -> memref<1x16x128xf32, #tpu.memory_space<hbm>>
    %dma_wait3A_98 = tpu.memref_squeeze %dma_wait3A_97 : memref<1x16x128xf32, #tpu.memory_space<hbm>> -> memref<16x128xf32, #tpu.memory_space<hbm>>
    %dma_wait3A_99 = arith.constant 0 : i32
    %dma_wait3A_100 = arith.constant 0 : i32
    %dma_wait3A_101 = tpu.memref_slice %arg7[%add3A, %dma_wait3A_99, %dma_wait3A_100] : memref<32x1408x128xf32, #tpu.memory_space<hbm>> -> memref<1x16x128xf32, #tpu.memory_space<hbm>>
    %dma_wait3A_102 = tpu.memref_squeeze %dma_wait3A_101 : memref<1x16x128xf32, #tpu.memory_space<hbm>> -> memref<16x128xf32, #tpu.memory_space<hbm>>
    tpu.wait_dma2 semaphore(%arg23 : memref<!tpu.dma_semaphore, #tpu.memory_space<semaphore_mem>>) src(%dma_wait3A_102 : memref<16x128xf32, #tpu.memory_space<hbm>>) dst(%arg16 : memref<16x128xf32, #tpu.memory_space<vmem>>)
    %scan3A_103 = arith.constant 0 : i32
    %scan3A_104 = arith.constant 16 : i32
    %scan3A_105 = arith.addi %scan3A_103, %scan3A_104 : i32
    %scan3A_106 = arith.constant 1 : i32
    scf.for %scan3A_180 = %scan3A_103 to %scan3A_105 step %scan3A_106  : i32 {
      %mul3A_181 = arith.constant 1 : i32
      %mul3A_182 = arith.muli %scan3A_180, %mul3A_181 : i32
      %add3A_183 = arith.constant 0 : i32
      %add3A_184 = arith.addi %add3A_183, %mul3A_182 : i32
      %mul3A_185 = arith.constant 8 : i32
      %mul3A_186 = arith.muli %mul3A_185, %add3A_184 : i32
      %add3A_187 = arith.constant 0 : i32
      %add3A_188 = arith.addi %mul3A_186, %add3A_187 : i32
      %get3A_189 = arith.index_cast %add3A_188 : i32 to index
      %get3A_190 = arith.constant 0 : index
      %get3A_191 = tpu.vector_load %arg14[%get3A_189, %get3A_190] {strides = array<i32>} : memref<128x16xf32, #tpu.memory_space<vmem>>, vector<16xf32>,
      %get3A_192 = arith.index_cast %add3A_184 : i32 to index
      %get3A_193 = arith.constant 0 : index
      %get3A_194 = tpu.vector_load %arg16[%get3A_192, %get3A_193] {strides = array<i32>} : memref<16x128xf32, #tpu.memory_space<vmem>>, vector<16xf32>,
      %mul3A_195 = arith.mulf %get3A_191, %get3A_194 : vector<16xf32>
      %swap3A = arith.index_cast %add3A_188 : i32 to index
      %swap3A_196 = arith.constant 0 : index
      %swap3A_197 = tpu.vector_load %arg18[%swap3A, %swap3A_196] {strides = array<i32>} : memref<128x16xf32, #tpu.memory_space<vmem>>, vector<16xf32>,
      tpu.vector_store %arg18[%swap3A, %swap3A_196], %mul3A_195 {strides = array<i32>} : memref<128x16xf32, #tpu.memory_space<vmem>>, vector<16xf32>,
      %mul3A_198 = arith.constant 8 : i32
      %mul3A_199 = arith.muli %mul3A_198, %add3A_184 : i32
      %add3A_200 = arith.constant 1 : i32
      %add3A_201 = arith.addi %mul3A_199, %add3A_200 : i32
      %get3A_202 = arith.index_cast %add3A_201 : i32 to index
      %get3A_203 = arith.constant 0 : index
      %get3A_204 = tpu.vector_load %arg14[%get3A_202, %get3A_203] {strides = array<i32>} : memref<128x16xf32, #tpu.memory_space<vmem>>, vector<16xf32>,
      %get3A_205 = arith.index_cast %add3A_184 : i32 to index
      %get3A_206 = arith.constant 16 : index
      %get3A_207 = tpu.vector_load %arg16[%get3A_205, %get3A_206] {strides = array<i32>} : memref<16x128xf32, #tpu.memory_space<vmem>>, vector<16xf32>,
      %mul3A_208 = arith.mulf %get3A_204, %get3A_207 : vector<16xf32>
      %swap3A_209 = arith.index_cast %add3A_201 : i32 to index
      %swap3A_210 = arith.constant 0 : index
      %swap3A_211 = tpu.vector_load %arg18[%swap3A_209, %swap3A_210] {strides = array<i32>} : memref<128x16xf32, #tpu.memory_space<vmem>>, vector<16xf32>,
      tpu.vector_store %arg18[%swap3A_209, %swap3A_210], %mul3A_208 {strides = array<i32>} : memref<128x16xf32, #tpu.memory_space<vmem>>, vector<16xf32>,
      %mul3A_212 = arith.constant 8 : i32
      %mul3A_213 = arith.muli %mul3A_212, %add3A_184 : i32
      %add3A_214 = arith.constant 2 : i32
      %add3A_215 = arith.addi %mul3A_213, %add3A_214 : i32
      %get3A_216 = arith.index_cast %add3A_215 : i32 to index
      %get3A_217 = arith.constant 0 : index
      %get3A_218 = tpu.vector_load %arg14[%get3A_216, %get3A_217] {strides = array<i32>} : memref<128x16xf32, #tpu.memory_space<vmem>>, vector<16xf32>,
      %get3A_219 = arith.index_cast %add3A_184 : i32 to index
      %get3A_220 = arith.constant 32 : index
      %get3A_221 = tpu.vector_load %arg16[%get3A_219, %get3A_220] {strides = array<i32>} : memref<16x128xf32, #tpu.memory_space<vmem>>, vector<16xf32>,
      %mul3A_222 = arith.mulf %get3A_218, %get3A_221 : vector<16xf32>
      %swap3A_223 = arith.index_cast %add3A_215 : i32 to index
      %swap3A_224 = arith.constant 0 : index
      %swap3A_225 = tpu.vector_load %arg18[%swap3A_223, %swap3A_224] {strides = array<i32>} : memref<128x16xf32, #tpu.memory_space<vmem>>, vector<16xf32>,
      tpu.vector_store %arg18[%swap3A_223, %swap3A_224], %mul3A_222 {strides = array<i32>} : memref<128x16xf32, #tpu.memory_space<vmem>>, vector<16xf32>,
      %mul3A_226 = arith.constant 8 : i32
      %mul3A_227 = arith.muli %mul3A_226, %add3A_184 : i32
      %add3A_228 = arith.constant 3 : i32
      %add3A_229 = arith.addi %mul3A_227, %add3A_228 : i32
      %get3A_230 = arith.index_cast %add3A_229 : i32 to index
      %get3A_231 = arith.constant 0 : index
      %get3A_232 = tpu.vector_load %arg14[%get3A_230, %get3A_231] {strides = array<i32>} : memref<128x16xf32, #tpu.memory_space<vmem>>, vector<16xf32>,
      %get3A_233 = arith.index_cast %add3A_184 : i32 to index
      %get3A_234 = arith.constant 48 : index
      %get3A_235 = tpu.vector_load %arg16[%get3A_233, %get3A_234] {strides = array<i32>} : memref<16x128xf32, #tpu.memory_space<vmem>>, vector<16xf32>,
      %mul3A_236 = arith.mulf %get3A_232, %get3A_235 : vector<16xf32>
      %swap3A_237 = arith.index_cast %add3A_229 : i32 to index
      %swap3A_238 = arith.constant 0 : index
      %swap3A_239 = tpu.vector_load %arg18[%swap3A_237, %swap3A_238] {strides = array<i32>} : memref<128x16xf32, #tpu.memory_space<vmem>>, vector<16xf32>,
      tpu.vector_store %arg18[%swap3A_237, %swap3A_238], %mul3A_236 {strides = array<i32>} : memref<128x16xf32, #tpu.memory_space<vmem>>, vector<16xf32>,
      %mul3A_240 = arith.constant 8 : i32
      %mul3A_241 = arith.muli %mul3A_240, %add3A_184 : i32
      %add3A_242 = arith.constant 4 : i32
      %add3A_243 = arith.addi %mul3A_241, %add3A_242 : i32
      %get3A_244 = arith.index_cast %add3A_243 : i32 to index
      %get3A_245 = arith.constant 0 : index
      %get3A_246 = tpu.vector_load %arg14[%get3A_244, %get3A_245] {strides = array<i32>} : memref<128x16xf32, #tpu.memory_space<vmem>>, vector<16xf32>,
      %get3A_247 = arith.index_cast %add3A_184 : i32 to index
      %get3A_248 = arith.constant 64 : index
      %get3A_249 = tpu.vector_load %arg16[%get3A_247, %get3A_248] {strides = array<i32>} : memref<16x128xf32, #tpu.memory_space<vmem>>, vector<16xf32>,
      %mul3A_250 = arith.mulf %get3A_246, %get3A_249 : vector<16xf32>
      %swap3A_251 = arith.index_cast %add3A_243 : i32 to index
      %swap3A_252 = arith.constant 0 : index
      %swap3A_253 = tpu.vector_load %arg18[%swap3A_251, %swap3A_252] {strides = array<i32>} : memref<128x16xf32, #tpu.memory_space<vmem>>, vector<16xf32>,
      tpu.vector_store %arg18[%swap3A_251, %swap3A_252], %mul3A_250 {strides = array<i32>} : memref<128x16xf32, #tpu.memory_space<vmem>>, vector<16xf32>,
      %mul3A_254 = arith.constant 8 : i32
      %mul3A_255 = arith.muli %mul3A_254, %add3A_184 : i32
      %add3A_256 = arith.constant 5 : i32
      %add3A_257 = arith.addi %mul3A_255, %add3A_256 : i32
      %get3A_258 = arith.index_cast %add3A_257 : i32 to index
      %get3A_259 = arith.constant 0 : index
      %get3A_260 = tpu.vector_load %arg14[%get3A_258, %get3A_259] {strides = array<i32>} : memref<128x16xf32, #tpu.memory_space<vmem>>, vector<16xf32>,
      %get3A_261 = arith.index_cast %add3A_184 : i32 to index
      %get3A_262 = arith.constant 80 : index
      %get3A_263 = tpu.vector_load %arg16[%get3A_261, %get3A_262] {strides = array<i32>} : memref<16x128xf32, #tpu.memory_space<vmem>>, vector<16xf32>,
      %mul3A_264 = arith.mulf %get3A_260, %get3A_263 : vector<16xf32>
      %swap3A_265 = arith.index_cast %add3A_257 : i32 to index
      %swap3A_266 = arith.constant 0 : index
      %swap3A_267 = tpu.vector_load %arg18[%swap3A_265, %swap3A_266] {strides = array<i32>} : memref<128x16xf32, #tpu.memory_space<vmem>>, vector<16xf32>,
      tpu.vector_store %arg18[%swap3A_265, %swap3A_266], %mul3A_264 {strides = array<i32>} : memref<128x16xf32, #tpu.memory_space<vmem>>, vector<16xf32>,
      %mul3A_268 = arith.constant 8 : i32
      %mul3A_269 = arith.muli %mul3A_268, %add3A_184 : i32
      %add3A_270 = arith.constant 6 : i32
      %add3A_271 = arith.addi %mul3A_269, %add3A_270 : i32
      %get3A_272 = arith.index_cast %add3A_271 : i32 to index
      %get3A_273 = arith.constant 0 : index
      %get3A_274 = tpu.vector_load %arg14[%get3A_272, %get3A_273] {strides = array<i32>} : memref<128x16xf32, #tpu.memory_space<vmem>>, vector<16xf32>,
      %get3A_275 = arith.index_cast %add3A_184 : i32 to index
      %get3A_276 = arith.constant 96 : index
      %get3A_277 = tpu.vector_load %arg16[%get3A_275, %get3A_276] {strides = array<i32>} : memref<16x128xf32, #tpu.memory_space<vmem>>, vector<16xf32>,
      %mul3A_278 = arith.mulf %get3A_274, %get3A_277 : vector<16xf32>
      %swap3A_279 = arith.index_cast %add3A_271 : i32 to index
      %swap3A_280 = arith.constant 0 : index
      %swap3A_281 = tpu.vector_load %arg18[%swap3A_279, %swap3A_280] {strides = array<i32>} : memref<128x16xf32, #tpu.memory_space<vmem>>, vector<16xf32>,
      tpu.vector_store %arg18[%swap3A_279, %swap3A_280], %mul3A_278 {strides = array<i32>} : memref<128x16xf32, #tpu.memory_space<vmem>>, vector<16xf32>,
      %mul3A_282 = arith.constant 8 : i32
      %mul3A_283 = arith.muli %mul3A_282, %add3A_184 : i32
      %add3A_284 = arith.constant 7 : i32
      %add3A_285 = arith.addi %mul3A_283, %add3A_284 : i32
      %get3A_286 = arith.index_cast %add3A_285 : i32 to index
      %get3A_287 = arith.constant 0 : index
      %get3A_288 = tpu.vector_load %arg14[%get3A_286, %get3A_287] {strides = array<i32>} : memref<128x16xf32, #tpu.memory_space<vmem>>, vector<16xf32>,
      %get3A_289 = arith.index_cast %add3A_184 : i32 to index
      %get3A_290 = arith.constant 112 : index
      %get3A_291 = tpu.vector_load %arg16[%get3A_289, %get3A_290] {strides = array<i32>} : memref<16x128xf32, #tpu.memory_space<vmem>>, vector<16xf32>,
      %mul3A_292 = arith.mulf %get3A_288, %get3A_291 : vector<16xf32>
      %swap3A_293 = arith.index_cast %add3A_285 : i32 to index
      %swap3A_294 = arith.constant 0 : index
      %swap3A_295 = tpu.vector_load %arg18[%swap3A_293, %swap3A_294] {strides = array<i32>} : memref<128x16xf32, #tpu.memory_space<vmem>>, vector<16xf32>,
      tpu.vector_store %arg18[%swap3A_293, %swap3A_294], %mul3A_292 {strides = array<i32>} : memref<128x16xf32, #tpu.memory_space<vmem>>, vector<16xf32>,
    }
    %scan3A_107 = arith.constant 16 : i32
    %dma_start3A_108 = arith.constant 1 : i32
    %dma_start3A_109 = arith.constant 0 : i32
    %dma_start3A_110 = tpu.memref_slice %arg12[%dma_start3A_108, %dma_start3A_109] : memref<80x128xi32, #tpu.memory_space<vmem>> -> memref<1x128xi32, #tpu.memory_space<vmem>>
    %dma_start3A_111 = tpu.memref_squeeze %dma_start3A_110 : memref<1x128xi32, #tpu.memory_space<vmem>> -> memref<128xi32, #tpu.memory_space<vmem>>
    %dma_start3A_112 = arith.constant 0 : i32
    %dma_start3A_113 = arith.constant 0 : i32
    %dma_start3A_114 = tpu.memref_slice %arg10[%dma_start3A_112, %dma_start3A_113] : memref<10240x16xf32, #tpu.memory_space<vmem_shared>> -> memref<10240x16xf32, #tpu.memory_space<vmem_shared>>
    tpu.enqueue_indirect_dma source(%arg18 : memref<128x16xf32, #tpu.memory_space<vmem>>) target(%dma_start3A_114 : memref<10240x16xf32, #tpu.memory_space<vmem_shared>>) offsets(%dma_start3A_111 : memref<128xi32, #tpu.memory_space<vmem>>) semaphore(%arg25 : memref<!tpu.dma_semaphore, #tpu.memory_space<semaphore_mem>>) {add = true}
    %dma_start3A_115 = arith.constant 3 : i32
    %dma_start3A_116 = arith.constant 0 : i32
    %dma_start3A_117 = tpu.memref_slice %arg11[%dma_start3A_115, %dma_start3A_116] : memref<82x128xi32, #tpu.memory_space<vmem>> -> memref<1x128xi32, #tpu.memory_space<vmem>>
    %dma_start3A_118 = tpu.memref_squeeze %dma_start3A_117 : memref<1x128xi32, #tpu.memory_space<vmem>> -> memref<128xi32, #tpu.memory_space<vmem>>
    %dma_start3A_119 = arith.constant 0 : i32
    %dma_start3A_120 = arith.constant 0 : i32
    %dma_start3A_121 = tpu.memref_slice %arg9[%dma_start3A_119, %dma_start3A_120] : memref<10240x16xf32, #tpu.memory_space<vmem_shared>> -> memref<10240x16xf32, #tpu.memory_space<vmem_shared>>
    tpu.enqueue_indirect_dma source(%dma_start3A_121 : memref<10240x16xf32, #tpu.memory_space<vmem_shared>>) target(%arg14 : memref<128x16xf32, #tpu.memory_space<vmem>>) offsets(%dma_start3A_118 : memref<128xi32, #tpu.memory_space<vmem>>) semaphore(%arg21 : memref<!tpu.dma_semaphore, #tpu.memory_space<semaphore_mem>>)
    %dma_start3A_122 = arith.constant 48 : i32
    %dma_start3A_123 = arith.constant 0 : i32
    %dma_start3A_124 = tpu.memref_slice %arg7[%add3A, %dma_start3A_122, %dma_start3A_123] : memref<32x1408x128xf32, #tpu.memory_space<hbm>> -> memref<1x16x128xf32, #tpu.memory_space<hbm>>
    %dma_start3A_125 = tpu.memref_squeeze %dma_start3A_124 : memref<1x16x128xf32, #tpu.memory_space<hbm>> -> memref<16x128xf32, #tpu.memory_space<hbm>>
    %dma_start3A_126 = arith.constant 48 : i32
    %dma_start3A_127 = arith.constant 0 : i32
    %dma_start3A_128 = tpu.memref_slice %arg7[%add3A, %dma_start3A_126, %dma_start3A_127] : memref<32x1408x128xf32, #tpu.memory_space<hbm>> -> memref<1x16x128xf32, #tpu.memory_space<hbm>>
    %dma_start3A_129 = tpu.memref_squeeze %dma_start3A_128 : memref<1x16x128xf32, #tpu.memory_space<hbm>> -> memref<16x128xf32, #tpu.memory_space<hbm>>
    tpu.enqueue_dma source(%dma_start3A_129 : memref<16x128xf32, #tpu.memory_space<hbm>>) target(%arg16 : memref<16x128xf32, #tpu.memory_space<vmem>>) target_semaphore(%arg23 : memref<!tpu.dma_semaphore, #tpu.memory_space<semaphore_mem>>)
    %scan3A_130 = arith.constant 0 : i32
    %scan3A_131 = arith.constant 39 : i32
    %scan3A_132 = arith.addi %scan3A_130, %scan3A_131 : i32
    %scan3A_133 = arith.constant 1 : i32
    scf.for %scan3A_180 = %scan3A_130 to %scan3A_132 step %scan3A_133  : i32 {
      %mul3A_181 = arith.constant 1 : i32
      %mul3A_182 = arith.muli %scan3A_180, %mul3A_181 : i32
      %add3A_183 = arith.constant 1 : i32
      %add3A_184 = arith.addi %add3A_183, %mul3A_182 : i32
      %mul3A_185 = arith.constant 2 : i32
      %mul3A_186 = arith.muli %mul3A_185, %add3A_184 : i32
      %add3A_187 = arith.constant 0 : i32
      %add3A_188 = arith.addi %mul3A_186, %add3A_187 : i32
      %dma_wait3A_189 = arith.constant 0 : i32
      %dma_wait3A_190 = tpu.memref_slice %arg11[%add3A_188, %dma_wait3A_189] : memref<82x128xi32, #tpu.memory_space<vmem>> -> memref<1x128xi32, #tpu.memory_space<vmem>>
      %dma_wait3A_191 = tpu.memref_squeeze %dma_wait3A_190 : memref<1x128xi32, #tpu.memory_space<vmem>> -> memref<128xi32, #tpu.memory_space<vmem>>
      %dma_wait3A_192 = arith.constant 0 : i32
      %dma_wait3A_193 = arith.constant 0 : i32
      %dma_wait3A_194 = tpu.memref_slice %arg9[%dma_wait3A_192, %dma_wait3A_193] : memref<10240x16xf32, #tpu.memory_space<vmem_shared>> -> memref<10240x16xf32, #tpu.memory_space<vmem_shared>>
      tpu.wait_indirect_dma semaphore(%arg20 : memref<!tpu.dma_semaphore, #tpu.memory_space<semaphore_mem>>) src(%dma_wait3A_194 : memref<10240x16xf32, #tpu.memory_space<vmem_shared>>) dst(%arg13 : memref<128x16xf32, #tpu.memory_space<vmem>>)
      %dma_wait3A_195 = arith.constant 0 : i32
      %dma_wait3A_196 = arith.constant 0 : i32
      %dma_wait3A_197 = tpu.memref_slice %arg7[%add3A, %dma_wait3A_195, %dma_wait3A_196] : memref<32x1408x128xf32, #tpu.memory_space<hbm>> -> memref<1x16x128xf32, #tpu.memory_space<hbm>>
      %dma_wait3A_198 = tpu.memref_squeeze %dma_wait3A_197 : memref<1x16x128xf32, #tpu.memory_space<hbm>> -> memref<16x128xf32, #tpu.memory_space<hbm>>
      %dma_wait3A_199 = arith.constant 0 : i32
      %dma_wait3A_200 = arith.constant 0 : i32
      %dma_wait3A_201 = tpu.memref_slice %arg7[%add3A, %dma_wait3A_199, %dma_wait3A_200] : memref<32x1408x128xf32, #tpu.memory_space<hbm>> -> memref<1x16x128xf32, #tpu.memory_space<hbm>>
      %dma_wait3A_202 = tpu.memref_squeeze %dma_wait3A_201 : memref<1x16x128xf32, #tpu.memory_space<hbm>> -> memref<16x128xf32, #tpu.memory_space<hbm>>
      tpu.wait_dma2 semaphore(%arg22 : memref<!tpu.dma_semaphore, #tpu.memory_space<semaphore_mem>>) src(%dma_wait3A_202 : memref<16x128xf32, #tpu.memory_space<hbm>>) dst(%arg15 : memref<16x128xf32, #tpu.memory_space<vmem>>)
      %dma_wait3A_203 = arith.constant 0 : i32
      %dma_wait3A_204 = tpu.memref_slice %arg12[%add3A_188, %dma_wait3A_203] : memref<80x128xi32, #tpu.memory_space<vmem>> -> memref<1x128xi32, #tpu.memory_space<vmem>>
      %dma_wait3A_205 = tpu.memref_squeeze %dma_wait3A_204 : memref<1x128xi32, #tpu.memory_space<vmem>> -> memref<128xi32, #tpu.memory_space<vmem>>
      %dma_wait3A_206 = arith.constant 0 : i32
      %dma_wait3A_207 = arith.constant 0 : i32
      %dma_wait3A_208 = tpu.memref_slice %arg10[%dma_wait3A_206, %dma_wait3A_207] : memref<10240x16xf32, #tpu.memory_space<vmem_shared>> -> memref<10240x16xf32, #tpu.memory_space<vmem_shared>>
      tpu.wait_indirect_dma semaphore(%arg24 : memref<!tpu.dma_semaphore, #tpu.memory_space<semaphore_mem>>) src(%arg17 : memref<128x16xf32, #tpu.memory_space<vmem>>) dst(%dma_wait3A_208 : memref<10240x16xf32, #tpu.memory_space<vmem_shared>>)
      %scan3A_209 = arith.constant 0 : i32
      %scan3A_210 = arith.constant 16 : i32
      %scan3A_211 = arith.addi %scan3A_209, %scan3A_210 : i32
      %scan3A_212 = arith.constant 1 : i32
      scf.for %scan3A_287 = %scan3A_209 to %scan3A_211 step %scan3A_212  : i32 {
        %mul3A_288 = arith.constant 1 : i32
        %mul3A_289 = arith.muli %scan3A_287, %mul3A_288 : i32
        %add3A_290 = arith.constant 0 : i32
        %add3A_291 = arith.addi %add3A_290, %mul3A_289 : i32
        %mul3A_292 = arith.constant 8 : i32
        %mul3A_293 = arith.muli %mul3A_292, %add3A_291 : i32
        %add3A_294 = arith.constant 0 : i32
        %add3A_295 = arith.addi %mul3A_293, %add3A_294 : i32
        %get3A_296 = arith.index_cast %add3A_295 : i32 to index
        %get3A_297 = arith.constant 0 : index
        %get3A_298 = tpu.vector_load %arg13[%get3A_296, %get3A_297] {strides = array<i32>} : memref<128x16xf32, #tpu.memory_space<vmem>>, vector<16xf32>,
        %get3A_299 = arith.index_cast %add3A_291 : i32 to index
        %get3A_300 = arith.constant 0 : index
        %get3A_301 = tpu.vector_load %arg15[%get3A_299, %get3A_300] {strides = array<i32>} : memref<16x128xf32, #tpu.memory_space<vmem>>, vector<16xf32>,
        %mul3A_302 = arith.mulf %get3A_298, %get3A_301 : vector<16xf32>
        %swap3A = arith.index_cast %add3A_295 : i32 to index
        %swap3A_303 = arith.constant 0 : index
        %swap3A_304 = tpu.vector_load %arg17[%swap3A, %swap3A_303] {strides = array<i32>} : memref<128x16xf32, #tpu.memory_space<vmem>>, vector<16xf32>,
        tpu.vector_store %arg17[%swap3A, %swap3A_303], %mul3A_302 {strides = array<i32>} : memref<128x16xf32, #tpu.memory_space<vmem>>, vector<16xf32>,
        %mul3A_305 = arith.constant 8 : i32
        %mul3A_306 = arith.muli %mul3A_305, %add3A_291 : i32
        %add3A_307 = arith.constant 1 : i32
        %add3A_308 = arith.addi %mul3A_306, %add3A_307 : i32
        %get3A_309 = arith.index_cast %add3A_308 : i32 to index
        %get3A_310 = arith.constant 0 : index
        %get3A_311 = tpu.vector_load %arg13[%get3A_309, %get3A_310] {strides = array<i32>} : memref<128x16xf32, #tpu.memory_space<vmem>>, vector<16xf32>,
        %get3A_312 = arith.index_cast %add3A_291 : i32 to index
        %get3A_313 = arith.constant 16 : index
        %get3A_314 = tpu.vector_load %arg15[%get3A_312, %get3A_313] {strides = array<i32>} : memref<16x128xf32, #tpu.memory_space<vmem>>, vector<16xf32>,
        %mul3A_315 = arith.mulf %get3A_311, %get3A_314 : vector<16xf32>
        %swap3A_316 = arith.index_cast %add3A_308 : i32 to index
        %swap3A_317 = arith.constant 0 : index
        %swap3A_318 = tpu.vector_load %arg17[%swap3A_316, %swap3A_317] {strides = array<i32>} : memref<128x16xf32, #tpu.memory_space<vmem>>, vector<16xf32>,
        tpu.vector_store %arg17[%swap3A_316, %swap3A_317], %mul3A_315 {strides = array<i32>} : memref<128x16xf32, #tpu.memory_space<vmem>>, vector<16xf32>,
        %mul3A_319 = arith.constant 8 : i32
        %mul3A_320 = arith.muli %mul3A_319, %add3A_291 : i32
        %add3A_321 = arith.constant 2 : i32
        %add3A_322 = arith.addi %mul3A_320, %add3A_321 : i32
        %get3A_323 = arith.index_cast %add3A_322 : i32 to index
        %get3A_324 = arith.constant 0 : index
        %get3A_325 = tpu.vector_load %arg13[%get3A_323, %get3A_324] {strides = array<i32>} : memref<128x16xf32, #tpu.memory_space<vmem>>, vector<16xf32>,
        %get3A_326 = arith.index_cast %add3A_291 : i32 to index
        %get3A_327 = arith.constant 32 : index
        %get3A_328 = tpu.vector_load %arg15[%get3A_326, %get3A_327] {strides = array<i32>} : memref<16x128xf32, #tpu.memory_space<vmem>>, vector<16xf32>,
        %mul3A_329 = arith.mulf %get3A_325, %get3A_328 : vector<16xf32>
        %swap3A_330 = arith.index_cast %add3A_322 : i32 to index
        %swap3A_331 = arith.constant 0 : index
        %swap3A_332 = tpu.vector_load %arg17[%swap3A_330, %swap3A_331] {strides = array<i32>} : memref<128x16xf32, #tpu.memory_space<vmem>>, vector<16xf32>,
        tpu.vector_store %arg17[%swap3A_330, %swap3A_331], %mul3A_329 {strides = array<i32>} : memref<128x16xf32, #tpu.memory_space<vmem>>, vector<16xf32>,
        %mul3A_333 = arith.constant 8 : i32
        %mul3A_334 = arith.muli %mul3A_333, %add3A_291 : i32
        %add3A_335 = arith.constant 3 : i32
        %add3A_336 = arith.addi %mul3A_334, %add3A_335 : i32
        %get3A_337 = arith.index_cast %add3A_336 : i32 to index
        %get3A_338 = arith.constant 0 : index
        %get3A_339 = tpu.vector_load %arg13[%get3A_337, %get3A_338] {strides = array<i32>} : memref<128x16xf32, #tpu.memory_space<vmem>>, vector<16xf32>,
        %get3A_340 = arith.index_cast %add3A_291 : i32 to index
        %get3A_341 = arith.constant 48 : index
        %get3A_342 = tpu.vector_load %arg15[%get3A_340, %get3A_341] {strides = array<i32>} : memref<16x128xf32, #tpu.memory_space<vmem>>, vector<16xf32>,
        %mul3A_343 = arith.mulf %get3A_339, %get3A_342 : vector<16xf32>
        %swap3A_344 = arith.index_cast %add3A_336 : i32 to index
        %swap3A_345 = arith.constant 0 : index
        %swap3A_346 = tpu.vector_load %arg17[%swap3A_344, %swap3A_345] {strides = array<i32>} : memref<128x16xf32, #tpu.memory_space<vmem>>, vector<16xf32>,
        tpu.vector_store %arg17[%swap3A_344, %swap3A_345], %mul3A_343 {strides = array<i32>} : memref<128x16xf32, #tpu.memory_space<vmem>>, vector<16xf32>,
        %mul3A_347 = arith.constant 8 : i32
        %mul3A_348 = arith.muli %mul3A_347, %add3A_291 : i32
        %add3A_349 = arith.constant 4 : i32
        %add3A_350 = arith.addi %mul3A_348, %add3A_349 : i32
        %get3A_351 = arith.index_cast %add3A_350 : i32 to index
        %get3A_352 = arith.constant 0 : index
        %get3A_353 = tpu.vector_load %arg13[%get3A_351, %get3A_352] {strides = array<i32>} : memref<128x16xf32, #tpu.memory_space<vmem>>, vector<16xf32>,
        %get3A_354 = arith.index_cast %add3A_291 : i32 to index
        %get3A_355 = arith.constant 64 : index
        %get3A_356 = tpu.vector_load %arg15[%get3A_354, %get3A_355] {strides = array<i32>} : memref<16x128xf32, #tpu.memory_space<vmem>>, vector<16xf32>,
        %mul3A_357 = arith.mulf %get3A_353, %get3A_356 : vector<16xf32>
        %swap3A_358 = arith.index_cast %add3A_350 : i32 to index
        %swap3A_359 = arith.constant 0 : index
        %swap3A_360 = tpu.vector_load %arg17[%swap3A_358, %swap3A_359] {strides = array<i32>} : memref<128x16xf32, #tpu.memory_space<vmem>>, vector<16xf32>,
        tpu.vector_store %arg17[%swap3A_358, %swap3A_359], %mul3A_357 {strides = array<i32>} : memref<128x16xf32, #tpu.memory_space<vmem>>, vector<16xf32>,
        %mul3A_361 = arith.constant 8 : i32
        %mul3A_362 = arith.muli %mul3A_361, %add3A_291 : i32
        %add3A_363 = arith.constant 5 : i32
        %add3A_364 = arith.addi %mul3A_362, %add3A_363 : i32
        %get3A_365 = arith.index_cast %add3A_364 : i32 to index
        %get3A_366 = arith.constant 0 : index
        %get3A_367 = tpu.vector_load %arg13[%get3A_365, %get3A_366] {strides = array<i32>} : memref<128x16xf32, #tpu.memory_space<vmem>>, vector<16xf32>,
        %get3A_368 = arith.index_cast %add3A_291 : i32 to index
        %get3A_369 = arith.constant 80 : index
        %get3A_370 = tpu.vector_load %arg15[%get3A_368, %get3A_369] {strides = array<i32>} : memref<16x128xf32, #tpu.memory_space<vmem>>, vector<16xf32>,
        %mul3A_371 = arith.mulf %get3A_367, %get3A_370 : vector<16xf32>
        %swap3A_372 = arith.index_cast %add3A_364 : i32 to index
        %swap3A_373 = arith.constant 0 : index
        %swap3A_374 = tpu.vector_load %arg17[%swap3A_372, %swap3A_373] {strides = array<i32>} : memref<128x16xf32, #tpu.memory_space<vmem>>, vector<16xf32>,
        tpu.vector_store %arg17[%swap3A_372, %swap3A_373], %mul3A_371 {strides = array<i32>} : memref<128x16xf32, #tpu.memory_space<vmem>>, vector<16xf32>,
        %mul3A_375 = arith.constant 8 : i32
        %mul3A_376 = arith.muli %mul3A_375, %add3A_291 : i32
        %add3A_377 = arith.constant 6 : i32
        %add3A_378 = arith.addi %mul3A_376, %add3A_377 : i32
        %get3A_379 = arith.index_cast %add3A_378 : i32 to index
        %get3A_380 = arith.constant 0 : index
        %get3A_381 = tpu.vector_load %arg13[%get3A_379, %get3A_380] {strides = array<i32>} : memref<128x16xf32, #tpu.memory_space<vmem>>, vector<16xf32>,
        %get3A_382 = arith.index_cast %add3A_291 : i32 to index
        %get3A_383 = arith.constant 96 : index
        %get3A_384 = tpu.vector_load %arg15[%get3A_382, %get3A_383] {strides = array<i32>} : memref<16x128xf32, #tpu.memory_space<vmem>>, vector<16xf32>,
        %mul3A_385 = arith.mulf %get3A_381, %get3A_384 : vector<16xf32>
        %swap3A_386 = arith.index_cast %add3A_378 : i32 to index
        %swap3A_387 = arith.constant 0 : index
        %swap3A_388 = tpu.vector_load %arg17[%swap3A_386, %swap3A_387] {strides = array<i32>} : memref<128x16xf32, #tpu.memory_space<vmem>>, vector<16xf32>,
        tpu.vector_store %arg17[%swap3A_386, %swap3A_387], %mul3A_385 {strides = array<i32>} : memref<128x16xf32, #tpu.memory_space<vmem>>, vector<16xf32>,
        %mul3A_389 = arith.constant 8 : i32
        %mul3A_390 = arith.muli %mul3A_389, %add3A_291 : i32
        %add3A_391 = arith.constant 7 : i32
        %add3A_392 = arith.addi %mul3A_390, %add3A_391 : i32
        %get3A_393 = arith.index_cast %add3A_392 : i32 to index
        %get3A_394 = arith.constant 0 : index
        %get3A_395 = tpu.vector_load %arg13[%get3A_393, %get3A_394] {strides = array<i32>} : memref<128x16xf32, #tpu.memory_space<vmem>>, vector<16xf32>,
        %get3A_396 = arith.index_cast %add3A_291 : i32 to index
        %get3A_397 = arith.constant 112 : index
        %get3A_398 = tpu.vector_load %arg15[%get3A_396, %get3A_397] {strides = array<i32>} : memref<16x128xf32, #tpu.memory_space<vmem>>, vector<16xf32>,
        %mul3A_399 = arith.mulf %get3A_395, %get3A_398 : vector<16xf32>
        %swap3A_400 = arith.index_cast %add3A_392 : i32 to index
        %swap3A_401 = arith.constant 0 : index
        %swap3A_402 = tpu.vector_load %arg17[%swap3A_400, %swap3A_401] {strides = array<i32>} : memref<128x16xf32, #tpu.memory_space<vmem>>, vector<16xf32>,
        tpu.vector_store %arg17[%swap3A_400, %swap3A_401], %mul3A_399 {strides = array<i32>} : memref<128x16xf32, #tpu.memory_space<vmem>>, vector<16xf32>,
      }
      %scan3A_213 = arith.constant 16 : i32
      %dma_start3A_214 = arith.constant 0 : i32
      %dma_start3A_215 = tpu.memref_slice %arg12[%add3A_188, %dma_start3A_214] : memref<80x128xi32, #tpu.memory_space<vmem>> -> memref<1x128xi32, #tpu.memory_space<vmem>>
      %dma_start3A_216 = tpu.memref_squeeze %dma_start3A_215 : memref<1x128xi32, #tpu.memory_space<vmem>> -> memref<128xi32, #tpu.memory_space<vmem>>
      %dma_start3A_217 = arith.constant 0 : i32
      %dma_start3A_218 = arith.constant 0 : i32
      %dma_start3A_219 = tpu.memref_slice %arg10[%dma_start3A_217, %dma_start3A_218] : memref<10240x16xf32, #tpu.memory_space<vmem_shared>> -> memref<10240x16xf32, #tpu.memory_space<vmem_shared>>
      tpu.enqueue_indirect_dma source(%arg17 : memref<128x16xf32, #tpu.memory_space<vmem>>) target(%dma_start3A_219 : memref<10240x16xf32, #tpu.memory_space<vmem_shared>>) offsets(%dma_start3A_216 : memref<128xi32, #tpu.memory_space<vmem>>) semaphore(%arg24 : memref<!tpu.dma_semaphore, #tpu.memory_space<semaphore_mem>>) {add = true}
      %add3A_220 = arith.constant 2 : i32
      %add3A_221 = arith.addi %add3A_188, %add3A_220 : i32
      %dma_start3A_222 = arith.constant 0 : i32
      %dma_start3A_223 = tpu.memref_slice %arg11[%add3A_221, %dma_start3A_222] : memref<82x128xi32, #tpu.memory_space<vmem>> -> memref<1x128xi32, #tpu.memory_space<vmem>>
      %dma_start3A_224 = tpu.memref_squeeze %dma_start3A_223 : memref<1x128xi32, #tpu.memory_space<vmem>> -> memref<128xi32, #tpu.memory_space<vmem>>
      %dma_start3A_225 = arith.constant 0 : i32
      %dma_start3A_226 = arith.constant 0 : i32
      %dma_start3A_227 = tpu.memref_slice %arg9[%dma_start3A_225, %dma_start3A_226] : memref<10240x16xf32, #tpu.memory_space<vmem_shared>> -> memref<10240x16xf32, #tpu.memory_space<vmem_shared>>
      tpu.enqueue_indirect_dma source(%dma_start3A_227 : memref<10240x16xf32, #tpu.memory_space<vmem_shared>>) target(%arg13 : memref<128x16xf32, #tpu.memory_space<vmem>>) offsets(%dma_start3A_224 : memref<128xi32, #tpu.memory_space<vmem>>) semaphore(%arg20 : memref<!tpu.dma_semaphore, #tpu.memory_space<semaphore_mem>>)
      %mul3A_228 = arith.constant 16 : i32
      %mul3A_229 = arith.muli %mul3A_228, %add3A_221 : i32
      %dma_start3A_230 = arith.constant 0 : i32
      %dma_start3A_231 = tpu.memref_slice %arg7[%add3A, %mul3A_229, %dma_start3A_230] : memref<32x1408x128xf32, #tpu.memory_space<hbm>> -> memref<1x16x128xf32, #tpu.memory_space<hbm>>
      %dma_start3A_232 = tpu.memref_squeeze %dma_start3A_231 : memref<1x16x128xf32, #tpu.memory_space<hbm>> -> memref<16x128xf32, #tpu.memory_space<hbm>>
      %dma_start3A_233 = arith.constant 0 : i32
      %dma_start3A_234 = tpu.memref_slice %arg7[%add3A, %mul3A_229, %dma_start3A_233] : memref<32x1408x128xf32, #tpu.memory_space<hbm>> -> memref<1x16x128xf32, #tpu.memory_space<hbm>>
      %dma_start3A_235 = tpu.memref_squeeze %dma_start3A_234 : memref<1x16x128xf32, #tpu.memory_space<hbm>> -> memref<16x128xf32, #tpu.memory_space<hbm>>
      tpu.enqueue_dma source(%dma_start3A_235 : memref<16x128xf32, #tpu.memory_space<hbm>>) target(%arg15 : memref<16x128xf32, #tpu.memory_space<vmem>>) target_semaphore(%arg22 : memref<!tpu.dma_semaphore, #tpu.memory_space<semaphore_mem>>)
      %mul3A_236 = arith.constant 2 : i32
      %mul3A_237 = arith.muli %mul3A_236, %add3A_184 : i32
      %add3A_238 = arith.constant 1 : i32
      %add3A_239 = arith.addi %mul3A_237, %add3A_238 : i32
      %dma_wait3A_240 = arith.constant 0 : i32
      %dma_wait3A_241 = tpu.memref_slice %arg11[%add3A_239, %dma_wait3A_240] : memref<82x128xi32, #tpu.memory_space<vmem>> -> memref<1x128xi32, #tpu.memory_space<vmem>>
      %dma_wait3A_242 = tpu.memref_squeeze %dma_wait3A_241 : memref<1x128xi32, #tpu.memory_space<vmem>> -> memref<128xi32, #tpu.memory_space<vmem>>
      %dma_wait3A_243 = arith.constant 0 : i32
      %dma_wait3A_244 = arith.constant 0 : i32
      %dma_wait3A_245 = tpu.memref_slice %arg9[%dma_wait3A_243, %dma_wait3A_244] : memref<10240x16xf32, #tpu.memory_space<vmem_shared>> -> memref<10240x16xf32, #tpu.memory_space<vmem_shared>>
      tpu.wait_indirect_dma semaphore(%arg21 : memref<!tpu.dma_semaphore, #tpu.memory_space<semaphore_mem>>) src(%dma_wait3A_245 : memref<10240x16xf32, #tpu.memory_space<vmem_shared>>) dst(%arg14 : memref<128x16xf32, #tpu.memory_space<vmem>>)
      %dma_wait3A_246 = arith.constant 0 : i32
      %dma_wait3A_247 = arith.constant 0 : i32
      %dma_wait3A_248 = tpu.memref_slice %arg7[%add3A, %dma_wait3A_246, %dma_wait3A_247] : memref<32x1408x128xf32, #tpu.memory_space<hbm>> -> memref<1x16x128xf32, #tpu.memory_space<hbm>>
      %dma_wait3A_249 = tpu.memref_squeeze %dma_wait3A_248 : memref<1x16x128xf32, #tpu.memory_space<hbm>> -> memref<16x128xf32, #tpu.memory_space<hbm>>
      %dma_wait3A_250 = arith.constant 0 : i32
      %dma_wait3A_251 = arith.constant 0 : i32
      %dma_wait3A_252 = tpu.memref_slice %arg7[%add3A, %dma_wait3A_250, %dma_wait3A_251] : memref<32x1408x128xf32, #tpu.memory_space<hbm>> -> memref<1x16x128xf32, #tpu.memory_space<hbm>>
      %dma_wait3A_253 = tpu.memref_squeeze %dma_wait3A_252 : memref<1x16x128xf32, #tpu.memory_space<hbm>> -> memref<16x128xf32, #tpu.memory_space<hbm>>
      tpu.wait_dma2 semaphore(%arg23 : memref<!tpu.dma_semaphore, #tpu.memory_space<semaphore_mem>>) src(%dma_wait3A_253 : memref<16x128xf32, #tpu.memory_space<hbm>>) dst(%arg16 : memref<16x128xf32, #tpu.memory_space<vmem>>)
      %dma_wait3A_254 = arith.constant 0 : i32
      %dma_wait3A_255 = tpu.memref_slice %arg12[%add3A_239, %dma_wait3A_254] : memref<80x128xi32, #tpu.memory_space<vmem>> -> memref<1x128xi32, #tpu.memory_space<vmem>>
      %dma_wait3A_256 = tpu.memref_squeeze %dma_wait3A_255 : memref<1x128xi32, #tpu.memory_space<vmem>> -> memref<128xi32, #tpu.memory_space<vmem>>
      %dma_wait3A_257 = arith.constant 0 : i32
      %dma_wait3A_258 = arith.constant 0 : i32
      %dma_wait3A_259 = tpu.memref_slice %arg10[%dma_wait3A_257, %dma_wait3A_258] : memref<10240x16xf32, #tpu.memory_space<vmem_shared>> -> memref<10240x16xf32, #tpu.memory_space<vmem_shared>>
      tpu.wait_indirect_dma semaphore(%arg25 : memref<!tpu.dma_semaphore, #tpu.memory_space<semaphore_mem>>) src(%arg18 : memref<128x16xf32, #tpu.memory_space<vmem>>) dst(%dma_wait3A_259 : memref<10240x16xf32, #tpu.memory_space<vmem_shared>>)
      %scan3A_260 = arith.constant 0 : i32
      %scan3A_261 = arith.constant 16 : i32
      %scan3A_262 = arith.addi %scan3A_260, %scan3A_261 : i32
      %scan3A_263 = arith.constant 1 : i32
      scf.for %scan3A_287 = %scan3A_260 to %scan3A_262 step %scan3A_263  : i32 {
        %mul3A_288 = arith.constant 1 : i32
        %mul3A_289 = arith.muli %scan3A_287, %mul3A_288 : i32
        %add3A_290 = arith.constant 0 : i32
        %add3A_291 = arith.addi %add3A_290, %mul3A_289 : i32
        %mul3A_292 = arith.constant 8 : i32
        %mul3A_293 = arith.muli %mul3A_292, %add3A_291 : i32
        %add3A_294 = arith.constant 0 : i32
        %add3A_295 = arith.addi %mul3A_293, %add3A_294 : i32
        %get3A_296 = arith.index_cast %add3A_295 : i32 to index
        %get3A_297 = arith.constant 0 : index
        %get3A_298 = tpu.vector_load %arg14[%get3A_296, %get3A_297] {strides = array<i32>} : memref<128x16xf32, #tpu.memory_space<vmem>>, vector<16xf32>,
        %get3A_299 = arith.index_cast %add3A_291 : i32 to index
        %get3A_300 = arith.constant 0 : index
        %get3A_301 = tpu.vector_load %arg16[%get3A_299, %get3A_300] {strides = array<i32>} : memref<16x128xf32, #tpu.memory_space<vmem>>, vector<16xf32>,
        %mul3A_302 = arith.mulf %get3A_298, %get3A_301 : vector<16xf32>
        %swap3A = arith.index_cast %add3A_295 : i32 to index
        %swap3A_303 = arith.constant 0 : index
        %swap3A_304 = tpu.vector_load %arg18[%swap3A, %swap3A_303] {strides = array<i32>} : memref<128x16xf32, #tpu.memory_space<vmem>>, vector<16xf32>,
        tpu.vector_store %arg18[%swap3A, %swap3A_303], %mul3A_302 {strides = array<i32>} : memref<128x16xf32, #tpu.memory_space<vmem>>, vector<16xf32>,
        %mul3A_305 = arith.constant 8 : i32
        %mul3A_306 = arith.muli %mul3A_305, %add3A_291 : i32
        %add3A_307 = arith.constant 1 : i32
        %add3A_308 = arith.addi %mul3A_306, %add3A_307 : i32
        %get3A_309 = arith.index_cast %add3A_308 : i32 to index
        %get3A_310 = arith.constant 0 : index
        %get3A_311 = tpu.vector_load %arg14[%get3A_309, %get3A_310] {strides = array<i32>} : memref<128x16xf32, #tpu.memory_space<vmem>>, vector<16xf32>,
        %get3A_312 = arith.index_cast %add3A_291 : i32 to index
        %get3A_313 = arith.constant 16 : index
        %get3A_314 = tpu.vector_load %arg16[%get3A_312, %get3A_313] {strides = array<i32>} : memref<16x128xf32, #tpu.memory_space<vmem>>, vector<16xf32>,
        %mul3A_315 = arith.mulf %get3A_311, %get3A_314 : vector<16xf32>
        %swap3A_316 = arith.index_cast %add3A_308 : i32 to index
        %swap3A_317 = arith.constant 0 : index
        %swap3A_318 = tpu.vector_load %arg18[%swap3A_316, %swap3A_317] {strides = array<i32>} : memref<128x16xf32, #tpu.memory_space<vmem>>, vector<16xf32>,
        tpu.vector_store %arg18[%swap3A_316, %swap3A_317], %mul3A_315 {strides = array<i32>} : memref<128x16xf32, #tpu.memory_space<vmem>>, vector<16xf32>,
        %mul3A_319 = arith.constant 8 : i32
        %mul3A_320 = arith.muli %mul3A_319, %add3A_291 : i32
        %add3A_321 = arith.constant 2 : i32
        %add3A_322 = arith.addi %mul3A_320, %add3A_321 : i32
        %get3A_323 = arith.index_cast %add3A_322 : i32 to index
        %get3A_324 = arith.constant 0 : index
        %get3A_325 = tpu.vector_load %arg14[%get3A_323, %get3A_324] {strides = array<i32>} : memref<128x16xf32, #tpu.memory_space<vmem>>, vector<16xf32>,
        %get3A_326 = arith.index_cast %add3A_291 : i32 to index
        %get3A_327 = arith.constant 32 : index
        %get3A_328 = tpu.vector_load %arg16[%get3A_326, %get3A_327] {strides = array<i32>} : memref<16x128xf32, #tpu.memory_space<vmem>>, vector<16xf32>,
        %mul3A_329 = arith.mulf %get3A_325, %get3A_328 : vector<16xf32>
        %swap3A_330 = arith.index_cast %add3A_322 : i32 to index
        %swap3A_331 = arith.constant 0 : index
        %swap3A_332 = tpu.vector_load %arg18[%swap3A_330, %swap3A_331] {strides = array<i32>} : memref<128x16xf32, #tpu.memory_space<vmem>>, vector<16xf32>,
        tpu.vector_store %arg18[%swap3A_330, %swap3A_331], %mul3A_329 {strides = array<i32>} : memref<128x16xf32, #tpu.memory_space<vmem>>, vector<16xf32>,
        %mul3A_333 = arith.constant 8 : i32
        %mul3A_334 = arith.muli %mul3A_333, %add3A_291 : i32
        %add3A_335 = arith.constant 3 : i32
        %add3A_336 = arith.addi %mul3A_334, %add3A_335 : i32
        %get3A_337 = arith.index_cast %add3A_336 : i32 to index
        %get3A_338 = arith.constant 0 : index
        %get3A_339 = tpu.vector_load %arg14[%get3A_337, %get3A_338] {strides = array<i32>} : memref<128x16xf32, #tpu.memory_space<vmem>>, vector<16xf32>,
        %get3A_340 = arith.index_cast %add3A_291 : i32 to index
        %get3A_341 = arith.constant 48 : index
        %get3A_342 = tpu.vector_load %arg16[%get3A_340, %get3A_341] {strides = array<i32>} : memref<16x128xf32, #tpu.memory_space<vmem>>, vector<16xf32>,
        %mul3A_343 = arith.mulf %get3A_339, %get3A_342 : vector<16xf32>
        %swap3A_344 = arith.index_cast %add3A_336 : i32 to index
        %swap3A_345 = arith.constant 0 : index
        %swap3A_346 = tpu.vector_load %arg18[%swap3A_344, %swap3A_345] {strides = array<i32>} : memref<128x16xf32, #tpu.memory_space<vmem>>, vector<16xf32>,
        tpu.vector_store %arg18[%swap3A_344, %swap3A_345], %mul3A_343 {strides = array<i32>} : memref<128x16xf32, #tpu.memory_space<vmem>>, vector<16xf32>,
        %mul3A_347 = arith.constant 8 : i32
        %mul3A_348 = arith.muli %mul3A_347, %add3A_291 : i32
        %add3A_349 = arith.constant 4 : i32
        %add3A_350 = arith.addi %mul3A_348, %add3A_349 : i32
        %get3A_351 = arith.index_cast %add3A_350 : i32 to index
        %get3A_352 = arith.constant 0 : index
        %get3A_353 = tpu.vector_load %arg14[%get3A_351, %get3A_352] {strides = array<i32>} : memref<128x16xf32, #tpu.memory_space<vmem>>, vector<16xf32>,
        %get3A_354 = arith.index_cast %add3A_291 : i32 to index
        %get3A_355 = arith.constant 64 : index
        %get3A_356 = tpu.vector_load %arg16[%get3A_354, %get3A_355] {strides = array<i32>} : memref<16x128xf32, #tpu.memory_space<vmem>>, vector<16xf32>,
        %mul3A_357 = arith.mulf %get3A_353, %get3A_356 : vector<16xf32>
        %swap3A_358 = arith.index_cast %add3A_350 : i32 to index
        %swap3A_359 = arith.constant 0 : index
        %swap3A_360 = tpu.vector_load %arg18[%swap3A_358, %swap3A_359] {strides = array<i32>} : memref<128x16xf32, #tpu.memory_space<vmem>>, vector<16xf32>,
        tpu.vector_store %arg18[%swap3A_358, %swap3A_359], %mul3A_357 {strides = array<i32>} : memref<128x16xf32, #tpu.memory_space<vmem>>, vector<16xf32>,
        %mul3A_361 = arith.constant 8 : i32
        %mul3A_362 = arith.muli %mul3A_361, %add3A_291 : i32
        %add3A_363 = arith.constant 5 : i32
        %add3A_364 = arith.addi %mul3A_362, %add3A_363 : i32
        %get3A_365 = arith.index_cast %add3A_364 : i32 to index
        %get3A_366 = arith.constant 0 : index
        %get3A_367 = tpu.vector_load %arg14[%get3A_365, %get3A_366] {strides = array<i32>} : memref<128x16xf32, #tpu.memory_space<vmem>>, vector<16xf32>,
        %get3A_368 = arith.index_cast %add3A_291 : i32 to index
        %get3A_369 = arith.constant 80 : index
        %get3A_370 = tpu.vector_load %arg16[%get3A_368, %get3A_369] {strides = array<i32>} : memref<16x128xf32, #tpu.memory_space<vmem>>, vector<16xf32>,
        %mul3A_371 = arith.mulf %get3A_367, %get3A_370 : vector<16xf32>
        %swap3A_372 = arith.index_cast %add3A_364 : i32 to index
        %swap3A_373 = arith.constant 0 : index
        %swap3A_374 = tpu.vector_load %arg18[%swap3A_372, %swap3A_373] {strides = array<i32>} : memref<128x16xf32, #tpu.memory_space<vmem>>, vector<16xf32>,
        tpu.vector_store %arg18[%swap3A_372, %swap3A_373], %mul3A_371 {strides = array<i32>} : memref<128x16xf32, #tpu.memory_space<vmem>>, vector<16xf32>,
        %mul3A_375 = arith.constant 8 : i32
        %mul3A_376 = arith.muli %mul3A_375, %add3A_291 : i32
        %add3A_377 = arith.constant 6 : i32
        %add3A_378 = arith.addi %mul3A_376, %add3A_377 : i32
        %get3A_379 = arith.index_cast %add3A_378 : i32 to index
        %get3A_380 = arith.constant 0 : index
        %get3A_381 = tpu.vector_load %arg14[%get3A_379, %get3A_380] {strides = array<i32>} : memref<128x16xf32, #tpu.memory_space<vmem>>, vector<16xf32>,
        %get3A_382 = arith.index_cast %add3A_291 : i32 to index
        %get3A_383 = arith.constant 96 : index
        %get3A_384 = tpu.vector_load %arg16[%get3A_382, %get3A_383] {strides = array<i32>} : memref<16x128xf32, #tpu.memory_space<vmem>>, vector<16xf32>,
        %mul3A_385 = arith.mulf %get3A_381, %get3A_384 : vector<16xf32>
        %swap3A_386 = arith.index_cast %add3A_378 : i32 to index
        %swap3A_387 = arith.constant 0 : index
        %swap3A_388 = tpu.vector_load %arg18[%swap3A_386, %swap3A_387] {strides = array<i32>} : memref<128x16xf32, #tpu.memory_space<vmem>>, vector<16xf32>,
        tpu.vector_store %arg18[%swap3A_386, %swap3A_387], %mul3A_385 {strides = array<i32>} : memref<128x16xf32, #tpu.memory_space<vmem>>, vector<16xf32>,
        %mul3A_389 = arith.constant 8 : i32
        %mul3A_390 = arith.muli %mul3A_389, %add3A_291 : i32
        %add3A_391 = arith.constant 7 : i32
        %add3A_392 = arith.addi %mul3A_390, %add3A_391 : i32
        %get3A_393 = arith.index_cast %add3A_392 : i32 to index
        %get3A_394 = arith.constant 0 : index
        %get3A_395 = tpu.vector_load %arg14[%get3A_393, %get3A_394] {strides = array<i32>} : memref<128x16xf32, #tpu.memory_space<vmem>>, vector<16xf32>,
        %get3A_396 = arith.index_cast %add3A_291 : i32 to index
        %get3A_397 = arith.constant 112 : index
        %get3A_398 = tpu.vector_load %arg16[%get3A_396, %get3A_397] {strides = array<i32>} : memref<16x128xf32, #tpu.memory_space<vmem>>, vector<16xf32>,
        %mul3A_399 = arith.mulf %get3A_395, %get3A_398 : vector<16xf32>
        %swap3A_400 = arith.index_cast %add3A_392 : i32 to index
        %swap3A_401 = arith.constant 0 : index
        %swap3A_402 = tpu.vector_load %arg18[%swap3A_400, %swap3A_401] {strides = array<i32>} : memref<128x16xf32, #tpu.memory_space<vmem>>, vector<16xf32>,
        tpu.vector_store %arg18[%swap3A_400, %swap3A_401], %mul3A_399 {strides = array<i32>} : memref<128x16xf32, #tpu.memory_space<vmem>>, vector<16xf32>,
      }
      %scan3A_264 = arith.constant 16 : i32
      %dma_start3A_265 = arith.constant 0 : i32
      %dma_start3A_266 = tpu.memref_slice %arg12[%add3A_239, %dma_start3A_265] : memref<80x128xi32, #tpu.memory_space<vmem>> -> memref<1x128xi32, #tpu.memory_space<vmem>>
      %dma_start3A_267 = tpu.memref_squeeze %dma_start3A_266 : memref<1x128xi32, #tpu.memory_space<vmem>> -> memref<128xi32, #tpu.memory_space<vmem>>
      %dma_start3A_268 = arith.constant 0 : i32
      %dma_start3A_269 = arith.constant 0 : i32
      %dma_start3A_270 = tpu.memref_slice %arg10[%dma_start3A_268, %dma_start3A_269] : memref<10240x16xf32, #tpu.memory_space<vmem_shared>> -> memref<10240x16xf32, #tpu.memory_space<vmem_shared>>
      tpu.enqueue_indirect_dma source(%arg18 : memref<128x16xf32, #tpu.memory_space<vmem>>) target(%dma_start3A_270 : memref<10240x16xf32, #tpu.memory_space<vmem_shared>>) offsets(%dma_start3A_267 : memref<128xi32, #tpu.memory_space<vmem>>) semaphore(%arg25 : memref<!tpu.dma_semaphore, #tpu.memory_space<semaphore_mem>>) {add = true}
      %add3A_271 = arith.constant 2 : i32
      %add3A_272 = arith.addi %add3A_239, %add3A_271 : i32
      %dma_start3A_273 = arith.constant 0 : i32
      %dma_start3A_274 = tpu.memref_slice %arg11[%add3A_272, %dma_start3A_273] : memref<82x128xi32, #tpu.memory_space<vmem>> -> memref<1x128xi32, #tpu.memory_space<vmem>>
      %dma_start3A_275 = tpu.memref_squeeze %dma_start3A_274 : memref<1x128xi32, #tpu.memory_space<vmem>> -> memref<128xi32, #tpu.memory_space<vmem>>
      %dma_start3A_276 = arith.constant 0 : i32
      %dma_start3A_277 = arith.constant 0 : i32
      %dma_start3A_278 = tpu.memref_slice %arg9[%dma_start3A_276, %dma_start3A_277] : memref<10240x16xf32, #tpu.memory_space<vmem_shared>> -> memref<10240x16xf32, #tpu.memory_space<vmem_shared>>
      tpu.enqueue_indirect_dma source(%dma_start3A_278 : memref<10240x16xf32, #tpu.memory_space<vmem_shared>>) target(%arg14 : memref<128x16xf32, #tpu.memory_space<vmem>>) offsets(%dma_start3A_275 : memref<128xi32, #tpu.memory_space<vmem>>) semaphore(%arg21 : memref<!tpu.dma_semaphore, #tpu.memory_space<semaphore_mem>>)
      %mul3A_279 = arith.constant 16 : i32
      %mul3A_280 = arith.muli %mul3A_279, %add3A_272 : i32
      %dma_start3A_281 = arith.constant 0 : i32
      %dma_start3A_282 = tpu.memref_slice %arg7[%add3A, %mul3A_280, %dma_start3A_281] : memref<32x1408x128xf32, #tpu.memory_space<hbm>> -> memref<1x16x128xf32, #tpu.memory_space<hbm>>
      %dma_start3A_283 = tpu.memref_squeeze %dma_start3A_282 : memref<1x16x128xf32, #tpu.memory_space<hbm>> -> memref<16x128xf32, #tpu.memory_space<hbm>>
      %dma_start3A_284 = arith.constant 0 : i32
      %dma_start3A_285 = tpu.memref_slice %arg7[%add3A, %mul3A_280, %dma_start3A_284] : memref<32x1408x128xf32, #tpu.memory_space<hbm>> -> memref<1x16x128xf32, #tpu.memory_space<hbm>>
      %dma_start3A_286 = tpu.memref_squeeze %dma_start3A_285 : memref<1x16x128xf32, #tpu.memory_space<hbm>> -> memref<16x128xf32, #tpu.memory_space<hbm>>
      tpu.enqueue_dma source(%dma_start3A_286 : memref<16x128xf32, #tpu.memory_space<hbm>>) target(%arg16 : memref<16x128xf32, #tpu.memory_space<vmem>>) target_semaphore(%arg23 : memref<!tpu.dma_semaphore, #tpu.memory_space<semaphore_mem>>)
    }
    %scan3A_134 = arith.constant 39 : i32
    %dma_wait3A_135 = arith.constant 78 : i32
    %dma_wait3A_136 = arith.constant 0 : i32
    %dma_wait3A_137 = tpu.memref_slice %arg12[%dma_wait3A_135, %dma_wait3A_136] : memref<80x128xi32, #tpu.memory_space<vmem>> -> memref<1x128xi32, #tpu.memory_space<vmem>>
    %dma_wait3A_138 = tpu.memref_squeeze %dma_wait3A_137 : memref<1x128xi32, #tpu.memory_space<vmem>> -> memref<128xi32, #tpu.memory_space<vmem>>
    %dma_wait3A_139 = arith.constant 0 : i32
    %dma_wait3A_140 = arith.constant 0 : i32
    %dma_wait3A_141 = tpu.memref_slice %arg10[%dma_wait3A_139, %dma_wait3A_140] : memref<10240x16xf32, #tpu.memory_space<vmem_shared>> -> memref<10240x16xf32, #tpu.memory_space<vmem_shared>>
    tpu.wait_indirect_dma semaphore(%arg24 : memref<!tpu.dma_semaphore, #tpu.memory_space<semaphore_mem>>) src(%arg17 : memref<128x16xf32, #tpu.memory_space<vmem>>) dst(%dma_wait3A_141 : memref<10240x16xf32, #tpu.memory_space<vmem_shared>>)
    %dma_wait3A_142 = arith.constant 80 : i32
    %dma_wait3A_143 = arith.constant 0 : i32
    %dma_wait3A_144 = tpu.memref_slice %arg11[%dma_wait3A_142, %dma_wait3A_143] : memref<82x128xi32, #tpu.memory_space<vmem>> -> memref<1x128xi32, #tpu.memory_space<vmem>>
    %dma_wait3A_145 = tpu.memref_squeeze %dma_wait3A_144 : memref<1x128xi32, #tpu.memory_space<vmem>> -> memref<128xi32, #tpu.memory_space<vmem>>
    %dma_wait3A_146 = arith.constant 0 : i32
    %dma_wait3A_147 = arith.constant 0 : i32
    %dma_wait3A_148 = tpu.memref_slice %arg9[%dma_wait3A_146, %dma_wait3A_147] : memref<10240x16xf32, #tpu.memory_space<vmem_shared>> -> memref<10240x16xf32, #tpu.memory_space<vmem_shared>>
    tpu.wait_indirect_dma semaphore(%arg20 : memref<!tpu.dma_semaphore, #tpu.memory_space<semaphore_mem>>) src(%dma_wait3A_148 : memref<10240x16xf32, #tpu.memory_space<vmem_shared>>) dst(%arg13 : memref<128x16xf32, #tpu.memory_space<vmem>>)
    %dma_wait3A_149 = arith.constant 0 : i32
    %dma_wait3A_150 = arith.constant 0 : i32
    %dma_wait3A_151 = tpu.memref_slice %arg7[%add3A, %dma_wait3A_149, %dma_wait3A_150] : memref<32x1408x128xf32, #tpu.memory_space<hbm>> -> memref<1x16x128xf32, #tpu.memory_space<hbm>>
    %dma_wait3A_152 = tpu.memref_squeeze %dma_wait3A_151 : memref<1x16x128xf32, #tpu.memory_space<hbm>> -> memref<16x128xf32, #tpu.memory_space<hbm>>
    %dma_wait3A_153 = arith.constant 0 : i32
    %dma_wait3A_154 = arith.constant 0 : i32
    %dma_wait3A_155 = tpu.memref_slice %arg7[%add3A, %dma_wait3A_153, %dma_wait3A_154] : memref<32x1408x128xf32, #tpu.memory_space<hbm>> -> memref<1x16x128xf32, #tpu.memory_space<hbm>>
    %dma_wait3A_156 = tpu.memref_squeeze %dma_wait3A_155 : memref<1x16x128xf32, #tpu.memory_space<hbm>> -> memref<16x128xf32, #tpu.memory_space<hbm>>
    tpu.wait_dma2 semaphore(%arg22 : memref<!tpu.dma_semaphore, #tpu.memory_space<semaphore_mem>>) src(%dma_wait3A_156 : memref<16x128xf32, #tpu.memory_space<hbm>>) dst(%arg15 : memref<16x128xf32, #tpu.memory_space<vmem>>)
    %dma_wait3A_157 = arith.constant 79 : i32
    %dma_wait3A_158 = arith.constant 0 : i32
    %dma_wait3A_159 = tpu.memref_slice %arg12[%dma_wait3A_157, %dma_wait3A_158] : memref<80x128xi32, #tpu.memory_space<vmem>> -> memref<1x128xi32, #tpu.memory_space<vmem>>
    %dma_wait3A_160 = tpu.memref_squeeze %dma_wait3A_159 : memref<1x128xi32, #tpu.memory_space<vmem>> -> memref<128xi32, #tpu.memory_space<vmem>>
    %dma_wait3A_161 = arith.constant 0 : i32
    %dma_wait3A_162 = arith.constant 0 : i32
    %dma_wait3A_163 = tpu.memref_slice %arg10[%dma_wait3A_161, %dma_wait3A_162] : memref<10240x16xf32, #tpu.memory_space<vmem_shared>> -> memref<10240x16xf32, #tpu.memory_space<vmem_shared>>
    tpu.wait_indirect_dma semaphore(%arg25 : memref<!tpu.dma_semaphore, #tpu.memory_space<semaphore_mem>>) src(%arg18 : memref<128x16xf32, #tpu.memory_space<vmem>>) dst(%dma_wait3A_163 : memref<10240x16xf32, #tpu.memory_space<vmem_shared>>)
    %dma_wait3A_164 = arith.constant 81 : i32
    %dma_wait3A_165 = arith.constant 0 : i32
    %dma_wait3A_166 = tpu.memref_slice %arg11[%dma_wait3A_164, %dma_wait3A_165] : memref<82x128xi32, #tpu.memory_space<vmem>> -> memref<1x128xi32, #tpu.memory_space<vmem>>
    %dma_wait3A_167 = tpu.memref_squeeze %dma_wait3A_166 : memref<1x128xi32, #tpu.memory_space<vmem>> -> memref<128xi32, #tpu.memory_space<vmem>>
    %dma_wait3A_168 = arith.constant 0 : i32
    %dma_wait3A_169 = arith.constant 0 : i32
    %dma_wait3A_170 = tpu.memref_slice %arg9[%dma_wait3A_168, %dma_wait3A_169] : memref<10240x16xf32, #tpu.memory_space<vmem_shared>> -> memref<10240x16xf32, #tpu.memory_space<vmem_shared>>
    tpu.wait_indirect_dma semaphore(%arg21 : memref<!tpu.dma_semaphore, #tpu.memory_space<semaphore_mem>>) src(%dma_wait3A_170 : memref<10240x16xf32, #tpu.memory_space<vmem_shared>>) dst(%arg14 : memref<128x16xf32, #tpu.memory_space<vmem>>)
    %dma_wait3A_171 = arith.constant 0 : i32
    %dma_wait3A_172 = arith.constant 0 : i32
    %dma_wait3A_173 = tpu.memref_slice %arg7[%add3A, %dma_wait3A_171, %dma_wait3A_172] : memref<32x1408x128xf32, #tpu.memory_space<hbm>> -> memref<1x16x128xf32, #tpu.memory_space<hbm>>
    %dma_wait3A_174 = tpu.memref_squeeze %dma_wait3A_173 : memref<1x16x128xf32, #tpu.memory_space<hbm>> -> memref<16x128xf32, #tpu.memory_space<hbm>>
    %dma_wait3A_175 = arith.constant 0 : i32
    %dma_wait3A_176 = arith.constant 0 : i32
    %dma_wait3A_177 = tpu.memref_slice %arg7[%add3A, %dma_wait3A_175, %dma_wait3A_176] : memref<32x1408x128xf32, #tpu.memory_space<hbm>> -> memref<1x16x128xf32, #tpu.memory_space<hbm>>
    %dma_wait3A_178 = tpu.memref_squeeze %dma_wait3A_177 : memref<1x16x128xf32, #tpu.memory_space<hbm>> -> memref<16x128xf32, #tpu.memory_space<hbm>>
    tpu.wait_dma2 semaphore(%arg23 : memref<!tpu.dma_semaphore, #tpu.memory_space<semaphore_mem>>) src(%dma_wait3A_178 : memref<16x128xf32, #tpu.memory_space<hbm>>) dst(%arg16 : memref<16x128xf32, #tpu.memory_space<vmem>>)
    %barrier3A_179 = arith.constant 0 : index
    tpu.barrier barrier_id(%barrier3A_179)
    "tpu.region"() ({
      %run_scoped3A_180 = tpu.sem_alloc : memref<!tpu.dma_semaphore, #tpu.memory_space<semaphore_mem>>
      %dma_start3A_181 = arith.constant 0 : i32
      %dma_start3A_182 = tpu.memref_slice %arg10[%mul3A_0, %dma_start3A_181] : memref<10240x16xf32, #tpu.memory_space<vmem_shared>> -> memref<640x16xf32, #tpu.memory_space<vmem_shared>>
      %dma_start3A_183 = arith.constant 0 : i32
      %dma_start3A_184 = tpu.memref_slice %arg10[%mul3A_0, %dma_start3A_183] : memref<10240x16xf32, #tpu.memory_space<vmem_shared>> -> memref<640x16xf32, #tpu.memory_space<vmem_shared>>
      tpu.enqueue_dma source(%dma_start3A_184 : memref<640x16xf32, #tpu.memory_space<vmem_shared>>) target(%arg19 : memref<640x16xf32, #tpu.memory_space<vmem>>) target_semaphore(%run_scoped3A_180 : memref<!tpu.dma_semaphore, #tpu.memory_space<semaphore_mem>>)
      %dma_wait3A_185 = arith.constant 0 : i32
      %dma_wait3A_186 = tpu.memref_slice %arg10[%mul3A_0, %dma_wait3A_185] : memref<10240x16xf32, #tpu.memory_space<vmem_shared>> -> memref<640x16xf32, #tpu.memory_space<vmem_shared>>
      %dma_wait3A_187 = arith.constant 0 : i32
      %dma_wait3A_188 = tpu.memref_slice %arg10[%mul3A_0, %dma_wait3A_187] : memref<10240x16xf32, #tpu.memory_space<vmem_shared>> -> memref<640x16xf32, #tpu.memory_space<vmem_shared>>
      tpu.wait_dma2 semaphore(%run_scoped3A_180 : memref<!tpu.dma_semaphore, #tpu.memory_space<semaphore_mem>>) src(%dma_wait3A_188 : memref<640x16xf32, #tpu.memory_space<vmem_shared>>) dst(%arg19 : memref<640x16xf32, #tpu.memory_space<vmem>>)
      tpu.yield
    }) : () -> ()
    "tpu.region"() ({
      %run_scoped3A_180 = tpu.sem_alloc : memref<!tpu.dma_semaphore, #tpu.memory_space<semaphore_mem>>
      %dma_start3A_181 = arith.constant 0 : i32
      %dma_start3A_182 = tpu.memref_slice %arg8[%arg0, %mul3A_0, %dma_start3A_181] : memref<2x10240x16xf32, #tpu.memory_space<hbm>> -> memref<1x640x16xf32, #tpu.memory_space<hbm>>
      %dma_start3A_183 = tpu.memref_squeeze %dma_start3A_182 : memref<1x640x16xf32, #tpu.memory_space<hbm>> -> memref<640x16xf32, #tpu.memory_space<hbm>>
      %dma_start3A_184 = arith.constant 0 : i32
      %dma_start3A_185 = tpu.memref_slice %arg8[%arg0, %mul3A_0, %dma_start3A_184] : memref<2x10240x16xf32, #tpu.memory_space<hbm>> -> memref<1x640x16xf32, #tpu.memory_space<hbm>>
      %dma_start3A_186 = tpu.memref_squeeze %dma_start3A_185 : memref<1x640x16xf32, #tpu.memory_space<hbm>> -> memref<640x16xf32, #tpu.memory_space<hbm>>
      tpu.enqueue_dma source(%arg19 : memref<640x16xf32, #tpu.memory_space<vmem>>) target(%dma_start3A_186 : memref<640x16xf32, #tpu.memory_space<hbm>>) target_semaphore(%run_scoped3A_180 : memref<!tpu.dma_semaphore, #tpu.memory_space<semaphore_mem>>)
      %dma_wait3A_187 = arith.constant 0 : i32
      %dma_wait3A_188 = tpu.memref_slice %arg8[%arg0, %mul3A_0, %dma_wait3A_187] : memref<2x10240x16xf32, #tpu.memory_space<hbm>> -> memref<1x640x16xf32, #tpu.memory_space<hbm>>
      %dma_wait3A_189 = tpu.memref_squeeze %dma_wait3A_188 : memref<1x640x16xf32, #tpu.memory_space<hbm>> -> memref<640x16xf32, #tpu.memory_space<hbm>>
      %dma_wait3A_190 = arith.constant 0 : i32
      %dma_wait3A_191 = tpu.memref_slice %arg8[%arg0, %mul3A_0, %dma_wait3A_190] : memref<2x10240x16xf32, #tpu.memory_space<hbm>> -> memref<1x640x16xf32, #tpu.memory_space<hbm>>
      %dma_wait3A_192 = tpu.memref_squeeze %dma_wait3A_191 : memref<1x640x16xf32, #tpu.memory_space<hbm>> -> memref<640x16xf32, #tpu.memory_space<hbm>>
      tpu.wait_dma2 semaphore(%run_scoped3A_180 : memref<!tpu.dma_semaphore, #tpu.memory_space<semaphore_mem>>) src(%arg19 : memref<640x16xf32, #tpu.memory_space<vmem>>) dst(%dma_wait3A_192 : memref<640x16xf32, #tpu.memory_space<hbm>>)
      tpu.yield
    }) : () -> ()
    return
  }
}

module attributes {stable_mosaic.version = 14 : i64} {
  func.func @body(%arg0: i32, %arg1: memref<320x128xf32, #tpu.memory_space<vmem>>, %arg2: memref<128x16xf32, #tpu.memory_space<vmem>>, %arg3: memref<1x88x128xf32, #tpu.memory_space<vmem>>, %arg4: memref<128x2048xf32, #tpu.memory_space<vmem>>, %arg5: memref<320x16xf32, #tpu.memory_space<vmem>>, %arg6: memref<1x1408x128xf32, #tpu.memory_space<vmem>>) attributes {dimension_semantics = [#tpu.dimension_semantics<arbitrary>], iteration_bounds = array<i64: 32>, scalar_prefetch = 0 : i64, scratch_operands = 0 : i64, tpu.core_type = #tpu.core_type<tc>, window_params = [{transform_indices = @transform_0, window_bounds = array<i64: 320, 128>}, {pipeline_mode = #tpu.pipeline_mode<synchronous>, transform_indices = @transform_1, window_bounds = array<i64: 128, 16>}, {transform_indices = @transform_2, window_bounds = array<i64: 1, 88, 128>}, {pipeline_mode = #tpu.pipeline_mode<synchronous>, transform_indices = @transform_3, window_bounds = array<i64: 128, 2048>}, {transform_indices = @transform_4, window_bounds = array<i64: 320, 16>}, {transform_indices = @transform_5, window_bounds = array<i64: 1, 1408, 128>}]} {
    %get3A = arith.constant 0 : index
    %get3A_0 = arith.constant 0 : index
    %get3A_1 = vector.load %arg1[%get3A, %get3A_0] : memref<320x128xf32, #tpu.memory_space<vmem>>, vector<320x128xf32>
    %get3A_2 = arith.constant 0 : index
    %get3A_3 = arith.constant 0 : index
    %get3A_4 = vector.load %arg2[%get3A_2, %get3A_3] : memref<128x16xf32, #tpu.memory_space<vmem>>, vector<128x16xf32>
    %dot_general3A = arith.constant dense<0.000000e+00> : vector<320x16xf32>
    %dot_general3A_5 = tpu.matmul %get3A_1, %get3A_4, %dot_general3A {dimension_numbers = #tpu.dot_dimension_numbers<[1], [0], [0], [1], [0, 0, 1, 1], [], []>, transpose_lhs_hint = false} : vector<320x128xf32>, vector<128x16xf32>, vector<320x16xf32> -> vector<320x16xf32>
    %swap3A = arith.constant 0 : index
    %swap3A_6 = arith.constant 0 : index
    %swap3A_7 = vector.load %arg5[%swap3A, %swap3A_6] : memref<320x16xf32, #tpu.memory_space<vmem>>, vector<320x16xf32>
    tpu.vector_store %arg5[%swap3A, %swap3A_6], %dot_general3A_5 {strides = array<i32>} : memref<320x16xf32, #tpu.memory_space<vmem>>, vector<320x16xf32>,
    %get3A_8 = arith.constant 0 : index
    %get3A_9 = arith.constant 0 : index
    %get3A_10 = arith.constant 0 : index
    %get3A_11 = vector.load %arg3[%get3A_8, %get3A_9, %get3A_10] : memref<1x88x128xf32, #tpu.memory_space<vmem>>, vector<1x88x128xf32>
    %get3A_12 = vector.shape_cast %get3A_11 : vector<1x88x128xf32> to vector<88x128xf32>
    %get3A_13 = arith.constant 0 : index
    %get3A_14 = arith.constant 0 : index
    %get3A_15 = vector.load %arg4[%get3A_13, %get3A_14] : memref<128x2048xf32, #tpu.memory_space<vmem>>, vector<128x2048xf32>
    %dot_general3A_16 = arith.constant dense<0.000000e+00> : vector<88x2048xf32>
    %dot_general3A_17 = tpu.matmul %get3A_12, %get3A_15, %dot_general3A_16 {dimension_numbers = #tpu.dot_dimension_numbers<[1], [0], [0], [1], [0, 0, 1, 1], [], []>, transpose_lhs_hint = false} : vector<88x128xf32>, vector<128x2048xf32>, vector<88x2048xf32> -> vector<88x2048xf32>
    %reshape3A = vector.shape_cast %dot_general3A_17 : vector<88x2048xf32> to vector<1408x128xf32>
    %swap3A_18 = arith.constant 0 : index
    %swap3A_19 = arith.constant 0 : index
    %swap3A_20 = arith.constant 0 : index
    %swap3A_21 = vector.load %arg6[%swap3A_18, %swap3A_19, %swap3A_20] : memref<1x1408x128xf32, #tpu.memory_space<vmem>>, vector<1x1408x128xf32>
    %swap3A_22 = vector.shape_cast %swap3A_21 : vector<1x1408x128xf32> to vector<1408x128xf32>
    %swap3A_23 = vector.shape_cast %reshape3A : vector<1408x128xf32> to vector<1x1408x128xf32>
    tpu.vector_store %arg6[%swap3A_18, %swap3A_19, %swap3A_20], %swap3A_23 {strides = array<i32>} : memref<1x1408x128xf32, #tpu.memory_space<vmem>>, vector<1x1408x128xf32>,
    return
  }
  func.func @transform_0(%arg0: i32) -> (i32, i32) {
    %c0_i32 = arith.constant 0 : i32
    %c0_i32_0 = arith.constant 0 : i32
    return %arg0, %c0_i32 : i32, i32
  }
  func.func @transform_1(%arg0: i32) -> (i32, i32) {
    %c0_i32 = arith.constant 0 : i32
    %c0_i32_0 = arith.constant 0 : i32
    %c0_i32_1 = arith.constant 0 : i32
    return %c0_i32, %c0_i32_0 : i32, i32
  }
  func.func @transform_2(%arg0: i32) -> (i32, i32, i32) {
    %c0_i32 = arith.constant 0 : i32
    %c0_i32_0 = arith.constant 0 : i32
    %c0_i32_1 = arith.constant 0 : i32
    return %arg0, %c0_i32, %c0_i32_0 : i32, i32, i32
  }
  func.func @transform_3(%arg0: i32) -> (i32, i32) {
    %c0_i32 = arith.constant 0 : i32
    %c0_i32_0 = arith.constant 0 : i32
    %c0_i32_1 = arith.constant 0 : i32
    return %c0_i32, %c0_i32_0 : i32, i32
  }
  func.func @transform_4(%arg0: i32) -> (i32, i32) {
    %c0_i32 = arith.constant 0 : i32
    %c0_i32_0 = arith.constant 0 : i32
    return %arg0, %c0_i32 : i32, i32
  }
  func.func @transform_5(%arg0: i32) -> (i32, i32, i32) {
    %c0_i32 = arith.constant 0 : i32
    %c0_i32_0 = arith.constant 0 : i32
    %c0_i32_1 = arith.constant 0 : i32
    return %arg0, %c0_i32, %c0_i32_0 : i32, i32, i32
  }
}

module attributes {stable_mosaic.version = 14 : i64} {
  func.func @body(%arg0: memref<10240x16xf32, #tpu.memory_space<vmem>>, %arg1: memref<10240x16xf32, #tpu.memory_space<vmem>>, %arg2: memref<10240x16xf32, #tpu.memory_space<vmem>>, %arg3: memref<16x64xf32, #tpu.memory_space<vmem>>, %arg4: memref<1x64xf32, #tpu.memory_space<vmem>>, %arg5: memref<10240x64xf32, #tpu.memory_space<vmem>>) attributes {dimension_semantics = [], scalar_prefetch = 0 : i64, scratch_operands = 0 : i64, tpu.core_type = #tpu.core_type<tc>} {
    %get3A = arith.constant 0 : index
    %get3A_0 = arith.constant 0 : index
    %get3A_1 = vector.load %arg0[%get3A, %get3A_0] : memref<10240x16xf32, #tpu.memory_space<vmem>>, vector<10240x16xf32>
    %get3A_2 = arith.constant 0 : index
    %get3A_3 = arith.constant 0 : index
    %get3A_4 = vector.load %arg1[%get3A_2, %get3A_3] : memref<10240x16xf32, #tpu.memory_space<vmem>>, vector<10240x16xf32>
    %add3A = arith.addf %get3A_1, %get3A_4 : vector<10240x16xf32>
    %get3A_5 = arith.constant 0 : index
    %get3A_6 = arith.constant 0 : index
    %get3A_7 = vector.load %arg2[%get3A_5, %get3A_6] : memref<10240x16xf32, #tpu.memory_space<vmem>>, vector<10240x16xf32>
    %mul3A = arith.mulf %add3A, %get3A_7 : vector<10240x16xf32>
    %get3A_8 = arith.constant 0 : index
    %get3A_9 = arith.constant 0 : index
    %get3A_10 = vector.load %arg3[%get3A_8, %get3A_9] : memref<16x64xf32, #tpu.memory_space<vmem>>, vector<16x64xf32>
    %dot_general3A = arith.constant dense<0.000000e+00> : vector<10240x64xf32>
    %dot_general3A_11 = tpu.matmul %mul3A, %get3A_10, %dot_general3A {dimension_numbers = #tpu.dot_dimension_numbers<[1], [0], [0], [1], [0, 0, 1, 1], [], []>, transpose_lhs_hint = false} : vector<10240x16xf32>, vector<16x64xf32>, vector<10240x64xf32> -> vector<10240x64xf32>
    %get3A_12 = arith.constant 0 : index
    %get3A_13 = arith.constant 0 : index
    %get3A_14 = vector.load %arg4[%get3A_12, %get3A_13] : memref<1x64xf32, #tpu.memory_space<vmem>>, vector<1x64xf32>
    %add3A_15 = vector.broadcast %get3A_14 : vector<1x64xf32> to vector<10240x64xf32>
    %add3A_16 = arith.addf %dot_general3A_11, %add3A_15 : vector<10240x64xf32>
    %reduce_max3A = arith.constant dense<0xFF800000> : vector<10240xf32>
    %reduce_max3A_17 = vector.multi_reduction <maximumf>, %add3A_16, %reduce_max3A [1] : vector<10240x64xf32> to vector<10240xf32>
    %broadcast_in_dim3A = vector.shape_cast %reduce_max3A_17 : vector<10240xf32> to vector<10240x1xf32>
    %sub3A = vector.broadcast %broadcast_in_dim3A : vector<10240x1xf32> to vector<10240x64xf32>
    %sub3A_18 = arith.subf %add3A_16, %sub3A : vector<10240x64xf32>
    %exp3A = math.exp %sub3A_18 : vector<10240x64xf32>
    %reduce_sum3A = arith.constant dense<0.000000e+00> : vector<10240xf32>
    %reduce_sum3A_19 = vector.multi_reduction <add>, %exp3A, %reduce_sum3A [1] : vector<10240x64xf32> to vector<10240xf32>
    %broadcast_in_dim3A_20 = vector.shape_cast %reduce_sum3A_19 : vector<10240xf32> to vector<10240x1xf32>
    %log3A = math.log %broadcast_in_dim3A_20 : vector<10240x1xf32>
    %add3A_21 = arith.addf %log3A, %broadcast_in_dim3A : vector<10240x1xf32>
    %sub3A_22 = vector.broadcast %add3A_21 : vector<10240x1xf32> to vector<10240x64xf32>
    %sub3A_23 = arith.subf %add3A_16, %sub3A_22 : vector<10240x64xf32>
    %swap3A = arith.constant 0 : index
    %swap3A_24 = arith.constant 0 : index
    %swap3A_25 = vector.load %arg5[%swap3A, %swap3A_24] : memref<10240x64xf32, #tpu.memory_space<vmem>>, vector<10240x64xf32>
    tpu.vector_store %arg5[%swap3A, %swap3A_24], %sub3A_23 {strides = array<i32>} : memref<10240x64xf32, #tpu.memory_space<vmem>>, vector<10240x64xf32>,
    return
  }
}

</mosaic_0001>

<sc_bundles>
// kernel: kernel.10.cloned.1.call-start
scs
__scs_entry_jumppad:
0x0: {  	(pc) =	sbr.rel $0x88, $3  }
0x1: {  	(tag) =	ssettag $0x0;
	lr =	simm.s32 $0x1  }
0x2: {  	[smem:$0x3F9A] =	sst lr;
	_ =	strace $0xD0000000  }
0x3: {  	_ = 	snop  }
0x4: {  	_ = 	snop  }
0x5: {  	_ = 	snop  }
0x6: {  	_ = 	snop  }
0x7: {  	_ = 	snop  }
__scs_overlays_trampoline_lowered:
0x8: {  	[smem:$0x3FA9] =	sst s0  }
0x9: {  	[smem:$0x3FAA] =	sst s1  }
0xa: {  	[smem:$0x3FAB] =	sst s2  }
0xb: {  	[smem:$0x3FAC] =	sst s3  }
0xc: {  	[smem:$0x3FAD] =	sst s4  }
0xd: {  	[smem:$0x3FAE] =	sst s5  }
0xe: {  	[smem:$0x3FAF] =	sst s6  }
0xf: {  	[smem:$0x3FB0] =	sst s7  }
0x10: {  	[smem:$0x3FB1] =	sst s8  }
0x11: {  	[smem:$0x3FB2] =	sst s9;
	s0 =	simm.s32 @!p0 $0x0  }
0x12: {  	s1 =	sld [smem:$0x3F98];
	s0 =	simm.s32 @p0 $0x1  }
0x13: {  	[smem:$0x3FB3] =	sst s0;
	s0 =	simm.s32 @!p1 $0x0  }
0x14: {  	s2 =	sld [smem:$0x3F97];
	s0 =	simm.s32 @p1 $0x1  }
0x15: {  	[smem:$0x3FB4] =	sst s0;
	s0 =	simm.s32 @!p2 $0x0  }
0x16: {  	s3 =	sld [smem:$0x3FDB];
	s0 =	simm.s32 @p2 $0x1  }
0x17: {  	s4 =	simm.s32 $0x1BF5;
	[smem:$0x3FB6] =	sst s0  }
0x18: {  	s0 =	sld [smem:$0x3F99];
	_ =	swait.ge [sflag:s4], $0x0  }
0x19: {  	s7 =	sld [smem:$0x3F9A]  }
0x1a: {  	s8 =	sadd.s32 $0xFFFFE003, lr  }
0x1b: {  	s9 =	sadd.s32 $0xFFFFFEF7, lr;
	s5 =	simm.s32 $0xFFFFFFFF;
	p2 =	slt.u32 s8, $0xFFFFF086  }
0x1c: {  	p1 =	slt.u32 s9, $0xF7A;
	s5 =	simm.s32 @!p2 $0x0  }
0x1d: {  	s5 =	simm.s32 @p1 $0x1;
	p0 =	seq.s32 s7, s2  }
0x1e: {  	s7 =	smul.u32 @!p0 $0xF7A, s2;
	p2 =	seq.s32 @!p0 s5, $0x0  }
0x1f: {  	s9 =	smul.u32 $0xF7A, s1;
	s8 =	simm.s32 @!p0 $0x1BF5;
	p2 =	por !p2, p0  }
0x20: {  	[sflag:s8] =	ssyncset.s32 @!p0 $0xFFFFF086;
	s6 =	sadd.s32 @!p0 s3, s7;
	s7 =	simm.s32 @!p0 $0x108  }
0x21: {  	s3 =	sadd.s32 s3, s9;
	s6 =	sadd.s32 @!p0 $0x88, s6;
	s7 =	simm.s32 @p2 $0x1082  }
0x22: {  	[simem:s7], [sflag:s8] =	dma.local @!p0 [hbm:s6], $0xF7A  }
0x23: {  	s9 =	sor.u32 $0xD0000000, s2;
	s6 =	simm.s32 $0x108;
	_ =	swait.ge @!p0 [sflag:s8], $0x0  }
0x24: {  	s3 =	sadd.s32 $0x88, s3;
	s6 =	simm.s32 @!p1 $0x1082;
	[sflag:s4] =	ssyncset.s32 $0xFFFFF086  }
0x25: {  	[simem:s6], [sflag:s4] =	dma.local [hbm:s3], $0xF7A  }
0x26: {  	[smem:$0x3F9A] =	sst s1;
	(tag) =	ssettag s2;
	_ =	strace s9  }
0x27: {  	s1 =	sld [smem:$0x3FAA]  }
0x28: {  	s2 =	sld [smem:$0x3FAB]  }
0x29: {  	s4 =	sld [smem:$0x3FAD]  }
0x2a: {  	p0 =	seq.s32 s5, $0x0;
	s5 =	sld [smem:$0x3FAE]  }
0x2b: {  	s6 =	sld [smem:$0x3FAF]  }
0x2c: {  	s7 =	sld [smem:$0x3FB0]  }
0x2d: {  	s3 =	simm.s32 $0x108;
	s8 =	sld [smem:$0x3FB1]  }
0x2e: {  	s3 =	simm.s32 @!p0 $0x1082;
	s9 =	sld [smem:$0x3FB2]  }
0x2f: {  	lr =	sadd.s32 s0, s3;
	s0 =	sld [smem:$0x3FA9]  }
0x30: {  	s3 =	sld [smem:$0x3FAC]  }
0x31: {  	[smem:$0x3FB5] =	sst s10  }
0x32: {  	s10 =	sld [smem:$0x3FB3];
	_ =	sdelay $0x3  }
0x33: {  	p0 =	seq.s32 s10, $0x1;
	s10 =	sld [smem:$0x3FB5];
	_ =	sdelay $0x3  }
0x34: {  	[smem:$0x3FB5] =	sst s10  }
0x35: {  	s10 =	sld [smem:$0x3FB4];
	_ =	sdelay $0x3  }
0x36: {  	p1 =	seq.s32 s10, $0x1;
	s10 =	sld [smem:$0x3FB5];
	_ =	sdelay $0x3  }
0x37: {  	[smem:$0x3FB5] =	sst s10  }
0x38: {  	s10 =	sld [smem:$0x3FB6]  }
0x39: {  	_ = 	snop;
	(pc) =	sbr.ind lr, $3  }
0x3a: {  	_ = 	snop  }
0x3b: {  	_ = 	snop  }
0x3c: {  	p2 =	seq.s32 s10, $0x1;
	s10 =	sld [smem:$0x3FB5]  }
0x3d: {  	_ =	shalt  }
0x3e: {  	_ =	shalt  }
0x3f: {  	_ =	shalt  }
0x40: {  	_ =	shalt  }
0x41: {  	_ =	shalt  }
0x42: {  	_ =	shalt  }
0x43: {  	_ =	shalt  }
0x44: {  	_ =	shalt  }
0x45: {  	_ =	shalt  }
0x46: {  	_ =	shalt  }
0x47: {  	_ =	shalt  }
0x48: {  	_ =	shalt  }
0x49: {  	_ =	shalt  }
0x4a: {  	_ =	shalt  }
0x4b: {  	_ =	shalt  }
0x4c: {  	_ =	shalt  }
0x4d: {  	_ =	shalt  }
0x4e: {  	_ =	shalt  }
0x4f: {  	_ =	shalt  }
0x50: {  	_ =	shalt  }
0x51: {  	_ =	shalt  }
0x52: {  	_ =	shalt  }
0x53: {  	_ =	shalt  }
0x54: {  	_ =	shalt  }
0x55: {  	_ =	shalt  }
0x56: {  	_ =	shalt  }
0x57: {  	_ =	shalt  }
0x58: {  	_ =	shalt  }
0x59: {  	_ =	shalt  }
0x5a: {  	_ =	shalt  }
0x5b: {  	_ =	shalt  }
0x5c: {  	_ =	shalt  }
0x5d: {  	_ =	shalt  }
0x5e: {  	_ =	shalt  }
0x5f: {  	_ =	shalt  }
0x60: {  	_ =	shalt  }
0x61: {  	_ =	shalt  }
0x62: {  	_ =	shalt  }
0x63: {  	_ =	shalt  }
0x64: {  	_ =	shalt  }
0x65: {  	_ =	shalt  }
0x66: {  	_ =	shalt  }
0x67: {  	_ =	shalt  }
0x68: {  	_ =	shalt  }
0x69: {  	_ =	shalt  }
0x6a: {  	_ =	shalt  }
0x6b: {  	_ =	shalt  }
0x6c: {  	_ =	shalt  }
0x6d: {  	_ =	shalt  }
0x6e: {  	_ =	shalt  }
0x6f: {  	_ =	shalt  }
0x70: {  	_ =	shalt  }
0x71: {  	_ =	shalt  }
0x72: {  	_ =	shalt  }
0x73: {  	_ =	shalt  }
0x74: {  	_ =	shalt  }
0x75: {  	_ =	shalt  }
0x76: {  	_ =	shalt  }
0x77: {  	_ =	shalt  }
0x78: {  	_ =	shalt  }
0x79: {  	_ =	shalt  }
0x7a: {  	_ =	shalt  }
0x7b: {  	_ =	shalt  }
0x7c: {  	_ =	shalt  }
0x7d: {  	_ =	shalt  }
0x7e: {  	_ =	shalt  }
0x7f: {  	_ =	shalt  }
0x80: {  	_ =	shalt  }
0x81: {  	_ =	shalt  }
0x82: {  	_ =	shalt  }
0x83: {  	_ =	shalt  }
0x84: {  	_ =	shalt  }
0x85: {  	_ =	shalt  }
0x86: {  	_ =	shalt  }
0x87: {  	_ =	shalt  }
.Lfunc_end0:
.L_simem_size_0:
called_computation.1_lowered:
.L_overlay_start_0:
0x88: {  	s2 =	sld [smem:$0x3FD9]  }
0x89: {  	s3 =	sld [smem:$0x3FFE];
	_ =	sdelay $0x1  }
0x8a: {  	s1 =	srdreg.scid  }
0x8b: {  	s0 =	sand.u32 $0x1, s1  }
0x8c: {  	s16 =	sshll.u32 s0, $0xA;
	s2 =	sadd.s32 s3, s2  }
0x8d: {  	s2 =	sadd.s32 s2, s16  }
0x8e: {  	[smem:$0x3FC1] =	sst s2  }
0x8f: {  	_ = 	snop  }
0x90: {  	(tm) =	ssettm $0x1  }
0x91: {  	s17 =	sld [smem:$0x3FFB];
	_ =	sdelay $0x3  }
0x92: {  	_ =	strace s17  }
0x93: {  	s2 =	sld [smem:$0x3FFC];
	_ =	sdelay $0x3  }
0x94: {  	_ =	strace s2  }
0x95: {  	s2 =	sld [smem:$0x3FFD];
	_ =	sdelay $0x3  }
0x96: {  	_ =	strace s2  }
0x97: {  	_ =	strace $0x8FFFFFFF  }
0x98: {  	s18 =	sld [smem:$0x3FDB];
	_ =	sdelay $0x1  }
0x99: {  	s19 =	simm.s32 $_scs_section_size  }
0x9a: {  	s4 =	simm.s32 $_size__tile_overlayer_lowered;
	s5 =	simm.s32 $_tile_overlayer_lowered  }
0x9b: {  	s22 =	simm.s32 $0x1BFF;
	s21 =	sshll.u32 s5, $0x1;
	s2 =	sadd.s32 s19, s18  }
0x9c: {  	s6 =	simm.s32 $0x0;
	s20 =	sshll.u32 s4, $0x1;
	s4 =	sadd.s32 s21, s2  }
0x9d: {  	[timem:s6], [sflag:s22] =	dma.local [hbm:s4], s20  }
0x9e: {  	_ =	swait.ge [sflag:s22], s20  }
0x9f: {  	s3 =	ssub.s32 $0x0, s20;
	[sflag:s22] =	ssyncset.done $0x0  }
0xa0: {  	[sflag:s22] =	ssyncadd.s32 s3;
	_ =	sdelay $0x1  }
0xa1: {  	s23 =	simm.s32 $0x1B8B  }
0xa2: {  	_ =	swait.ge [sflag:s23], $0x1  }
0xa3: {  	[sflag:s23] =	ssyncset.done $0x0  }
0xa4: {  	s25 =	simm.s32 $0x1B8E;
	s24 =	sld [smem:$0x3FFE];
	[sflag:s23] =	ssyncadd.s32 $0xFFFFFFFF  }
0xa5: {  	s26 =	simm.s32 $execute0_lowered;
	[smem:$0x3FD2] =	sst s25  }
0xa6: {  	s4 =	sshll.u32 s26, $0x1;
	_ =	strace $0x80000049;
	[dreg:$0x1] =	wrdreg $0xFFFFFFFF  }
0xa7: {  	s28 =	simm.s32 $_size_execute0_lowered;
	s2 =	sadd.s32 s2, s4;
	[dreg:$0x0] =	wrdreg $0x0  }
0xa8: {  	s4 =	sshll.u32 s28, $0x1;
	[dreg:$0x2] =	wrdreg s2  }
0xa9: {  	[dreg:$0x3] =	wrdreg s4  }
0xaa: {  	[dreg:$0x4] =	wrdreg $0xC0  }
0xab: {  	_ =	task [dreg:s6], $0x5FFFF  }
0xac: {  	[dreg:$0x1] =	wrdreg $0xFFFFFFFF  }
0xad: {  	[dreg:$0x0] =	wrdreg $0x60  }
0xae: {  	[dreg:$0x2] =	wrdreg s24  }
0xaf: {  	[dreg:$0x3] =	wrdreg $0x0  }
0xb0: {  	[dreg:$0x4] =	wrdreg $0x28000  }
0xb1: {  	[dreg:$0x5] =	wrdreg $0x9  }
0xb2: {  	_ =	task.clear_ibuf [dreg:s6], $0x6FFFF;
	_ =	strace $0x90000049  }
0xb3: {  	s29 =	simm.s32 $0x9;
	_ =	strace $0x8000004B  }
0xb4: {  	_ =	swait.ge [sflag:s29], $0x1  }
0xb5: {  	[sflag:s29] =	ssyncadd.s32 $0xFFFFFFFF  }
0xb6: {  	_ =	strace $0x9000004B  }
0xb7: {  	_ =	sfence  }
0xb8: {  	s30 =	sld [smem:$0x0];
	_ =	sdelay $0x2  }
0xb9: {  	s31 =	sshll.u32 s1, $0xD;
	s1 =	sshrl.u32 s1, $0x2  }
0xba: {  	s3 =	sand.u32 $0x4000, s31;
	s1 =	sadd.s32 s1, s30  }
0xbb: {  	s0 =	sor.u32 s3, s0;
	s1 =	sshll.u32 s1, $0x11  }
0xbc: {  	s0 =	sor.u32 s1, s0  }
0xbd: {  	s0 =	sadd.s32 $0x8F2B, s0  }
0xbe: {  	[sflag:s0] =	ssyncadd.remote.s32 $0x1  }
0xbf: {  	_ =	sfence.sel $0xFFFF  }
0xc0: {  	[dreg:$0x0] =	wrdreg $0xFFFFFFFF;
	(pc) =	sbr.abs _section_cstart, $3  }
0xc1: {  	[dreg:$0x1] =	wrdreg $0xFFFFFFFF  }
0xc2: {  	_ =	task.clear_ibuf [dreg:s6], $0x2FFFF;
	_ =	strace $0x9FFFFFFF  }
0xc3: {  	(tm) =	ssettm $0x7FFFFFFF  }
tec
execute0_lowered:
.L_overlay_start_1:
0x0: {  	(tag) =	ssettag $0x1  }
0x1: {  	s0 =	srdreg.scid;
	s1 =	rddreg [dreg:$0x0]  }
0x2: {  	s8 =	stileid.u32;
	s2 =	rddreg [dreg:$0x1];
	s4 =	simm.s32 $0x0  }
0x3: {  	s14 =	simm.s32 $0xD100;
	s30 =	simm.s32 $0x80;
	s31 =	simm.s32 $0xA100  }
0x4: {  	s28 =	simm.s32 $0x0;
	s0 =	sand.u32 $0x1, s0;
	s5 =	smul.u32 $0x280, s8  }
0x5: {  	[smem:$0x7FF] =	sst s4;
	s3 =	sshll.u32 s0, $0x4;
	s9 =	smul.u32 $0x28000, s0  }
0x6: {  	s11 =	ssub.s32 $0x2, s0;
	p0 =	sne.s32 s0, $0x0;
	s0 =	simm.s32 $0x3  }
0x7: {  	s6 =	sor.u32 s8, s3;
	s3 =	rddreg [dreg:$0x2];
	s8 =	smul.u32 $0x2800, s8  }
0x8: {  	_ =	strace $0x8000004A;
	s5 =	sshrl.u32 s5, $0x3;
	s13 =	sshrl.u32 s11, $0x1  }
0x9: {  	s7 =	smul.u32 $0x580, s6;
	s10 =	sadd.s32 s5, s1;
	s5 =	sadd.s32 $0xDA00, s1  }
0xa: {  	s16 =	ssub.s32 s11, s13;
	s6 =	smul.u32 $0x2C000, s6;
	s13 =	simm.s32 $0x6  }
0xb: {  	s9 =	sadd.s32 s8, s9;
	s12 =	sshrl.u32 s8, $0x3;
	s18 =	sadd.s32 $0xD000, s10  }
0xc: {  	s10 =	sadd.s32 $0xD500, s10;
	s19 =	sadd.s32 s8, s2;
	[dreg:$0x5] =	wrdreg s18  }
0xd: {  	s21 =	sadd.s32 s8, s3;
	s29 =	smax.u32 s16, $0x1;
	[dreg:$0x6] =	wrdreg s10  }
0xe: {  	s7 =	sadd.s32 s7, s1;
	s9 =	sshrl.u32 s9, $0x3;
	[dreg:$0x7] =	wrdreg s19  }
0xf: {  	s20 =	sshrl.u32 s6, $0x3;
	[dreg:$0x10] =	wrdreg s29;
	s22 =	sadd.s32 $0xC2A00, s7  }
0x10: {  	s9 =	sadd.s32 s9, s1;
	s7 =	sadd.s32 $0x2000, s7;
	[dreg:$0x9] =	wrdreg s22  }
0x11: {  	s1 =	sadd.s32 s12, s1;
	s23 =	sadd.s32 s5, s20;
	[dreg:$0xb] =	wrdreg s7  }
0x12: {  	s8 =	simm.s32 $0x4;
	s17 =	sadd.s32 $0xBDA00, s1;
	[dreg:$0xa] =	wrdreg s23  }
0x13: {  	s10 =	simm.s32 $0x5;
	s1 =	sadd.s32 $0xD7A00, s1;
	[dreg:$0x4] =	wrdreg s17  }
0x14: {  	s12 =	simm.s32 $0xC100;
	s24 =	sadd.s32 $0x100, s23;
	[dreg:$0x8] =	wrdreg s1  }
0x15: {  	s25 =	sadd.s32 $0x200, s23;
	s26 =	sadd.s32 $0xCDA00, s9;
	[dreg:$0xc] =	wrdreg s24  }
0x16: {  	s22 =	simm.s32 $0x7;
	s7 =	simm.s32 $0x2;
	[dreg:$0xd] =	wrdreg s25  }
0x17: {  	s9 =	simm.s32 $0xC900;
	s1 =	sadd.s32 $0x300, s23;
	[dreg:$0xf] =	wrdreg s26  }
0x18: {  	s25 =	simm.s32 $0xFE00;
	s26 =	simm.s32 $0xA900;
	s23 =	simm.s32 $0xB900  }
0x19: {  	v0 =	vimm.f32 $0.0e+00;
	s24 =	simm.s32 $0x1;
	[dreg:$0xe] =	wrdreg s1;
	s1 =	simm.s32 $0xB100  }
.LBB2_1:
0x1a: {  	s11 =	rddreg [dreg:$0x4]  }
0x1b: {  	[tilespmem:s14], [sflag:$0x7] =	stream.linear.gather [hbm4b:s11+s4], $0x2800, $0x38;
	[tilespmem:$0x12880] =	vst v63  }
0x1c: {  	_ =	swait.ge [sflag:s22], $0x2800  }
0x1d: {  	[sflag:s22] =	ssyncset.done $0x0  }
0x1e: {  	s18 =	simm.s32 $0xF900;
	s17 =	rddreg [dreg:$0x5];
	[sflag:s22] =	ssyncadd.s32 $0xFFFFD800  }
0x1f: {  	[tilespmem:s18], [sflag:$0x7] =	stream.linear.gather [hbm4b:s17+s4], $0x280, $0x38;
	[tilespmem:$0x12880] =	vst v63  }
0x20: {  	_ =	swait.ge [sflag:s22], $0x280  }
0x21: {  	[sflag:s22] =	ssyncset.done $0x0  }
0x22: {  	s20 =	simm.s32 $0xFB80;
	s19 =	rddreg [dreg:$0x6];
	[sflag:s22] =	ssyncadd.s32 $0xFFFFFD80  }
0x23: {  	[tilespmem:s20], [sflag:$0x7] =	stream.linear.gather [hbm4b:s19+s4], $0x280, $0x38;
	[tilespmem:$0x12880] =	vst v63  }
0x24: {  	_ =	swait.ge [sflag:s22], $0x280  }
0x25: {  	[sflag:s22] =	ssyncset.done $0x0  }
0x26: {  	s16 =	simm.s32 $0x0;
	[sflag:s22] =	ssyncadd.s32 $0xFFFFFD80  }
0x27: {  	v1 =	vld [tilespmem:s16+$0xFB80]  }
0x28: {  	v2 =	vld [tilespmem:s16+$0xF900];
	_ =	sdelay $0x2  }
0x29: {  	s29 =	simm.s32 $0x10  }
0x2a: {  	v3 =	vld [tilespmem:s29+$0xFB80]  }
0x2b: {  	v1 =	vadd.f32 v1, v2;
	v2 =	vld [tilespmem:s29+$0xF900];
	_ =	sdelay $0x1  }
0x2c: {  	v1 =	vadd.f32 $1.000000000e+00, v1;
	_ =	sdelay $0x1  }
0x2d: {  	s15 =	simm.s32 $0x20;
	v4 =	vshrl.u32 v1, $0x1;
	v5 =	vmul.f32 $5.000000000e-01, v1  }
0x2e: {  	v6 =	vld [tilespmem:s15+$0xF900];
	v1 =	vsub.s32 $0x5F3759DF, v4;
	v2 =	vadd.f32 v3, v2  }
0x2f: {  	v4 =	vld [tilespmem:s15+$0xFB80];
	v3 =	vmul.f32 v1, v5  }
0x30: {  	v2 =	vadd.f32 $1.000000000e+00, v2  }
0x31: {  	v3 =	vmul.f32 v1, v3  }
0x32: {  	s17 =	simm.s32 $0x30;
	v7 =	vshrl.u32 v2, $0x1;
	v9 =	vmul.f32 $5.000000000e-01, v2  }
0x33: {  	v8 =	vld [tilespmem:s17+$0xF900];
	v2 =	vsub.f32 $1.500000000e+00, v3;
	v3 =	vsub.s32 $0x5F3759DF, v7  }
0x34: {  	v7 =	vld [tilespmem:s17+$0xFB80];
	v4 =	vadd.f32 v4, v6;
	v6 =	vmul.f32 v3, v9  }
0x35: {  	s18 =	simm.s32 $0x40;
	v2 =	vmul.f32 v1, v2  }
0x36: {  	v11 =	vld [tilespmem:s18+$0xFB80];
	v1 =	vadd.f32 $1.000000000e+00, v4;
	v4 =	vmul.f32 v3, v6  }
0x37: {  	v12 =	vld [tilespmem:s18+$0xF900];
	v6 =	vmul.f32 v2, v5  }
0x38: {  	v10 =	vshrl.u32 v1, $0x1;
	v1 =	vmul.f32 $5.000000000e-01, v1;
	v4 =	vsub.f32 $1.500000000e+00, v4  }
0x39: {  	v10 =	vsub.s32 $0x5F3759DF, v10;
	v7 =	vadd.f32 v7, v8;
	v6 =	vmul.f32 v6, v2  }
0x3a: {  	v8 =	vmul.f32 v10, v1;
	v3 =	vmul.f32 v3, v4  }
0x3b: {  	v4 =	vsub.f32 $1.500000000e+00, v6;
	v6 =	vadd.f32 $1.000000000e+00, v7  }
0x3c: {  	v11 =	vadd.f32 v11, v12;
	v7 =	vmul.f32 v10, v8;
	v8 =	vmul.f32 v3, v9  }
0x3d: {  	v4 =	vmul.f32 v4, v2;
	v13 =	vshrl.u32 v6, $0x1;
	v2 =	vmul.f32 $5.000000000e-01, v6  }
0x3e: {  	s19 =	simm.s32 $0x50;
	v7 =	vsub.f32 $1.500000000e+00, v7;
	v6 =	vsub.s32 $0x5F3759DF, v13;
	v8 =	vmul.f32 v8, v3  }
0x3f: {  	v14 =	vld [tilespmem:s19+$0xF900];
	v13 =	vmul.f32 v4, v5;
	v12 =	vmul.f32 v6, v2  }
0x40: {  	v11 =	vadd.f32 $1.000000000e+00, v11;
	v5 =	vmul.f32 v10, v7;
	v10 =	vld [tilespmem:s19+$0xFB80];
	v7 =	vsub.f32 $1.500000000e+00, v8  }
0x41: {  	v8 =	vmul.f32 v13, v4;
	v12 =	vmul.f32 v6, v12  }
0x42: {  	v16 =	vshrl.u32 v11, $0x1;
	v15 =	vmul.f32 v5, v1;
	v3 =	vmul.f32 v7, v3  }
0x43: {  	v7 =	vmul.f32 $5.000000000e-01, v11;
	v8 =	vsub.f32 $1.500000000e+00, v8;
	v13 =	vsub.f32 $1.500000000e+00, v12  }
0x44: {  	s14 =	simm.s32 $0x1C0;
	s20 =	simm.s32 $0x60;
	v12 =	vsub.s32 $0x5F3759DF, v16;
	v11 =	vmul.f32 v15, v5;
	v9 =	vmul.f32 v3, v9  }
.LBB2_2:
0x45: {  	s11 =	sshra.s32 s14, $0x2;
	p1 =	sne.s32 s14, $0x9C0;
	s14 =	sadd.s32 $0x40, s14;
	v15 =	vadd.f32 v10, v14;
	v10 =	vld [tilespmem:s20+$0xFB80];
	v16 =	vmul.f32 v12, v7;
	v13 =	vmul.f32 v6, v13;
	v17 =	vmovc v7  }
.Ltmp0:
0x46: {  	v6 =	vmovc v12;
	v14 =	vld [tilespmem:s20+$0xF900];
	v7 =	vsub.f32 $1.500000000e+00, v11;
	v9 =	vmul.f32 v9, v3;
	v11 =	vmul.f32 v8, v4;
	v4 =	vmovc v3;
	(pc) =	sbr.rel @p1 .LBB2_2-.Ltmp0, $4  }
0x47: {  	v12 =	vadd.f32 $1.000000000e+00, v15;
	v15 =	vmul.f32 v6, v16;
	v16 =	vmul.f32 v13, v2  }
0x48: {  	v3 =	vmul.f32 v7, v5;
	v8 =	vsub.f32 $1.500000000e+00, v9;
	[tilespmem:s16+$0xFE00] =	vst v11;
	v5 =	vmov v13;
	s16 =	smov.u32 s29;
	s29 =	smov.u32 s15;
	s15 =	smov.u32 s17  }
0x49: {  	s17 =	smov.u32 s18;
	s18 =	smov.u32 s19;
	s19 =	smov.u32 s20;
	v9 =	vshrl.u32 v12, $0x1;
	v7 =	vmul.f32 $5.000000000e-01, v12;
	v13 =	vsub.f32 $1.500000000e+00, v15  }
0x4a: {  	s20 =	smov.u32 s11;
	v11 =	vmul.f32 v16, v5;
	v12 =	vsub.s32 $0x5F3759DF, v9;
	v9 =	vmul.f32 v3, v1;
	v1 =	vmovc v2;
	v2 =	vmovc v17  }
0x4b: {  	v15 =	vld [tilespmem:s20+$0xFB80]  }
0x4c: {  	v16 =	vld [tilespmem:s20+$0xF900];
	_ =	sdelay $0x3  }
0x4d: {  	v10 =	vadd.f32 v10, v14  }
0x4e: {  	v50 =	vadd.f32 v15, v16  }
0x4f: {  	v10 =	vadd.f32 $1.000000000e+00, v10  }
0x50: {  	v14 =	vadd.f32 $1.000000000e+00, v50  }
0x51: {  	v51 =	vmul.f32 v12, v7;
	v52 =	vshrl.u32 v10, $0x1;
	v10 =	vmul.f32 $5.000000000e-01, v10  }
0x52: {  	v16 =	vsub.s32 $0x5F3759DF, v52;
	v17 =	vshrl.u32 v14, $0x1;
	v14 =	vmul.f32 $5.000000000e-01, v14  }
0x53: {  	v18 =	vmul.f32 v16, v10;
	v17 =	vsub.s32 $0x5F3759DF, v17  }
0x54: {  	v15 =	vmul.f32 v12, v51;
	v19 =	vmul.f32 v17, v14  }
0x55: {  	v18 =	vmul.f32 v16, v18  }
0x56: {  	v6 =	vmul.f32 v6, v13;
	v15 =	vsub.f32 $1.500000000e+00, v15;
	v53 =	vmul.f32 v17, v19  }
0x57: {  	v4 =	vmul.f32 v8, v4;
	v11 =	vsub.f32 $1.500000000e+00, v11;
	v55 =	vsub.f32 $1.500000000e+00, v18  }
0x58: {  	v56 =	vmul.f32 v6, v2;
	v54 =	vmul.f32 v12, v15;
	v13 =	vsub.f32 $1.500000000e+00, v53  }
0x59: {  	v5 =	vmul.f32 v11, v5;
	v15 =	vmul.f32 v16, v55  }
0x5a: {  	v57 =	vmul.f32 v54, v7;
	v13 =	vmul.f32 v17, v13  }
0x5b: {  	v8 =	vmul.f32 v56, v6;
	v58 =	vmul.f32 v15, v10  }
0x5c: {  	v16 =	vmul.f32 v57, v54;
	v59 =	vmul.f32 v13, v14  }
0x5d: {  	v8 =	vsub.f32 $1.500000000e+00, v8;
	v17 =	vmul.f32 v58, v15  }
0x5e: {  	v1 =	vmul.f32 v5, v1;
	v16 =	vsub.f32 $1.500000000e+00, v16;
	v11 =	vmul.f32 v59, v13  }
0x5f: {  	v9 =	vmul.f32 v9, v3;
	v6 =	vmul.f32 v8, v6;
	v61 =	vsub.f32 $1.500000000e+00, v17  }
0x60: {  	v1 =	vmul.f32 v1, v5;
	v60 =	vmul.f32 v16, v54;
	v11 =	vsub.f32 $1.500000000e+00, v11  }
0x61: {  	v2 =	vmul.f32 v6, v2;
	v12 =	vmul.f32 v61, v15  }
0x62: {  	v62 =	vmul.f32 v60, v7;
	v11 =	vmul.f32 v11, v13  }
0x63: {  	v9 =	vsub.f32 $1.500000000e+00, v9;
	v2 =	vmul.f32 v2, v6;
	v10 =	vmul.f32 v12, v10  }
0x64: {  	v1 =	vsub.f32 $1.500000000e+00, v1;
	v7 =	vmul.f32 v62, v60;
	v13 =	vmul.f32 v11, v14  }
0x65: {  	v3 =	vmul.f32 v9, v3;
	v2 =	vsub.f32 $1.500000000e+00, v2;
	v63 =	vmul.f32 v10, v12  }
0x66: {  	[tilespmem:s16+$0xFE00] =	vst v4;
	v1 =	vmul.f32 v1, v5;
	v4 =	vsub.f32 $1.500000000e+00, v7;
	v5 =	vmul.f32 v13, v11  }
0x67: {  	s11 =	simm.s32 $0x0;
	[tilespmem:s29+$0xFE00] =	vst v3;
	v2 =	vmul.f32 v2, v6;
	v3 =	vsub.f32 $1.500000000e+00, v63  }
0x68: {  	[tilespmem:s15+$0xFE00] =	vst v1;
	v1 =	vmul.f32 v4, v60;
	v4 =	vsub.f32 $1.500000000e+00, v5;
	v5 =	vmov s11  }
0x69: {  	[tilespmem:s17+$0xFE00] =	vst v2;
	v2 =	vmul.f32 v3, v12  }
0x6a: {  	[tilespmem:s18+$0xFE00] =	vst v1;
	v1 =	vmul.f32 v4, v11  }
0x6b: {  	[tilespmem:s19+$0xFE00] =	vst v2  }
0x6c: {  	[tilespmem:s20+$0xFE00] =	vst v1  }
0x6d: {  	v1 =	vld.idx.msk [tilespmem:v5+s25+$0x0], $0xffff;
	_ =	sdelay $0x3  }
0x6e: {  	s15 =	simm.s32 $0x10080  }
0x6f: {  	s14 =	simm.s32 $0xD100;
	[tilespmem:s15+$0x0] =	vst v1  }
0x70: {  	v3 =	vld [tilespmem:s14+$0x0];
	_ =	sdelay $0x1  }
0x71: {  	s29 =	simm.s32 $0x1  }
0x72: {  	s16 =	simm.s32 $0x2;
	v2 =	vmov s29  }
.LBB2_4:
0x73: {  	p1 =	sne.s32 s16, $0x27F  }
0x74: {  	v1 =	vmul.f32 v3, v1;
	_ =	sdelay $0x1  }
0x75: {  	[tilespmem:s14+$0x0] =	vst v1  }
0x76: {  	v1 =	vld.idx.msk [tilespmem:v2+s25+$0x0], $0xffff;
	_ =	sdelay $0x4  }
0x77: {  	s15 =	sadd.s32 $0x10, s15  }
.Ltmp1:
0x78: {  	s14 =	sadd.s32 $0x10, s14;
	[tilespmem:s15+$0x0] =	vst v1;
	(pc) =	sbr.rel @p1 .LBB2_4-.Ltmp1, $2  }
0x79: {  	v3 =	vld [tilespmem:s14+$0x0];
	_ =	sdelay $0x2  }
0x7a: {  	v2 =	vmov s16;
	s16 =	sadd.s32 $0x1, s16  }
0x7b: {  	_ = 	snop  }
0x7c: {  	v1 =	vmul.f32 v3, v1;
	_ =	sdelay $0x1  }
0x7d: {  	[tilespmem:s14+$0x0] =	vst v1  }
0x7e: {  	v1 =	vld.idx.msk [tilespmem:v2+s25+$0x0], $0xffff;
	_ =	sdelay $0x3  }
0x7f: {  	s11 =	sadd.s32 $0x10, s15  }
0x80: {  	s29 =	sadd.s32 $0x10, s14;
	[tilespmem:s11+$0x0] =	vst v1  }
0x81: {  	v2 =	vld [tilespmem:s29+$0x0];
	_ =	sdelay $0x2  }
.Ltmp2:
0x82: {  	_ = 	snop;
	(pc) =	sbr.rel @p0 .LBB2_7-.Ltmp2, $3  }
0x83: {  	_ = 	snop  }
0x84: {  	v1 =	vmul.f32 v2, v1;
	_ =	sdelay $0x1  }
0x85: {  	[tilespmem:s29+$0x0] =	vst v1  }
0x86: {  	s11 =	rddreg [dreg:$0x8];
	s14 =	simm.s32 $0x10080  }
0x87: {  	[hbm4b:s11+s4] =	stream.linear.scatter [tilespmem:s14], [sflag:$0x7], $0x2800, $0x38;
	[tilespmem:$0x12880] =	vst v63  }
0x88: {  	_ =	swait.ge [sflag:s22], $0x2800  }
0x89: {  	s16 =	simm.s32 $0xD100;
	[sflag:s22] =	ssyncset.done $0x0  }
.Ltmp3:
0x8a: {  	s29 =	rddreg [dreg:$0x7];
	[sflag:s22] =	ssyncadd.s32 $0xFFFFD800;
	(pc) =	sbr.rel .LBB2_10-.Ltmp3, $4  }
0x8b: {  	[spmem:s29] =	stream.linear.scatter [tilespmem:s16], [sflag:$0x7], $0x2800, $0x38;
	[tilespmem:$0x12880] =	vst v63  }
0x8c: {  	_ =	swait.ge [sflag:s22], $0x2800  }
0x8d: {  	[sflag:s22] =	ssyncset.done $0x0  }
0x8e: {  	s18 =	simm.s32 $0x7900;
	[sflag:s22] =	ssyncadd.s32 $0xFFFFD800  }
.LBB2_7:
0x8f: {  	s11 =	rddreg [dreg:$0x7];
	s16 =	simm.s32 $0xD100  }
0x90: {  	[spmem:s11] =	stream.linear.scatter [tilespmem:s16], [sflag:$0x7], $0x2800, $0x38;
	[tilespmem:$0x12880] =	vst v63  }
0x91: {  	_ =	swait.ge [sflag:s22], $0x2800  }
0x92: {  	s14 =	simm.s32 $0x40;
	[sflag:s22] =	ssyncset.done $0x0  }
0x93: {  	s15 =	simm.s32 $0x0;
	s18 =	simm.s32 $0x7900;
	[sflag:s22] =	ssyncadd.s32 $0xFFFFD800  }
.LBB2_8:
0x94: {  	p1 =	sne.s32 s14, $0x9FC0;
	[tilespmem:s15+$0xD100] =	vst v0;
	s11 =	smov.u32 s14;
	s14 =	sadd.s32 $0x40, s14  }
.Ltmp4:
0x95: {  	(pc) =	sbr.rel @p1 .LBB2_8-.Ltmp4, $2  }
0x96: {  	_ =	sdelay $0x2  }
0x97: {  	s15 =	sshra.s32 s11, $0x2  }
0x98: {  	[tilespmem:s15+$0xD100] =	vst v0  }
.LBB2_10:
0x99: {  	[spmem:s21] =	stream.linear.scatter [tilespmem:s16], [sflag:$0x7], $0x2800, $0x38;
	[tilespmem:$0x12880] =	vst v63  }
0x9a: {  	_ =	swait.ge [sflag:s22], $0x2800  }
0x9b: {  	[sflag:s22] =	ssyncset.done $0x0  }
0x9c: {  	[sflag:s22] =	ssyncadd.s32 $0xFFFFD800  }
0x9d: {  	[bflag:$0x0] =	sbarrier.arrive $0xFFFF  }
0x9e: {  	s11 =	simm.s32 $0x0;
	s15 =	simm.s32 $0x5000;
	s14 =	rddreg [dreg:$0x9]  }
0x9f: {  	[tilespmem:s15], [sflag:$0x7] =	stream.linear.gather [hbm4b:s14+s11], $0x2900, $0x38;
	[tilespmem:$0x12880] =	vst v63  }
0xa0: {  	_ =	swait.ge [sflag:s22], $0x2900  }
0xa1: {  	[sflag:s22] =	ssyncset.done $0x0  }
0xa2: {  	s17 =	rddreg [dreg:$0xb];
	[sflag:s22] =	ssyncadd.s32 $0xFFFFD700  }
0xa3: {  	[tilespmem:s18], [sflag:$0x7] =	stream.linear.gather [hbm4b:s17+s11], $0x2800, $0x38;
	[tilespmem:$0x12880] =	vst v63  }
0xa4: {  	_ =	swait.ge [sflag:s22], $0x2800  }
0xa5: {  	[sflag:s22] =	ssyncset.done $0x0  }
0xa6: {  	[sflag:s22] =	ssyncadd.s32 $0xFFFFD800  }
0xa7: {  	[tilespmem:s31], [sflag:$0x1] =	stream.indirect.gather [spmem:s2], $0x10, s15, s30, $0xb8;
	[tilespmem:$0x12880] =	vst v63  }
0xa8: {  	s19 =	rddreg [dreg:$0xa]  }
0xa9: {  	[tilespmem:s1], [sflag:$0x3] =	stream.linear.gather [hbm4b:s19+s11], $0x800, $0x38;
	[tilespmem:$0x12880] =	vst v63  }
0xaa: {  	s20 =	simm.s32 $0x5080  }
0xab: {  	[tilespmem:s26], [sflag:$0x2] =	stream.indirect.gather [spmem:s2], $0x10, s20, s30, $0xb8;
	[tilespmem:$0x12880] =	vst v63  }
0xac: {  	s29 =	rddreg [dreg:$0xc]  }
0xad: {  	[tilespmem:s23], [sflag:$0x4] =	stream.linear.gather [hbm4b:s29+s11], $0x800, $0x38;
	[tilespmem:$0x12880] =	vst v63  }
0xae: {  	_ =	swait.ge [sflag:s24], $0x800  }
0xaf: {  	[sflag:s24] =	ssyncset.done $0x0  }
0xb0: {  	[sflag:s24] =	ssyncadd.s32 $0xFFFFF800  }
0xb1: {  	_ =	swait.ge [sflag:s0], $0x800  }
0xb2: {  	[sflag:s0] =	ssyncset.done $0x0  }
0xb3: {  	s15 =	simm.s32 $0x0;
	[sflag:s0] =	ssyncadd.s32 $0xFFFFF800  }
0xb4: {  	v1 =	vld [tilespmem:s15+$0xA170]  }
0xb5: {  	v2 =	vld [tilespmem:s15+$0xB170]  }
0xb6: {  	v3 =	vld [tilespmem:s15+$0xA100]  }
0xb7: {  	v4 =	vld [tilespmem:s15+$0xB100]  }
0xb8: {  	v5 =	vld [tilespmem:s15+$0xA110]  }
0xb9: {  	v6 =	vld [tilespmem:s15+$0xB110]  }
0xba: {  	v7 =	vld [tilespmem:s15+$0xA120]  }
0xbb: {  	v8 =	vld [tilespmem:s15+$0xA130]  }
0xbc: {  	v1 =	vmul.f32 v2, v1;
	v2 =	vld [tilespmem:s15+$0xB120]  }
0xbd: {  	v9 =	vld [tilespmem:s15+$0xB130]  }
0xbe: {  	v10 =	vld [tilespmem:s15+$0xB140];
	v3 =	vmul.f32 v4, v3  }
0xbf: {  	[tilespmem:s15+$0xC170] =	vst v1;
	v1 =	vmul.f32 v6, v5;
	v6 =	vld [tilespmem:s15+$0xA140]  }
0xc0: {  	v4 =	vld [tilespmem:s15+$0xB150];
	[tilespmem:s15+$0xC100] =	vst v3  }
0xc1: {  	v3 =	vld [tilespmem:s15+$0xA150];
	[tilespmem:s15+$0xC110] =	vst v1;
	v1 =	vmul.f32 v2, v7  }
0xc2: {  	v5 =	vld [tilespmem:s15+$0xB160];
	v7 =	vmul.f32 v9, v8  }
0xc3: {  	s16 =	simm.s32 $0x80;
	[tilespmem:s15+$0xC120] =	vst v1;
	v1 =	vld [tilespmem:s15+$0xA160]  }
0xc4: {  	s17 =	simm.s32 $0x400;
	v6 =	vmul.f32 v10, v6;
	v2 =	vld [tilespmem:s16+$0xA170];
	[tilespmem:s15+$0xC130] =	vst v7  }
.LBB2_11:
0xc5: {  	p1 =	sne.s32 s17, $0x1E00;
	v7 =	vld [tilespmem:s16+$0xB170]  }
0xc6: {  	v8 =	vld [tilespmem:s16+$0xA100];
	[tilespmem:s15+$0xC140] =	vst v6;
	v3 =	vmul.f32 v4, v3  }
0xc7: {  	v4 =	vld [tilespmem:s16+$0xB100]  }
0xc8: {  	v6 =	vld [tilespmem:s16+$0xA110];
	[tilespmem:s15+$0xC150] =	vst v3;
	v1 =	vmul.f32 v5, v1  }
0xc9: {  	v3 =	vld [tilespmem:s16+$0xB110]  }
0xca: {  	v5 =	vld [tilespmem:s16+$0xA120];
	v2 =	vmul.f32 v7, v2;
	[tilespmem:s15+$0xC160] =	vst v1;
	s15 =	smov.u32 s16  }
0xcb: {  	v1 =	vld [tilespmem:s15+$0xB120]  }
0xcc: {  	v4 =	vmul.f32 v4, v8;
	v7 =	vld [tilespmem:s15+$0xA130];
	[tilespmem:s15+$0xC170] =	vst v2  }
0xcd: {  	v2 =	vld [tilespmem:s15+$0xB130]  }
0xce: {  	[tilespmem:s15+$0xC100] =	vst v4;
	v3 =	vmul.f32 v3, v6;
	v6 =	vld [tilespmem:s15+$0xA140]  }
0xcf: {  	v8 =	vld [tilespmem:s15+$0xB140]  }
.Ltmp5:
0xd0: {  	[tilespmem:s15+$0xC110] =	vst v3;
	v1 =	vmul.f32 v1, v5;
	v3 =	vld [tilespmem:s15+$0xA150];
	(pc) =	sbr.rel @p1 .LBB2_11-.Ltmp5, $4  }
0xd1: {  	v4 =	vld [tilespmem:s15+$0xB150]  }
0xd2: {  	[tilespmem:s15+$0xC120] =	vst v1;
	v7 =	vmul.f32 v2, v7;
	v1 =	vld [tilespmem:s15+$0xA160]  }
0xd3: {  	s16 =	sshra.s32 s17, $0x2;
	v5 =	vld [tilespmem:s15+$0xB160]  }
0xd4: {  	s17 =	sadd.s32 $0x200, s17;
	v2 =	vld [tilespmem:s16+$0xA170];
	[tilespmem:s15+$0xC130] =	vst v7;
	v6 =	vmul.f32 v8, v6  }
0xd5: {  	v7 =	vld [tilespmem:s16+$0xB170]  }
0xd6: {  	v8 =	vld [tilespmem:s16+$0xA100];
	[tilespmem:s15+$0xC140] =	vst v6;
	v3 =	vmul.f32 v4, v3  }
0xd7: {  	v4 =	vld [tilespmem:s16+$0xB100]  }
0xd8: {  	v6 =	vld [tilespmem:s16+$0xA110];
	[tilespmem:s15+$0xC150] =	vst v3;
	v1 =	vmul.f32 v5, v1  }
0xd9: {  	v3 =	vld [tilespmem:s16+$0xB110]  }
0xda: {  	v5 =	vld [tilespmem:s16+$0xA120];
	[tilespmem:s15+$0xC160] =	vst v1  }
0xdb: {  	v1 =	vmul.f32 v7, v2;
	v2 =	vld [tilespmem:s16+$0xB120]  }
0xdc: {  	v7 =	vld [tilespmem:s16+$0xA130]  }
0xdd: {  	v4 =	vmul.f32 v4, v8;
	[tilespmem:s16+$0xC170] =	vst v1;
	v1 =	vld [tilespmem:s16+$0xB130]  }
0xde: {  	v8 =	vld [tilespmem:s16+$0xB160]  }
0xdf: {  	[tilespmem:s16+$0xC100] =	vst v4;
	v3 =	vmul.f32 v3, v6;
	v4 =	vld [tilespmem:s16+$0xA140]  }
0xe0: {  	v6 =	vld [tilespmem:s16+$0xB140]  }
0xe1: {  	[tilespmem:s16+$0xC110] =	vst v3;
	v2 =	vmul.f32 v2, v5;
	v3 =	vld [tilespmem:s16+$0xA150]  }
0xe2: {  	v5 =	vld [tilespmem:s16+$0xB150]  }
0xe3: {  	[tilespmem:s16+$0xC120] =	vst v2;
	v2 =	vld [tilespmem:s16+$0xA160];
	_ =	sdelay $0x1  }
0xe4: {  	v1 =	vmul.f32 v1, v7  }
0xe5: {  	v4 =	vmul.f32 v6, v4  }
0xe6: {  	[tilespmem:s16+$0xC130] =	vst v1;
	v1 =	vmul.f32 v5, v3  }
0xe7: {  	[tilespmem:s16+$0xC140] =	vst v4;
	v2 =	vmul.f32 v8, v2  }
0xe8: {  	[tilespmem:s16+$0xC150] =	vst v1  }
0xe9: {  	[tilespmem:s16+$0xC160] =	vst v2  }
0xea: {  	[spmem:s3] =	stream.indirect.scatter.add.f32 [tilespmem:s12], [sflag:$0x5], $0x10, s18, s30, $0xb8;
	[tilespmem:$0x12880] =	vst v63  }
0xeb: {  	s11 =	simm.s32 $0x5100  }
0xec: {  	[tilespmem:s31], [sflag:$0x1] =	stream.indirect.gather [spmem:s2], $0x10, s11, s30, $0xb8;
	[tilespmem:$0x12880] =	vst v63  }
0xed: {  	s29 =	simm.s32 $0x0;
	s14 =	rddreg [dreg:$0xd]  }
0xee: {  	[tilespmem:s1], [sflag:$0x3] =	stream.linear.gather [hbm4b:s14+s29], $0x800, $0x38;
	[tilespmem:$0x12880] =	vst v63  }
0xef: {  	_ =	swait.ge [sflag:s7], $0x800  }
0xf0: {  	[sflag:s7] =	ssyncset.done $0x0  }
0xf1: {  	[sflag:s7] =	ssyncadd.s32 $0xFFFFF800  }
0xf2: {  	_ =	swait.ge [sflag:s8], $0x800  }
0xf3: {  	[sflag:s8] =	ssyncset.done $0x0  }
0xf4: {  	s15 =	simm.s32 $0x0;
	[sflag:s8] =	ssyncadd.s32 $0xFFFFF800  }
0xf5: {  	v1 =	vld [tilespmem:s15+$0xA970]  }
0xf6: {  	v2 =	vld [tilespmem:s15+$0xB970]  }
0xf7: {  	v3 =	vld [tilespmem:s15+$0xA900]  }
0xf8: {  	v4 =	vld [tilespmem:s15+$0xB900]  }
0xf9: {  	v5 =	vld [tilespmem:s15+$0xA910]  }
0xfa: {  	v6 =	vld [tilespmem:s15+$0xB910]  }
0xfb: {  	v7 =	vld [tilespmem:s15+$0xA920]  }
0xfc: {  	v8 =	vld [tilespmem:s15+$0xA930]  }
0xfd: {  	v1 =	vmul.f32 v2, v1;
	v2 =	vld [tilespmem:s15+$0xB920]  }
0xfe: {  	v9 =	vld [tilespmem:s15+$0xB930]  }
0xff: {  	v10 =	vld [tilespmem:s15+$0xB940];
	v3 =	vmul.f32 v4, v3  }
0x100: {  	[tilespmem:s15+$0xC970] =	vst v1;
	v1 =	vmul.f32 v6, v5;
	v6 =	vld [tilespmem:s15+$0xA940]  }
0x101: {  	v4 =	vld [tilespmem:s15+$0xB950];
	[tilespmem:s15+$0xC900] =	vst v3  }
0x102: {  	v3 =	vld [tilespmem:s15+$0xA950];
	[tilespmem:s15+$0xC910] =	vst v1;
	v1 =	vmul.f32 v2, v7  }
0x103: {  	v5 =	vld [tilespmem:s15+$0xB960];
	v7 =	vmul.f32 v9, v8  }
0x104: {  	s16 =	simm.s32 $0x80;
	[tilespmem:s15+$0xC920] =	vst v1;
	v1 =	vld [tilespmem:s15+$0xA960]  }
0x105: {  	s17 =	simm.s32 $0x400;
	v6 =	vmul.f32 v10, v6;
	v2 =	vld [tilespmem:s16+$0xA970];
	[tilespmem:s15+$0xC930] =	vst v7  }
.LBB2_13:
0x106: {  	p1 =	sne.s32 s17, $0x1E00;
	v7 =	vld [tilespmem:s16+$0xB970]  }
0x107: {  	v8 =	vld [tilespmem:s16+$0xA900];
	[tilespmem:s15+$0xC940] =	vst v6;
	v3 =	vmul.f32 v4, v3  }
0x108: {  	v4 =	vld [tilespmem:s16+$0xB900]  }
0x109: {  	v6 =	vld [tilespmem:s16+$0xA910];
	[tilespmem:s15+$0xC950] =	vst v3;
	v1 =	vmul.f32 v5, v1  }
0x10a: {  	v3 =	vld [tilespmem:s16+$0xB910]  }
0x10b: {  	v5 =	vld [tilespmem:s16+$0xA920];
	v2 =	vmul.f32 v7, v2;
	[tilespmem:s15+$0xC960] =	vst v1;
	s15 =	smov.u32 s16  }
0x10c: {  	v1 =	vld [tilespmem:s15+$0xB920]  }
0x10d: {  	v4 =	vmul.f32 v4, v8;
	v7 =	vld [tilespmem:s15+$0xA930];
	[tilespmem:s15+$0xC970] =	vst v2  }
0x10e: {  	v2 =	vld [tilespmem:s15+$0xB930]  }
0x10f: {  	[tilespmem:s15+$0xC900] =	vst v4;
	v3 =	vmul.f32 v3, v6;
	v6 =	vld [tilespmem:s15+$0xA940]  }
0x110: {  	v8 =	vld [tilespmem:s15+$0xB940]  }
.Ltmp6:
0x111: {  	[tilespmem:s15+$0xC910] =	vst v3;
	v1 =	vmul.f32 v1, v5;
	v3 =	vld [tilespmem:s15+$0xA950];
	(pc) =	sbr.rel @p1 .LBB2_13-.Ltmp6, $4  }
0x112: {  	v4 =	vld [tilespmem:s15+$0xB950]  }
0x113: {  	[tilespmem:s15+$0xC920] =	vst v1;
	v7 =	vmul.f32 v2, v7;
	v1 =	vld [tilespmem:s15+$0xA960]  }
0x114: {  	s16 =	sshra.s32 s17, $0x2;
	v5 =	vld [tilespmem:s15+$0xB960]  }
0x115: {  	s17 =	sadd.s32 $0x200, s17;
	v2 =	vld [tilespmem:s16+$0xA970];
	[tilespmem:s15+$0xC930] =	vst v7;
	v6 =	vmul.f32 v8, v6  }
0x116: {  	v7 =	vld [tilespmem:s16+$0xB970]  }
0x117: {  	v8 =	vld [tilespmem:s16+$0xA900];
	[tilespmem:s15+$0xC940] =	vst v6;
	v3 =	vmul.f32 v4, v3  }
0x118: {  	v57 =	vld [tilespmem:s16+$0xB900]  }
0x119: {  	v6 =	vld [tilespmem:s16+$0xA910];
	[tilespmem:s15+$0xC950] =	vst v3;
	v1 =	vmul.f32 v5, v1  }
0x11a: {  	v3 =	vld [tilespmem:s16+$0xB910]  }
0x11b: {  	v58 =	vld [tilespmem:s16+$0xA920];
	[tilespmem:s15+$0xC960] =	vst v1  }
0x11c: {  	v1 =	vmul.f32 v7, v2;
	v2 =	vld [tilespmem:s16+$0xB920]  }
0x11d: {  	v59 =	vld [tilespmem:s16+$0xA930]  }
0x11e: {  	v60 =	vld [tilespmem:s16+$0xA940]  }
0x11f: {  	v61 =	vld [tilespmem:s16+$0xB940]  }
0x120: {  	v62 =	vld [tilespmem:s16+$0xB950]  }
0x121: {  	[tilespmem:s16+$0xC970] =	vst v1;
	v1 =	vld [tilespmem:s16+$0xB930];
	v3 =	vmul.f32 v3, v6  }
0x122: {  	v63 =	vld [tilespmem:s16+$0xB960];
	v2 =	vmul.f32 v2, v58  }
0x123: {  	[tilespmem:s16+$0xC910] =	vst v3;
	v3 =	vld [tilespmem:s16+$0xA950]  }
0x124: {  	[tilespmem:s16+$0xC920] =	vst v2;
	v2 =	vld [tilespmem:s16+$0xA960]  }
0x125: {  	v4 =	vmul.f32 v57, v8  }
0x126: {  	v1 =	vmul.f32 v1, v59  }
0x127: {  	[tilespmem:s16+$0xC900] =	vst v4;
	v4 =	vmul.f32 v61, v60  }
0x128: {  	[tilespmem:s16+$0xC930] =	vst v1;
	v1 =	vmul.f32 v62, v3  }
0x129: {  	[tilespmem:s16+$0xC940] =	vst v4;
	v2 =	vmul.f32 v63, v2  }
0x12a: {  	[tilespmem:s16+$0xC950] =	vst v1  }
0x12b: {  	s11 =	simm.s32 $0x7980;
	[tilespmem:s16+$0xC960] =	vst v2  }
0x12c: {  	[spmem:s3] =	stream.indirect.scatter.add.f32 [tilespmem:s9], [sflag:$0x6], $0x10, s11, s30, $0xb8;
	[tilespmem:$0x12880] =	vst v63  }
0x12d: {  	s19 =	simm.s32 $0x5180  }
0x12e: {  	[tilespmem:s26], [sflag:$0x2] =	stream.indirect.gather [spmem:s2], $0x10, s19, s30, $0xb8;
	[tilespmem:$0x12880] =	vst v63  }
0x12f: {  	s29 =	simm.s32 $0x0;
	s20 =	rddreg [dreg:$0xe]  }
0x130: {  	[tilespmem:s23], [sflag:$0x4] =	stream.linear.gather [hbm4b:s20+s29], $0x800, $0x38;
	[tilespmem:$0x12880] =	vst v63  }
.LBB2_15:
0x131: {  	_ =	swait.ge [sflag:s24], $0x800  }
0x132: {  	[sflag:s24] =	ssyncset.done $0x0  }
0x133: {  	[sflag:s24] =	ssyncadd.s32 $0xFFFFF800  }
0x134: {  	_ =	swait.ge [sflag:s0], $0x800  }
0x135: {  	[sflag:s0] =	ssyncset.done $0x0  }
0x136: {  	[sflag:s0] =	ssyncadd.s32 $0xFFFFF800  }
0x137: {  	_ =	swait.ge [sflag:s10], $0x800  }
0x138: {  	[sflag:s10] =	ssyncset.done $0x0  }
0x139: {  	s15 =	simm.s32 $0x0;
	[sflag:s10] =	ssyncadd.s32 $0xFFFFF800  }
0x13a: {  	v1 =	vld [tilespmem:s15+$0xA170]  }
0x13b: {  	v2 =	vld [tilespmem:s15+$0xB170]  }
0x13c: {  	v3 =	vld [tilespmem:s15+$0xA100]  }
0x13d: {  	v4 =	vld [tilespmem:s15+$0xB100]  }
0x13e: {  	v5 =	vld [tilespmem:s15+$0xA110]  }
0x13f: {  	v6 =	vld [tilespmem:s15+$0xB110]  }
0x140: {  	v7 =	vld [tilespmem:s15+$0xA120]  }
0x141: {  	v8 =	vld [tilespmem:s15+$0xA130]  }
0x142: {  	v1 =	vmul.f32 v2, v1;
	v2 =	vld [tilespmem:s15+$0xB120]  }
0x143: {  	v9 =	vld [tilespmem:s15+$0xB130]  }
0x144: {  	v10 =	vld [tilespmem:s15+$0xB140];
	v3 =	vmul.f32 v4, v3  }
0x145: {  	[tilespmem:s15+$0xC170] =	vst v1;
	v1 =	vmul.f32 v6, v5;
	v6 =	vld [tilespmem:s15+$0xA140]  }
0x146: {  	v4 =	vld [tilespmem:s15+$0xB150];
	[tilespmem:s15+$0xC100] =	vst v3  }
0x147: {  	v3 =	vld [tilespmem:s15+$0xA150];
	[tilespmem:s15+$0xC110] =	vst v1;
	v1 =	vmul.f32 v2, v7  }
0x148: {  	v5 =	vld [tilespmem:s15+$0xB160];
	v7 =	vmul.f32 v9, v8  }
0x149: {  	s17 =	simm.s32 $0x80;
	[tilespmem:s15+$0xC120] =	vst v1;
	v1 =	vld [tilespmem:s15+$0xA160]  }
0x14a: {  	s16 =	simm.s32 $0x400;
	v6 =	vmul.f32 v10, v6;
	v2 =	vld [tilespmem:s17+$0xA170];
	[tilespmem:s15+$0xC130] =	vst v7  }
.LBB2_16:
0x14b: {  	p1 =	sne.s32 s16, $0x1E00;
	v7 =	vld [tilespmem:s17+$0xB170]  }
0x14c: {  	v8 =	vld [tilespmem:s17+$0xA100];
	[tilespmem:s15+$0xC140] =	vst v6;
	v3 =	vmul.f32 v4, v3  }
0x14d: {  	v4 =	vld [tilespmem:s17+$0xB100]  }
0x14e: {  	v6 =	vld [tilespmem:s17+$0xA110];
	[tilespmem:s15+$0xC150] =	vst v3;
	v1 =	vmul.f32 v5, v1  }
0x14f: {  	v3 =	vld [tilespmem:s17+$0xB110]  }
0x150: {  	v5 =	vld [tilespmem:s17+$0xA120];
	v2 =	vmul.f32 v7, v2;
	[tilespmem:s15+$0xC160] =	vst v1;
	s15 =	smov.u32 s17  }
0x151: {  	v1 =	vld [tilespmem:s15+$0xB120]  }
0x152: {  	v4 =	vmul.f32 v4, v8;
	v7 =	vld [tilespmem:s15+$0xA130];
	[tilespmem:s15+$0xC170] =	vst v2  }
0x153: {  	v2 =	vld [tilespmem:s15+$0xB130]  }
0x154: {  	[tilespmem:s15+$0xC100] =	vst v4;
	v3 =	vmul.f32 v3, v6;
	v6 =	vld [tilespmem:s15+$0xA140]  }
0x155: {  	v8 =	vld [tilespmem:s15+$0xB140]  }
.Ltmp7:
0x156: {  	[tilespmem:s15+$0xC110] =	vst v3;
	v1 =	vmul.f32 v1, v5;
	v3 =	vld [tilespmem:s15+$0xA150];
	(pc) =	sbr.rel @p1 .LBB2_16-.Ltmp7, $4  }
0x157: {  	v4 =	vld [tilespmem:s15+$0xB150]  }
0x158: {  	[tilespmem:s15+$0xC120] =	vst v1;
	v7 =	vmul.f32 v2, v7;
	v1 =	vld [tilespmem:s15+$0xA160]  }
0x159: {  	s17 =	sshra.s32 s16, $0x2;
	v5 =	vld [tilespmem:s15+$0xB160]  }
0x15a: {  	s16 =	sadd.s32 $0x200, s16;
	v2 =	vld [tilespmem:s17+$0xA170];
	[tilespmem:s15+$0xC130] =	vst v7;
	v6 =	vmul.f32 v8, v6  }
0x15b: {  	v7 =	vld [tilespmem:s17+$0xB170]  }
0x15c: {  	v8 =	vld [tilespmem:s17+$0xA100];
	[tilespmem:s15+$0xC140] =	vst v6;
	v3 =	vmul.f32 v4, v3  }
0x15d: {  	v4 =	vld [tilespmem:s17+$0xB100]  }
0x15e: {  	v6 =	vld [tilespmem:s17+$0xA110];
	[tilespmem:s15+$0xC150] =	vst v3;
	v1 =	vmul.f32 v5, v1  }
0x15f: {  	v3 =	vld [tilespmem:s17+$0xB110]  }
0x160: {  	v5 =	vld [tilespmem:s17+$0xA120];
	[tilespmem:s15+$0xC160] =	vst v1  }
0x161: {  	v1 =	vmul.f32 v7, v2;
	v2 =	vld [tilespmem:s17+$0xB120]  }
0x162: {  	v7 =	vld [tilespmem:s17+$0xA130]  }
0x163: {  	v4 =	vmul.f32 v4, v8;
	[tilespmem:s17+$0xC170] =	vst v1;
	v1 =	vld [tilespmem:s17+$0xB130]  }
0x164: {  	v8 =	vld [tilespmem:s17+$0xB160]  }
0x165: {  	[tilespmem:s17+$0xC100] =	vst v4;
	v3 =	vmul.f32 v3, v6;
	v4 =	vld [tilespmem:s17+$0xA140]  }
0x166: {  	v6 =	vld [tilespmem:s17+$0xB140]  }
0x167: {  	[tilespmem:s17+$0xC110] =	vst v3;
	v2 =	vmul.f32 v2, v5;
	v3 =	vld [tilespmem:s17+$0xA150]  }
0x168: {  	v5 =	vld [tilespmem:s17+$0xB150]  }
0x169: {  	[tilespmem:s17+$0xC120] =	vst v2;
	v2 =	vld [tilespmem:s17+$0xA160];
	_ =	sdelay $0x1  }
0x16a: {  	v1 =	vmul.f32 v1, v7  }
0x16b: {  	v4 =	vmul.f32 v6, v4  }
0x16c: {  	s29 =	sadd.s32 $0x1, s29;
	[tilespmem:s17+$0xC130] =	vst v1;
	v1 =	vmul.f32 v5, v3  }
0x16d: {  	s11 =	sshll.u32 s29, $0x8;
	s15 =	sshll.u32 s29, $0x1;
	[tilespmem:s17+$0xC140] =	vst v4;
	v2 =	vmul.f32 v8, v2  }
0x16e: {  	s16 =	sand.u32 $0x3FFFFF00, s11;
	s19 =	sadd.s32 $0x2, s15;
	[tilespmem:s17+$0xC150] =	vst v1  }
0x16f: {  	s11 =	sadd.s32 $0x7900, s16;
	s14 =	sshll.u32 s19, $0x7;
	[tilespmem:s17+$0xC160] =	vst v2  }
0x170: {  	[spmem:s3] =	stream.indirect.scatter.add.f32 [tilespmem:s12], [sflag:$0x5], $0x10, s11, s30, $0xb8;
	[tilespmem:$0x12880] =	vst v63  }
0x171: {  	s14 =	sand.u32 $0x3FFFFF00, s14;
	s11 =	sshll.u32 s19, $0xB  }
0x172: {  	s14 =	sadd.s32 $0x5000, s14;
	s11 =	sadd.s32 s6, s11  }
0x173: {  	[tilespmem:s31], [sflag:$0x1] =	stream.indirect.gather [spmem:s2], $0x10, s14, s30, $0xb8;
	[tilespmem:$0x12880] =	vst v63  }
0x174: {  	s11 =	sshrl.u32 s11, $0x3  }
0x175: {  	s20 =	simm.s32 $0x0;
	s11 =	sadd.s32 s5, s11  }
0x176: {  	[tilespmem:s1], [sflag:$0x3] =	stream.linear.gather [hbm4b:s11+s20], $0x800, $0x38;
	[tilespmem:$0x12880] =	vst v63  }
0x177: {  	_ =	swait.ge [sflag:s7], $0x800  }
0x178: {  	[sflag:s7] =	ssyncset.done $0x0  }
0x179: {  	[sflag:s7] =	ssyncadd.s32 $0xFFFFF800  }
0x17a: {  	_ =	swait.ge [sflag:s8], $0x800  }
0x17b: {  	[sflag:s8] =	ssyncset.done $0x0  }
0x17c: {  	[sflag:s8] =	ssyncadd.s32 $0xFFFFF800  }
0x17d: {  	_ =	swait.ge [sflag:s13], $0x800  }
0x17e: {  	[sflag:s13] =	ssyncset.done $0x0  }
0x17f: {  	s17 =	simm.s32 $0x0;
	[sflag:s13] =	ssyncadd.s32 $0xFFFFF800  }
0x180: {  	v1 =	vld [tilespmem:s17+$0xA970]  }
0x181: {  	v2 =	vld [tilespmem:s17+$0xB970]  }
0x182: {  	v3 =	vld [tilespmem:s17+$0xA900]  }
0x183: {  	v4 =	vld [tilespmem:s17+$0xB900]  }
0x184: {  	v5 =	vld [tilespmem:s17+$0xA910]  }
0x185: {  	v6 =	vld [tilespmem:s17+$0xB910]  }
0x186: {  	v7 =	vld [tilespmem:s17+$0xA920]  }
0x187: {  	v8 =	vld [tilespmem:s17+$0xA930]  }
0x188: {  	v1 =	vmul.f32 v2, v1;
	v2 =	vld [tilespmem:s17+$0xB920]  }
0x189: {  	v9 =	vld [tilespmem:s17+$0xB930]  }
0x18a: {  	v10 =	vld [tilespmem:s17+$0xB940];
	v3 =	vmul.f32 v4, v3  }
0x18b: {  	[tilespmem:s17+$0xC970] =	vst v1;
	v1 =	vmul.f32 v6, v5;
	v6 =	vld [tilespmem:s17+$0xA940]  }
0x18c: {  	v4 =	vld [tilespmem:s17+$0xB950];
	[tilespmem:s17+$0xC900] =	vst v3  }
0x18d: {  	v3 =	vld [tilespmem:s17+$0xA950];
	[tilespmem:s17+$0xC910] =	vst v1;
	v1 =	vmul.f32 v2, v7  }
0x18e: {  	v5 =	vld [tilespmem:s17+$0xB960];
	v7 =	vmul.f32 v9, v8  }
0x18f: {  	s18 =	simm.s32 $0x80;
	[tilespmem:s17+$0xC920] =	vst v1;
	v1 =	vld [tilespmem:s17+$0xA960]  }
0x190: {  	s19 =	simm.s32 $0x400;
	v6 =	vmul.f32 v10, v6;
	v2 =	vld [tilespmem:s18+$0xA970];
	[tilespmem:s17+$0xC930] =	vst v7  }
.LBB2_18:
0x191: {  	p1 =	sne.s32 s19, $0x1E00;
	v7 =	vld [tilespmem:s18+$0xB970]  }
0x192: {  	v8 =	vld [tilespmem:s18+$0xA900];
	[tilespmem:s17+$0xC940] =	vst v6;
	v3 =	vmul.f32 v4, v3  }
0x193: {  	v4 =	vld [tilespmem:s18+$0xB900]  }
0x194: {  	v6 =	vld [tilespmem:s18+$0xA910];
	[tilespmem:s17+$0xC950] =	vst v3;
	v1 =	vmul.f32 v5, v1  }
0x195: {  	v3 =	vld [tilespmem:s18+$0xB910]  }
0x196: {  	v5 =	vld [tilespmem:s18+$0xA920];
	v2 =	vmul.f32 v7, v2;
	[tilespmem:s17+$0xC960] =	vst v1;
	s17 =	smov.u32 s18  }
0x197: {  	v1 =	vld [tilespmem:s17+$0xB920]  }
0x198: {  	v4 =	vmul.f32 v4, v8;
	v7 =	vld [tilespmem:s17+$0xA930];
	[tilespmem:s17+$0xC970] =	vst v2  }
0x199: {  	v2 =	vld [tilespmem:s17+$0xB930]  }
0x19a: {  	[tilespmem:s17+$0xC900] =	vst v4;
	v3 =	vmul.f32 v3, v6;
	v6 =	vld [tilespmem:s17+$0xA940]  }
0x19b: {  	v8 =	vld [tilespmem:s17+$0xB940]  }
.Ltmp8:
0x19c: {  	[tilespmem:s17+$0xC910] =	vst v3;
	v1 =	vmul.f32 v1, v5;
	v3 =	vld [tilespmem:s17+$0xA950];
	(pc) =	sbr.rel @p1 .LBB2_18-.Ltmp8, $4  }
0x19d: {  	v4 =	vld [tilespmem:s17+$0xB950]  }
0x19e: {  	[tilespmem:s17+$0xC920] =	vst v1;
	v7 =	vmul.f32 v2, v7;
	v1 =	vld [tilespmem:s17+$0xA960]  }
0x19f: {  	s18 =	sshra.s32 s19, $0x2;
	v5 =	vld [tilespmem:s17+$0xB960]  }
0x1a0: {  	s19 =	sadd.s32 $0x200, s19;
	v2 =	vld [tilespmem:s18+$0xA970];
	[tilespmem:s17+$0xC930] =	vst v7;
	v6 =	vmul.f32 v8, v6  }
0x1a1: {  	v7 =	vld [tilespmem:s18+$0xB970]  }
0x1a2: {  	v8 =	vld [tilespmem:s18+$0xA900];
	[tilespmem:s17+$0xC940] =	vst v6;
	v3 =	vmul.f32 v4, v3  }
0x1a3: {  	v57 =	vld [tilespmem:s18+$0xB900]  }
0x1a4: {  	v6 =	vld [tilespmem:s18+$0xA910];
	[tilespmem:s17+$0xC950] =	vst v3;
	v1 =	vmul.f32 v5, v1  }
0x1a5: {  	v3 =	vld [tilespmem:s18+$0xB910]  }
0x1a6: {  	v58 =	vld [tilespmem:s18+$0xA920];
	[tilespmem:s17+$0xC960] =	vst v1  }
0x1a7: {  	v1 =	vmul.f32 v7, v2;
	v2 =	vld [tilespmem:s18+$0xB920]  }
0x1a8: {  	v59 =	vld [tilespmem:s18+$0xA930]  }
0x1a9: {  	v60 =	vld [tilespmem:s18+$0xA940]  }
0x1aa: {  	v61 =	vld [tilespmem:s18+$0xB940]  }
0x1ab: {  	v62 =	vld [tilespmem:s18+$0xB950]  }
0x1ac: {  	[tilespmem:s18+$0xC970] =	vst v1;
	v1 =	vld [tilespmem:s18+$0xB930];
	v3 =	vmul.f32 v3, v6  }
0x1ad: {  	v63 =	vld [tilespmem:s18+$0xB960];
	v2 =	vmul.f32 v2, v58  }
0x1ae: {  	[tilespmem:s18+$0xC910] =	vst v3;
	v3 =	vld [tilespmem:s18+$0xA950]  }
0x1af: {  	[tilespmem:s18+$0xC920] =	vst v2;
	v2 =	vld [tilespmem:s18+$0xA960]  }
0x1b0: {  	v4 =	vmul.f32 v57, v8  }
0x1b1: {  	v1 =	vmul.f32 v1, v59  }
0x1b2: {  	[tilespmem:s18+$0xC900] =	vst v4;
	v4 =	vmul.f32 v61, v60  }
0x1b3: {  	[tilespmem:s18+$0xC930] =	vst v1;
	v1 =	vmul.f32 v62, v3  }
0x1b4: {  	[tilespmem:s18+$0xC940] =	vst v4;
	v2 =	vmul.f32 v63, v2  }
0x1b5: {  	s20 =	sadd.s32 $0x3, s15;
	[tilespmem:s18+$0xC950] =	vst v1  }
0x1b6: {  	s11 =	sadd.s32 $0x7980, s16;
	s14 =	sshll.u32 s20, $0x7;
	[tilespmem:s18+$0xC960] =	vst v2  }
0x1b7: {  	[spmem:s3] =	stream.indirect.scatter.add.f32 [tilespmem:s9], [sflag:$0x6], $0x10, s11, s30, $0xb8;
	[tilespmem:$0x12880] =	vst v63  }
0x1b8: {  	p1 =	sne.s32 s29, $0x27;
	s14 =	sand.u32 $0x3FFFFF80, s14;
	s11 =	sshll.u32 s20, $0xB  }
.Ltmp9:
0x1b9: {  	s14 =	sadd.s32 $0x5000, s14;
	s11 =	sadd.s32 s6, s11;
	(pc) =	sbr.rel @p1 .LBB2_15-.Ltmp9, $4  }
0x1ba: {  	[tilespmem:s26], [sflag:$0x2] =	stream.indirect.gather [spmem:s2], $0x10, s14, s30, $0xb8;
	[tilespmem:$0x12880] =	vst v63  }
0x1bb: {  	s11 =	sshrl.u32 s11, $0x3  }
0x1bc: {  	s11 =	sadd.s32 s5, s11  }
0x1bd: {  	[tilespmem:s23], [sflag:$0x4] =	stream.linear.gather [hbm4b:s11+s4], $0x800, $0x38;
	[tilespmem:$0x12880] =	vst v63  }
0x1be: {  	_ =	swait.ge [sflag:s10], $0x800  }
0x1bf: {  	[sflag:s10] =	ssyncset.done $0x0  }
0x1c0: {  	[sflag:s10] =	ssyncadd.s32 $0xFFFFF800  }
0x1c1: {  	_ =	swait.ge [sflag:s24], $0x800  }
0x1c2: {  	[sflag:s24] =	ssyncset.done $0x0  }
0x1c3: {  	[sflag:s24] =	ssyncadd.s32 $0xFFFFF800  }
0x1c4: {  	_ =	swait.ge [sflag:s0], $0x800  }
0x1c5: {  	[sflag:s0] =	ssyncset.done $0x0  }
0x1c6: {  	[sflag:s0] =	ssyncadd.s32 $0xFFFFF800  }
0x1c7: {  	_ =	swait.ge [sflag:s13], $0x800  }
0x1c8: {  	[sflag:s13] =	ssyncset.done $0x0  }
0x1c9: {  	[sflag:s13] =	ssyncadd.s32 $0xFFFFF800  }
0x1ca: {  	_ =	swait.ge [sflag:s7], $0x800  }
0x1cb: {  	[sflag:s7] =	ssyncset.done $0x0  }
0x1cc: {  	[sflag:s7] =	ssyncadd.s32 $0xFFFFF800  }
0x1cd: {  	_ =	swait.ge [sflag:s8], $0x800  }
0x1ce: {  	[sflag:s8] =	ssyncset.done $0x0  }
0x1cf: {  	[sflag:s8] =	ssyncadd.s32 $0xFFFFF800  }
0x1d0: {  	s14 =	simm.s32 $0xD100;
	[bflag:$0x0] =	sbarrier.arrive $0xFFFF  }
0x1d1: {  	[tilespmem:s14], [sflag:$0x7] =	stream.linear.gather [spmem:s21], $0x2800, $0x38;
	[tilespmem:$0x12880] =	vst v63  }
0x1d2: {  	_ =	swait.ge [sflag:s22], $0x2800  }
0x1d3: {  	[sflag:s22] =	ssyncset.done $0x0  }
0x1d4: {  	s11 =	rddreg [dreg:$0xf];
	[sflag:s22] =	ssyncadd.s32 $0xFFFFD800  }
0x1d5: {  	[hbm4b:s11+s4] =	stream.linear.scatter [tilespmem:s14], [sflag:$0x7], $0x2800, $0x38;
	[tilespmem:$0x12880] =	vst v63  }
0x1d6: {  	_ =	swait.ge [sflag:s22], $0x2800  }
0x1d7: {  	s28 =	sadd.s32 $0x1, s28;
	s29 =	rddreg [dreg:$0x10]  }
0x1d8: {  	p1 =	sne.s32 s28, s29  }
.Ltmp10:
0x1d9: {  	_ = 	snop;
	(pc) =	sbr.rel @p1 .LBB2_1-.Ltmp10, $3  }
0x1da: {  	_ =	sdelay $0x1  }
0x1db: {  	[sflag:s22] =	ssyncset.done $0x0  }
0x1dc: {  	[sflag:s22] =	ssyncadd.s32 $0xFFFFD800  }
0x1dd: {  	_ =	sfence.sel $0x180000  }
0x1de: {  	[bflag:$0x0] =	sbarrier.arrive $0xFFFF  }
0x1df: {  	_ =	strace $0x9000004A  }
0x1e0: {  	s0 =	stileid.u32;
	[bflag:$0x2] =	sbarrier.arrive $0xFFFF  }
0x1e1: {  	p0 =	sne.s32 s0, $0x0;
	s0 =	rddreg [dreg:$0x3]  }
0x1e2: {  	s0 =	sadd.s32 @!p0 $0x100000, s0  }
0x1e3: {  	[sflag:s0] =	ssyncadd.tile.s32 @!p0 $0x1;
	_ =	shalt  }
.Lfunc_end2:
_tile_overlayer_lowered:
.L_overlay_start_2:
0x1e4: {  	(tag) =	ssettag $0x2  }
0x1e5: {  	s0 =	rddreg [dreg:$0x0];
	s2 =	stileid.u32  }
0x1e6: {  	s1 =	rddreg [dreg:$0x1];
	p0 =	sne.s32 s2, $0x0  }
0x1e7: {  	s3 =	rddreg [dreg:$0x2];
	[bflag:$0x3] =	sbarrier.arrive $0xFFFF;
	s2 =	simm.s32 @!p0 $0x1C07  }
0x1e8: {  	[timem:s3], [sflag:s2] =	dma.local @!p0 [hbm:s0], s1  }
0x1e9: {  	s0 =	simm.s32 @!p0 $0x7  }
0x1ea: {  	_ =	swait.ge @!p0 [sflag:s0], s1  }
0x1eb: {  	s1 =	ssub.s32 @!p0 $0x0, s1;
	[sflag:s0] =	ssyncset.done @!p0 $0x0  }
0x1ec: {  	[sflag:s0] =	ssyncadd.s32 @!p0 s1  }
0x1ed: {  	[bflag:$0x3] =	sbarrier.arrive $0xFFFF  }
0x1ee: {  	_ =	shalt  }

// kernel: kernel.13.cloned.1.call-start
scs
__scs_entry_jumppad:
0x0: {  	(pc) =	sbr.rel $0x88, $3  }
0x1: {  	(tag) =	ssettag $0x0;
	lr =	simm.s32 $0x1  }
0x2: {  	[smem:$0x3F9A] =	sst lr;
	_ =	strace $0xD0000000  }
0x3: {  	_ = 	snop  }
0x4: {  	_ = 	snop  }
0x5: {  	_ = 	snop  }
0x6: {  	_ = 	snop  }
0x7: {  	_ = 	snop  }
__scs_overlays_trampoline_lowered:
0x8: {  	[smem:$0x3FA9] =	sst s0  }
0x9: {  	[smem:$0x3FAA] =	sst s1  }
0xa: {  	[smem:$0x3FAB] =	sst s2  }
0xb: {  	[smem:$0x3FAC] =	sst s3  }
0xc: {  	[smem:$0x3FAD] =	sst s4  }
0xd: {  	[smem:$0x3FAE] =	sst s5  }
0xe: {  	[smem:$0x3FAF] =	sst s6  }
0xf: {  	[smem:$0x3FB0] =	sst s7  }
0x10: {  	[smem:$0x3FB1] =	sst s8  }
0x11: {  	[smem:$0x3FB2] =	sst s9;
	s0 =	simm.s32 @!p0 $0x0  }
0x12: {  	s1 =	sld [smem:$0x3F98];
	s0 =	simm.s32 @p0 $0x1  }
0x13: {  	[smem:$0x3FB3] =	sst s0;
	s0 =	simm.s32 @!p1 $0x0  }
0x14: {  	s2 =	sld [smem:$0x3F97];
	s0 =	simm.s32 @p1 $0x1  }
0x15: {  	[smem:$0x3FB4] =	sst s0;
	s0 =	simm.s32 @!p2 $0x0  }
0x16: {  	s3 =	sld [smem:$0x3FDB];
	s0 =	simm.s32 @p2 $0x1  }
0x17: {  	s4 =	simm.s32 $0x1BF5;
	[smem:$0x3FB6] =	sst s0  }
0x18: {  	s0 =	sld [smem:$0x3F99];
	_ =	swait.ge [sflag:s4], $0x0  }
0x19: {  	s7 =	sld [smem:$0x3F9A]  }
0x1a: {  	s8 =	sadd.s32 $0xFFFFE003, lr  }
0x1b: {  	s9 =	sadd.s32 $0xFFFFFEF7, lr;
	s5 =	simm.s32 $0xFFFFFFFF;
	p2 =	slt.u32 s8, $0xFFFFF086  }
0x1c: {  	p1 =	slt.u32 s9, $0xF7A;
	s5 =	simm.s32 @!p2 $0x0  }
0x1d: {  	s5 =	simm.s32 @p1 $0x1;
	p0 =	seq.s32 s7, s2  }
0x1e: {  	s7 =	smul.u32 @!p0 $0xF7A, s2;
	p2 =	seq.s32 @!p0 s5, $0x0  }
0x1f: {  	s9 =	smul.u32 $0xF7A, s1;
	s8 =	simm.s32 @!p0 $0x1BF5;
	p2 =	por !p2, p0  }
0x20: {  	[sflag:s8] =	ssyncset.s32 @!p0 $0xFFFFF086;
	s6 =	sadd.s32 @!p0 s3, s7;
	s7 =	simm.s32 @!p0 $0x108  }
0x21: {  	s3 =	sadd.s32 s3, s9;
	s6 =	sadd.s32 @!p0 $0x88, s6;
	s7 =	simm.s32 @p2 $0x1082  }
0x22: {  	[simem:s7], [sflag:s8] =	dma.local @!p0 [hbm:s6], $0xF7A  }
0x23: {  	s9 =	sor.u32 $0xD0000000, s2;
	s6 =	simm.s32 $0x108;
	_ =	swait.ge @!p0 [sflag:s8], $0x0  }
0x24: {  	s3 =	sadd.s32 $0x88, s3;
	s6 =	simm.s32 @!p1 $0x1082;
	[sflag:s4] =	ssyncset.s32 $0xFFFFF086  }
0x25: {  	[simem:s6], [sflag:s4] =	dma.local [hbm:s3], $0xF7A  }
0x26: {  	[smem:$0x3F9A] =	sst s1;
	(tag) =	ssettag s2;
	_ =	strace s9  }
0x27: {  	s1 =	sld [smem:$0x3FAA]  }
0x28: {  	s2 =	sld [smem:$0x3FAB]  }
0x29: {  	s4 =	sld [smem:$0x3FAD]  }
0x2a: {  	p0 =	seq.s32 s5, $0x0;
	s5 =	sld [smem:$0x3FAE]  }
0x2b: {  	s6 =	sld [smem:$0x3FAF]  }
0x2c: {  	s7 =	sld [smem:$0x3FB0]  }
0x2d: {  	s3 =	simm.s32 $0x108;
	s8 =	sld [smem:$0x3FB1]  }
0x2e: {  	s3 =	simm.s32 @!p0 $0x1082;
	s9 =	sld [smem:$0x3FB2]  }
0x2f: {  	lr =	sadd.s32 s0, s3;
	s0 =	sld [smem:$0x3FA9]  }
0x30: {  	s3 =	sld [smem:$0x3FAC]  }
0x31: {  	[smem:$0x3FB5] =	sst s10  }
0x32: {  	s10 =	sld [smem:$0x3FB3];
	_ =	sdelay $0x3  }
0x33: {  	p0 =	seq.s32 s10, $0x1;
	s10 =	sld [smem:$0x3FB5];
	_ =	sdelay $0x3  }
0x34: {  	[smem:$0x3FB5] =	sst s10  }
0x35: {  	s10 =	sld [smem:$0x3FB4];
	_ =	sdelay $0x3  }
0x36: {  	p1 =	seq.s32 s10, $0x1;
	s10 =	sld [smem:$0x3FB5];
	_ =	sdelay $0x3  }
0x37: {  	[smem:$0x3FB5] =	sst s10  }
0x38: {  	s10 =	sld [smem:$0x3FB6]  }
0x39: {  	_ = 	snop;
	(pc) =	sbr.ind lr, $3  }
0x3a: {  	_ = 	snop  }
0x3b: {  	_ = 	snop  }
0x3c: {  	p2 =	seq.s32 s10, $0x1;
	s10 =	sld [smem:$0x3FB5]  }
0x3d: {  	_ =	shalt  }
0x3e: {  	_ =	shalt  }
0x3f: {  	_ =	shalt  }
0x40: {  	_ =	shalt  }
0x41: {  	_ =	shalt  }
0x42: {  	_ =	shalt  }
0x43: {  	_ =	shalt  }
0x44: {  	_ =	shalt  }
0x45: {  	_ =	shalt  }
0x46: {  	_ =	shalt  }
0x47: {  	_ =	shalt  }
0x48: {  	_ =	shalt  }
0x49: {  	_ =	shalt  }
0x4a: {  	_ =	shalt  }
0x4b: {  	_ =	shalt  }
0x4c: {  	_ =	shalt  }
0x4d: {  	_ =	shalt  }
0x4e: {  	_ =	shalt  }
0x4f: {  	_ =	shalt  }
0x50: {  	_ =	shalt  }
0x51: {  	_ =	shalt  }
0x52: {  	_ =	shalt  }
0x53: {  	_ =	shalt  }
0x54: {  	_ =	shalt  }
0x55: {  	_ =	shalt  }
0x56: {  	_ =	shalt  }
0x57: {  	_ =	shalt  }
0x58: {  	_ =	shalt  }
0x59: {  	_ =	shalt  }
0x5a: {  	_ =	shalt  }
0x5b: {  	_ =	shalt  }
0x5c: {  	_ =	shalt  }
0x5d: {  	_ =	shalt  }
0x5e: {  	_ =	shalt  }
0x5f: {  	_ =	shalt  }
0x60: {  	_ =	shalt  }
0x61: {  	_ =	shalt  }
0x62: {  	_ =	shalt  }
0x63: {  	_ =	shalt  }
0x64: {  	_ =	shalt  }
0x65: {  	_ =	shalt  }
0x66: {  	_ =	shalt  }
0x67: {  	_ =	shalt  }
0x68: {  	_ =	shalt  }
0x69: {  	_ =	shalt  }
0x6a: {  	_ =	shalt  }
0x6b: {  	_ =	shalt  }
0x6c: {  	_ =	shalt  }
0x6d: {  	_ =	shalt  }
0x6e: {  	_ =	shalt  }
0x6f: {  	_ =	shalt  }
0x70: {  	_ =	shalt  }
0x71: {  	_ =	shalt  }
0x72: {  	_ =	shalt  }
0x73: {  	_ =	shalt  }
0x74: {  	_ =	shalt  }
0x75: {  	_ =	shalt  }
0x76: {  	_ =	shalt  }
0x77: {  	_ =	shalt  }
0x78: {  	_ =	shalt  }
0x79: {  	_ =	shalt  }
0x7a: {  	_ =	shalt  }
0x7b: {  	_ =	shalt  }
0x7c: {  	_ =	shalt  }
0x7d: {  	_ =	shalt  }
0x7e: {  	_ =	shalt  }
0x7f: {  	_ =	shalt  }
0x80: {  	_ =	shalt  }
0x81: {  	_ =	shalt  }
0x82: {  	_ =	shalt  }
0x83: {  	_ =	shalt  }
0x84: {  	_ =	shalt  }
0x85: {  	_ =	shalt  }
0x86: {  	_ =	shalt  }
0x87: {  	_ =	shalt  }
.Lfunc_end0:
.L_simem_size_0:
called_computation.2_lowered:
.L_overlay_start_0:
0x88: {  	s2 =	sld [smem:$0x3FD9]  }
0x89: {  	s3 =	sld [smem:$0x3FFE];
	_ =	sdelay $0x1  }
0x8a: {  	s1 =	srdreg.scid  }
0x8b: {  	s0 =	sand.u32 $0x1, s1  }
0x8c: {  	s17 =	sshll.u32 s0, $0xA;
	s2 =	sadd.s32 s3, s2  }
0x8d: {  	s2 =	sadd.s32 s2, s17  }
0x8e: {  	[smem:$0x3FC1] =	sst s2  }
0x8f: {  	_ = 	snop  }
0x90: {  	s2 =	sld [smem:$0x3FC5]  }
0x91: {  	s18 =	sld [smem:$0x3FD0];
	(tm) =	ssettm $0x1  }
0x92: {  	s4 =	sld [smem:$0x3FFB];
	_ =	sdelay $0x3  }
0x93: {  	_ =	strace s4  }
0x94: {  	s4 =	sld [smem:$0x3FFC];
	_ =	sdelay $0x3  }
0x95: {  	_ =	strace s4  }
0x96: {  	s4 =	sld [smem:$0x3FFD];
	_ =	sdelay $0x3  }
0x97: {  	_ =	strace s4  }
0x98: {  	_ =	strace $0x8FFFFFFF  }
0x99: {  	s19 =	sld [smem:$0x3FDB];
	_ =	sdelay $0x1  }
0x9a: {  	s5 =	simm.s32 $_scs_section_size  }
0x9b: {  	s6 =	simm.s32 $_size__tile_overlayer_lowered;
	s7 =	simm.s32 $_tile_overlayer_lowered  }
0x9c: {  	s22 =	simm.s32 $0x1BFF;
	s21 =	sshll.u32 s7, $0x1;
	s4 =	sadd.s32 s5, s19  }
0x9d: {  	s8 =	simm.s32 $0x0;
	s20 =	sshll.u32 s6, $0x1;
	s6 =	sadd.s32 s21, s4  }
0x9e: {  	[timem:s8], [sflag:s22] =	dma.local [hbm:s6], s20  }
0x9f: {  	_ =	swait.ge [sflag:s22], s20  }
0xa0: {  	s5 =	ssub.s32 $0x0, s20;
	[sflag:s22] =	ssyncset.done $0x0  }
0xa1: {  	[sflag:s22] =	ssyncadd.s32 s5;
	_ =	sdelay $0x1  }
0xa2: {  	s23 =	simm.s32 $0x1B8B  }
0xa3: {  	_ =	swait.ge [sflag:s23], $0x1  }
0xa4: {  	[sflag:s23] =	ssyncset.done $0x0  }
0xa5: {  	s25 =	simm.s32 $0x1B8E;
	s24 =	sld [smem:$0x3FFE];
	[sflag:s23] =	ssyncadd.s32 $0xFFFFFFFF  }
0xa6: {  	s26 =	simm.s32 $execute0_lowered;
	[smem:$0x3FD2] =	sst s25  }
0xa7: {  	s6 =	sshll.u32 s26, $0x1;
	_ =	strace $0x8000004C;
	[dreg:$0x1] =	wrdreg $0xFFFFFFFF  }
0xa8: {  	s28 =	simm.s32 $_size_execute0_lowered;
	s4 =	sadd.s32 s4, s6;
	[dreg:$0x0] =	wrdreg $0x0  }
0xa9: {  	s6 =	sshll.u32 s28, $0x1;
	[dreg:$0x2] =	wrdreg s4  }
0xaa: {  	[dreg:$0x3] =	wrdreg s6  }
0xab: {  	[dreg:$0x4] =	wrdreg $0xC0  }
0xac: {  	_ =	task [dreg:s8], $0x5FFFF  }
0xad: {  	[dreg:$0x1] =	wrdreg $0xFFFFFFFF  }
0xae: {  	[dreg:$0x0] =	wrdreg $0x60  }
0xaf: {  	[dreg:$0x2] =	wrdreg s24  }
0xb0: {  	[dreg:$0x3] =	wrdreg s2  }
0xb1: {  	[dreg:$0x4] =	wrdreg s18  }
0xb2: {  	[dreg:$0x5] =	wrdreg $0x0  }
0xb3: {  	[dreg:$0x6] =	wrdreg $0x28000  }
0xb4: {  	[dreg:$0x7] =	wrdreg $0x9  }
0xb5: {  	_ =	task.clear_ibuf [dreg:s8], $0x8FFFF;
	_ =	strace $0x9000004C  }
0xb6: {  	s29 =	simm.s32 $0x9;
	_ =	strace $0x8000004E  }
0xb7: {  	_ =	swait.ge [sflag:s29], $0x1  }
0xb8: {  	[sflag:s29] =	ssyncadd.s32 $0xFFFFFFFF  }
0xb9: {  	_ =	strace $0x9000004E  }
0xba: {  	_ =	sfence  }
0xbb: {  	s30 =	sld [smem:$0x0];
	_ =	sdelay $0x2  }
0xbc: {  	s31 =	sshll.u32 s1, $0xD;
	s1 =	sshrl.u32 s1, $0x2  }
0xbd: {  	s3 =	sand.u32 $0x4000, s31;
	s1 =	sadd.s32 s1, s30  }
0xbe: {  	s0 =	sor.u32 s3, s0;
	s1 =	sshll.u32 s1, $0x11  }
0xbf: {  	s0 =	sor.u32 s1, s0  }
0xc0: {  	s0 =	sadd.s32 $0x8F2B, s0  }
0xc1: {  	[sflag:s0] =	ssyncadd.remote.s32 $0x1  }
0xc2: {  	_ =	sfence.sel $0xFFFF  }
0xc3: {  	[dreg:$0x0] =	wrdreg $0xFFFFFFFF;
	(pc) =	sbr.abs _section_cstart, $3  }
0xc4: {  	[dreg:$0x1] =	wrdreg $0xFFFFFFFF  }
0xc5: {  	_ =	task.clear_ibuf [dreg:s8], $0x2FFFF;
	_ =	strace $0x9FFFFFFF  }
0xc6: {  	(tm) =	ssettm $0x7FFFFFFF  }
0xc7: {  	_ =	shalt  }
tec
execute0_lowered:
.L_overlay_start_1:
0x0: {  	(tag) =	ssettag $0x1  }
0x1: {  	s0 =	rddreg [dreg:$0x0]  }
0x2: {  	s1 =	rddreg [dreg:$0x2]  }
0x3: {  	s3 =	rddreg [dreg:$0x3]  }
0x4: {  	s4 =	rddreg [dreg:$0x4]  }
0x5: {  	s2 =	srdreg.scid;
	s8 =	stileid.u32  }
0x6: {  	s5 =	simm.s32 $0x0;
	s28 =	simm.s32 $0x7900;
	s30 =	simm.s32 $0x80  }
0x7: {  	s31 =	simm.s32 $0xA100;
	s2 =	sand.u32 $0x1, s2;
	s7 =	smul.u32 $0x2800, s8  }
0x8: {  	[smem:$0x7FF] =	sst s5;
	s6 =	sshll.u32 s2, $0x4;
	s10 =	ssub.s32 $0x2, s2  }
0x9: {  	_ =	strace $0x8000004D;
	s20 =	smul.u32 $0x28000, s2;
	p0 =	seq.s32 s2, $0x1  }
0xa: {  	s8 =	sor.u32 s8, s6;
	s14 =	sshrl.u32 s7, $0x3;
	s12 =	sshrl.u32 s10, $0x1  }
0xb: {  	s6 =	sadd.s32 $0xDA00, s0;
	s19 =	sadd.s32 s7, s3;
	s9 =	smul.u32 $0x580, s8  }
0xc: {  	s11 =	sadd.s32 s14, s0;
	s15 =	ssub.s32 s10, s12;
	[dreg:$0x9] =	wrdreg s19  }
0xd: {  	s12 =	sadd.s32 s7, s4;
	s23 =	sadd.s32 s7, s20;
	s7 =	simm.s32 $0x4  }
0xe: {  	s10 =	simm.s32 $0x5;
	s16 =	sadd.s32 $0xCDA00, s11;
	s17 =	sadd.s32 $0xD2A00, s11  }
0xf: {  	s18 =	sadd.s32 $0xD7A00, s11;
	s2 =	sshrl.u32 s23, $0x3;
	s20 =	smax.u32 s15, $0x1  }
0x10: {  	s23 =	simm.s32 $0x1;
	s11 =	simm.s32 $0x6;
	[dreg:$0x6] =	wrdreg s16  }
0x11: {  	s13 =	sadd.s32 s9, s0;
	[dreg:$0x7] =	wrdreg s17;
	s9 =	smul.u32 $0x2C000, s8  }
0x12: {  	[dreg:$0x8] =	wrdreg s18;
	s19 =	sadd.s32 s1, s2;
	s0 =	simm.s32 $0xB100  }
0x13: {  	s1 =	simm.s32 $0xA900;
	s2 =	simm.s32 $0x2;
	s8 =	simm.s32 $0xC900  }
0x14: {  	s22 =	sadd.s32 $0xC2A00, s13;
	s24 =	sadd.s32 $0x2000, s13;
	s21 =	sshrl.u32 s9, $0x3  }
0x15: {  	s13 =	simm.s32 $0x0;
	[dreg:$0xa] =	wrdreg s22;
	s14 =	sadd.s32 s6, s21  }
0x16: {  	[dreg:$0xb] =	wrdreg s24;
	s22 =	simm.s32 $0x7;
	s25 =	sadd.s32 $0x100, s14  }
0x17: {  	s24 =	simm.s32 $0x3;
	s26 =	sadd.s32 $0x200, s14;
	[dreg:$0xc] =	wrdreg s25  }
0x18: {  	s21 =	simm.s32 $0xB900;
	s29 =	sadd.s32 $0x300, s14;
	[dreg:$0xd] =	wrdreg s26  }
0x19: {  	v0 =	vimm.f32 $0.0e+00;
	[dreg:$0xe] =	wrdreg s29;
	s26 =	simm.s32 $0xD100;
	s25 =	simm.s32 $0xC100  }
.LBB2_1:
0x1a: {  	s15 =	rddreg [dreg:$0x6];
	s16 =	simm.s32 $0xF900  }
0x1b: {  	[tilespmem:s16], [sflag:$0x7] =	stream.linear.gather [hbm4b:s15+s5], $0x2800, $0x38;
	[tilespmem:$0x17110] =	vst v63  }
0x1c: {  	_ =	swait.ge [sflag:s22], $0x2800  }
0x1d: {  	[sflag:s22] =	ssyncset.done $0x0  }
0x1e: {  	s29 =	simm.s32 $0x12100;
	s18 =	rddreg [dreg:$0x7];
	[sflag:s22] =	ssyncadd.s32 $0xFFFFD800  }
0x1f: {  	[tilespmem:s29], [sflag:$0x7] =	stream.linear.gather [hbm4b:s18+s5], $0x2800, $0x38;
	[tilespmem:$0x17110] =	vst v63  }
0x20: {  	_ =	swait.ge [sflag:s22], $0x2800  }
0x21: {  	[sflag:s22] =	ssyncset.done $0x0  }
0x22: {  	s17 =	simm.s32 $0x14900;
	s16 =	rddreg [dreg:$0x8];
	[sflag:s22] =	ssyncadd.s32 $0xFFFFD800  }
0x23: {  	[tilespmem:s17], [sflag:$0x7] =	stream.linear.gather [hbm4b:s16+s5], $0x2800, $0x38;
	[tilespmem:$0x17110] =	vst v63  }
0x24: {  	_ =	swait.ge [sflag:s22], $0x2800  }
0x25: {  	[sflag:s22] =	ssyncset.done $0x0  }
0x26: {  	[sflag:s22] =	ssyncadd.s32 $0xFFFFD800  }
0x27: {  	s29 =	simm.s32 $0x17100;
	s18 =	rddreg [dreg:$0x1]  }
0x28: {  	[tilespmem:s29], [sflag:$0x7] =	stream.linear.gather [hbm4b:s18+s5], $0x10, $0x38;
	[tilespmem:$0x17110] =	vst v63  }
0x29: {  	_ =	swait.ge [sflag:s22], $0x10  }
0x2a: {  	[sflag:s22] =	ssyncset.done $0x0  }
0x2b: {  	s15 =	simm.s32 $0x0;
	[sflag:s22] =	ssyncadd.s32 $0xFFFFFFF0  }
0x2c: {  	v3 =	vld [tilespmem:s15+$0xF900]  }
0x2d: {  	v4 =	vld [tilespmem:s15+$0x12100];
	_ =	sdelay $0x1  }
0x2e: {  	v1 =	vld [tilespmem:s15+$0x14900];
	_ =	sdelay $0x1  }
0x2f: {  	s16 =	simm.s32 $0x10;
	v2 =	vld [tilespmem:$0x17100]  }
0x30: {  	v5 =	vld [tilespmem:s16+$0x12100];
	v3 =	vadd.f32 v4, v3  }
0x31: {  	v4 =	vld [tilespmem:s16+$0xF900]  }
0x32: {  	v6 =	vmul.f32 v3, v1  }
0x33: {  	v3 =	vld [tilespmem:s16+$0x14900]  }
0x34: {  	s17 =	simm.s32 $0x80;
	v6 =	vadd.f32 v6, v2  }
.LBB2_2:
0x35: {  	s18 =	sshra.s32 s17, $0x2;
	p1 =	sne.s32 s17, $0x9FC0  }
.Ltmp0:
0x36: {  	s17 =	sadd.s32 $0x40, s17;
	v7 =	vadd.f32 v5, v4;
	v4 =	vld [tilespmem:s18+$0xF900];
	v6 =	vmax.f32 v6, $0.0e+00;
	(pc) =	sbr.rel @p1 .LBB2_2-.Ltmp0, $4  }
0x37: {  	v5 =	vld [tilespmem:s18+$0x12100];
	v6 =	vmul.f32 v6, v1  }
0x38: {  	v7 =	vmul.f32 v7, v3;
	v1 =	vmov v3  }
0x39: {  	v3 =	vld [tilespmem:s18+$0x14900];
	[tilespmem:s15+$0xD100] =	vst v6;
	s15 =	smov.u32 s16;
	s16 =	smov.u32 s18  }
0x3a: {  	v6 =	vadd.f32 v7, v2  }
0x3b: {  	_ = 	snop  }
0x3c: {  	v4 =	vadd.f32 v5, v4;
	_ =	sdelay $0x1  }
0x3d: {  	v4 =	vmul.f32 v4, v3;
	_ =	sdelay $0x1  }
0x3e: {  	v2 =	vadd.f32 v4, v2  }
0x3f: {  	v63 =	vmax.f32 v6, $0.0e+00  }
0x40: {  	v1 =	vmul.f32 v63, v1;
	v2 =	vmax.f32 v2, $0.0e+00  }
0x41: {  	v2 =	vmul.f32 v2, v3  }
0x42: {  	[tilespmem:s15+$0xD100] =	vst v1  }
.Ltmp1:
0x43: {  	s29 =	rddreg [dreg:$0x9];
	[tilespmem:s16+$0xD100] =	vst v2;
	(pc) =	sbr.rel @!p0 .LBB2_7-.Ltmp1, $4  }
0x44: {  	[spmem:s29] =	stream.linear.scatter [tilespmem:s26], [sflag:$0x7], $0x2800, $0x38;
	[tilespmem:$0x17110] =	vst v63  }
0x45: {  	_ =	swait.ge [sflag:s22], $0x2800  }
0x46: {  	[sflag:s22] =	ssyncset.done $0x0  }
0x47: {  	s15 =	simm.s32 $0x0;
	[sflag:s22] =	ssyncadd.s32 $0xFFFFD800  }
0x48: {  	s16 =	simm.s32 $0x40;
	s17 =	simm.s32 $0x0  }
.LBB2_5:
0x49: {  	p1 =	sne.s32 s16, $0x9FC0;
	[tilespmem:s17+$0xD100] =	vst v0;
	s17 =	smov.u32 s16;
	s16 =	sadd.s32 $0x40, s16  }
.Ltmp2:
0x4a: {  	(pc) =	sbr.rel @p1 .LBB2_5-.Ltmp2, $2  }
0x4b: {  	_ =	sdelay $0x2  }
0x4c: {  	s17 =	sshra.s32 s17, $0x2  }
0x4d: {  	[tilespmem:s17+$0xD100] =	vst v0  }
.LBB2_7:
0x4e: {  	[spmem:s12] =	stream.linear.scatter [tilespmem:s26], [sflag:$0x7], $0x2800, $0x38;
	[tilespmem:$0x17110] =	vst v63  }
0x4f: {  	_ =	swait.ge [sflag:s22], $0x2800  }
0x50: {  	[sflag:s22] =	ssyncset.done $0x0  }
0x51: {  	[sflag:s22] =	ssyncadd.s32 $0xFFFFD800  }
0x52: {  	[bflag:$0x0] =	sbarrier.arrive $0xFFFF  }
0x53: {  	s17 =	simm.s32 $0x5000;
	s16 =	rddreg [dreg:$0xa]  }
0x54: {  	[tilespmem:s17], [sflag:$0x7] =	stream.linear.gather [hbm4b:s16+s15], $0x2900, $0x38;
	[tilespmem:$0x17110] =	vst v63  }
0x55: {  	_ =	swait.ge [sflag:s22], $0x2900  }
0x56: {  	[sflag:s22] =	ssyncset.done $0x0  }
0x57: {  	s29 =	rddreg [dreg:$0xb];
	[sflag:s22] =	ssyncadd.s32 $0xFFFFD700  }
0x58: {  	[tilespmem:s28], [sflag:$0x7] =	stream.linear.gather [hbm4b:s29+s15], $0x2800, $0x38;
	[tilespmem:$0x17110] =	vst v63  }
0x59: {  	_ =	swait.ge [sflag:s22], $0x2800  }
0x5a: {  	[sflag:s22] =	ssyncset.done $0x0  }
0x5b: {  	[sflag:s22] =	ssyncadd.s32 $0xFFFFD800  }
0x5c: {  	[tilespmem:s31], [sflag:$0x1] =	stream.indirect.gather [spmem:s3], $0x10, s17, s30, $0xb8;
	[tilespmem:$0x17110] =	vst v63  }
0x5d: {  	_ = 	snop  }
0x5e: {  	[tilespmem:s0], [sflag:$0x3] =	stream.linear.gather [hbm4b:s14+s15], $0x800, $0x38;
	[tilespmem:$0x17110] =	vst v63  }
0x5f: {  	s18 =	simm.s32 $0x5080  }
0x60: {  	[tilespmem:s1], [sflag:$0x2] =	stream.indirect.gather [spmem:s3], $0x10, s18, s30, $0xb8;
	[tilespmem:$0x17110] =	vst v63  }
0x61: {  	s29 =	rddreg [dreg:$0xc]  }
0x62: {  	[tilespmem:s21], [sflag:$0x4] =	stream.linear.gather [hbm4b:s29+s15], $0x800, $0x38;
	[tilespmem:$0x17110] =	vst v63  }
0x63: {  	_ =	swait.ge [sflag:s23], $0x800  }
0x64: {  	[sflag:s23] =	ssyncset.done $0x0  }
0x65: {  	[sflag:s23] =	ssyncadd.s32 $0xFFFFF800  }
0x66: {  	_ =	swait.ge [sflag:s24], $0x800  }
0x67: {  	[sflag:s24] =	ssyncset.done $0x0  }
0x68: {  	s15 =	simm.s32 $0x0;
	[sflag:s24] =	ssyncadd.s32 $0xFFFFF800  }
0x69: {  	v1 =	vld [tilespmem:s15+$0xA170]  }
0x6a: {  	v2 =	vld [tilespmem:s15+$0xB170]  }
0x6b: {  	v3 =	vld [tilespmem:s15+$0xA100]  }
0x6c: {  	v4 =	vld [tilespmem:s15+$0xB100]  }
0x6d: {  	v5 =	vld [tilespmem:s15+$0xA110]  }
0x6e: {  	v6 =	vld [tilespmem:s15+$0xB110]  }
0x6f: {  	v7 =	vld [tilespmem:s15+$0xA120]  }
0x70: {  	v8 =	vld [tilespmem:s15+$0xA130]  }
0x71: {  	v1 =	vmul.f32 v2, v1;
	v2 =	vld [tilespmem:s15+$0xB120]  }
0x72: {  	v9 =	vld [tilespmem:s15+$0xB130]  }
0x73: {  	v10 =	vld [tilespmem:s15+$0xB140];
	v3 =	vmul.f32 v4, v3  }
0x74: {  	[tilespmem:s15+$0xC170] =	vst v1;
	v1 =	vmul.f32 v6, v5;
	v6 =	vld [tilespmem:s15+$0xA140]  }
0x75: {  	v4 =	vld [tilespmem:s15+$0xB150];
	[tilespmem:s15+$0xC100] =	vst v3  }
0x76: {  	v3 =	vld [tilespmem:s15+$0xA150];
	[tilespmem:s15+$0xC110] =	vst v1;
	v1 =	vmul.f32 v2, v7  }
0x77: {  	v5 =	vld [tilespmem:s15+$0xB160];
	v7 =	vmul.f32 v9, v8  }
0x78: {  	s16 =	simm.s32 $0x80;
	[tilespmem:s15+$0xC120] =	vst v1;
	v1 =	vld [tilespmem:s15+$0xA160]  }
0x79: {  	s17 =	simm.s32 $0x400;
	v6 =	vmul.f32 v10, v6;
	v2 =	vld [tilespmem:s16+$0xA170];
	[tilespmem:s15+$0xC130] =	vst v7  }
.LBB2_8:
0x7a: {  	p1 =	sne.s32 s17, $0x1E00;
	v7 =	vld [tilespmem:s16+$0xB170]  }
0x7b: {  	v8 =	vld [tilespmem:s16+$0xA100];
	[tilespmem:s15+$0xC140] =	vst v6;
	v3 =	vmul.f32 v4, v3  }
0x7c: {  	v4 =	vld [tilespmem:s16+$0xB100]  }
0x7d: {  	v6 =	vld [tilespmem:s16+$0xA110];
	[tilespmem:s15+$0xC150] =	vst v3;
	v1 =	vmul.f32 v5, v1  }
0x7e: {  	v3 =	vld [tilespmem:s16+$0xB110]  }
0x7f: {  	v5 =	vld [tilespmem:s16+$0xA120];
	v2 =	vmul.f32 v7, v2;
	[tilespmem:s15+$0xC160] =	vst v1;
	s15 =	smov.u32 s16  }
0x80: {  	v1 =	vld [tilespmem:s15+$0xB120]  }
0x81: {  	v4 =	vmul.f32 v4, v8;
	v7 =	vld [tilespmem:s15+$0xA130];
	[tilespmem:s15+$0xC170] =	vst v2  }
0x82: {  	v2 =	vld [tilespmem:s15+$0xB130]  }
0x83: {  	[tilespmem:s15+$0xC100] =	vst v4;
	v3 =	vmul.f32 v3, v6;
	v6 =	vld [tilespmem:s15+$0xA140]  }
0x84: {  	v8 =	vld [tilespmem:s15+$0xB140]  }
.Ltmp3:
0x85: {  	[tilespmem:s15+$0xC110] =	vst v3;
	v1 =	vmul.f32 v1, v5;
	v3 =	vld [tilespmem:s15+$0xA150];
	(pc) =	sbr.rel @p1 .LBB2_8-.Ltmp3, $4  }
0x86: {  	v4 =	vld [tilespmem:s15+$0xB150]  }
0x87: {  	[tilespmem:s15+$0xC120] =	vst v1;
	v7 =	vmul.f32 v2, v7;
	v1 =	vld [tilespmem:s15+$0xA160]  }
0x88: {  	s16 =	sshra.s32 s17, $0x2;
	v5 =	vld [tilespmem:s15+$0xB160]  }
0x89: {  	s17 =	sadd.s32 $0x200, s17;
	v2 =	vld [tilespmem:s16+$0xA170];
	[tilespmem:s15+$0xC130] =	vst v7;
	v6 =	vmul.f32 v8, v6  }
0x8a: {  	v7 =	vld [tilespmem:s16+$0xB170]  }
0x8b: {  	v8 =	vld [tilespmem:s16+$0xA100];
	[tilespmem:s15+$0xC140] =	vst v6;
	v3 =	vmul.f32 v4, v3  }
0x8c: {  	v4 =	vld [tilespmem:s16+$0xB100]  }
0x8d: {  	v6 =	vld [tilespmem:s16+$0xA110];
	[tilespmem:s15+$0xC150] =	vst v3;
	v1 =	vmul.f32 v5, v1  }
0x8e: {  	v3 =	vld [tilespmem:s16+$0xB110]  }
0x8f: {  	v5 =	vld [tilespmem:s16+$0xA120];
	[tilespmem:s15+$0xC160] =	vst v1  }
0x90: {  	v1 =	vmul.f32 v7, v2;
	v2 =	vld [tilespmem:s16+$0xB120]  }
0x91: {  	v7 =	vld [tilespmem:s16+$0xA130]  }
0x92: {  	v4 =	vmul.f32 v4, v8;
	[tilespmem:s16+$0xC170] =	vst v1;
	v1 =	vld [tilespmem:s16+$0xB130]  }
0x93: {  	v8 =	vld [tilespmem:s16+$0xB160]  }
0x94: {  	[tilespmem:s16+$0xC100] =	vst v4;
	v3 =	vmul.f32 v3, v6;
	v4 =	vld [tilespmem:s16+$0xA140]  }
0x95: {  	v6 =	vld [tilespmem:s16+$0xB140]  }
0x96: {  	[tilespmem:s16+$0xC110] =	vst v3;
	v2 =	vmul.f32 v2, v5;
	v3 =	vld [tilespmem:s16+$0xA150]  }
0x97: {  	v5 =	vld [tilespmem:s16+$0xB150]  }
0x98: {  	[tilespmem:s16+$0xC120] =	vst v2;
	v2 =	vld [tilespmem:s16+$0xA160];
	_ =	sdelay $0x1  }
0x99: {  	v1 =	vmul.f32 v1, v7  }
0x9a: {  	v4 =	vmul.f32 v6, v4  }
0x9b: {  	[tilespmem:s16+$0xC130] =	vst v1;
	v1 =	vmul.f32 v5, v3  }
0x9c: {  	[tilespmem:s16+$0xC140] =	vst v4;
	v2 =	vmul.f32 v8, v2  }
0x9d: {  	[tilespmem:s16+$0xC150] =	vst v1  }
0x9e: {  	[tilespmem:s16+$0xC160] =	vst v2  }
0x9f: {  	[spmem:s4] =	stream.indirect.scatter.add.f32 [tilespmem:s25], [sflag:$0x5], $0x10, s28, s30, $0xb8;
	[tilespmem:$0x17110] =	vst v63  }
0xa0: {  	s18 =	simm.s32 $0x5100  }
0xa1: {  	[tilespmem:s31], [sflag:$0x1] =	stream.indirect.gather [spmem:s3], $0x10, s18, s30, $0xb8;
	[tilespmem:$0x17110] =	vst v63  }
0xa2: {  	s29 =	rddreg [dreg:$0xd];
	s28 =	simm.s32 $0x0  }
0xa3: {  	[tilespmem:s0], [sflag:$0x3] =	stream.linear.gather [hbm4b:s29+s28], $0x800, $0x38;
	[tilespmem:$0x17110] =	vst v63  }
0xa4: {  	_ =	swait.ge [sflag:s2], $0x800  }
0xa5: {  	[sflag:s2] =	ssyncset.done $0x0  }
0xa6: {  	[sflag:s2] =	ssyncadd.s32 $0xFFFFF800  }
0xa7: {  	_ =	swait.ge [sflag:s7], $0x800  }
0xa8: {  	[sflag:s7] =	ssyncset.done $0x0  }
0xa9: {  	s15 =	simm.s32 $0x0;
	[sflag:s7] =	ssyncadd.s32 $0xFFFFF800  }
0xaa: {  	v1 =	vld [tilespmem:s15+$0xA970]  }
0xab: {  	v2 =	vld [tilespmem:s15+$0xB970]  }
0xac: {  	v3 =	vld [tilespmem:s15+$0xA900]  }
0xad: {  	v4 =	vld [tilespmem:s15+$0xB900]  }
0xae: {  	v5 =	vld [tilespmem:s15+$0xA910]  }
0xaf: {  	v6 =	vld [tilespmem:s15+$0xB910]  }
0xb0: {  	v7 =	vld [tilespmem:s15+$0xA920]  }
0xb1: {  	v8 =	vld [tilespmem:s15+$0xA930]  }
0xb2: {  	v1 =	vmul.f32 v2, v1;
	v2 =	vld [tilespmem:s15+$0xB920]  }
0xb3: {  	v9 =	vld [tilespmem:s15+$0xB930]  }
0xb4: {  	v10 =	vld [tilespmem:s15+$0xB940];
	v3 =	vmul.f32 v4, v3  }
0xb5: {  	[tilespmem:s15+$0xC970] =	vst v1;
	v1 =	vmul.f32 v6, v5;
	v6 =	vld [tilespmem:s15+$0xA940]  }
0xb6: {  	v4 =	vld [tilespmem:s15+$0xB950];
	[tilespmem:s15+$0xC900] =	vst v3  }
0xb7: {  	v3 =	vld [tilespmem:s15+$0xA950];
	[tilespmem:s15+$0xC910] =	vst v1;
	v1 =	vmul.f32 v2, v7  }
0xb8: {  	v5 =	vld [tilespmem:s15+$0xB960];
	v7 =	vmul.f32 v9, v8  }
0xb9: {  	s16 =	simm.s32 $0x80;
	[tilespmem:s15+$0xC920] =	vst v1;
	v1 =	vld [tilespmem:s15+$0xA960]  }
0xba: {  	s17 =	simm.s32 $0x400;
	v6 =	vmul.f32 v10, v6;
	v2 =	vld [tilespmem:s16+$0xA970];
	[tilespmem:s15+$0xC930] =	vst v7  }
.LBB2_10:
0xbb: {  	p1 =	sne.s32 s17, $0x1E00;
	v7 =	vld [tilespmem:s16+$0xB970]  }
0xbc: {  	v8 =	vld [tilespmem:s16+$0xA900];
	[tilespmem:s15+$0xC940] =	vst v6;
	v3 =	vmul.f32 v4, v3  }
0xbd: {  	v4 =	vld [tilespmem:s16+$0xB900]  }
0xbe: {  	v6 =	vld [tilespmem:s16+$0xA910];
	[tilespmem:s15+$0xC950] =	vst v3;
	v1 =	vmul.f32 v5, v1  }
0xbf: {  	v3 =	vld [tilespmem:s16+$0xB910]  }
0xc0: {  	v5 =	vld [tilespmem:s16+$0xA920];
	v2 =	vmul.f32 v7, v2;
	[tilespmem:s15+$0xC960] =	vst v1;
	s15 =	smov.u32 s16  }
0xc1: {  	v1 =	vld [tilespmem:s15+$0xB920]  }
0xc2: {  	v4 =	vmul.f32 v4, v8;
	v7 =	vld [tilespmem:s15+$0xA930];
	[tilespmem:s15+$0xC970] =	vst v2  }
0xc3: {  	v2 =	vld [tilespmem:s15+$0xB930]  }
0xc4: {  	[tilespmem:s15+$0xC900] =	vst v4;
	v3 =	vmul.f32 v3, v6;
	v6 =	vld [tilespmem:s15+$0xA940]  }
0xc5: {  	v8 =	vld [tilespmem:s15+$0xB940]  }
.Ltmp4:
0xc6: {  	[tilespmem:s15+$0xC910] =	vst v3;
	v1 =	vmul.f32 v1, v5;
	v3 =	vld [tilespmem:s15+$0xA950];
	(pc) =	sbr.rel @p1 .LBB2_10-.Ltmp4, $4  }
0xc7: {  	v4 =	vld [tilespmem:s15+$0xB950]  }
0xc8: {  	[tilespmem:s15+$0xC920] =	vst v1;
	v7 =	vmul.f32 v2, v7;
	v1 =	vld [tilespmem:s15+$0xA960]  }
0xc9: {  	s16 =	sshra.s32 s17, $0x2;
	v5 =	vld [tilespmem:s15+$0xB960]  }
0xca: {  	s17 =	sadd.s32 $0x200, s17;
	v2 =	vld [tilespmem:s16+$0xA970];
	[tilespmem:s15+$0xC930] =	vst v7;
	v6 =	vmul.f32 v8, v6  }
0xcb: {  	v7 =	vld [tilespmem:s16+$0xB970]  }
0xcc: {  	v8 =	vld [tilespmem:s16+$0xA900];
	[tilespmem:s15+$0xC940] =	vst v6;
	v3 =	vmul.f32 v4, v3  }
0xcd: {  	v57 =	vld [tilespmem:s16+$0xB900]  }
0xce: {  	v6 =	vld [tilespmem:s16+$0xA910];
	[tilespmem:s15+$0xC950] =	vst v3;
	v1 =	vmul.f32 v5, v1  }
0xcf: {  	v3 =	vld [tilespmem:s16+$0xB910]  }
0xd0: {  	v58 =	vld [tilespmem:s16+$0xA920];
	[tilespmem:s15+$0xC960] =	vst v1  }
0xd1: {  	v1 =	vmul.f32 v7, v2;
	v2 =	vld [tilespmem:s16+$0xB920]  }
0xd2: {  	v59 =	vld [tilespmem:s16+$0xA930]  }
0xd3: {  	v60 =	vld [tilespmem:s16+$0xA940]  }
0xd4: {  	v61 =	vld [tilespmem:s16+$0xB940]  }
0xd5: {  	v62 =	vld [tilespmem:s16+$0xB950]  }
0xd6: {  	[tilespmem:s16+$0xC970] =	vst v1;
	v1 =	vld [tilespmem:s16+$0xB930];
	v3 =	vmul.f32 v3, v6  }
0xd7: {  	v63 =	vld [tilespmem:s16+$0xB960];
	v2 =	vmul.f32 v2, v58  }
0xd8: {  	[tilespmem:s16+$0xC910] =	vst v3;
	v3 =	vld [tilespmem:s16+$0xA950]  }
0xd9: {  	[tilespmem:s16+$0xC920] =	vst v2;
	v2 =	vld [tilespmem:s16+$0xA960]  }
0xda: {  	v4 =	vmul.f32 v57, v8  }
0xdb: {  	v1 =	vmul.f32 v1, v59  }
0xdc: {  	[tilespmem:s16+$0xC900] =	vst v4;
	v4 =	vmul.f32 v61, v60  }
0xdd: {  	[tilespmem:s16+$0xC930] =	vst v1;
	v1 =	vmul.f32 v62, v3  }
0xde: {  	[tilespmem:s16+$0xC940] =	vst v4;
	v2 =	vmul.f32 v63, v2  }
0xdf: {  	[tilespmem:s16+$0xC950] =	vst v1  }
0xe0: {  	s18 =	simm.s32 $0x7980;
	[tilespmem:s16+$0xC960] =	vst v2  }
0xe1: {  	[spmem:s4] =	stream.indirect.scatter.add.f32 [tilespmem:s8], [sflag:$0x6], $0x10, s18, s30, $0xb8;
	[tilespmem:$0x17110] =	vst v63  }
0xe2: {  	s28 =	simm.s32 $0x5180  }
0xe3: {  	[tilespmem:s1], [sflag:$0x2] =	stream.indirect.gather [spmem:s3], $0x10, s28, s30, $0xb8;
	[tilespmem:$0x17110] =	vst v63  }
0xe4: {  	s29 =	rddreg [dreg:$0xe];
	s15 =	simm.s32 $0x0  }
0xe5: {  	[tilespmem:s21], [sflag:$0x4] =	stream.linear.gather [hbm4b:s29+s15], $0x800, $0x38;
	[tilespmem:$0x17110] =	vst v63  }
.LBB2_12:
0xe6: {  	_ =	swait.ge [sflag:s23], $0x800  }
0xe7: {  	[sflag:s23] =	ssyncset.done $0x0  }
0xe8: {  	[sflag:s23] =	ssyncadd.s32 $0xFFFFF800  }
0xe9: {  	_ =	swait.ge [sflag:s24], $0x800  }
0xea: {  	[sflag:s24] =	ssyncset.done $0x0  }
0xeb: {  	[sflag:s24] =	ssyncadd.s32 $0xFFFFF800  }
0xec: {  	_ =	swait.ge [sflag:s10], $0x800  }
0xed: {  	[sflag:s10] =	ssyncset.done $0x0  }
0xee: {  	s16 =	simm.s32 $0x0;
	[sflag:s10] =	ssyncadd.s32 $0xFFFFF800  }
0xef: {  	v1 =	vld [tilespmem:s16+$0xA170]  }
0xf0: {  	v2 =	vld [tilespmem:s16+$0xB170]  }
0xf1: {  	v3 =	vld [tilespmem:s16+$0xA100]  }
0xf2: {  	v4 =	vld [tilespmem:s16+$0xB100]  }
0xf3: {  	v5 =	vld [tilespmem:s16+$0xA110]  }
0xf4: {  	v6 =	vld [tilespmem:s16+$0xB110]  }
0xf5: {  	v7 =	vld [tilespmem:s16+$0xA120]  }
0xf6: {  	v8 =	vld [tilespmem:s16+$0xA130]  }
0xf7: {  	v1 =	vmul.f32 v2, v1;
	v2 =	vld [tilespmem:s16+$0xB120]  }
0xf8: {  	v9 =	vld [tilespmem:s16+$0xB130]  }
0xf9: {  	v10 =	vld [tilespmem:s16+$0xB140];
	v3 =	vmul.f32 v4, v3  }
0xfa: {  	[tilespmem:s16+$0xC170] =	vst v1;
	v1 =	vmul.f32 v6, v5;
	v6 =	vld [tilespmem:s16+$0xA140]  }
0xfb: {  	v4 =	vld [tilespmem:s16+$0xB150];
	[tilespmem:s16+$0xC100] =	vst v3  }
0xfc: {  	v3 =	vld [tilespmem:s16+$0xA150];
	[tilespmem:s16+$0xC110] =	vst v1;
	v1 =	vmul.f32 v2, v7  }
0xfd: {  	v5 =	vld [tilespmem:s16+$0xB160];
	v7 =	vmul.f32 v9, v8  }
0xfe: {  	s29 =	simm.s32 $0x80;
	[tilespmem:s16+$0xC120] =	vst v1;
	v1 =	vld [tilespmem:s16+$0xA160]  }
0xff: {  	s17 =	simm.s32 $0x400;
	v6 =	vmul.f32 v10, v6;
	v2 =	vld [tilespmem:s29+$0xA170];
	[tilespmem:s16+$0xC130] =	vst v7  }
.LBB2_13:
0x100: {  	p1 =	sne.s32 s17, $0x1E00;
	v7 =	vld [tilespmem:s29+$0xB170]  }
0x101: {  	v8 =	vld [tilespmem:s29+$0xA100];
	[tilespmem:s16+$0xC140] =	vst v6;
	v3 =	vmul.f32 v4, v3  }
0x102: {  	v4 =	vld [tilespmem:s29+$0xB100]  }
0x103: {  	v6 =	vld [tilespmem:s29+$0xA110];
	[tilespmem:s16+$0xC150] =	vst v3;
	v1 =	vmul.f32 v5, v1  }
0x104: {  	v3 =	vld [tilespmem:s29+$0xB110]  }
0x105: {  	v5 =	vld [tilespmem:s29+$0xA120];
	v2 =	vmul.f32 v7, v2;
	[tilespmem:s16+$0xC160] =	vst v1;
	s16 =	smov.u32 s29  }
0x106: {  	v1 =	vld [tilespmem:s16+$0xB120]  }
0x107: {  	v4 =	vmul.f32 v4, v8;
	v7 =	vld [tilespmem:s16+$0xA130];
	[tilespmem:s16+$0xC170] =	vst v2  }
0x108: {  	v2 =	vld [tilespmem:s16+$0xB130]  }
0x109: {  	[tilespmem:s16+$0xC100] =	vst v4;
	v3 =	vmul.f32 v3, v6;
	v6 =	vld [tilespmem:s16+$0xA140]  }
0x10a: {  	v8 =	vld [tilespmem:s16+$0xB140]  }
.Ltmp5:
0x10b: {  	[tilespmem:s16+$0xC110] =	vst v3;
	v1 =	vmul.f32 v1, v5;
	v3 =	vld [tilespmem:s16+$0xA150];
	(pc) =	sbr.rel @p1 .LBB2_13-.Ltmp5, $4  }
0x10c: {  	v4 =	vld [tilespmem:s16+$0xB150]  }
0x10d: {  	[tilespmem:s16+$0xC120] =	vst v1;
	v7 =	vmul.f32 v2, v7;
	v1 =	vld [tilespmem:s16+$0xA160]  }
0x10e: {  	s29 =	sshra.s32 s17, $0x2;
	v5 =	vld [tilespmem:s16+$0xB160]  }
0x10f: {  	s17 =	sadd.s32 $0x200, s17;
	v2 =	vld [tilespmem:s29+$0xA170];
	[tilespmem:s16+$0xC130] =	vst v7;
	v6 =	vmul.f32 v8, v6  }
0x110: {  	v7 =	vld [tilespmem:s29+$0xB170]  }
0x111: {  	v8 =	vld [tilespmem:s29+$0xA100];
	[tilespmem:s16+$0xC140] =	vst v6;
	v3 =	vmul.f32 v4, v3  }
0x112: {  	v4 =	vld [tilespmem:s29+$0xB100]  }
0x113: {  	v6 =	vld [tilespmem:s29+$0xA110];
	[tilespmem:s16+$0xC150] =	vst v3;
	v1 =	vmul.f32 v5, v1  }
0x114: {  	v3 =	vld [tilespmem:s29+$0xB110]  }
0x115: {  	v5 =	vld [tilespmem:s29+$0xA120];
	[tilespmem:s16+$0xC160] =	vst v1  }
0x116: {  	v1 =	vmul.f32 v7, v2;
	v2 =	vld [tilespmem:s29+$0xB120]  }
0x117: {  	v7 =	vld [tilespmem:s29+$0xA130]  }
0x118: {  	v4 =	vmul.f32 v4, v8;
	[tilespmem:s29+$0xC170] =	vst v1;
	v1 =	vld [tilespmem:s29+$0xB130]  }
0x119: {  	v8 =	vld [tilespmem:s29+$0xB160]  }
0x11a: {  	[tilespmem:s29+$0xC100] =	vst v4;
	v3 =	vmul.f32 v3, v6;
	v4 =	vld [tilespmem:s29+$0xA140]  }
0x11b: {  	v6 =	vld [tilespmem:s29+$0xB140]  }
0x11c: {  	[tilespmem:s29+$0xC110] =	vst v3;
	v2 =	vmul.f32 v2, v5;
	v3 =	vld [tilespmem:s29+$0xA150]  }
0x11d: {  	v5 =	vld [tilespmem:s29+$0xB150]  }
0x11e: {  	[tilespmem:s29+$0xC120] =	vst v2;
	v2 =	vld [tilespmem:s29+$0xA160];
	_ =	sdelay $0x1  }
0x11f: {  	v1 =	vmul.f32 v1, v7  }
0x120: {  	v4 =	vmul.f32 v6, v4  }
0x121: {  	s15 =	sadd.s32 $0x1, s15;
	[tilespmem:s29+$0xC130] =	vst v1;
	v1 =	vmul.f32 v5, v3  }
0x122: {  	s18 =	sshll.u32 s15, $0x8;
	[tilespmem:s29+$0xC140] =	vst v4;
	v2 =	vmul.f32 v8, v2  }
0x123: {  	s28 =	sand.u32 $0x3FFFFF00, s18;
	[tilespmem:s29+$0xC150] =	vst v1  }
0x124: {  	s17 =	sadd.s32 $0x7900, s28;
	s16 =	sshll.u32 s15, $0x1;
	[tilespmem:s29+$0xC160] =	vst v2  }
0x125: {  	[spmem:s4] =	stream.indirect.scatter.add.f32 [tilespmem:s25], [sflag:$0x5], $0x10, s17, s30, $0xb8;
	[tilespmem:$0x17110] =	vst v63  }
0x126: {  	s17 =	sadd.s32 $0x2, s16  }
0x127: {  	s18 =	sshll.u32 s17, $0x7;
	s17 =	sshll.u32 s17, $0xB  }
0x128: {  	s18 =	sand.u32 $0x3FFFFF00, s18;
	s17 =	sadd.s32 s9, s17  }
0x129: {  	s18 =	sadd.s32 $0x5000, s18;
	s17 =	sshrl.u32 s17, $0x3  }
0x12a: {  	[tilespmem:s31], [sflag:$0x1] =	stream.indirect.gather [spmem:s3], $0x10, s18, s30, $0xb8;
	[tilespmem:$0x17110] =	vst v63  }
0x12b: {  	s17 =	sadd.s32 s6, s17;
	s18 =	simm.s32 $0x0  }
0x12c: {  	[tilespmem:s0], [sflag:$0x3] =	stream.linear.gather [hbm4b:s17+s18], $0x800, $0x38;
	[tilespmem:$0x17110] =	vst v63  }
0x12d: {  	_ =	swait.ge [sflag:s2], $0x800  }
0x12e: {  	[sflag:s2] =	ssyncset.done $0x0  }
0x12f: {  	[sflag:s2] =	ssyncadd.s32 $0xFFFFF800  }
0x130: {  	_ =	swait.ge [sflag:s7], $0x800  }
0x131: {  	[sflag:s7] =	ssyncset.done $0x0  }
0x132: {  	[sflag:s7] =	ssyncadd.s32 $0xFFFFF800  }
0x133: {  	_ =	swait.ge [sflag:s11], $0x800  }
0x134: {  	[sflag:s11] =	ssyncset.done $0x0  }
0x135: {  	s29 =	simm.s32 $0x0;
	[sflag:s11] =	ssyncadd.s32 $0xFFFFF800  }
0x136: {  	v1 =	vld [tilespmem:s29+$0xA970]  }
0x137: {  	v2 =	vld [tilespmem:s29+$0xB970]  }
0x138: {  	v3 =	vld [tilespmem:s29+$0xA900]  }
0x139: {  	v4 =	vld [tilespmem:s29+$0xB900]  }
0x13a: {  	v5 =	vld [tilespmem:s29+$0xA910]  }
0x13b: {  	v6 =	vld [tilespmem:s29+$0xB910]  }
0x13c: {  	v7 =	vld [tilespmem:s29+$0xA920]  }
0x13d: {  	v8 =	vld [tilespmem:s29+$0xA930]  }
0x13e: {  	v1 =	vmul.f32 v2, v1;
	v2 =	vld [tilespmem:s29+$0xB920]  }
0x13f: {  	v9 =	vld [tilespmem:s29+$0xB930]  }
0x140: {  	v10 =	vld [tilespmem:s29+$0xB940];
	v3 =	vmul.f32 v4, v3  }
0x141: {  	[tilespmem:s29+$0xC970] =	vst v1;
	v1 =	vmul.f32 v6, v5;
	v6 =	vld [tilespmem:s29+$0xA940]  }
0x142: {  	v4 =	vld [tilespmem:s29+$0xB950];
	[tilespmem:s29+$0xC900] =	vst v3  }
0x143: {  	v3 =	vld [tilespmem:s29+$0xA950];
	[tilespmem:s29+$0xC910] =	vst v1;
	v1 =	vmul.f32 v2, v7  }
0x144: {  	v5 =	vld [tilespmem:s29+$0xB960];
	v7 =	vmul.f32 v9, v8  }
0x145: {  	s17 =	simm.s32 $0x80;
	[tilespmem:s29+$0xC920] =	vst v1;
	v1 =	vld [tilespmem:s29+$0xA960]  }
0x146: {  	s18 =	simm.s32 $0x400;
	v6 =	vmul.f32 v10, v6;
	v2 =	vld [tilespmem:s17+$0xA970];
	[tilespmem:s29+$0xC930] =	vst v7  }
.LBB2_15:
0x147: {  	p1 =	sne.s32 s18, $0x1E00;
	v7 =	vld [tilespmem:s17+$0xB970]  }
0x148: {  	v8 =	vld [tilespmem:s17+$0xA900];
	[tilespmem:s29+$0xC940] =	vst v6;
	v3 =	vmul.f32 v4, v3  }
0x149: {  	v4 =	vld [tilespmem:s17+$0xB900]  }
0x14a: {  	v6 =	vld [tilespmem:s17+$0xA910];
	[tilespmem:s29+$0xC950] =	vst v3;
	v1 =	vmul.f32 v5, v1  }
0x14b: {  	v3 =	vld [tilespmem:s17+$0xB910]  }
0x14c: {  	v5 =	vld [tilespmem:s17+$0xA920];
	v2 =	vmul.f32 v7, v2;
	[tilespmem:s29+$0xC960] =	vst v1;
	s29 =	smov.u32 s17  }
0x14d: {  	v1 =	vld [tilespmem:s29+$0xB920]  }
0x14e: {  	v4 =	vmul.f32 v4, v8;
	v7 =	vld [tilespmem:s29+$0xA930];
	[tilespmem:s29+$0xC970] =	vst v2  }
0x14f: {  	v2 =	vld [tilespmem:s29+$0xB930]  }
0x150: {  	[tilespmem:s29+$0xC900] =	vst v4;
	v3 =	vmul.f32 v3, v6;
	v6 =	vld [tilespmem:s29+$0xA940]  }
0x151: {  	v8 =	vld [tilespmem:s29+$0xB940]  }
.Ltmp6:
0x152: {  	[tilespmem:s29+$0xC910] =	vst v3;
	v1 =	vmul.f32 v1, v5;
	v3 =	vld [tilespmem:s29+$0xA950];
	(pc) =	sbr.rel @p1 .LBB2_15-.Ltmp6, $4  }
0x153: {  	v4 =	vld [tilespmem:s29+$0xB950]  }
0x154: {  	[tilespmem:s29+$0xC920] =	vst v1;
	v7 =	vmul.f32 v2, v7;
	v1 =	vld [tilespmem:s29+$0xA960]  }
0x155: {  	s17 =	sshra.s32 s18, $0x2;
	v5 =	vld [tilespmem:s29+$0xB960]  }
0x156: {  	s18 =	sadd.s32 $0x200, s18;
	v2 =	vld [tilespmem:s17+$0xA970];
	[tilespmem:s29+$0xC930] =	vst v7;
	v6 =	vmul.f32 v8, v6  }
0x157: {  	v7 =	vld [tilespmem:s17+$0xB970]  }
0x158: {  	v8 =	vld [tilespmem:s17+$0xA900];
	[tilespmem:s29+$0xC940] =	vst v6;
	v3 =	vmul.f32 v4, v3  }
0x159: {  	v57 =	vld [tilespmem:s17+$0xB900]  }
0x15a: {  	v6 =	vld [tilespmem:s17+$0xA910];
	[tilespmem:s29+$0xC950] =	vst v3;
	v1 =	vmul.f32 v5, v1  }
0x15b: {  	v3 =	vld [tilespmem:s17+$0xB910]  }
0x15c: {  	v58 =	vld [tilespmem:s17+$0xA920];
	[tilespmem:s29+$0xC960] =	vst v1  }
0x15d: {  	v1 =	vmul.f32 v7, v2;
	v2 =	vld [tilespmem:s17+$0xB920]  }
0x15e: {  	v59 =	vld [tilespmem:s17+$0xA930]  }
0x15f: {  	v60 =	vld [tilespmem:s17+$0xA940]  }
0x160: {  	v61 =	vld [tilespmem:s17+$0xB940]  }
0x161: {  	v62 =	vld [tilespmem:s17+$0xB950]  }
0x162: {  	[tilespmem:s17+$0xC970] =	vst v1;
	v1 =	vld [tilespmem:s17+$0xB930];
	v3 =	vmul.f32 v3, v6  }
0x163: {  	v63 =	vld [tilespmem:s17+$0xB960];
	v2 =	vmul.f32 v2, v58  }
0x164: {  	[tilespmem:s17+$0xC910] =	vst v3;
	v3 =	vld [tilespmem:s17+$0xA950]  }
0x165: {  	[tilespmem:s17+$0xC920] =	vst v2;
	v2 =	vld [tilespmem:s17+$0xA960]  }
0x166: {  	v4 =	vmul.f32 v57, v8  }
0x167: {  	v1 =	vmul.f32 v1, v59  }
0x168: {  	[tilespmem:s17+$0xC900] =	vst v4;
	v4 =	vmul.f32 v61, v60  }
0x169: {  	[tilespmem:s17+$0xC930] =	vst v1;
	v1 =	vmul.f32 v62, v3  }
0x16a: {  	[tilespmem:s17+$0xC940] =	vst v4;
	v2 =	vmul.f32 v63, v2  }
0x16b: {  	s28 =	sadd.s32 $0x7980, s28;
	s16 =	sadd.s32 $0x3, s16;
	[tilespmem:s17+$0xC950] =	vst v1  }
0x16c: {  	p1 =	sne.s32 s15, $0x27;
	s29 =	sshll.u32 s16, $0x7;
	s16 =	sshll.u32 s16, $0xB;
	[tilespmem:s17+$0xC960] =	vst v2  }
0x16d: {  	[spmem:s4] =	stream.indirect.scatter.add.f32 [tilespmem:s8], [sflag:$0x6], $0x10, s28, s30, $0xb8;
	[tilespmem:$0x17110] =	vst v63  }
.Ltmp7:
0x16e: {  	s16 =	sadd.s32 s9, s16;
	s17 =	sand.u32 $0x3FFFFF80, s29;
	(pc) =	sbr.rel @p1 .LBB2_12-.Ltmp7, $4  }
0x16f: {  	s16 =	sshrl.u32 s16, $0x3;
	s17 =	sadd.s32 $0x5000, s17  }
0x170: {  	[tilespmem:s1], [sflag:$0x2] =	stream.indirect.gather [spmem:s3], $0x10, s17, s30, $0xb8;
	[tilespmem:$0x17110] =	vst v63  }
0x171: {  	s16 =	sadd.s32 s6, s16  }
0x172: {  	[tilespmem:s21], [sflag:$0x4] =	stream.linear.gather [hbm4b:s16+s5], $0x800, $0x38;
	[tilespmem:$0x17110] =	vst v63  }
0x173: {  	_ =	swait.ge [sflag:s10], $0x800  }
0x174: {  	[sflag:s10] =	ssyncset.done $0x0  }
0x175: {  	[sflag:s10] =	ssyncadd.s32 $0xFFFFF800  }
0x176: {  	_ =	swait.ge [sflag:s23], $0x800  }
0x177: {  	[sflag:s23] =	ssyncset.done $0x0  }
0x178: {  	[sflag:s23] =	ssyncadd.s32 $0xFFFFF800  }
0x179: {  	_ =	swait.ge [sflag:s24], $0x800  }
0x17a: {  	[sflag:s24] =	ssyncset.done $0x0  }
0x17b: {  	[sflag:s24] =	ssyncadd.s32 $0xFFFFF800  }
0x17c: {  	_ =	swait.ge [sflag:s11], $0x800  }
0x17d: {  	[sflag:s11] =	ssyncset.done $0x0  }
0x17e: {  	[sflag:s11] =	ssyncadd.s32 $0xFFFFF800  }
0x17f: {  	_ =	swait.ge [sflag:s2], $0x800  }
0x180: {  	[sflag:s2] =	ssyncset.done $0x0  }
0x181: {  	[sflag:s2] =	ssyncadd.s32 $0xFFFFF800  }
0x182: {  	_ =	swait.ge [sflag:s7], $0x800  }
0x183: {  	[sflag:s7] =	ssyncset.done $0x0  }
0x184: {  	[sflag:s7] =	ssyncadd.s32 $0xFFFFF800  }
0x185: {  	[bflag:$0x0] =	sbarrier.arrive $0xFFFF  }
0x186: {  	[tilespmem:s26], [sflag:$0x7] =	stream.linear.gather [spmem:s12], $0x2800, $0x38;
	[tilespmem:$0x17110] =	vst v63  }
0x187: {  	s13 =	sadd.s32 $0x1, s13;
	_ =	swait.ge [sflag:s22], $0x2800  }
0x188: {  	p1 =	sne.s32 s13, s20;
	[sflag:s22] =	ssyncset.done $0x0  }
.Ltmp8:
0x189: {  	[sflag:s22] =	ssyncadd.s32 $0xFFFFD800;
	(pc) =	sbr.rel @p1 .LBB2_1-.Ltmp8, $4  }
0x18a: {  	[hbm4b:s19+s5] =	stream.linear.scatter [tilespmem:s26], [sflag:$0x7], $0x2800, $0x38;
	[tilespmem:$0x17110] =	vst v63  }
0x18b: {  	_ =	swait.ge [sflag:s22], $0x2800  }
0x18c: {  	[sflag:s22] =	ssyncset.done $0x0  }
0x18d: {  	s28 =	simm.s32 $0x7900;
	[sflag:s22] =	ssyncadd.s32 $0xFFFFD800  }
0x18e: {  	_ =	sfence.sel $0x180000  }
0x18f: {  	[bflag:$0x0] =	sbarrier.arrive $0xFFFF  }
0x190: {  	_ =	strace $0x9000004D  }
0x191: {  	s0 =	stileid.u32;
	[bflag:$0x2] =	sbarrier.arrive $0xFFFF  }
0x192: {  	p0 =	sne.s32 s0, $0x0;
	s0 =	rddreg [dreg:$0x5]  }
0x193: {  	s0 =	sadd.s32 @!p0 $0x100000, s0  }
0x194: {  	[sflag:s0] =	ssyncadd.tile.s32 @!p0 $0x1;
	_ =	shalt  }
.Lfunc_end2:
_tile_overlayer_lowered:
.L_overlay_start_2:
0x195: {  	(tag) =	ssettag $0x2  }
0x196: {  	s0 =	rddreg [dreg:$0x0];
	s2 =	stileid.u32  }
0x197: {  	s1 =	rddreg [dreg:$0x1];
	p0 =	sne.s32 s2, $0x0  }
0x198: {  	s3 =	rddreg [dreg:$0x2];
	[bflag:$0x3] =	sbarrier.arrive $0xFFFF;
	s2 =	simm.s32 @!p0 $0x1C07  }
0x199: {  	[timem:s3], [sflag:s2] =	dma.local @!p0 [hbm:s0], s1  }
0x19a: {  	s0 =	simm.s32 @!p0 $0x7  }
0x19b: {  	_ =	swait.ge @!p0 [sflag:s0], s1  }
0x19c: {  	s1 =	ssub.s32 @!p0 $0x0, s1;
	[sflag:s0] =	ssyncset.done @!p0 $0x0  }
0x19d: {  	[sflag:s0] =	ssyncadd.s32 @!p0 s1  }
0x19e: {  	[bflag:$0x3] =	sbarrier.arrive $0xFFFF  }
0x19f: {  	_ =	shalt  }

// kernel: kernel.7.cloned.1.call-start
scs
__scs_entry_jumppad:
0x0: {  	(pc) =	sbr.rel $0x88, $3  }
0x1: {  	(tag) =	ssettag $0x0;
	lr =	simm.s32 $0x1  }
0x2: {  	[smem:$0x3F9A] =	sst lr;
	_ =	strace $0xD0000000  }
0x3: {  	_ = 	snop  }
0x4: {  	_ = 	snop  }
0x5: {  	_ = 	snop  }
0x6: {  	_ = 	snop  }
0x7: {  	_ = 	snop  }
__scs_overlays_trampoline_lowered:
0x8: {  	[smem:$0x3FA9] =	sst s0  }
0x9: {  	[smem:$0x3FAA] =	sst s1  }
0xa: {  	[smem:$0x3FAB] =	sst s2  }
0xb: {  	[smem:$0x3FAC] =	sst s3  }
0xc: {  	[smem:$0x3FAD] =	sst s4  }
0xd: {  	[smem:$0x3FAE] =	sst s5  }
0xe: {  	[smem:$0x3FAF] =	sst s6  }
0xf: {  	[smem:$0x3FB0] =	sst s7  }
0x10: {  	[smem:$0x3FB1] =	sst s8  }
0x11: {  	[smem:$0x3FB2] =	sst s9;
	s0 =	simm.s32 @!p0 $0x0  }
0x12: {  	s1 =	sld [smem:$0x3F98];
	s0 =	simm.s32 @p0 $0x1  }
0x13: {  	[smem:$0x3FB3] =	sst s0;
	s0 =	simm.s32 @!p1 $0x0  }
0x14: {  	s2 =	sld [smem:$0x3F97];
	s0 =	simm.s32 @p1 $0x1  }
0x15: {  	[smem:$0x3FB4] =	sst s0;
	s0 =	simm.s32 @!p2 $0x0  }
0x16: {  	s3 =	sld [smem:$0x3FDB];
	s0 =	simm.s32 @p2 $0x1  }
0x17: {  	s4 =	simm.s32 $0x1BF5;
	[smem:$0x3FB6] =	sst s0  }
0x18: {  	s0 =	sld [smem:$0x3F99];
	_ =	swait.ge [sflag:s4], $0x0  }
0x19: {  	s7 =	sld [smem:$0x3F9A]  }
0x1a: {  	s8 =	sadd.s32 $0xFFFFE003, lr  }
0x1b: {  	s9 =	sadd.s32 $0xFFFFFEF7, lr;
	s5 =	simm.s32 $0xFFFFFFFF;
	p2 =	slt.u32 s8, $0xFFFFF086  }
0x1c: {  	p1 =	slt.u32 s9, $0xF7A;
	s5 =	simm.s32 @!p2 $0x0  }
0x1d: {  	s5 =	simm.s32 @p1 $0x1;
	p0 =	seq.s32 s7, s2  }
0x1e: {  	s7 =	smul.u32 @!p0 $0xF7A, s2;
	p2 =	seq.s32 @!p0 s5, $0x0  }
0x1f: {  	s9 =	smul.u32 $0xF7A, s1;
	s8 =	simm.s32 @!p0 $0x1BF5;
	p2 =	por !p2, p0  }
0x20: {  	[sflag:s8] =	ssyncset.s32 @!p0 $0xFFFFF086;
	s6 =	sadd.s32 @!p0 s3, s7;
	s7 =	simm.s32 @!p0 $0x108  }
0x21: {  	s3 =	sadd.s32 s3, s9;
	s6 =	sadd.s32 @!p0 $0x88, s6;
	s7 =	simm.s32 @p2 $0x1082  }
0x22: {  	[simem:s7], [sflag:s8] =	dma.local @!p0 [hbm:s6], $0xF7A  }
0x23: {  	s9 =	sor.u32 $0xD0000000, s2;
	s6 =	simm.s32 $0x108;
	_ =	swait.ge @!p0 [sflag:s8], $0x0  }
0x24: {  	s3 =	sadd.s32 $0x88, s3;
	s6 =	simm.s32 @!p1 $0x1082;
	[sflag:s4] =	ssyncset.s32 $0xFFFFF086  }
0x25: {  	[simem:s6], [sflag:s4] =	dma.local [hbm:s3], $0xF7A  }
0x26: {  	[smem:$0x3F9A] =	sst s1;
	(tag) =	ssettag s2;
	_ =	strace s9  }
0x27: {  	s1 =	sld [smem:$0x3FAA]  }
0x28: {  	s2 =	sld [smem:$0x3FAB]  }
0x29: {  	s4 =	sld [smem:$0x3FAD]  }
0x2a: {  	p0 =	seq.s32 s5, $0x0;
	s5 =	sld [smem:$0x3FAE]  }
0x2b: {  	s6 =	sld [smem:$0x3FAF]  }
0x2c: {  	s7 =	sld [smem:$0x3FB0]  }
0x2d: {  	s3 =	simm.s32 $0x108;
	s8 =	sld [smem:$0x3FB1]  }
0x2e: {  	s3 =	simm.s32 @!p0 $0x1082;
	s9 =	sld [smem:$0x3FB2]  }
0x2f: {  	lr =	sadd.s32 s0, s3;
	s0 =	sld [smem:$0x3FA9]  }
0x30: {  	s3 =	sld [smem:$0x3FAC]  }
0x31: {  	[smem:$0x3FB5] =	sst s10  }
0x32: {  	s10 =	sld [smem:$0x3FB3];
	_ =	sdelay $0x3  }
0x33: {  	p0 =	seq.s32 s10, $0x1;
	s10 =	sld [smem:$0x3FB5];
	_ =	sdelay $0x3  }
0x34: {  	[smem:$0x3FB5] =	sst s10  }
0x35: {  	s10 =	sld [smem:$0x3FB4];
	_ =	sdelay $0x3  }
0x36: {  	p1 =	seq.s32 s10, $0x1;
	s10 =	sld [smem:$0x3FB5];
	_ =	sdelay $0x3  }
0x37: {  	[smem:$0x3FB5] =	sst s10  }
0x38: {  	s10 =	sld [smem:$0x3FB6]  }
0x39: {  	_ = 	snop;
	(pc) =	sbr.ind lr, $3  }
0x3a: {  	_ = 	snop  }
0x3b: {  	_ = 	snop  }
0x3c: {  	p2 =	seq.s32 s10, $0x1;
	s10 =	sld [smem:$0x3FB5]  }
0x3d: {  	_ =	shalt  }
0x3e: {  	_ =	shalt  }
0x3f: {  	_ =	shalt  }
0x40: {  	_ =	shalt  }
0x41: {  	_ =	shalt  }
0x42: {  	_ =	shalt  }
0x43: {  	_ =	shalt  }
0x44: {  	_ =	shalt  }
0x45: {  	_ =	shalt  }
0x46: {  	_ =	shalt  }
0x47: {  	_ =	shalt  }
0x48: {  	_ =	shalt  }
0x49: {  	_ =	shalt  }
0x4a: {  	_ =	shalt  }
0x4b: {  	_ =	shalt  }
0x4c: {  	_ =	shalt  }
0x4d: {  	_ =	shalt  }
0x4e: {  	_ =	shalt  }
0x4f: {  	_ =	shalt  }
0x50: {  	_ =	shalt  }
0x51: {  	_ =	shalt  }
0x52: {  	_ =	shalt  }
0x53: {  	_ =	shalt  }
0x54: {  	_ =	shalt  }
0x55: {  	_ =	shalt  }
0x56: {  	_ =	shalt  }
0x57: {  	_ =	shalt  }
0x58: {  	_ =	shalt  }
0x59: {  	_ =	shalt  }
0x5a: {  	_ =	shalt  }
0x5b: {  	_ =	shalt  }
0x5c: {  	_ =	shalt  }
0x5d: {  	_ =	shalt  }
0x5e: {  	_ =	shalt  }
0x5f: {  	_ =	shalt  }
0x60: {  	_ =	shalt  }
0x61: {  	_ =	shalt  }
0x62: {  	_ =	shalt  }
0x63: {  	_ =	shalt  }
0x64: {  	_ =	shalt  }
0x65: {  	_ =	shalt  }
0x66: {  	_ =	shalt  }
0x67: {  	_ =	shalt  }
0x68: {  	_ =	shalt  }
0x69: {  	_ =	shalt  }
0x6a: {  	_ =	shalt  }
0x6b: {  	_ =	shalt  }
0x6c: {  	_ =	shalt  }
0x6d: {  	_ =	shalt  }
0x6e: {  	_ =	shalt  }
0x6f: {  	_ =	shalt  }
0x70: {  	_ =	shalt  }
0x71: {  	_ =	shalt  }
0x72: {  	_ =	shalt  }
0x73: {  	_ =	shalt  }
0x74: {  	_ =	shalt  }
0x75: {  	_ =	shalt  }
0x76: {  	_ =	shalt  }
0x77: {  	_ =	shalt  }
0x78: {  	_ =	shalt  }
0x79: {  	_ =	shalt  }
0x7a: {  	_ =	shalt  }
0x7b: {  	_ =	shalt  }
0x7c: {  	_ =	shalt  }
0x7d: {  	_ =	shalt  }
0x7e: {  	_ =	shalt  }
0x7f: {  	_ =	shalt  }
0x80: {  	_ =	shalt  }
0x81: {  	_ =	shalt  }
0x82: {  	_ =	shalt  }
0x83: {  	_ =	shalt  }
0x84: {  	_ =	shalt  }
0x85: {  	_ =	shalt  }
0x86: {  	_ =	shalt  }
0x87: {  	_ =	shalt  }
.Lfunc_end0:
.L_simem_size_0:
called_computation_lowered:
.L_overlay_start_0:
0x88: {  	s2 =	sld [smem:$0x3FD9]  }
0x89: {  	s3 =	sld [smem:$0x3FFE];
	_ =	sdelay $0x1  }
0x8a: {  	s1 =	srdreg.scid  }
0x8b: {  	s0 =	sand.u32 $0x1, s1  }
0x8c: {  	s17 =	sshll.u32 s0, $0xA;
	s2 =	sadd.s32 s3, s2  }
0x8d: {  	s2 =	sadd.s32 s2, s17  }
0x8e: {  	[smem:$0x3FC1] =	sst s2  }
0x8f: {  	_ = 	snop  }
0x90: {  	s2 =	sld [smem:$0x3FD0];
	(tm) =	ssettm $0x1  }
0x91: {  	s18 =	sld [smem:$0x3FFB];
	_ =	sdelay $0x3  }
0x92: {  	_ =	strace s18  }
0x93: {  	s3 =	sld [smem:$0x3FFC];
	_ =	sdelay $0x3  }
0x94: {  	_ =	strace s3  }
0x95: {  	s3 =	sld [smem:$0x3FFD];
	_ =	sdelay $0x3  }
0x96: {  	_ =	strace s3  }
0x97: {  	_ =	strace $0x8FFFFFFF  }
0x98: {  	s19 =	sld [smem:$0x3FDB];
	_ =	sdelay $0x1  }
0x99: {  	s4 =	simm.s32 $_scs_section_size  }
0x9a: {  	s5 =	simm.s32 $_size__tile_overlayer_lowered;
	s6 =	simm.s32 $_tile_overlayer_lowered  }
0x9b: {  	s22 =	simm.s32 $0x1BFF;
	s21 =	sshll.u32 s6, $0x1;
	s3 =	sadd.s32 s4, s19  }
0x9c: {  	s7 =	simm.s32 $0x0;
	s20 =	sshll.u32 s5, $0x1;
	s5 =	sadd.s32 s21, s3  }
0x9d: {  	[timem:s7], [sflag:s22] =	dma.local [hbm:s5], s20  }
0x9e: {  	_ =	swait.ge [sflag:s22], s20  }
0x9f: {  	s4 =	ssub.s32 $0x0, s20;
	[sflag:s22] =	ssyncset.done $0x0  }
0xa0: {  	[sflag:s22] =	ssyncadd.s32 s4;
	_ =	sdelay $0x1  }
0xa1: {  	s23 =	simm.s32 $0x1B8B  }
0xa2: {  	_ =	swait.ge [sflag:s23], $0x1  }
0xa3: {  	[sflag:s23] =	ssyncset.done $0x0  }
0xa4: {  	s25 =	simm.s32 $0x1B8E;
	s24 =	sld [smem:$0x3FFE];
	[sflag:s23] =	ssyncadd.s32 $0xFFFFFFFF  }
0xa5: {  	s26 =	simm.s32 $execute0_lowered;
	[smem:$0x3FD2] =	sst s25  }
0xa6: {  	s5 =	sshll.u32 s26, $0x1;
	_ =	strace $0x80000046;
	[dreg:$0x1] =	wrdreg $0xFFFFFFFF  }
0xa7: {  	s28 =	simm.s32 $_size_execute0_lowered;
	s3 =	sadd.s32 s3, s5;
	[dreg:$0x0] =	wrdreg $0x0  }
0xa8: {  	s5 =	sshll.u32 s28, $0x1;
	[dreg:$0x2] =	wrdreg s3  }
0xa9: {  	[dreg:$0x3] =	wrdreg s5  }
0xaa: {  	[dreg:$0x4] =	wrdreg $0xC0  }
0xab: {  	_ =	task [dreg:s7], $0x5FFFF  }
0xac: {  	[dreg:$0x1] =	wrdreg $0xFFFFFFFF  }
0xad: {  	[dreg:$0x0] =	wrdreg $0x60  }
0xae: {  	[dreg:$0x2] =	wrdreg s24  }
0xaf: {  	[dreg:$0x3] =	wrdreg s2  }
0xb0: {  	[dreg:$0x4] =	wrdreg $0x0  }
0xb1: {  	[dreg:$0x5] =	wrdreg $0x9  }
0xb2: {  	_ =	task.clear_ibuf [dreg:s7], $0x6FFFF;
	_ =	strace $0x90000046  }
0xb3: {  	s29 =	simm.s32 $0x9;
	_ =	strace $0x80000048  }
0xb4: {  	_ =	swait.ge [sflag:s29], $0x1  }
0xb5: {  	[sflag:s29] =	ssyncadd.s32 $0xFFFFFFFF  }
0xb6: {  	_ =	strace $0x90000048  }
0xb7: {  	_ =	sfence  }
0xb8: {  	s30 =	sld [smem:$0x0];
	_ =	sdelay $0x2  }
0xb9: {  	s31 =	sshll.u32 s1, $0xD;
	s1 =	sshrl.u32 s1, $0x2  }
0xba: {  	s3 =	sand.u32 $0x4000, s31;
	s1 =	sadd.s32 s1, s30  }
0xbb: {  	s0 =	sor.u32 s3, s0;
	s1 =	sshll.u32 s1, $0x11  }
0xbc: {  	s0 =	sor.u32 s1, s0  }
0xbd: {  	s0 =	sadd.s32 $0x8F2B, s0  }
0xbe: {  	[sflag:s0] =	ssyncadd.remote.s32 $0x1  }
0xbf: {  	_ =	sfence.sel $0xFFFF  }
0xc0: {  	[dreg:$0x0] =	wrdreg $0xFFFFFFFF;
	(pc) =	sbr.abs _section_cstart, $3  }
0xc1: {  	[dreg:$0x1] =	wrdreg $0xFFFFFFFF  }
0xc2: {  	_ =	task.clear_ibuf [dreg:s7], $0x2FFFF;
	_ =	strace $0x9FFFFFFF  }
0xc3: {  	(tm) =	ssettm $0x7FFFFFFF  }
tec
execute0_lowered:
.L_overlay_start_1:
0x0: {  	(tag) =	ssettag $0x1  }
0x1: {  	s4 =	rddreg [dreg:$0x0]  }
0x2: {  	s1 =	srdreg.scid;
	s6 =	rddreg [dreg:$0x1]  }
0x3: {  	s0 =	stileid.u32;
	s2 =	rddreg [dreg:$0x2];
	s3 =	simm.s32 $0x0  }
0x4: {  	s12 =	simm.s32 $0x2A80;
	s13 =	simm.s32 $0x80;
	s5 =	sand.u32 $0x1, s1  }
0x5: {  	s14 =	simm.s32 $0x0;
	s7 =	smul.u32 $0x280, s0;
	s8 =	sshll.u32 s5, $0x4  }
0x6: {  	s1 =	rddreg [dreg:$0x3];
	s9 =	smul.u32 $0x2800, s5;
	s8 =	sor.u32 s0, s8  }
0x7: {  	[smem:$0x7FF] =	sst s3;
	s5 =	ssub.s32 $0x2, s5;
	s8 =	smul.u32 $0x580, s8  }
0x8: {  	_ =	strace $0x80000047;
	s31 =	sshrl.u32 s5, $0x1;
	s9 =	sadd.s32 s7, s9  }
0x9: {  	s11 =	ssub.s32 s5, s31;
	s9 =	sshrl.u32 s9, $0x3;
	s10 =	sadd.s32 s8, s4  }
0xa: {  	s9 =	sadd.s32 s9, s4;
	s4 =	sadd.s32 s7, s2;
	s6 =	sadd.s32 s6, s8  }
0xb: {  	s8 =	smax.u32 s11, $0x1;
	s11 =	simm.s32 $0x280;
	s5 =	sadd.s32 $0x2000, s10  }
0xc: {  	v0 =	vimm.f32 $0.0e+00;
	s7 =	sadd.s32 $0xD000, s9;
	s9 =	simm.s32 $0x5280;
	s10 =	simm.s32 $0x1  }
.LBB2_1:
0xd: {  	[tilespmem:$0x5280] =	vst v0  }
0xe: {  	[tilespmem:$0x5290] =	vst v0  }
0xf: {  	[tilespmem:$0x52A0] =	vst v0  }
0x10: {  	[tilespmem:$0x52B0] =	vst v0  }
0x11: {  	[tilespmem:$0x52C0] =	vst v0  }
0x12: {  	[tilespmem:$0x52D0] =	vst v0  }
0x13: {  	[tilespmem:$0x52E0] =	vst v0  }
0x14: {  	[tilespmem:$0x52F0] =	vst v0  }
0x15: {  	[tilespmem:$0x5300] =	vst v0  }
0x16: {  	[tilespmem:$0x5310] =	vst v0  }
0x17: {  	[tilespmem:$0x5320] =	vst v0  }
0x18: {  	[tilespmem:$0x5330] =	vst v0  }
0x19: {  	[tilespmem:$0x5340] =	vst v0  }
0x1a: {  	[tilespmem:$0x5350] =	vst v0  }
0x1b: {  	[tilespmem:$0x5360] =	vst v0  }
0x1c: {  	[tilespmem:$0x5370] =	vst v0  }
0x1d: {  	[tilespmem:$0x5380] =	vst v0  }
0x1e: {  	[tilespmem:$0x5390] =	vst v0  }
0x1f: {  	[tilespmem:$0x53A0] =	vst v0  }
0x20: {  	[tilespmem:$0x53B0] =	vst v0  }
0x21: {  	[tilespmem:$0x53C0] =	vst v0  }
0x22: {  	[tilespmem:$0x53D0] =	vst v0  }
0x23: {  	[tilespmem:$0x53E0] =	vst v0  }
0x24: {  	[tilespmem:$0x53F0] =	vst v0  }
0x25: {  	[tilespmem:$0x5400] =	vst v0  }
0x26: {  	[tilespmem:$0x5410] =	vst v0  }
0x27: {  	[tilespmem:$0x5420] =	vst v0  }
0x28: {  	[tilespmem:$0x5430] =	vst v0  }
0x29: {  	[tilespmem:$0x5440] =	vst v0  }
0x2a: {  	[tilespmem:$0x5450] =	vst v0  }
0x2b: {  	[tilespmem:$0x5460] =	vst v0  }
0x2c: {  	[tilespmem:$0x5470] =	vst v0  }
0x2d: {  	[tilespmem:$0x5480] =	vst v0  }
0x2e: {  	[tilespmem:$0x5490] =	vst v0  }
0x2f: {  	[tilespmem:$0x54A0] =	vst v0  }
0x30: {  	[tilespmem:$0x54B0] =	vst v0  }
0x31: {  	[tilespmem:$0x54C0] =	vst v0  }
0x32: {  	[tilespmem:$0x54D0] =	vst v0  }
0x33: {  	[tilespmem:$0x54E0] =	vst v0  }
0x34: {  	[tilespmem:$0x54F0] =	vst v0  }
0x35: {  	[spmem:s4] =	stream.linear.scatter [tilespmem:s9], [sflag:$0x1], $0x280, $0x38;
	[tilespmem:$0x5500] =	vst v63  }
0x36: {  	_ =	swait.ge [sflag:s10], $0x280  }
0x37: {  	[sflag:s10] =	ssyncset.done $0x0  }
0x38: {  	[sflag:s10] =	ssyncadd.s32 $0xFFFFFD80  }
0x39: {  	[bflag:$0x0] =	sbarrier.arrive $0xFFFF  }
0x3a: {  	[tilespmem:s11], [sflag:$0x1] =	stream.linear.gather [hbm4b:s5+s3], $0x2800, $0x38;
	[tilespmem:$0x5500] =	vst v63  }
0x3b: {  	_ =	swait.ge [sflag:s10], $0x2800  }
0x3c: {  	[sflag:s10] =	ssyncset.done $0x0  }
0x3d: {  	[sflag:s10] =	ssyncadd.s32 $0xFFFFD800  }
0x3e: {  	[tilespmem:s12], [sflag:$0x1] =	stream.linear.gather [hbm4b:s6+s3], $0x2800, $0x38;
	[tilespmem:$0x5500] =	vst v63  }
0x3f: {  	_ =	swait.ge [sflag:s10], $0x2800  }
0x40: {  	[sflag:s10] =	ssyncset.done $0x0  }
0x41: {  	s15 =	simm.s32 $0x2A80;
	s16 =	simm.s32 $0x280;
	[sflag:s10] =	ssyncadd.s32 $0xFFFFD800  }
0x42: {  	[spmem:s2] =	stream.indirect.scatter.add.f32 [tilespmem:s15], [sflag:$0x1], $0x1, s16, s13, $0xb8;
	[tilespmem:$0x5500] =	vst v63  }
0x43: {  	s15 =	simm.s32 $0x200;
	_ =	swait.ge [sflag:s10], $0x80  }
.LBB2_2:
0x44: {  	s16 =	sshra.s32 s15, $0x2  }
0x45: {  	[sflag:s10] =	ssyncset.done $0x0;
	p0 =	sne.s32 s15, $0x9E00;
	s17 =	sadd.s32 $0x2A80, s16  }
.Ltmp0:
0x46: {  	s16 =	sadd.s32 $0x280, s16;
	[sflag:s10] =	ssyncadd.s32 $0xFFFFFF80;
	(pc) =	sbr.rel @p0 .LBB2_2-.Ltmp0, $3  }
0x47: {  	[spmem:s2] =	stream.indirect.scatter.add.f32 [tilespmem:s17], [sflag:$0x1], $0x1, s16, s13, $0xb8;
	[tilespmem:$0x5500] =	vst v63  }
0x48: {  	s15 =	sadd.s32 $0x200, s15;
	_ =	sdelay $0x1  }
0x49: {  	_ =	swait.ge [sflag:s10], $0x80  }
0x4a: {  	[sflag:s10] =	ssyncset.done $0x0  }
0x4b: {  	[sflag:s10] =	ssyncadd.s32 $0xFFFFFF80  }
0x4c: {  	[bflag:$0x0] =	sbarrier.arrive $0xFFFF  }
0x4d: {  	[tilespmem:s9], [sflag:$0x1] =	stream.linear.gather [spmem:s4], $0x280, $0x38;
	[tilespmem:$0x5500] =	vst v63  }
0x4e: {  	s14 =	sadd.s32 $0x1, s14;
	_ =	swait.ge [sflag:s10], $0x280  }
0x4f: {  	p0 =	sne.s32 s14, s8;
	[sflag:s10] =	ssyncset.done $0x0  }
.Ltmp1:
0x50: {  	[sflag:s10] =	ssyncadd.s32 $0xFFFFFD80;
	(pc) =	sbr.rel @p0 .LBB2_1-.Ltmp1, $4  }
0x51: {  	[hbm4b:s7+s3] =	stream.linear.scatter [tilespmem:s9], [sflag:$0x1], $0x280, $0x38;
	[tilespmem:$0x5500] =	vst v63  }
0x52: {  	_ =	swait.ge [sflag:s10], $0x280  }
0x53: {  	[sflag:s10] =	ssyncset.done $0x0  }
0x54: {  	[sflag:s10] =	ssyncadd.s32 $0xFFFFFD80  }
0x55: {  	_ =	sfence.sel $0x180000  }
0x56: {  	[bflag:$0x0] =	sbarrier.arrive $0xFFFF  }
0x57: {  	p0 =	sne.s32 s0, $0x0;
	_ =	strace $0x90000047  }
0x58: {  	s0 =	sadd.s32 @!p0 $0x100000, s1;
	[bflag:$0x2] =	sbarrier.arrive $0xFFFF  }
0x59: {  	[sflag:s0] =	ssyncadd.tile.s32 @!p0 $0x1;
	_ =	shalt  }
.Lfunc_end2:
_tile_overlayer_lowered:
.L_overlay_start_2:
0x5a: {  	(tag) =	ssettag $0x2  }
0x5b: {  	s0 =	rddreg [dreg:$0x0];
	s2 =	stileid.u32  }
0x5c: {  	s1 =	rddreg [dreg:$0x1];
	p0 =	sne.s32 s2, $0x0  }
0x5d: {  	s3 =	rddreg [dreg:$0x2];
	[bflag:$0x3] =	sbarrier.arrive $0xFFFF;
	s2 =	simm.s32 @!p0 $0x1C01  }
0x5e: {  	[timem:s3], [sflag:s2] =	dma.local @!p0 [hbm:s0], s1  }
0x5f: {  	s0 =	simm.s32 @!p0 $0x1  }
0x60: {  	_ =	swait.ge @!p0 [sflag:s0], s1  }
0x61: {  	s1 =	ssub.s32 @!p0 $0x0, s1;
	[sflag:s0] =	ssyncset.done @!p0 $0x0  }
0x62: {  	[sflag:s0] =	ssyncadd.s32 @!p0 s1  }
0x63: {  	[bflag:$0x3] =	sbarrier.arrive $0xFFFF  }
0x64: {  	_ =	shalt  }

</sc_bundles>
